<compile_context>
chip_gen: v7x
topology: tpu7x:2x2x1
jax: 0.10.2.dev20260603
libtpu: 0.0.44.dev20260713+nightly
codegen_flags: <defaults>
</compile_context>

<pallas_src>
import functools

import jax
import jax.numpy as jnp
from jax import lax
from jax.experimental import pallas as pl
from jax.experimental.pallas import tpu as pltpu
from jax.experimental.pallas import tpu_sc as plsc

_NUM_WORKERS = 32
_CHUNK = 400


@functools.lru_cache(maxsize=None)
def _build(n_seq, seq_len, dim):
    n_rows = n_seq * seq_len
    nw = _NUM_WORKERS
    rows_per_w = n_rows // nw
    c = _CHUNK
    nchunks = rows_per_w // c
    npairs = nchunks // 2
    assert rows_per_w % c == 0 and n_rows % nw == 0 and nchunks % 2 == 0
    assert c % seq_len == 0
    seq_per_chunk = c // seq_len
    lanes = 16

    mesh = plsc.VectorSubcoreMesh(core_axis_name="c", subcore_axis_name="s")

    @functools.partial(
        pl.kernel,
        out_type=jax.ShapeDtypeStruct((n_seq, seq_len, dim), jnp.float32),
        mesh=mesh,
        scratch_types=[
            pltpu.VMEM((c,), jnp.int32),
            pltpu.VMEM((c,), jnp.int32),
            pltpu.VMEM((c, dim), jnp.float32),
            pltpu.VMEM((c, dim), jnp.float32),
            pltpu.VMEM((c,), jnp.float32),
            pltpu.VMEM((c,), jnp.float32),
            pltpu.SemaphoreType.DMA,
            pltpu.SemaphoreType.DMA,
            pltpu.SemaphoreType.DMA,
            pltpu.SemaphoreType.DMA,
            pltpu.SemaphoreType.DMA,
            pltpu.SemaphoreType.DMA,
        ],
    )
    def sc_gather(idx_hbm, table_hbm, bias_hbm, out_hbm,
                  idx0, idx1, rows0, rows1, bias0, bias1,
                  sr0, sr1, sb0, sb1, so0, so1):
        wid = lax.axis_index("s") * 2 + lax.axis_index("c")
        base = wid * rows_per_w
        slots = [(idx0, rows0, bias0, sr0, sb0, so0),
                 (idx1, rows1, bias1, sr1, sb1, so1)]

        def start_gather(g, s):
            idx_v, rows_v, bias_v, sr, sb, _ = slots[s]
            off = base + g * c
            pltpu.sync_copy(idx_hbm.at[pl.ds(off, c)], idx_v)
            pltpu.make_async_copy(table_hbm.at[idx_v], rows_v, sr).start()
            pltpu.make_async_copy(bias_hbm.at[idx_v], bias_v, sb).start()

        def wait_gather(s):
            idx_v, rows_v, bias_v, sr, sb, _ = slots[s]
            pltpu.make_async_copy(table_hbm.at[idx_v], rows_v, sr).wait()
            pltpu.make_async_copy(bias_hbm.at[idx_v], bias_v, sb).wait()

        def compute(s):
            _, rows_v, bias_v, _, _, _ = slots[s]

            def grp_body(t, carry):
                bvec = bias_v[pl.ds(t * lanes, lanes)]
                for k in range(lanes):
                    b = bvec[k]
                    r = t * lanes + k
                    for j in range(dim // lanes):
                        sl = pl.ds(j * lanes, lanes)
                        rows_v[r, sl] = rows_v[r, sl] + b
                return carry

            lax.fori_loop(0, c // lanes, grp_body, 0)

        def start_scatter(g, s):
            _, rows_v, _, _, _, so = slots[s]
            seq0 = (base + g * c) // seq_len
            for q in range(seq_per_chunk):
                pltpu.make_async_copy(
                    rows_v.at[pl.ds(q * seq_len, seq_len)],
                    out_hbm.at[seq0 + q], so).start()

        def wait_scatter(s):
            _, rows_v, _, _, _, so = slots[s]
            for q in range(seq_per_chunk):
                pltpu.make_async_copy(
                    rows_v.at[pl.ds(q * seq_len, seq_len)],
                    out_hbm.at[base // seq_len + q], so).wait()

        start_gather(0, 0)

        def pair_body(p, carry):
            g = p * 2
            wait_gather(0)
            compute(0)

            @pl.when(p > 0)
            def _():
                wait_scatter(1)

            start_gather(g + 1, 1)
            start_scatter(g, 0)

            wait_gather(1)
            compute(1)
            wait_scatter(0)

            @pl.when(p < npairs - 1)
            def _():
                start_gather(g + 2, 0)

            start_scatter(g + 1, 1)
            return carry

        lax.fori_loop(0, npairs, pair_body, 0)
        wait_scatter(1)

    return sc_gather


def kernel(indices, table, bias_table):
    b, l = indices.shape
    _, dim = table.shape
    flat_idx = indices.reshape(b * l)
    flat_bias = bias_table.reshape(-1)
    return _build(b, l, dim)(flat_idx, table, flat_bias)

# --- scband reference (transcript-rebuilt; emitter-appended) ---
"""Pipeline reference for scband-basic-nlpmodel-34866544509175 (READ-ONLY COPY).

The authoritative reference and input builder live on the scoring server;
editing this copy changes nothing except your own understanding.
"""

import jax, jax.numpy as jnp
import numpy as np

VOCAB = 100000
DIM = 128
B = 4096
L = 50


def setup_inputs(seed: int = 0) -> dict:
    key = jax.random.key(seed)
    k1, k2, k3 = jax.random.split(key, 3)
    indices = jax.random.randint(k1, (B, L), 0, VOCAB, dtype=jnp.int32)
    # pretrained word lookup table (words_lookup in the torch module)
    table = jax.random.normal(k2, (VOCAB, DIM), dtype=jnp.float32) * 0.02
    # per-word scalar bias embedding (bias_layer in the torch module)
    bias_table = jax.random.normal(k3, (VOCAB, 1), dtype=jnp.float32) * 0.02
    return {"indices": indices, "table": table, "bias_table": bias_table}


def reference(indices, table, bias_table):
    # embedding_layer(indices) -> [B, L, DIM]
    emb = jnp.take(table, indices, axis=0)
    # bias_layer(indices) -> [B, L, 1], broadcast-added to the embedding
    b = jnp.take(bias_table, indices, axis=0)
    return emb + b

if __name__ == "__main__":
    import jax
    _d = setup_inputs()
    print(jax.jit(kernel)(*tuple(_d.values())))

</pallas_src>

<mosaic_0001>
#map = affine_map<(d0, d1) -> (0)>
#map1 = affine_map<(d0, d1) -> (0, 0)>
#map2 = affine_map<(d0, d1) -> (0, 0, 0)>
module attributes {stable_mosaic.version = 14 : i64} {
  func.func @sc_gather(%arg0: i32, %arg1: i32, %arg2: memref<204800xi32, #tpu.memory_space<hbm>>, %arg3: memref<100000x128xf32, #tpu.memory_space<hbm>>, %arg4: memref<100000xf32, #tpu.memory_space<hbm>>, %arg5: memref<4096x50x128xf32, #tpu.memory_space<hbm>>, %arg6: memref<400xi32, #tpu.memory_space<vmem>>, %arg7: memref<400xi32, #tpu.memory_space<vmem>>, %arg8: memref<400x128xf32, #tpu.memory_space<vmem>>, %arg9: memref<400x128xf32, #tpu.memory_space<vmem>>, %arg10: memref<400xf32, #tpu.memory_space<vmem>>, %arg11: memref<400xf32, #tpu.memory_space<vmem>>, %arg12: memref<!tpu.dma_semaphore, #tpu.memory_space<semaphore_mem>>, %arg13: memref<!tpu.dma_semaphore, #tpu.memory_space<semaphore_mem>>, %arg14: memref<!tpu.dma_semaphore, #tpu.memory_space<semaphore_mem>>, %arg15: memref<!tpu.dma_semaphore, #tpu.memory_space<semaphore_mem>>, %arg16: memref<!tpu.dma_semaphore, #tpu.memory_space<semaphore_mem>>, %arg17: memref<!tpu.dma_semaphore, #tpu.memory_space<semaphore_mem>>) attributes {dimension_semantics = [#tpu.dimension_semantics<core_parallel>, #tpu.dimension_semantics<subcore_parallel>], iteration_bounds = array<i64: 2, 16>, scalar_prefetch = 0 : i64, scratch_operands = 12 : i64, tpu.core_type = #tpu.core_type<sc_vector_subcore>, window_params = [{transform_indices = #map}, {transform_indices = #map1}, {transform_indices = #map}, {transform_indices = #map2}]} {
    %mul3A = arith.constant 2 : i32
    %mul3A_0 = arith.muli %arg1, %mul3A : i32
    %add3A = arith.addi %mul3A_0, %arg0 : i32
    %mul3A_1 = arith.constant 6400 : i32
    %mul3A_2 = arith.muli %add3A, %mul3A_1 : i32
    %add3A_3 = arith.constant 0 : i32
    %add3A_4 = arith.addi %mul3A_2, %add3A_3 : i32
    "tpu.region"() ({
      %run_scoped3A = tpu.sem_alloc : memref<!tpu.dma_semaphore, #tpu.memory_space<semaphore_mem>>
      %dma_start3A_325 = tpu.memref_slice %arg2[%add3A_4] : memref<204800xi32, #tpu.memory_space<hbm>> -> memref<400xi32, #tpu.memory_space<hbm>>
      %dma_start3A_326 = tpu.memref_slice %arg2[%add3A_4] : memref<204800xi32, #tpu.memory_space<hbm>> -> memref<400xi32, #tpu.memory_space<hbm>>
      tpu.enqueue_dma source(%dma_start3A_326 : memref<400xi32, #tpu.memory_space<hbm>>) target(%arg6 : memref<400xi32, #tpu.memory_space<vmem>>) target_semaphore(%run_scoped3A : memref<!tpu.dma_semaphore, #tpu.memory_space<semaphore_mem>>)
      %dma_wait3A_327 = tpu.memref_slice %arg2[%add3A_4] : memref<204800xi32, #tpu.memory_space<hbm>> -> memref<400xi32, #tpu.memory_space<hbm>>
      %dma_wait3A_328 = tpu.memref_slice %arg2[%add3A_4] : memref<204800xi32, #tpu.memory_space<hbm>> -> memref<400xi32, #tpu.memory_space<hbm>>
      tpu.wait_dma2 semaphore(%run_scoped3A : memref<!tpu.dma_semaphore, #tpu.memory_space<semaphore_mem>>) src(%dma_wait3A_328 : memref<400xi32, #tpu.memory_space<hbm>>) dst(%arg6 : memref<400xi32, #tpu.memory_space<vmem>>)
      tpu.yield
    }) : () -> ()
    %dma_start3A = arith.constant 0 : i32
    %dma_start3A_5 = arith.constant 0 : i32
    %dma_start3A_6 = tpu.memref_slice %arg3[%dma_start3A, %dma_start3A_5] : memref<100000x128xf32, #tpu.memory_space<hbm>> -> memref<100000x128xf32, #tpu.memory_space<hbm>>
    tpu.enqueue_indirect_dma source(%dma_start3A_6 : memref<100000x128xf32, #tpu.memory_space<hbm>>) target(%arg8 : memref<400x128xf32, #tpu.memory_space<vmem>>) offsets(%arg6 : memref<400xi32, #tpu.memory_space<vmem>>) semaphore(%arg12 : memref<!tpu.dma_semaphore, #tpu.memory_space<semaphore_mem>>)
    %dma_start3A_7 = arith.constant 0 : i32
    %dma_start3A_8 = tpu.memref_slice %arg4[%dma_start3A_7] : memref<100000xf32, #tpu.memory_space<hbm>> -> memref<100000xf32, #tpu.memory_space<hbm>>
    tpu.enqueue_indirect_dma source(%dma_start3A_8 : memref<100000xf32, #tpu.memory_space<hbm>>) target(%arg10 : memref<400xf32, #tpu.memory_space<vmem>>) offsets(%arg6 : memref<400xi32, #tpu.memory_space<vmem>>) semaphore(%arg14 : memref<!tpu.dma_semaphore, #tpu.memory_space<semaphore_mem>>)
    %scan3A = arith.constant 0 : i32
    %scan3A_9 = arith.constant 0 : i32
    %scan3A_10 = arith.constant 8 : i32
    %scan3A_11 = arith.addi %scan3A_9, %scan3A_10 : i32
    %scan3A_12 = arith.constant 1 : i32
    scf.for %scan3A_325 = %scan3A_9 to %scan3A_11 step %scan3A_12  : i32 {
      %mul3A_326 = arith.constant 2 : i32
      %mul3A_327 = arith.muli %scan3A_325, %mul3A_326 : i32
      %dma_wait3A_328 = arith.constant 0 : i32
      %dma_wait3A_329 = arith.constant 0 : i32
      %dma_wait3A_330 = tpu.memref_slice %arg3[%dma_wait3A_328, %dma_wait3A_329] : memref<100000x128xf32, #tpu.memory_space<hbm>> -> memref<100000x128xf32, #tpu.memory_space<hbm>>
      tpu.wait_indirect_dma semaphore(%arg12 : memref<!tpu.dma_semaphore, #tpu.memory_space<semaphore_mem>>) src(%dma_wait3A_330 : memref<100000x128xf32, #tpu.memory_space<hbm>>) dst(%arg8 : memref<400x128xf32, #tpu.memory_space<vmem>>)
      %dma_wait3A_331 = arith.constant 0 : i32
      %dma_wait3A_332 = tpu.memref_slice %arg4[%dma_wait3A_331] : memref<100000xf32, #tpu.memory_space<hbm>> -> memref<100000xf32, #tpu.memory_space<hbm>>
      tpu.wait_indirect_dma semaphore(%arg14 : memref<!tpu.dma_semaphore, #tpu.memory_space<semaphore_mem>>) src(%dma_wait3A_332 : memref<100000xf32, #tpu.memory_space<hbm>>) dst(%arg10 : memref<400xf32, #tpu.memory_space<vmem>>)
      %scan3A_333 = arith.constant 0 : i32
      %scan3A_334 = arith.constant 0 : i32
      %scan3A_335 = arith.constant 25 : i32
      %scan3A_336 = arith.addi %scan3A_334, %scan3A_335 : i32
      %scan3A_337 = arith.constant 1 : i32
      scf.for %scan3A_998 = %scan3A_334 to %scan3A_336 step %scan3A_337  : i32 {
        %mul3A_999 = arith.constant 16 : i32
        %mul3A_1000 = arith.muli %scan3A_998, %mul3A_999 : i32
        %get3A = arith.index_cast %mul3A_1000 : i32 to index
        %get3A_1001 = tpu.vector_load %arg10[%get3A] {strides = array<i32>} : memref<400xf32, #tpu.memory_space<vmem>>, vector<16xf32>,
        %get3A_1002 = vector.shape_cast %get3A_1001 : vector<16xf32> to vector<16xf32>
        %slice3A = vector.extract_strided_slice %get3A_1002 {offsets = [0], sizes = [1], strides = [1]} : vector<16xf32> to vector<1xf32>
        %squeeze3A = vector.extract %slice3A[0] : f32 from vector<1xf32>
        %mul3A_1003 = arith.constant 16 : i32
        %mul3A_1004 = arith.muli %scan3A_998, %mul3A_1003 : i32
        %add3A_1005 = arith.constant 0 : i32
        %add3A_1006 = arith.addi %mul3A_1004, %add3A_1005 : i32
        %get3A_1007 = arith.index_cast %add3A_1006 : i32 to index
        %get3A_1008 = arith.constant 0 : index
        %get3A_1009 = tpu.vector_load %arg8[%get3A_1007, %get3A_1008] {strides = array<i32>} : memref<400x128xf32, #tpu.memory_space<vmem>>, vector<1x16xf32>,
        %get3A_1010 = vector.shape_cast %get3A_1009 : vector<1x16xf32> to vector<16xf32>
        %add3A_1011 = vector.broadcast %squeeze3A : f32 to vector<16xf32>
        %add3A_1012 = arith.addf %get3A_1010, %add3A_1011 : vector<16xf32>
        %swap3A = arith.index_cast %add3A_1006 : i32 to index
        %swap3A_1013 = arith.constant 0 : index
        %swap3A_1014 = tpu.vector_load %arg8[%swap3A, %swap3A_1013] {strides = array<i32>} : memref<400x128xf32, #tpu.memory_space<vmem>>, vector<1x16xf32>,
        %swap3A_1015 = vector.shape_cast %swap3A_1014 : vector<1x16xf32> to vector<16xf32>
        %swap3A_1016 = vector.shape_cast %add3A_1012 : vector<16xf32> to vector<1x16xf32>
        tpu.vector_store %arg8[%swap3A, %swap3A_1013], %swap3A_1016 {strides = array<i32>} : memref<400x128xf32, #tpu.memory_space<vmem>>, vector<1x16xf32>,
        %get3A_1017 = arith.index_cast %add3A_1006 : i32 to index
        %get3A_1018 = arith.constant 16 : index
        %get3A_1019 = tpu.vector_load %arg8[%get3A_1017, %get3A_1018] {strides = array<i32>} : memref<400x128xf32, #tpu.memory_space<vmem>>, vector<1x16xf32>,
        %get3A_1020 = vector.shape_cast %get3A_1019 : vector<1x16xf32> to vector<16xf32>
        %add3A_1021 = vector.broadcast %squeeze3A : f32 to vector<16xf32>
        %add3A_1022 = arith.addf %get3A_1020, %add3A_1021 : vector<16xf32>
        %swap3A_1023 = arith.index_cast %add3A_1006 : i32 to index
        %swap3A_1024 = arith.constant 16 : index
        %swap3A_1025 = tpu.vector_load %arg8[%swap3A_1023, %swap3A_1024] {strides = array<i32>} : memref<400x128xf32, #tpu.memory_space<vmem>>, vector<1x16xf32>,
        %swap3A_1026 = vector.shape_cast %swap3A_1025 : vector<1x16xf32> to vector<16xf32>
        %swap3A_1027 = vector.shape_cast %add3A_1022 : vector<16xf32> to vector<1x16xf32>
        tpu.vector_store %arg8[%swap3A_1023, %swap3A_1024], %swap3A_1027 {strides = array<i32>} : memref<400x128xf32, #tpu.memory_space<vmem>>, vector<1x16xf32>,
        %get3A_1028 = arith.index_cast %add3A_1006 : i32 to index
        %get3A_1029 = arith.constant 32 : index
        %get3A_1030 = tpu.vector_load %arg8[%get3A_1028, %get3A_1029] {strides = array<i32>} : memref<400x128xf32, #tpu.memory_space<vmem>>, vector<1x16xf32>,
        %get3A_1031 = vector.shape_cast %get3A_1030 : vector<1x16xf32> to vector<16xf32>
        %add3A_1032 = vector.broadcast %squeeze3A : f32 to vector<16xf32>
        %add3A_1033 = arith.addf %get3A_1031, %add3A_1032 : vector<16xf32>
        %swap3A_1034 = arith.index_cast %add3A_1006 : i32 to index
        %swap3A_1035 = arith.constant 32 : index
        %swap3A_1036 = tpu.vector_load %arg8[%swap3A_1034, %swap3A_1035] {strides = array<i32>} : memref<400x128xf32, #tpu.memory_space<vmem>>, vector<1x16xf32>,
        %swap3A_1037 = vector.shape_cast %swap3A_1036 : vector<1x16xf32> to vector<16xf32>
        %swap3A_1038 = vector.shape_cast %add3A_1033 : vector<16xf32> to vector<1x16xf32>
        tpu.vector_store %arg8[%swap3A_1034, %swap3A_1035], %swap3A_1038 {strides = array<i32>} : memref<400x128xf32, #tpu.memory_space<vmem>>, vector<1x16xf32>,
        %get3A_1039 = arith.index_cast %add3A_1006 : i32 to index
        %get3A_1040 = arith.constant 48 : index
        %get3A_1041 = tpu.vector_load %arg8[%get3A_1039, %get3A_1040] {strides = array<i32>} : memref<400x128xf32, #tpu.memory_space<vmem>>, vector<1x16xf32>,
        %get3A_1042 = vector.shape_cast %get3A_1041 : vector<1x16xf32> to vector<16xf32>
        %add3A_1043 = vector.broadcast %squeeze3A : f32 to vector<16xf32>
        %add3A_1044 = arith.addf %get3A_1042, %add3A_1043 : vector<16xf32>
        %swap3A_1045 = arith.index_cast %add3A_1006 : i32 to index
        %swap3A_1046 = arith.constant 48 : index
        %swap3A_1047 = tpu.vector_load %arg8[%swap3A_1045, %swap3A_1046] {strides = array<i32>} : memref<400x128xf32, #tpu.memory_space<vmem>>, vector<1x16xf32>,
        %swap3A_1048 = vector.shape_cast %swap3A_1047 : vector<1x16xf32> to vector<16xf32>
        %swap3A_1049 = vector.shape_cast %add3A_1044 : vector<16xf32> to vector<1x16xf32>
        tpu.vector_store %arg8[%swap3A_1045, %swap3A_1046], %swap3A_1049 {strides = array<i32>} : memref<400x128xf32, #tpu.memory_space<vmem>>, vector<1x16xf32>,
        %get3A_1050 = arith.index_cast %add3A_1006 : i32 to index
        %get3A_1051 = arith.constant 64 : index
        %get3A_1052 = tpu.vector_load %arg8[%get3A_1050, %get3A_1051] {strides = array<i32>} : memref<400x128xf32, #tpu.memory_space<vmem>>, vector<1x16xf32>,
        %get3A_1053 = vector.shape_cast %get3A_1052 : vector<1x16xf32> to vector<16xf32>
        %add3A_1054 = vector.broadcast %squeeze3A : f32 to vector<16xf32>
        %add3A_1055 = arith.addf %get3A_1053, %add3A_1054 : vector<16xf32>
        %swap3A_1056 = arith.index_cast %add3A_1006 : i32 to index
        %swap3A_1057 = arith.constant 64 : index
        %swap3A_1058 = tpu.vector_load %arg8[%swap3A_1056, %swap3A_1057] {strides = array<i32>} : memref<400x128xf32, #tpu.memory_space<vmem>>, vector<1x16xf32>,
        %swap3A_1059 = vector.shape_cast %swap3A_1058 : vector<1x16xf32> to vector<16xf32>
        %swap3A_1060 = vector.shape_cast %add3A_1055 : vector<16xf32> to vector<1x16xf32>
        tpu.vector_store %arg8[%swap3A_1056, %swap3A_1057], %swap3A_1060 {strides = array<i32>} : memref<400x128xf32, #tpu.memory_space<vmem>>, vector<1x16xf32>,
        %get3A_1061 = arith.index_cast %add3A_1006 : i32 to index
        %get3A_1062 = arith.constant 80 : index
        %get3A_1063 = tpu.vector_load %arg8[%get3A_1061, %get3A_1062] {strides = array<i32>} : memref<400x128xf32, #tpu.memory_space<vmem>>, vector<1x16xf32>,
        %get3A_1064 = vector.shape_cast %get3A_1063 : vector<1x16xf32> to vector<16xf32>
        %add3A_1065 = vector.broadcast %squeeze3A : f32 to vector<16xf32>
        %add3A_1066 = arith.addf %get3A_1064, %add3A_1065 : vector<16xf32>
        %swap3A_1067 = arith.index_cast %add3A_1006 : i32 to index
        %swap3A_1068 = arith.constant 80 : index
        %swap3A_1069 = tpu.vector_load %arg8[%swap3A_1067, %swap3A_1068] {strides = array<i32>} : memref<400x128xf32, #tpu.memory_space<vmem>>, vector<1x16xf32>,
        %swap3A_1070 = vector.shape_cast %swap3A_1069 : vector<1x16xf32> to vector<16xf32>
        %swap3A_1071 = vector.shape_cast %add3A_1066 : vector<16xf32> to vector<1x16xf32>
        tpu.vector_store %arg8[%swap3A_1067, %swap3A_1068], %swap3A_1071 {strides = array<i32>} : memref<400x128xf32, #tpu.memory_space<vmem>>, vector<1x16xf32>,
        %get3A_1072 = arith.index_cast %add3A_1006 : i32 to index
        %get3A_1073 = arith.constant 96 : index
        %get3A_1074 = tpu.vector_load %arg8[%get3A_1072, %get3A_1073] {strides = array<i32>} : memref<400x128xf32, #tpu.memory_space<vmem>>, vector<1x16xf32>,
        %get3A_1075 = vector.shape_cast %get3A_1074 : vector<1x16xf32> to vector<16xf32>
        %add3A_1076 = vector.broadcast %squeeze3A : f32 to vector<16xf32>
        %add3A_1077 = arith.addf %get3A_1075, %add3A_1076 : vector<16xf32>
        %swap3A_1078 = arith.index_cast %add3A_1006 : i32 to index
        %swap3A_1079 = arith.constant 96 : index
        %swap3A_1080 = tpu.vector_load %arg8[%swap3A_1078, %swap3A_1079] {strides = array<i32>} : memref<400x128xf32, #tpu.memory_space<vmem>>, vector<1x16xf32>,
        %swap3A_1081 = vector.shape_cast %swap3A_1080 : vector<1x16xf32> to vector<16xf32>
        %swap3A_1082 = vector.shape_cast %add3A_1077 : vector<16xf32> to vector<1x16xf32>
        tpu.vector_store %arg8[%swap3A_1078, %swap3A_1079], %swap3A_1082 {strides = array<i32>} : memref<400x128xf32, #tpu.memory_space<vmem>>, vector<1x16xf32>,
        %get3A_1083 = arith.index_cast %add3A_1006 : i32 to index
        %get3A_1084 = arith.constant 112 : index
        %get3A_1085 = tpu.vector_load %arg8[%get3A_1083, %get3A_1084] {strides = array<i32>} : memref<400x128xf32, #tpu.memory_space<vmem>>, vector<1x16xf32>,
        %get3A_1086 = vector.shape_cast %get3A_1085 : vector<1x16xf32> to vector<16xf32>
        %add3A_1087 = vector.broadcast %squeeze3A : f32 to vector<16xf32>
        %add3A_1088 = arith.addf %get3A_1086, %add3A_1087 : vector<16xf32>
        %swap3A_1089 = arith.index_cast %add3A_1006 : i32 to index
        %swap3A_1090 = arith.constant 112 : index
        %swap3A_1091 = tpu.vector_load %arg8[%swap3A_1089, %swap3A_1090] {strides = array<i32>} : memref<400x128xf32, #tpu.memory_space<vmem>>, vector<1x16xf32>,
        %swap3A_1092 = vector.shape_cast %swap3A_1091 : vector<1x16xf32> to vector<16xf32>
        %swap3A_1093 = vector.shape_cast %add3A_1088 : vector<16xf32> to vector<1x16xf32>
        tpu.vector_store %arg8[%swap3A_1089, %swap3A_1090], %swap3A_1093 {strides = array<i32>} : memref<400x128xf32, #tpu.memory_space<vmem>>, vector<1x16xf32>,
        %slice3A_1094 = vector.extract_strided_slice %get3A_1002 {offsets = [1], sizes = [1], strides = [1]} : vector<16xf32> to vector<1xf32>
        %squeeze3A_1095 = vector.extract %slice3A_1094[0] : f32 from vector<1xf32>
        %mul3A_1096 = arith.constant 16 : i32
        %mul3A_1097 = arith.muli %scan3A_998, %mul3A_1096 : i32
        %add3A_1098 = arith.constant 1 : i32
        %add3A_1099 = arith.addi %mul3A_1097, %add3A_1098 : i32
        %get3A_1100 = arith.index_cast %add3A_1099 : i32 to index
        %get3A_1101 = arith.constant 0 : index
        %get3A_1102 = tpu.vector_load %arg8[%get3A_1100, %get3A_1101] {strides = array<i32>} : memref<400x128xf32, #tpu.memory_space<vmem>>, vector<1x16xf32>,
        %get3A_1103 = vector.shape_cast %get3A_1102 : vector<1x16xf32> to vector<16xf32>
        %add3A_1104 = vector.broadcast %squeeze3A_1095 : f32 to vector<16xf32>
        %add3A_1105 = arith.addf %get3A_1103, %add3A_1104 : vector<16xf32>
        %swap3A_1106 = arith.index_cast %add3A_1099 : i32 to index
        %swap3A_1107 = arith.constant 0 : index
        %swap3A_1108 = tpu.vector_load %arg8[%swap3A_1106, %swap3A_1107] {strides = array<i32>} : memref<400x128xf32, #tpu.memory_space<vmem>>, vector<1x16xf32>,
        %swap3A_1109 = vector.shape_cast %swap3A_1108 : vector<1x16xf32> to vector<16xf32>
        %swap3A_1110 = vector.shape_cast %add3A_1105 : vector<16xf32> to vector<1x16xf32>
        tpu.vector_store %arg8[%swap3A_1106, %swap3A_1107], %swap3A_1110 {strides = array<i32>} : memref<400x128xf32, #tpu.memory_space<vmem>>, vector<1x16xf32>,
        %get3A_1111 = arith.index_cast %add3A_1099 : i32 to index
        %get3A_1112 = arith.constant 16 : index
        %get3A_1113 = tpu.vector_load %arg8[%get3A_1111, %get3A_1112] {strides = array<i32>} : memref<400x128xf32, #tpu.memory_space<vmem>>, vector<1x16xf32>,
        %get3A_1114 = vector.shape_cast %get3A_1113 : vector<1x16xf32> to vector<16xf32>
        %add3A_1115 = vector.broadcast %squeeze3A_1095 : f32 to vector<16xf32>
        %add3A_1116 = arith.addf %get3A_1114, %add3A_1115 : vector<16xf32>
        %swap3A_1117 = arith.index_cast %add3A_1099 : i32 to index
        %swap3A_1118 = arith.constant 16 : index
        %swap3A_1119 = tpu.vector_load %arg8[%swap3A_1117, %swap3A_1118] {strides = array<i32>} : memref<400x128xf32, #tpu.memory_space<vmem>>, vector<1x16xf32>,
        %swap3A_1120 = vector.shape_cast %swap3A_1119 : vector<1x16xf32> to vector<16xf32>
        %swap3A_1121 = vector.shape_cast %add3A_1116 : vector<16xf32> to vector<1x16xf32>
        tpu.vector_store %arg8[%swap3A_1117, %swap3A_1118], %swap3A_1121 {strides = array<i32>} : memref<400x128xf32, #tpu.memory_space<vmem>>, vector<1x16xf32>,
        %get3A_1122 = arith.index_cast %add3A_1099 : i32 to index
        %get3A_1123 = arith.constant 32 : index
        %get3A_1124 = tpu.vector_load %arg8[%get3A_1122, %get3A_1123] {strides = array<i32>} : memref<400x128xf32, #tpu.memory_space<vmem>>, vector<1x16xf32>,
        %get3A_1125 = vector.shape_cast %get3A_1124 : vector<1x16xf32> to vector<16xf32>
        %add3A_1126 = vector.broadcast %squeeze3A_1095 : f32 to vector<16xf32>
        %add3A_1127 = arith.addf %get3A_1125, %add3A_1126 : vector<16xf32>
        %swap3A_1128 = arith.index_cast %add3A_1099 : i32 to index
        %swap3A_1129 = arith.constant 32 : index
        %swap3A_1130 = tpu.vector_load %arg8[%swap3A_1128, %swap3A_1129] {strides = array<i32>} : memref<400x128xf32, #tpu.memory_space<vmem>>, vector<1x16xf32>,
        %swap3A_1131 = vector.shape_cast %swap3A_1130 : vector<1x16xf32> to vector<16xf32>
        %swap3A_1132 = vector.shape_cast %add3A_1127 : vector<16xf32> to vector<1x16xf32>
        tpu.vector_store %arg8[%swap3A_1128, %swap3A_1129], %swap3A_1132 {strides = array<i32>} : memref<400x128xf32, #tpu.memory_space<vmem>>, vector<1x16xf32>,
        %get3A_1133 = arith.index_cast %add3A_1099 : i32 to index
        %get3A_1134 = arith.constant 48 : index
        %get3A_1135 = tpu.vector_load %arg8[%get3A_1133, %get3A_1134] {strides = array<i32>} : memref<400x128xf32, #tpu.memory_space<vmem>>, vector<1x16xf32>,
        %get3A_1136 = vector.shape_cast %get3A_1135 : vector<1x16xf32> to vector<16xf32>
        %add3A_1137 = vector.broadcast %squeeze3A_1095 : f32 to vector<16xf32>
        %add3A_1138 = arith.addf %get3A_1136, %add3A_1137 : vector<16xf32>
        %swap3A_1139 = arith.index_cast %add3A_1099 : i32 to index
        %swap3A_1140 = arith.constant 48 : index
        %swap3A_1141 = tpu.vector_load %arg8[%swap3A_1139, %swap3A_1140] {strides = array<i32>} : memref<400x128xf32, #tpu.memory_space<vmem>>, vector<1x16xf32>,
        %swap3A_1142 = vector.shape_cast %swap3A_1141 : vector<1x16xf32> to vector<16xf32>
        %swap3A_1143 = vector.shape_cast %add3A_1138 : vector<16xf32> to vector<1x16xf32>
        tpu.vector_store %arg8[%swap3A_1139, %swap3A_1140], %swap3A_1143 {strides = array<i32>} : memref<400x128xf32, #tpu.memory_space<vmem>>, vector<1x16xf32>,
        %get3A_1144 = arith.index_cast %add3A_1099 : i32 to index
        %get3A_1145 = arith.constant 64 : index
        %get3A_1146 = tpu.vector_load %arg8[%get3A_1144, %get3A_1145] {strides = array<i32>} : memref<400x128xf32, #tpu.memory_space<vmem>>, vector<1x16xf32>,
        %get3A_1147 = vector.shape_cast %get3A_1146 : vector<1x16xf32> to vector<16xf32>
        %add3A_1148 = vector.broadcast %squeeze3A_1095 : f32 to vector<16xf32>
        %add3A_1149 = arith.addf %get3A_1147, %add3A_1148 : vector<16xf32>
        %swap3A_1150 = arith.index_cast %add3A_1099 : i32 to index
        %swap3A_1151 = arith.constant 64 : index
        %swap3A_1152 = tpu.vector_load %arg8[%swap3A_1150, %swap3A_1151] {strides = array<i32>} : memref<400x128xf32, #tpu.memory_space<vmem>>, vector<1x16xf32>,
        %swap3A_1153 = vector.shape_cast %swap3A_1152 : vector<1x16xf32> to vector<16xf32>
        %swap3A_1154 = vector.shape_cast %add3A_1149 : vector<16xf32> to vector<1x16xf32>
        tpu.vector_store %arg8[%swap3A_1150, %swap3A_1151], %swap3A_1154 {strides = array<i32>} : memref<400x128xf32, #tpu.memory_space<vmem>>, vector<1x16xf32>,
        %get3A_1155 = arith.index_cast %add3A_1099 : i32 to index
        %get3A_1156 = arith.constant 80 : index
        %get3A_1157 = tpu.vector_load %arg8[%get3A_1155, %get3A_1156] {strides = array<i32>} : memref<400x128xf32, #tpu.memory_space<vmem>>, vector<1x16xf32>,
        %get3A_1158 = vector.shape_cast %get3A_1157 : vector<1x16xf32> to vector<16xf32>
        %add3A_1159 = vector.broadcast %squeeze3A_1095 : f32 to vector<16xf32>
        %add3A_1160 = arith.addf %get3A_1158, %add3A_1159 : vector<16xf32>
        %swap3A_1161 = arith.index_cast %add3A_1099 : i32 to index
        %swap3A_1162 = arith.constant 80 : index
        %swap3A_1163 = tpu.vector_load %arg8[%swap3A_1161, %swap3A_1162] {strides = array<i32>} : memref<400x128xf32, #tpu.memory_space<vmem>>, vector<1x16xf32>,
        %swap3A_1164 = vector.shape_cast %swap3A_1163 : vector<1x16xf32> to vector<16xf32>
        %swap3A_1165 = vector.shape_cast %add3A_1160 : vector<16xf32> to vector<1x16xf32>
        tpu.vector_store %arg8[%swap3A_1161, %swap3A_1162], %swap3A_1165 {strides = array<i32>} : memref<400x128xf32, #tpu.memory_space<vmem>>, vector<1x16xf32>,
        %get3A_1166 = arith.index_cast %add3A_1099 : i32 to index
        %get3A_1167 = arith.constant 96 : index
        %get3A_1168 = tpu.vector_load %arg8[%get3A_1166, %get3A_1167] {strides = array<i32>} : memref<400x128xf32, #tpu.memory_space<vmem>>, vector<1x16xf32>,
        %get3A_1169 = vector.shape_cast %get3A_1168 : vector<1x16xf32> to vector<16xf32>
        %add3A_1170 = vector.broadcast %squeeze3A_1095 : f32 to vector<16xf32>
        %add3A_1171 = arith.addf %get3A_1169, %add3A_1170 : vector<16xf32>
        %swap3A_1172 = arith.index_cast %add3A_1099 : i32 to index
        %swap3A_1173 = arith.constant 96 : index
        %swap3A_1174 = tpu.vector_load %arg8[%swap3A_1172, %swap3A_1173] {strides = array<i32>} : memref<400x128xf32, #tpu.memory_space<vmem>>, vector<1x16xf32>,
        %swap3A_1175 = vector.shape_cast %swap3A_1174 : vector<1x16xf32> to vector<16xf32>
        %swap3A_1176 = vector.shape_cast %add3A_1171 : vector<16xf32> to vector<1x16xf32>
        tpu.vector_store %arg8[%swap3A_1172, %swap3A_1173], %swap3A_1176 {strides = array<i32>} : memref<400x128xf32, #tpu.memory_space<vmem>>, vector<1x16xf32>,
        %get3A_1177 = arith.index_cast %add3A_1099 : i32 to index
        %get3A_1178 = arith.constant 112 : index
        %get3A_1179 = tpu.vector_load %arg8[%get3A_1177, %get3A_1178] {strides = array<i32>} : memref<400x128xf32, #tpu.memory_space<vmem>>, vector<1x16xf32>,
        %get3A_1180 = vector.shape_cast %get3A_1179 : vector<1x16xf32> to vector<16xf32>
        %add3A_1181 = vector.broadcast %squeeze3A_1095 : f32 to vector<16xf32>
        %add3A_1182 = arith.addf %get3A_1180, %add3A_1181 : vector<16xf32>
        %swap3A_1183 = arith.index_cast %add3A_1099 : i32 to index
        %swap3A_1184 = arith.constant 112 : index
        %swap3A_1185 = tpu.vector_load %arg8[%swap3A_1183, %swap3A_1184] {strides = array<i32>} : memref<400x128xf32, #tpu.memory_space<vmem>>, vector<1x16xf32>,
        %swap3A_1186 = vector.shape_cast %swap3A_1185 : vector<1x16xf32> to vector<16xf32>
        %swap3A_1187 = vector.shape_cast %add3A_1182 : vector<16xf32> to vector<1x16xf32>
        tpu.vector_store %arg8[%swap3A_1183, %swap3A_1184], %swap3A_1187 {strides = array<i32>} : memref<400x128xf32, #tpu.memory_space<vmem>>, vector<1x16xf32>,
        %slice3A_1188 = vector.extract_strided_slice %get3A_1002 {offsets = [2], sizes = [1], strides = [1]} : vector<16xf32> to vector<1xf32>
        %squeeze3A_1189 = vector.extract %slice3A_1188[0] : f32 from vector<1xf32>
        %mul3A_1190 = arith.constant 16 : i32
        %mul3A_1191 = arith.muli %scan3A_998, %mul3A_1190 : i32
        %add3A_1192 = arith.constant 2 : i32
        %add3A_1193 = arith.addi %mul3A_1191, %add3A_1192 : i32
        %get3A_1194 = arith.index_cast %add3A_1193 : i32 to index
        %get3A_1195 = arith.constant 0 : index
        %get3A_1196 = tpu.vector_load %arg8[%get3A_1194, %get3A_1195] {strides = array<i32>} : memref<400x128xf32, #tpu.memory_space<vmem>>, vector<1x16xf32>,
        %get3A_1197 = vector.shape_cast %get3A_1196 : vector<1x16xf32> to vector<16xf32>
        %add3A_1198 = vector.broadcast %squeeze3A_1189 : f32 to vector<16xf32>
        %add3A_1199 = arith.addf %get3A_1197, %add3A_1198 : vector<16xf32>
        %swap3A_1200 = arith.index_cast %add3A_1193 : i32 to index
        %swap3A_1201 = arith.constant 0 : index
        %swap3A_1202 = tpu.vector_load %arg8[%swap3A_1200, %swap3A_1201] {strides = array<i32>} : memref<400x128xf32, #tpu.memory_space<vmem>>, vector<1x16xf32>,
        %swap3A_1203 = vector.shape_cast %swap3A_1202 : vector<1x16xf32> to vector<16xf32>
        %swap3A_1204 = vector.shape_cast %add3A_1199 : vector<16xf32> to vector<1x16xf32>
        tpu.vector_store %arg8[%swap3A_1200, %swap3A_1201], %swap3A_1204 {strides = array<i32>} : memref<400x128xf32, #tpu.memory_space<vmem>>, vector<1x16xf32>,
        %get3A_1205 = arith.index_cast %add3A_1193 : i32 to index
        %get3A_1206 = arith.constant 16 : index
        %get3A_1207 = tpu.vector_load %arg8[%get3A_1205, %get3A_1206] {strides = array<i32>} : memref<400x128xf32, #tpu.memory_space<vmem>>, vector<1x16xf32>,
        %get3A_1208 = vector.shape_cast %get3A_1207 : vector<1x16xf32> to vector<16xf32>
        %add3A_1209 = vector.broadcast %squeeze3A_1189 : f32 to vector<16xf32>
        %add3A_1210 = arith.addf %get3A_1208, %add3A_1209 : vector<16xf32>
        %swap3A_1211 = arith.index_cast %add3A_1193 : i32 to index
        %swap3A_1212 = arith.constant 16 : index
        %swap3A_1213 = tpu.vector_load %arg8[%swap3A_1211, %swap3A_1212] {strides = array<i32>} : memref<400x128xf32, #tpu.memory_space<vmem>>, vector<1x16xf32>,
        %swap3A_1214 = vector.shape_cast %swap3A_1213 : vector<1x16xf32> to vector<16xf32>
        %swap3A_1215 = vector.shape_cast %add3A_1210 : vector<16xf32> to vector<1x16xf32>
        tpu.vector_store %arg8[%swap3A_1211, %swap3A_1212], %swap3A_1215 {strides = array<i32>} : memref<400x128xf32, #tpu.memory_space<vmem>>, vector<1x16xf32>,
        %get3A_1216 = arith.index_cast %add3A_1193 : i32 to index
        %get3A_1217 = arith.constant 32 : index
        %get3A_1218 = tpu.vector_load %arg8[%get3A_1216, %get3A_1217] {strides = array<i32>} : memref<400x128xf32, #tpu.memory_space<vmem>>, vector<1x16xf32>,
        %get3A_1219 = vector.shape_cast %get3A_1218 : vector<1x16xf32> to vector<16xf32>
        %add3A_1220 = vector.broadcast %squeeze3A_1189 : f32 to vector<16xf32>
        %add3A_1221 = arith.addf %get3A_1219, %add3A_1220 : vector<16xf32>
        %swap3A_1222 = arith.index_cast %add3A_1193 : i32 to index
        %swap3A_1223 = arith.constant 32 : index
        %swap3A_1224 = tpu.vector_load %arg8[%swap3A_1222, %swap3A_1223] {strides = array<i32>} : memref<400x128xf32, #tpu.memory_space<vmem>>, vector<1x16xf32>,
        %swap3A_1225 = vector.shape_cast %swap3A_1224 : vector<1x16xf32> to vector<16xf32>
        %swap3A_1226 = vector.shape_cast %add3A_1221 : vector<16xf32> to vector<1x16xf32>
        tpu.vector_store %arg8[%swap3A_1222, %swap3A_1223], %swap3A_1226 {strides = array<i32>} : memref<400x128xf32, #tpu.memory_space<vmem>>, vector<1x16xf32>,
        %get3A_1227 = arith.index_cast %add3A_1193 : i32 to index
        %get3A_1228 = arith.constant 48 : index
        %get3A_1229 = tpu.vector_load %arg8[%get3A_1227, %get3A_1228] {strides = array<i32>} : memref<400x128xf32, #tpu.memory_space<vmem>>, vector<1x16xf32>,
        %get3A_1230 = vector.shape_cast %get3A_1229 : vector<1x16xf32> to vector<16xf32>
        %add3A_1231 = vector.broadcast %squeeze3A_1189 : f32 to vector<16xf32>
        %add3A_1232 = arith.addf %get3A_1230, %add3A_1231 : vector<16xf32>
        %swap3A_1233 = arith.index_cast %add3A_1193 : i32 to index
        %swap3A_1234 = arith.constant 48 : index
        %swap3A_1235 = tpu.vector_load %arg8[%swap3A_1233, %swap3A_1234] {strides = array<i32>} : memref<400x128xf32, #tpu.memory_space<vmem>>, vector<1x16xf32>,
        %swap3A_1236 = vector.shape_cast %swap3A_1235 : vector<1x16xf32> to vector<16xf32>
        %swap3A_1237 = vector.shape_cast %add3A_1232 : vector<16xf32> to vector<1x16xf32>
        tpu.vector_store %arg8[%swap3A_1233, %swap3A_1234], %swap3A_1237 {strides = array<i32>} : memref<400x128xf32, #tpu.memory_space<vmem>>, vector<1x16xf32>,
        %get3A_1238 = arith.index_cast %add3A_1193 : i32 to index
        %get3A_1239 = arith.constant 64 : index
        %get3A_1240 = tpu.vector_load %arg8[%get3A_1238, %get3A_1239] {strides = array<i32>} : memref<400x128xf32, #tpu.memory_space<vmem>>, vector<1x16xf32>,
        %get3A_1241 = vector.shape_cast %get3A_1240 : vector<1x16xf32> to vector<16xf32>
        %add3A_1242 = vector.broadcast %squeeze3A_1189 : f32 to vector<16xf32>
        %add3A_1243 = arith.addf %get3A_1241, %add3A_1242 : vector<16xf32>
        %swap3A_1244 = arith.index_cast %add3A_1193 : i32 to index
        %swap3A_1245 = arith.constant 64 : index
        %swap3A_1246 = tpu.vector_load %arg8[%swap3A_1244, %swap3A_1245] {strides = array<i32>} : memref<400x128xf32, #tpu.memory_space<vmem>>, vector<1x16xf32>,
        %swap3A_1247 = vector.shape_cast %swap3A_1246 : vector<1x16xf32> to vector<16xf32>
        %swap3A_1248 = vector.shape_cast %add3A_1243 : vector<16xf32> to vector<1x16xf32>
        tpu.vector_store %arg8[%swap3A_1244, %swap3A_1245], %swap3A_1248 {strides = array<i32>} : memref<400x128xf32, #tpu.memory_space<vmem>>, vector<1x16xf32>,
        %get3A_1249 = arith.index_cast %add3A_1193 : i32 to index
        %get3A_1250 = arith.constant 80 : index
        %get3A_1251 = tpu.vector_load %arg8[%get3A_1249, %get3A_1250] {strides = array<i32>} : memref<400x128xf32, #tpu.memory_space<vmem>>, vector<1x16xf32>,
        %get3A_1252 = vector.shape_cast %get3A_1251 : vector<1x16xf32> to vector<16xf32>
        %add3A_1253 = vector.broadcast %squeeze3A_1189 : f32 to vector<16xf32>
        %add3A_1254 = arith.addf %get3A_1252, %add3A_1253 : vector<16xf32>
        %swap3A_1255 = arith.index_cast %add3A_1193 : i32 to index
        %swap3A_1256 = arith.constant 80 : index
        %swap3A_1257 = tpu.vector_load %arg8[%swap3A_1255, %swap3A_1256] {strides = array<i32>} : memref<400x128xf32, #tpu.memory_space<vmem>>, vector<1x16xf32>,
        %swap3A_1258 = vector.shape_cast %swap3A_1257 : vector<1x16xf32> to vector<16xf32>
        %swap3A_1259 = vector.shape_cast %add3A_1254 : vector<16xf32> to vector<1x16xf32>
        tpu.vector_store %arg8[%swap3A_1255, %swap3A_1256], %swap3A_1259 {strides = array<i32>} : memref<400x128xf32, #tpu.memory_space<vmem>>, vector<1x16xf32>,
        %get3A_1260 = arith.index_cast %add3A_1193 : i32 to index
        %get3A_1261 = arith.constant 96 : index
        %get3A_1262 = tpu.vector_load %arg8[%get3A_1260, %get3A_1261] {strides = array<i32>} : memref<400x128xf32, #tpu.memory_space<vmem>>, vector<1x16xf32>,
        %get3A_1263 = vector.shape_cast %get3A_1262 : vector<1x16xf32> to vector<16xf32>
        %add3A_1264 = vector.broadcast %squeeze3A_1189 : f32 to vector<16xf32>
        %add3A_1265 = arith.addf %get3A_1263, %add3A_1264 : vector<16xf32>
        %swap3A_1266 = arith.index_cast %add3A_1193 : i32 to index
        %swap3A_1267 = arith.constant 96 : index
        %swap3A_1268 = tpu.vector_load %arg8[%swap3A_1266, %swap3A_1267] {strides = array<i32>} : memref<400x128xf32, #tpu.memory_space<vmem>>, vector<1x16xf32>,
        %swap3A_1269 = vector.shape_cast %swap3A_1268 : vector<1x16xf32> to vector<16xf32>
        %swap3A_1270 = vector.shape_cast %add3A_1265 : vector<16xf32> to vector<1x16xf32>
        tpu.vector_store %arg8[%swap3A_1266, %swap3A_1267], %swap3A_1270 {strides = array<i32>} : memref<400x128xf32, #tpu.memory_space<vmem>>, vector<1x16xf32>,
        %get3A_1271 = arith.index_cast %add3A_1193 : i32 to index
        %get3A_1272 = arith.constant 112 : index
        %get3A_1273 = tpu.vector_load %arg8[%get3A_1271, %get3A_1272] {strides = array<i32>} : memref<400x128xf32, #tpu.memory_space<vmem>>, vector<1x16xf32>,
        %get3A_1274 = vector.shape_cast %get3A_1273 : vector<1x16xf32> to vector<16xf32>
        %add3A_1275 = vector.broadcast %squeeze3A_1189 : f32 to vector<16xf32>
        %add3A_1276 = arith.addf %get3A_1274, %add3A_1275 : vector<16xf32>
        %swap3A_1277 = arith.index_cast %add3A_1193 : i32 to index
        %swap3A_1278 = arith.constant 112 : index
        %swap3A_1279 = tpu.vector_load %arg8[%swap3A_1277, %swap3A_1278] {strides = array<i32>} : memref<400x128xf32, #tpu.memory_space<vmem>>, vector<1x16xf32>,
        %swap3A_1280 = vector.shape_cast %swap3A_1279 : vector<1x16xf32> to vector<16xf32>
        %swap3A_1281 = vector.shape_cast %add3A_1276 : vector<16xf32> to vector<1x16xf32>
        tpu.vector_store %arg8[%swap3A_1277, %swap3A_1278], %swap3A_1281 {strides = array<i32>} : memref<400x128xf32, #tpu.memory_space<vmem>>, vector<1x16xf32>,
        %slice3A_1282 = vector.extract_strided_slice %get3A_1002 {offsets = [3], sizes = [1], strides = [1]} : vector<16xf32> to vector<1xf32>
        %squeeze3A_1283 = vector.extract %slice3A_1282[0] : f32 from vector<1xf32>
        %mul3A_1284 = arith.constant 16 : i32
        %mul3A_1285 = arith.muli %scan3A_998, %mul3A_1284 : i32
        %add3A_1286 = arith.constant 3 : i32
        %add3A_1287 = arith.addi %mul3A_1285, %add3A_1286 : i32
        %get3A_1288 = arith.index_cast %add3A_1287 : i32 to index
        %get3A_1289 = arith.constant 0 : index
        %get3A_1290 = tpu.vector_load %arg8[%get3A_1288, %get3A_1289] {strides = array<i32>} : memref<400x128xf32, #tpu.memory_space<vmem>>, vector<1x16xf32>,
        %get3A_1291 = vector.shape_cast %get3A_1290 : vector<1x16xf32> to vector<16xf32>
        %add3A_1292 = vector.broadcast %squeeze3A_1283 : f32 to vector<16xf32>
        %add3A_1293 = arith.addf %get3A_1291, %add3A_1292 : vector<16xf32>
        %swap3A_1294 = arith.index_cast %add3A_1287 : i32 to index
        %swap3A_1295 = arith.constant 0 : index
        %swap3A_1296 = tpu.vector_load %arg8[%swap3A_1294, %swap3A_1295] {strides = array<i32>} : memref<400x128xf32, #tpu.memory_space<vmem>>, vector<1x16xf32>,
        %swap3A_1297 = vector.shape_cast %swap3A_1296 : vector<1x16xf32> to vector<16xf32>
        %swap3A_1298 = vector.shape_cast %add3A_1293 : vector<16xf32> to vector<1x16xf32>
        tpu.vector_store %arg8[%swap3A_1294, %swap3A_1295], %swap3A_1298 {strides = array<i32>} : memref<400x128xf32, #tpu.memory_space<vmem>>, vector<1x16xf32>,
        %get3A_1299 = arith.index_cast %add3A_1287 : i32 to index
        %get3A_1300 = arith.constant 16 : index
        %get3A_1301 = tpu.vector_load %arg8[%get3A_1299, %get3A_1300] {strides = array<i32>} : memref<400x128xf32, #tpu.memory_space<vmem>>, vector<1x16xf32>,
        %get3A_1302 = vector.shape_cast %get3A_1301 : vector<1x16xf32> to vector<16xf32>
        %add3A_1303 = vector.broadcast %squeeze3A_1283 : f32 to vector<16xf32>
        %add3A_1304 = arith.addf %get3A_1302, %add3A_1303 : vector<16xf32>
        %swap3A_1305 = arith.index_cast %add3A_1287 : i32 to index
        %swap3A_1306 = arith.constant 16 : index
        %swap3A_1307 = tpu.vector_load %arg8[%swap3A_1305, %swap3A_1306] {strides = array<i32>} : memref<400x128xf32, #tpu.memory_space<vmem>>, vector<1x16xf32>,
        %swap3A_1308 = vector.shape_cast %swap3A_1307 : vector<1x16xf32> to vector<16xf32>
        %swap3A_1309 = vector.shape_cast %add3A_1304 : vector<16xf32> to vector<1x16xf32>
        tpu.vector_store %arg8[%swap3A_1305, %swap3A_1306], %swap3A_1309 {strides = array<i32>} : memref<400x128xf32, #tpu.memory_space<vmem>>, vector<1x16xf32>,
        %get3A_1310 = arith.index_cast %add3A_1287 : i32 to index
        %get3A_1311 = arith.constant 32 : index
        %get3A_1312 = tpu.vector_load %arg8[%get3A_1310, %get3A_1311] {strides = array<i32>} : memref<400x128xf32, #tpu.memory_space<vmem>>, vector<1x16xf32>,
        %get3A_1313 = vector.shape_cast %get3A_1312 : vector<1x16xf32> to vector<16xf32>
        %add3A_1314 = vector.broadcast %squeeze3A_1283 : f32 to vector<16xf32>
        %add3A_1315 = arith.addf %get3A_1313, %add3A_1314 : vector<16xf32>
        %swap3A_1316 = arith.index_cast %add3A_1287 : i32 to index
        %swap3A_1317 = arith.constant 32 : index
        %swap3A_1318 = tpu.vector_load %arg8[%swap3A_1316, %swap3A_1317] {strides = array<i32>} : memref<400x128xf32, #tpu.memory_space<vmem>>, vector<1x16xf32>,
        %swap3A_1319 = vector.shape_cast %swap3A_1318 : vector<1x16xf32> to vector<16xf32>
        %swap3A_1320 = vector.shape_cast %add3A_1315 : vector<16xf32> to vector<1x16xf32>
        tpu.vector_store %arg8[%swap3A_1316, %swap3A_1317], %swap3A_1320 {strides = array<i32>} : memref<400x128xf32, #tpu.memory_space<vmem>>, vector<1x16xf32>,
        %get3A_1321 = arith.index_cast %add3A_1287 : i32 to index
        %get3A_1322 = arith.constant 48 : index
        %get3A_1323 = tpu.vector_load %arg8[%get3A_1321, %get3A_1322] {strides = array<i32>} : memref<400x128xf32, #tpu.memory_space<vmem>>, vector<1x16xf32>,
        %get3A_1324 = vector.shape_cast %get3A_1323 : vector<1x16xf32> to vector<16xf32>
        %add3A_1325 = vector.broadcast %squeeze3A_1283 : f32 to vector<16xf32>
        %add3A_1326 = arith.addf %get3A_1324, %add3A_1325 : vector<16xf32>
        %swap3A_1327 = arith.index_cast %add3A_1287 : i32 to index
        %swap3A_1328 = arith.constant 48 : index
        %swap3A_1329 = tpu.vector_load %arg8[%swap3A_1327, %swap3A_1328] {strides = array<i32>} : memref<400x128xf32, #tpu.memory_space<vmem>>, vector<1x16xf32>,
        %swap3A_1330 = vector.shape_cast %swap3A_1329 : vector<1x16xf32> to vector<16xf32>
        %swap3A_1331 = vector.shape_cast %add3A_1326 : vector<16xf32> to vector<1x16xf32>
        tpu.vector_store %arg8[%swap3A_1327, %swap3A_1328], %swap3A_1331 {strides = array<i32>} : memref<400x128xf32, #tpu.memory_space<vmem>>, vector<1x16xf32>,
        %get3A_1332 = arith.index_cast %add3A_1287 : i32 to index
        %get3A_1333 = arith.constant 64 : index
        %get3A_1334 = tpu.vector_load %arg8[%get3A_1332, %get3A_1333] {strides = array<i32>} : memref<400x128xf32, #tpu.memory_space<vmem>>, vector<1x16xf32>,
        %get3A_1335 = vector.shape_cast %get3A_1334 : vector<1x16xf32> to vector<16xf32>
        %add3A_1336 = vector.broadcast %squeeze3A_1283 : f32 to vector<16xf32>
        %add3A_1337 = arith.addf %get3A_1335, %add3A_1336 : vector<16xf32>
        %swap3A_1338 = arith.index_cast %add3A_1287 : i32 to index
        %swap3A_1339 = arith.constant 64 : index
        %swap3A_1340 = tpu.vector_load %arg8[%swap3A_1338, %swap3A_1339] {strides = array<i32>} : memref<400x128xf32, #tpu.memory_space<vmem>>, vector<1x16xf32>,
        %swap3A_1341 = vector.shape_cast %swap3A_1340 : vector<1x16xf32> to vector<16xf32>
        %swap3A_1342 = vector.shape_cast %add3A_1337 : vector<16xf32> to vector<1x16xf32>
        tpu.vector_store %arg8[%swap3A_1338, %swap3A_1339], %swap3A_1342 {strides = array<i32>} : memref<400x128xf32, #tpu.memory_space<vmem>>, vector<1x16xf32>,
        %get3A_1343 = arith.index_cast %add3A_1287 : i32 to index
        %get3A_1344 = arith.constant 80 : index
        %get3A_1345 = tpu.vector_load %arg8[%get3A_1343, %get3A_1344] {strides = array<i32>} : memref<400x128xf32, #tpu.memory_space<vmem>>, vector<1x16xf32>,
        %get3A_1346 = vector.shape_cast %get3A_1345 : vector<1x16xf32> to vector<16xf32>
        %add3A_1347 = vector.broadcast %squeeze3A_1283 : f32 to vector<16xf32>
        %add3A_1348 = arith.addf %get3A_1346, %add3A_1347 : vector<16xf32>
        %swap3A_1349 = arith.index_cast %add3A_1287 : i32 to index
        %swap3A_1350 = arith.constant 80 : index
        %swap3A_1351 = tpu.vector_load %arg8[%swap3A_1349, %swap3A_1350] {strides = array<i32>} : memref<400x128xf32, #tpu.memory_space<vmem>>, vector<1x16xf32>,
        %swap3A_1352 = vector.shape_cast %swap3A_1351 : vector<1x16xf32> to vector<16xf32>
        %swap3A_1353 = vector.shape_cast %add3A_1348 : vector<16xf32> to vector<1x16xf32>
        tpu.vector_store %arg8[%swap3A_1349, %swap3A_1350], %swap3A_1353 {strides = array<i32>} : memref<400x128xf32, #tpu.memory_space<vmem>>, vector<1x16xf32>,
        %get3A_1354 = arith.index_cast %add3A_1287 : i32 to index
        %get3A_1355 = arith.constant 96 : index
        %get3A_1356 = tpu.vector_load %arg8[%get3A_1354, %get3A_1355] {strides = array<i32>} : memref<400x128xf32, #tpu.memory_space<vmem>>, vector<1x16xf32>,
        %get3A_1357 = vector.shape_cast %get3A_1356 : vector<1x16xf32> to vector<16xf32>
        %add3A_1358 = vector.broadcast %squeeze3A_1283 : f32 to vector<16xf32>
        %add3A_1359 = arith.addf %get3A_1357, %add3A_1358 : vector<16xf32>
        %swap3A_1360 = arith.index_cast %add3A_1287 : i32 to index
        %swap3A_1361 = arith.constant 96 : index
        %swap3A_1362 = tpu.vector_load %arg8[%swap3A_1360, %swap3A_1361] {strides = array<i32>} : memref<400x128xf32, #tpu.memory_space<vmem>>, vector<1x16xf32>,
        %swap3A_1363 = vector.shape_cast %swap3A_1362 : vector<1x16xf32> to vector<16xf32>
        %swap3A_1364 = vector.shape_cast %add3A_1359 : vector<16xf32> to vector<1x16xf32>
        tpu.vector_store %arg8[%swap3A_1360, %swap3A_1361], %swap3A_1364 {strides = array<i32>} : memref<400x128xf32, #tpu.memory_space<vmem>>, vector<1x16xf32>,
        %get3A_1365 = arith.index_cast %add3A_1287 : i32 to index
        %get3A_1366 = arith.constant 112 : index
        %get3A_1367 = tpu.vector_load %arg8[%get3A_1365, %get3A_1366] {strides = array<i32>} : memref<400x128xf32, #tpu.memory_space<vmem>>, vector<1x16xf32>,
        %get3A_1368 = vector.shape_cast %get3A_1367 : vector<1x16xf32> to vector<16xf32>
        %add3A_1369 = vector.broadcast %squeeze3A_1283 : f32 to vector<16xf32>
        %add3A_1370 = arith.addf %get3A_1368, %add3A_1369 : vector<16xf32>
        %swap3A_1371 = arith.index_cast %add3A_1287 : i32 to index
        %swap3A_1372 = arith.constant 112 : index
        %swap3A_1373 = tpu.vector_load %arg8[%swap3A_1371, %swap3A_1372] {strides = array<i32>} : memref<400x128xf32, #tpu.memory_space<vmem>>, vector<1x16xf32>,
        %swap3A_1374 = vector.shape_cast %swap3A_1373 : vector<1x16xf32> to vector<16xf32>
        %swap3A_1375 = vector.shape_cast %add3A_1370 : vector<16xf32> to vector<1x16xf32>
        tpu.vector_store %arg8[%swap3A_1371, %swap3A_1372], %swap3A_1375 {strides = array<i32>} : memref<400x128xf32, #tpu.memory_space<vmem>>, vector<1x16xf32>,
        %slice3A_1376 = vector.extract_strided_slice %get3A_1002 {offsets = [4], sizes = [1], strides = [1]} : vector<16xf32> to vector<1xf32>
        %squeeze3A_1377 = vector.extract %slice3A_1376[0] : f32 from vector<1xf32>
        %mul3A_1378 = arith.constant 16 : i32
        %mul3A_1379 = arith.muli %scan3A_998, %mul3A_1378 : i32
        %add3A_1380 = arith.constant 4 : i32
        %add3A_1381 = arith.addi %mul3A_1379, %add3A_1380 : i32
        %get3A_1382 = arith.index_cast %add3A_1381 : i32 to index
        %get3A_1383 = arith.constant 0 : index
        %get3A_1384 = tpu.vector_load %arg8[%get3A_1382, %get3A_1383] {strides = array<i32>} : memref<400x128xf32, #tpu.memory_space<vmem>>, vector<1x16xf32>,
        %get3A_1385 = vector.shape_cast %get3A_1384 : vector<1x16xf32> to vector<16xf32>
        %add3A_1386 = vector.broadcast %squeeze3A_1377 : f32 to vector<16xf32>
        %add3A_1387 = arith.addf %get3A_1385, %add3A_1386 : vector<16xf32>
        %swap3A_1388 = arith.index_cast %add3A_1381 : i32 to index
        %swap3A_1389 = arith.constant 0 : index
        %swap3A_1390 = tpu.vector_load %arg8[%swap3A_1388, %swap3A_1389] {strides = array<i32>} : memref<400x128xf32, #tpu.memory_space<vmem>>, vector<1x16xf32>,
        %swap3A_1391 = vector.shape_cast %swap3A_1390 : vector<1x16xf32> to vector<16xf32>
        %swap3A_1392 = vector.shape_cast %add3A_1387 : vector<16xf32> to vector<1x16xf32>
        tpu.vector_store %arg8[%swap3A_1388, %swap3A_1389], %swap3A_1392 {strides = array<i32>} : memref<400x128xf32, #tpu.memory_space<vmem>>, vector<1x16xf32>,
        %get3A_1393 = arith.index_cast %add3A_1381 : i32 to index
        %get3A_1394 = arith.constant 16 : index
        %get3A_1395 = tpu.vector_load %arg8[%get3A_1393, %get3A_1394] {strides = array<i32>} : memref<400x128xf32, #tpu.memory_space<vmem>>, vector<1x16xf32>,
        %get3A_1396 = vector.shape_cast %get3A_1395 : vector<1x16xf32> to vector<16xf32>
        %add3A_1397 = vector.broadcast %squeeze3A_1377 : f32 to vector<16xf32>
        %add3A_1398 = arith.addf %get3A_1396, %add3A_1397 : vector<16xf32>
        %swap3A_1399 = arith.index_cast %add3A_1381 : i32 to index
        %swap3A_1400 = arith.constant 16 : index
        %swap3A_1401 = tpu.vector_load %arg8[%swap3A_1399, %swap3A_1400] {strides = array<i32>} : memref<400x128xf32, #tpu.memory_space<vmem>>, vector<1x16xf32>,
        %swap3A_1402 = vector.shape_cast %swap3A_1401 : vector<1x16xf32> to vector<16xf32>
        %swap3A_1403 = vector.shape_cast %add3A_1398 : vector<16xf32> to vector<1x16xf32>
        tpu.vector_store %arg8[%swap3A_1399, %swap3A_1400], %swap3A_1403 {strides = array<i32>} : memref<400x128xf32, #tpu.memory_space<vmem>>, vector<1x16xf32>,
        %get3A_1404 = arith.index_cast %add3A_1381 : i32 to index
        %get3A_1405 = arith.constant 32 : index
        %get3A_1406 = tpu.vector_load %arg8[%get3A_1404, %get3A_1405] {strides = array<i32>} : memref<400x128xf32, #tpu.memory_space<vmem>>, vector<1x16xf32>,
        %get3A_1407 = vector.shape_cast %get3A_1406 : vector<1x16xf32> to vector<16xf32>
        %add3A_1408 = vector.broadcast %squeeze3A_1377 : f32 to vector<16xf32>
        %add3A_1409 = arith.addf %get3A_1407, %add3A_1408 : vector<16xf32>
        %swap3A_1410 = arith.index_cast %add3A_1381 : i32 to index
        %swap3A_1411 = arith.constant 32 : index
        %swap3A_1412 = tpu.vector_load %arg8[%swap3A_1410, %swap3A_1411] {strides = array<i32>} : memref<400x128xf32, #tpu.memory_space<vmem>>, vector<1x16xf32>,
        %swap3A_1413 = vector.shape_cast %swap3A_1412 : vector<1x16xf32> to vector<16xf32>
        %swap3A_1414 = vector.shape_cast %add3A_1409 : vector<16xf32> to vector<1x16xf32>
        tpu.vector_store %arg8[%swap3A_1410, %swap3A_1411], %swap3A_1414 {strides = array<i32>} : memref<400x128xf32, #tpu.memory_space<vmem>>, vector<1x16xf32>,
        %get3A_1415 = arith.index_cast %add3A_1381 : i32 to index
        %get3A_1416 = arith.constant 48 : index
        %get3A_1417 = tpu.vector_load %arg8[%get3A_1415, %get3A_1416] {strides = array<i32>} : memref<400x128xf32, #tpu.memory_space<vmem>>, vector<1x16xf32>,
        %get3A_1418 = vector.shape_cast %get3A_1417 : vector<1x16xf32> to vector<16xf32>
        %add3A_1419 = vector.broadcast %squeeze3A_1377 : f32 to vector<16xf32>
        %add3A_1420 = arith.addf %get3A_1418, %add3A_1419 : vector<16xf32>
        %swap3A_1421 = arith.index_cast %add3A_1381 : i32 to index
        %swap3A_1422 = arith.constant 48 : index
        %swap3A_1423 = tpu.vector_load %arg8[%swap3A_1421, %swap3A_1422] {strides = array<i32>} : memref<400x128xf32, #tpu.memory_space<vmem>>, vector<1x16xf32>,
        %swap3A_1424 = vector.shape_cast %swap3A_1423 : vector<1x16xf32> to vector<16xf32>
        %swap3A_1425 = vector.shape_cast %add3A_1420 : vector<16xf32> to vector<1x16xf32>
        tpu.vector_store %arg8[%swap3A_1421, %swap3A_1422], %swap3A_1425 {strides = array<i32>} : memref<400x128xf32, #tpu.memory_space<vmem>>, vector<1x16xf32>,
        %get3A_1426 = arith.index_cast %add3A_1381 : i32 to index
        %get3A_1427 = arith.constant 64 : index
        %get3A_1428 = tpu.vector_load %arg8[%get3A_1426, %get3A_1427] {strides = array<i32>} : memref<400x128xf32, #tpu.memory_space<vmem>>, vector<1x16xf32>,
        %get3A_1429 = vector.shape_cast %get3A_1428 : vector<1x16xf32> to vector<16xf32>
        %add3A_1430 = vector.broadcast %squeeze3A_1377 : f32 to vector<16xf32>
        %add3A_1431 = arith.addf %get3A_1429, %add3A_1430 : vector<16xf32>
        %swap3A_1432 = arith.index_cast %add3A_1381 : i32 to index
        %swap3A_1433 = arith.constant 64 : index
        %swap3A_1434 = tpu.vector_load %arg8[%swap3A_1432, %swap3A_1433] {strides = array<i32>} : memref<400x128xf32, #tpu.memory_space<vmem>>, vector<1x16xf32>,
        %swap3A_1435 = vector.shape_cast %swap3A_1434 : vector<1x16xf32> to vector<16xf32>
        %swap3A_1436 = vector.shape_cast %add3A_1431 : vector<16xf32> to vector<1x16xf32>
        tpu.vector_store %arg8[%swap3A_1432, %swap3A_1433], %swap3A_1436 {strides = array<i32>} : memref<400x128xf32, #tpu.memory_space<vmem>>, vector<1x16xf32>,
        %get3A_1437 = arith.index_cast %add3A_1381 : i32 to index
        %get3A_1438 = arith.constant 80 : index
        %get3A_1439 = tpu.vector_load %arg8[%get3A_1437, %get3A_1438] {strides = array<i32>} : memref<400x128xf32, #tpu.memory_space<vmem>>, vector<1x16xf32>,
        %get3A_1440 = vector.shape_cast %get3A_1439 : vector<1x16xf32> to vector<16xf32>
        %add3A_1441 = vector.broadcast %squeeze3A_1377 : f32 to vector<16xf32>
        %add3A_1442 = arith.addf %get3A_1440, %add3A_1441 : vector<16xf32>
        %swap3A_1443 = arith.index_cast %add3A_1381 : i32 to index
        %swap3A_1444 = arith.constant 80 : index
        %swap3A_1445 = tpu.vector_load %arg8[%swap3A_1443, %swap3A_1444] {strides = array<i32>} : memref<400x128xf32, #tpu.memory_space<vmem>>, vector<1x16xf32>,
        %swap3A_1446 = vector.shape_cast %swap3A_1445 : vector<1x16xf32> to vector<16xf32>
        %swap3A_1447 = vector.shape_cast %add3A_1442 : vector<16xf32> to vector<1x16xf32>
        tpu.vector_store %arg8[%swap3A_1443, %swap3A_1444], %swap3A_1447 {strides = array<i32>} : memref<400x128xf32, #tpu.memory_space<vmem>>, vector<1x16xf32>,
        %get3A_1448 = arith.index_cast %add3A_1381 : i32 to index
        %get3A_1449 = arith.constant 96 : index
        %get3A_1450 = tpu.vector_load %arg8[%get3A_1448, %get3A_1449] {strides = array<i32>} : memref<400x128xf32, #tpu.memory_space<vmem>>, vector<1x16xf32>,
        %get3A_1451 = vector.shape_cast %get3A_1450 : vector<1x16xf32> to vector<16xf32>
        %add3A_1452 = vector.broadcast %squeeze3A_1377 : f32 to vector<16xf32>
        %add3A_1453 = arith.addf %get3A_1451, %add3A_1452 : vector<16xf32>
        %swap3A_1454 = arith.index_cast %add3A_1381 : i32 to index
        %swap3A_1455 = arith.constant 96 : index
        %swap3A_1456 = tpu.vector_load %arg8[%swap3A_1454, %swap3A_1455] {strides = array<i32>} : memref<400x128xf32, #tpu.memory_space<vmem>>, vector<1x16xf32>,
        %swap3A_1457 = vector.shape_cast %swap3A_1456 : vector<1x16xf32> to vector<16xf32>
        %swap3A_1458 = vector.shape_cast %add3A_1453 : vector<16xf32> to vector<1x16xf32>
        tpu.vector_store %arg8[%swap3A_1454, %swap3A_1455], %swap3A_1458 {strides = array<i32>} : memref<400x128xf32, #tpu.memory_space<vmem>>, vector<1x16xf32>,
        %get3A_1459 = arith.index_cast %add3A_1381 : i32 to index
        %get3A_1460 = arith.constant 112 : index
        %get3A_1461 = tpu.vector_load %arg8[%get3A_1459, %get3A_1460] {strides = array<i32>} : memref<400x128xf32, #tpu.memory_space<vmem>>, vector<1x16xf32>,
        %get3A_1462 = vector.shape_cast %get3A_1461 : vector<1x16xf32> to vector<16xf32>
        %add3A_1463 = vector.broadcast %squeeze3A_1377 : f32 to vector<16xf32>
        %add3A_1464 = arith.addf %get3A_1462, %add3A_1463 : vector<16xf32>
        %swap3A_1465 = arith.index_cast %add3A_1381 : i32 to index
        %swap3A_1466 = arith.constant 112 : index
        %swap3A_1467 = tpu.vector_load %arg8[%swap3A_1465, %swap3A_1466] {strides = array<i32>} : memref<400x128xf32, #tpu.memory_space<vmem>>, vector<1x16xf32>,
        %swap3A_1468 = vector.shape_cast %swap3A_1467 : vector<1x16xf32> to vector<16xf32>
        %swap3A_1469 = vector.shape_cast %add3A_1464 : vector<16xf32> to vector<1x16xf32>
        tpu.vector_store %arg8[%swap3A_1465, %swap3A_1466], %swap3A_1469 {strides = array<i32>} : memref<400x128xf32, #tpu.memory_space<vmem>>, vector<1x16xf32>,
        %slice3A_1470 = vector.extract_strided_slice %get3A_1002 {offsets = [5], sizes = [1], strides = [1]} : vector<16xf32> to vector<1xf32>
        %squeeze3A_1471 = vector.extract %slice3A_1470[0] : f32 from vector<1xf32>
        %mul3A_1472 = arith.constant 16 : i32
        %mul3A_1473 = arith.muli %scan3A_998, %mul3A_1472 : i32
        %add3A_1474 = arith.constant 5 : i32
        %add3A_1475 = arith.addi %mul3A_1473, %add3A_1474 : i32
        %get3A_1476 = arith.index_cast %add3A_1475 : i32 to index
        %get3A_1477 = arith.constant 0 : index
        %get3A_1478 = tpu.vector_load %arg8[%get3A_1476, %get3A_1477] {strides = array<i32>} : memref<400x128xf32, #tpu.memory_space<vmem>>, vector<1x16xf32>,
        %get3A_1479 = vector.shape_cast %get3A_1478 : vector<1x16xf32> to vector<16xf32>
        %add3A_1480 = vector.broadcast %squeeze3A_1471 : f32 to vector<16xf32>
        %add3A_1481 = arith.addf %get3A_1479, %add3A_1480 : vector<16xf32>
        %swap3A_1482 = arith.index_cast %add3A_1475 : i32 to index
        %swap3A_1483 = arith.constant 0 : index
        %swap3A_1484 = tpu.vector_load %arg8[%swap3A_1482, %swap3A_1483] {strides = array<i32>} : memref<400x128xf32, #tpu.memory_space<vmem>>, vector<1x16xf32>,
        %swap3A_1485 = vector.shape_cast %swap3A_1484 : vector<1x16xf32> to vector<16xf32>
        %swap3A_1486 = vector.shape_cast %add3A_1481 : vector<16xf32> to vector<1x16xf32>
        tpu.vector_store %arg8[%swap3A_1482, %swap3A_1483], %swap3A_1486 {strides = array<i32>} : memref<400x128xf32, #tpu.memory_space<vmem>>, vector<1x16xf32>,
        %get3A_1487 = arith.index_cast %add3A_1475 : i32 to index
        %get3A_1488 = arith.constant 16 : index
        %get3A_1489 = tpu.vector_load %arg8[%get3A_1487, %get3A_1488] {strides = array<i32>} : memref<400x128xf32, #tpu.memory_space<vmem>>, vector<1x16xf32>,
        %get3A_1490 = vector.shape_cast %get3A_1489 : vector<1x16xf32> to vector<16xf32>
        %add3A_1491 = vector.broadcast %squeeze3A_1471 : f32 to vector<16xf32>
        %add3A_1492 = arith.addf %get3A_1490, %add3A_1491 : vector<16xf32>
        %swap3A_1493 = arith.index_cast %add3A_1475 : i32 to index
        %swap3A_1494 = arith.constant 16 : index
        %swap3A_1495 = tpu.vector_load %arg8[%swap3A_1493, %swap3A_1494] {strides = array<i32>} : memref<400x128xf32, #tpu.memory_space<vmem>>, vector<1x16xf32>,
        %swap3A_1496 = vector.shape_cast %swap3A_1495 : vector<1x16xf32> to vector<16xf32>
        %swap3A_1497 = vector.shape_cast %add3A_1492 : vector<16xf32> to vector<1x16xf32>
        tpu.vector_store %arg8[%swap3A_1493, %swap3A_1494], %swap3A_1497 {strides = array<i32>} : memref<400x128xf32, #tpu.memory_space<vmem>>, vector<1x16xf32>,
        %get3A_1498 = arith.index_cast %add3A_1475 : i32 to index
        %get3A_1499 = arith.constant 32 : index
        %get3A_1500 = tpu.vector_load %arg8[%get3A_1498, %get3A_1499] {strides = array<i32>} : memref<400x128xf32, #tpu.memory_space<vmem>>, vector<1x16xf32>,
        %get3A_1501 = vector.shape_cast %get3A_1500 : vector<1x16xf32> to vector<16xf32>
        %add3A_1502 = vector.broadcast %squeeze3A_1471 : f32 to vector<16xf32>
        %add3A_1503 = arith.addf %get3A_1501, %add3A_1502 : vector<16xf32>
        %swap3A_1504 = arith.index_cast %add3A_1475 : i32 to index
        %swap3A_1505 = arith.constant 32 : index
        %swap3A_1506 = tpu.vector_load %arg8[%swap3A_1504, %swap3A_1505] {strides = array<i32>} : memref<400x128xf32, #tpu.memory_space<vmem>>, vector<1x16xf32>,
        %swap3A_1507 = vector.shape_cast %swap3A_1506 : vector<1x16xf32> to vector<16xf32>
        %swap3A_1508 = vector.shape_cast %add3A_1503 : vector<16xf32> to vector<1x16xf32>
        tpu.vector_store %arg8[%swap3A_1504, %swap3A_1505], %swap3A_1508 {strides = array<i32>} : memref<400x128xf32, #tpu.memory_space<vmem>>, vector<1x16xf32>,
        %get3A_1509 = arith.index_cast %add3A_1475 : i32 to index
        %get3A_1510 = arith.constant 48 : index
        %get3A_1511 = tpu.vector_load %arg8[%get3A_1509, %get3A_1510] {strides = array<i32>} : memref<400x128xf32, #tpu.memory_space<vmem>>, vector<1x16xf32>,
        %get3A_1512 = vector.shape_cast %get3A_1511 : vector<1x16xf32> to vector<16xf32>
        %add3A_1513 = vector.broadcast %squeeze3A_1471 : f32 to vector<16xf32>
        %add3A_1514 = arith.addf %get3A_1512, %add3A_1513 : vector<16xf32>
        %swap3A_1515 = arith.index_cast %add3A_1475 : i32 to index
        %swap3A_1516 = arith.constant 48 : index
        %swap3A_1517 = tpu.vector_load %arg8[%swap3A_1515, %swap3A_1516] {strides = array<i32>} : memref<400x128xf32, #tpu.memory_space<vmem>>, vector<1x16xf32>,
        %swap3A_1518 = vector.shape_cast %swap3A_1517 : vector<1x16xf32> to vector<16xf32>
        %swap3A_1519 = vector.shape_cast %add3A_1514 : vector<16xf32> to vector<1x16xf32>
        tpu.vector_store %arg8[%swap3A_1515, %swap3A_1516], %swap3A_1519 {strides = array<i32>} : memref<400x128xf32, #tpu.memory_space<vmem>>, vector<1x16xf32>,
        %get3A_1520 = arith.index_cast %add3A_1475 : i32 to index
        %get3A_1521 = arith.constant 64 : index
        %get3A_1522 = tpu.vector_load %arg8[%get3A_1520, %get3A_1521] {strides = array<i32>} : memref<400x128xf32, #tpu.memory_space<vmem>>, vector<1x16xf32>,
        %get3A_1523 = vector.shape_cast %get3A_1522 : vector<1x16xf32> to vector<16xf32>
        %add3A_1524 = vector.broadcast %squeeze3A_1471 : f32 to vector<16xf32>
        %add3A_1525 = arith.addf %get3A_1523, %add3A_1524 : vector<16xf32>
        %swap3A_1526 = arith.index_cast %add3A_1475 : i32 to index
        %swap3A_1527 = arith.constant 64 : index
        %swap3A_1528 = tpu.vector_load %arg8[%swap3A_1526, %swap3A_1527] {strides = array<i32>} : memref<400x128xf32, #tpu.memory_space<vmem>>, vector<1x16xf32>,
        %swap3A_1529 = vector.shape_cast %swap3A_1528 : vector<1x16xf32> to vector<16xf32>
        %swap3A_1530 = vector.shape_cast %add3A_1525 : vector<16xf32> to vector<1x16xf32>
        tpu.vector_store %arg8[%swap3A_1526, %swap3A_1527], %swap3A_1530 {strides = array<i32>} : memref<400x128xf32, #tpu.memory_space<vmem>>, vector<1x16xf32>,
        %get3A_1531 = arith.index_cast %add3A_1475 : i32 to index
        %get3A_1532 = arith.constant 80 : index
        %get3A_1533 = tpu.vector_load %arg8[%get3A_1531, %get3A_1532] {strides = array<i32>} : memref<400x128xf32, #tpu.memory_space<vmem>>, vector<1x16xf32>,
        %get3A_1534 = vector.shape_cast %get3A_1533 : vector<1x16xf32> to vector<16xf32>
        %add3A_1535 = vector.broadcast %squeeze3A_1471 : f32 to vector<16xf32>
        %add3A_1536 = arith.addf %get3A_1534, %add3A_1535 : vector<16xf32>
        %swap3A_1537 = arith.index_cast %add3A_1475 : i32 to index
        %swap3A_1538 = arith.constant 80 : index
        %swap3A_1539 = tpu.vector_load %arg8[%swap3A_1537, %swap3A_1538] {strides = array<i32>} : memref<400x128xf32, #tpu.memory_space<vmem>>, vector<1x16xf32>,
        %swap3A_1540 = vector.shape_cast %swap3A_1539 : vector<1x16xf32> to vector<16xf32>
        %swap3A_1541 = vector.shape_cast %add3A_1536 : vector<16xf32> to vector<1x16xf32>
        tpu.vector_store %arg8[%swap3A_1537, %swap3A_1538], %swap3A_1541 {strides = array<i32>} : memref<400x128xf32, #tpu.memory_space<vmem>>, vector<1x16xf32>,
        %get3A_1542 = arith.index_cast %add3A_1475 : i32 to index
        %get3A_1543 = arith.constant 96 : index
        %get3A_1544 = tpu.vector_load %arg8[%get3A_1542, %get3A_1543] {strides = array<i32>} : memref<400x128xf32, #tpu.memory_space<vmem>>, vector<1x16xf32>,
        %get3A_1545 = vector.shape_cast %get3A_1544 : vector<1x16xf32> to vector<16xf32>
        %add3A_1546 = vector.broadcast %squeeze3A_1471 : f32 to vector<16xf32>
        %add3A_1547 = arith.addf %get3A_1545, %add3A_1546 : vector<16xf32>
        %swap3A_1548 = arith.index_cast %add3A_1475 : i32 to index
        %swap3A_1549 = arith.constant 96 : index
        %swap3A_1550 = tpu.vector_load %arg8[%swap3A_1548, %swap3A_1549] {strides = array<i32>} : memref<400x128xf32, #tpu.memory_space<vmem>>, vector<1x16xf32>,
        %swap3A_1551 = vector.shape_cast %swap3A_1550 : vector<1x16xf32> to vector<16xf32>
        %swap3A_1552 = vector.shape_cast %add3A_1547 : vector<16xf32> to vector<1x16xf32>
        tpu.vector_store %arg8[%swap3A_1548, %swap3A_1549], %swap3A_1552 {strides = array<i32>} : memref<400x128xf32, #tpu.memory_space<vmem>>, vector<1x16xf32>,
        %get3A_1553 = arith.index_cast %add3A_1475 : i32 to index
        %get3A_1554 = arith.constant 112 : index
        %get3A_1555 = tpu.vector_load %arg8[%get3A_1553, %get3A_1554] {strides = array<i32>} : memref<400x128xf32, #tpu.memory_space<vmem>>, vector<1x16xf32>,
        %get3A_1556 = vector.shape_cast %get3A_1555 : vector<1x16xf32> to vector<16xf32>
        %add3A_1557 = vector.broadcast %squeeze3A_1471 : f32 to vector<16xf32>
        %add3A_1558 = arith.addf %get3A_1556, %add3A_1557 : vector<16xf32>
        %swap3A_1559 = arith.index_cast %add3A_1475 : i32 to index
        %swap3A_1560 = arith.constant 112 : index
        %swap3A_1561 = tpu.vector_load %arg8[%swap3A_1559, %swap3A_1560] {strides = array<i32>} : memref<400x128xf32, #tpu.memory_space<vmem>>, vector<1x16xf32>,
        %swap3A_1562 = vector.shape_cast %swap3A_1561 : vector<1x16xf32> to vector<16xf32>
        %swap3A_1563 = vector.shape_cast %add3A_1558 : vector<16xf32> to vector<1x16xf32>
        tpu.vector_store %arg8[%swap3A_1559, %swap3A_1560], %swap3A_1563 {strides = array<i32>} : memref<400x128xf32, #tpu.memory_space<vmem>>, vector<1x16xf32>,
        %slice3A_1564 = vector.extract_strided_slice %get3A_1002 {offsets = [6], sizes = [1], strides = [1]} : vector<16xf32> to vector<1xf32>
        %squeeze3A_1565 = vector.extract %slice3A_1564[0] : f32 from vector<1xf32>
        %mul3A_1566 = arith.constant 16 : i32
        %mul3A_1567 = arith.muli %scan3A_998, %mul3A_1566 : i32
        %add3A_1568 = arith.constant 6 : i32
        %add3A_1569 = arith.addi %mul3A_1567, %add3A_1568 : i32
        %get3A_1570 = arith.index_cast %add3A_1569 : i32 to index
        %get3A_1571 = arith.constant 0 : index
        %get3A_1572 = tpu.vector_load %arg8[%get3A_1570, %get3A_1571] {strides = array<i32>} : memref<400x128xf32, #tpu.memory_space<vmem>>, vector<1x16xf32>,
        %get3A_1573 = vector.shape_cast %get3A_1572 : vector<1x16xf32> to vector<16xf32>
        %add3A_1574 = vector.broadcast %squeeze3A_1565 : f32 to vector<16xf32>
        %add3A_1575 = arith.addf %get3A_1573, %add3A_1574 : vector<16xf32>
        %swap3A_1576 = arith.index_cast %add3A_1569 : i32 to index
        %swap3A_1577 = arith.constant 0 : index
        %swap3A_1578 = tpu.vector_load %arg8[%swap3A_1576, %swap3A_1577] {strides = array<i32>} : memref<400x128xf32, #tpu.memory_space<vmem>>, vector<1x16xf32>,
        %swap3A_1579 = vector.shape_cast %swap3A_1578 : vector<1x16xf32> to vector<16xf32>
        %swap3A_1580 = vector.shape_cast %add3A_1575 : vector<16xf32> to vector<1x16xf32>
        tpu.vector_store %arg8[%swap3A_1576, %swap3A_1577], %swap3A_1580 {strides = array<i32>} : memref<400x128xf32, #tpu.memory_space<vmem>>, vector<1x16xf32>,
        %get3A_1581 = arith.index_cast %add3A_1569 : i32 to index
        %get3A_1582 = arith.constant 16 : index
        %get3A_1583 = tpu.vector_load %arg8[%get3A_1581, %get3A_1582] {strides = array<i32>} : memref<400x128xf32, #tpu.memory_space<vmem>>, vector<1x16xf32>,
        %get3A_1584 = vector.shape_cast %get3A_1583 : vector<1x16xf32> to vector<16xf32>
        %add3A_1585 = vector.broadcast %squeeze3A_1565 : f32 to vector<16xf32>
        %add3A_1586 = arith.addf %get3A_1584, %add3A_1585 : vector<16xf32>
        %swap3A_1587 = arith.index_cast %add3A_1569 : i32 to index
        %swap3A_1588 = arith.constant 16 : index
        %swap3A_1589 = tpu.vector_load %arg8[%swap3A_1587, %swap3A_1588] {strides = array<i32>} : memref<400x128xf32, #tpu.memory_space<vmem>>, vector<1x16xf32>,
        %swap3A_1590 = vector.shape_cast %swap3A_1589 : vector<1x16xf32> to vector<16xf32>
        %swap3A_1591 = vector.shape_cast %add3A_1586 : vector<16xf32> to vector<1x16xf32>
        tpu.vector_store %arg8[%swap3A_1587, %swap3A_1588], %swap3A_1591 {strides = array<i32>} : memref<400x128xf32, #tpu.memory_space<vmem>>, vector<1x16xf32>,
        %get3A_1592 = arith.index_cast %add3A_1569 : i32 to index
        %get3A_1593 = arith.constant 32 : index
        %get3A_1594 = tpu.vector_load %arg8[%get3A_1592, %get3A_1593] {strides = array<i32>} : memref<400x128xf32, #tpu.memory_space<vmem>>, vector<1x16xf32>,
        %get3A_1595 = vector.shape_cast %get3A_1594 : vector<1x16xf32> to vector<16xf32>
        %add3A_1596 = vector.broadcast %squeeze3A_1565 : f32 to vector<16xf32>
        %add3A_1597 = arith.addf %get3A_1595, %add3A_1596 : vector<16xf32>
        %swap3A_1598 = arith.index_cast %add3A_1569 : i32 to index
        %swap3A_1599 = arith.constant 32 : index
        %swap3A_1600 = tpu.vector_load %arg8[%swap3A_1598, %swap3A_1599] {strides = array<i32>} : memref<400x128xf32, #tpu.memory_space<vmem>>, vector<1x16xf32>,
        %swap3A_1601 = vector.shape_cast %swap3A_1600 : vector<1x16xf32> to vector<16xf32>
        %swap3A_1602 = vector.shape_cast %add3A_1597 : vector<16xf32> to vector<1x16xf32>
        tpu.vector_store %arg8[%swap3A_1598, %swap3A_1599], %swap3A_1602 {strides = array<i32>} : memref<400x128xf32, #tpu.memory_space<vmem>>, vector<1x16xf32>,
        %get3A_1603 = arith.index_cast %add3A_1569 : i32 to index
        %get3A_1604 = arith.constant 48 : index
        %get3A_1605 = tpu.vector_load %arg8[%get3A_1603, %get3A_1604] {strides = array<i32>} : memref<400x128xf32, #tpu.memory_space<vmem>>, vector<1x16xf32>,
        %get3A_1606 = vector.shape_cast %get3A_1605 : vector<1x16xf32> to vector<16xf32>
        %add3A_1607 = vector.broadcast %squeeze3A_1565 : f32 to vector<16xf32>
        %add3A_1608 = arith.addf %get3A_1606, %add3A_1607 : vector<16xf32>
        %swap3A_1609 = arith.index_cast %add3A_1569 : i32 to index
        %swap3A_1610 = arith.constant 48 : index
        %swap3A_1611 = tpu.vector_load %arg8[%swap3A_1609, %swap3A_1610] {strides = array<i32>} : memref<400x128xf32, #tpu.memory_space<vmem>>, vector<1x16xf32>,
        %swap3A_1612 = vector.shape_cast %swap3A_1611 : vector<1x16xf32> to vector<16xf32>
        %swap3A_1613 = vector.shape_cast %add3A_1608 : vector<16xf32> to vector<1x16xf32>
        tpu.vector_store %arg8[%swap3A_1609, %swap3A_1610], %swap3A_1613 {strides = array<i32>} : memref<400x128xf32, #tpu.memory_space<vmem>>, vector<1x16xf32>,
        %get3A_1614 = arith.index_cast %add3A_1569 : i32 to index
        %get3A_1615 = arith.constant 64 : index
        %get3A_1616 = tpu.vector_load %arg8[%get3A_1614, %get3A_1615] {strides = array<i32>} : memref<400x128xf32, #tpu.memory_space<vmem>>, vector<1x16xf32>,
        %get3A_1617 = vector.shape_cast %get3A_1616 : vector<1x16xf32> to vector<16xf32>
        %add3A_1618 = vector.broadcast %squeeze3A_1565 : f32 to vector<16xf32>
        %add3A_1619 = arith.addf %get3A_1617, %add3A_1618 : vector<16xf32>
        %swap3A_1620 = arith.index_cast %add3A_1569 : i32 to index
        %swap3A_1621 = arith.constant 64 : index
        %swap3A_1622 = tpu.vector_load %arg8[%swap3A_1620, %swap3A_1621] {strides = array<i32>} : memref<400x128xf32, #tpu.memory_space<vmem>>, vector<1x16xf32>,
        %swap3A_1623 = vector.shape_cast %swap3A_1622 : vector<1x16xf32> to vector<16xf32>
        %swap3A_1624 = vector.shape_cast %add3A_1619 : vector<16xf32> to vector<1x16xf32>
        tpu.vector_store %arg8[%swap3A_1620, %swap3A_1621], %swap3A_1624 {strides = array<i32>} : memref<400x128xf32, #tpu.memory_space<vmem>>, vector<1x16xf32>,
        %get3A_1625 = arith.index_cast %add3A_1569 : i32 to index
        %get3A_1626 = arith.constant 80 : index
        %get3A_1627 = tpu.vector_load %arg8[%get3A_1625, %get3A_1626] {strides = array<i32>} : memref<400x128xf32, #tpu.memory_space<vmem>>, vector<1x16xf32>,
        %get3A_1628 = vector.shape_cast %get3A_1627 : vector<1x16xf32> to vector<16xf32>
        %add3A_1629 = vector.broadcast %squeeze3A_1565 : f32 to vector<16xf32>
        %add3A_1630 = arith.addf %get3A_1628, %add3A_1629 : vector<16xf32>
        %swap3A_1631 = arith.index_cast %add3A_1569 : i32 to index
        %swap3A_1632 = arith.constant 80 : index
        %swap3A_1633 = tpu.vector_load %arg8[%swap3A_1631, %swap3A_1632] {strides = array<i32>} : memref<400x128xf32, #tpu.memory_space<vmem>>, vector<1x16xf32>,
        %swap3A_1634 = vector.shape_cast %swap3A_1633 : vector<1x16xf32> to vector<16xf32>
        %swap3A_1635 = vector.shape_cast %add3A_1630 : vector<16xf32> to vector<1x16xf32>
        tpu.vector_store %arg8[%swap3A_1631, %swap3A_1632], %swap3A_1635 {strides = array<i32>} : memref<400x128xf32, #tpu.memory_space<vmem>>, vector<1x16xf32>,
        %get3A_1636 = arith.index_cast %add3A_1569 : i32 to index
        %get3A_1637 = arith.constant 96 : index
        %get3A_1638 = tpu.vector_load %arg8[%get3A_1636, %get3A_1637] {strides = array<i32>} : memref<400x128xf32, #tpu.memory_space<vmem>>, vector<1x16xf32>,
        %get3A_1639 = vector.shape_cast %get3A_1638 : vector<1x16xf32> to vector<16xf32>
        %add3A_1640 = vector.broadcast %squeeze3A_1565 : f32 to vector<16xf32>
        %add3A_1641 = arith.addf %get3A_1639, %add3A_1640 : vector<16xf32>
        %swap3A_1642 = arith.index_cast %add3A_1569 : i32 to index
        %swap3A_1643 = arith.constant 96 : index
        %swap3A_1644 = tpu.vector_load %arg8[%swap3A_1642, %swap3A_1643] {strides = array<i32>} : memref<400x128xf32, #tpu.memory_space<vmem>>, vector<1x16xf32>,
        %swap3A_1645 = vector.shape_cast %swap3A_1644 : vector<1x16xf32> to vector<16xf32>
        %swap3A_1646 = vector.shape_cast %add3A_1641 : vector<16xf32> to vector<1x16xf32>
        tpu.vector_store %arg8[%swap3A_1642, %swap3A_1643], %swap3A_1646 {strides = array<i32>} : memref<400x128xf32, #tpu.memory_space<vmem>>, vector<1x16xf32>,
        %get3A_1647 = arith.index_cast %add3A_1569 : i32 to index
        %get3A_1648 = arith.constant 112 : index
        %get3A_1649 = tpu.vector_load %arg8[%get3A_1647, %get3A_1648] {strides = array<i32>} : memref<400x128xf32, #tpu.memory_space<vmem>>, vector<1x16xf32>,
        %get3A_1650 = vector.shape_cast %get3A_1649 : vector<1x16xf32> to vector<16xf32>
        %add3A_1651 = vector.broadcast %squeeze3A_1565 : f32 to vector<16xf32>
        %add3A_1652 = arith.addf %get3A_1650, %add3A_1651 : vector<16xf32>
        %swap3A_1653 = arith.index_cast %add3A_1569 : i32 to index
        %swap3A_1654 = arith.constant 112 : index
        %swap3A_1655 = tpu.vector_load %arg8[%swap3A_1653, %swap3A_1654] {strides = array<i32>} : memref<400x128xf32, #tpu.memory_space<vmem>>, vector<1x16xf32>,
        %swap3A_1656 = vector.shape_cast %swap3A_1655 : vector<1x16xf32> to vector<16xf32>
        %swap3A_1657 = vector.shape_cast %add3A_1652 : vector<16xf32> to vector<1x16xf32>
        tpu.vector_store %arg8[%swap3A_1653, %swap3A_1654], %swap3A_1657 {strides = array<i32>} : memref<400x128xf32, #tpu.memory_space<vmem>>, vector<1x16xf32>,
        %slice3A_1658 = vector.extract_strided_slice %get3A_1002 {offsets = [7], sizes = [1], strides = [1]} : vector<16xf32> to vector<1xf32>
        %squeeze3A_1659 = vector.extract %slice3A_1658[0] : f32 from vector<1xf32>
        %mul3A_1660 = arith.constant 16 : i32
        %mul3A_1661 = arith.muli %scan3A_998, %mul3A_1660 : i32
        %add3A_1662 = arith.constant 7 : i32
        %add3A_1663 = arith.addi %mul3A_1661, %add3A_1662 : i32
        %get3A_1664 = arith.index_cast %add3A_1663 : i32 to index
        %get3A_1665 = arith.constant 0 : index
        %get3A_1666 = tpu.vector_load %arg8[%get3A_1664, %get3A_1665] {strides = array<i32>} : memref<400x128xf32, #tpu.memory_space<vmem>>, vector<1x16xf32>,
        %get3A_1667 = vector.shape_cast %get3A_1666 : vector<1x16xf32> to vector<16xf32>
        %add3A_1668 = vector.broadcast %squeeze3A_1659 : f32 to vector<16xf32>
        %add3A_1669 = arith.addf %get3A_1667, %add3A_1668 : vector<16xf32>
        %swap3A_1670 = arith.index_cast %add3A_1663 : i32 to index
        %swap3A_1671 = arith.constant 0 : index
        %swap3A_1672 = tpu.vector_load %arg8[%swap3A_1670, %swap3A_1671] {strides = array<i32>} : memref<400x128xf32, #tpu.memory_space<vmem>>, vector<1x16xf32>,
        %swap3A_1673 = vector.shape_cast %swap3A_1672 : vector<1x16xf32> to vector<16xf32>
        %swap3A_1674 = vector.shape_cast %add3A_1669 : vector<16xf32> to vector<1x16xf32>
        tpu.vector_store %arg8[%swap3A_1670, %swap3A_1671], %swap3A_1674 {strides = array<i32>} : memref<400x128xf32, #tpu.memory_space<vmem>>, vector<1x16xf32>,
        %get3A_1675 = arith.index_cast %add3A_1663 : i32 to index
        %get3A_1676 = arith.constant 16 : index
        %get3A_1677 = tpu.vector_load %arg8[%get3A_1675, %get3A_1676] {strides = array<i32>} : memref<400x128xf32, #tpu.memory_space<vmem>>, vector<1x16xf32>,
        %get3A_1678 = vector.shape_cast %get3A_1677 : vector<1x16xf32> to vector<16xf32>
        %add3A_1679 = vector.broadcast %squeeze3A_1659 : f32 to vector<16xf32>
        %add3A_1680 = arith.addf %get3A_1678, %add3A_1679 : vector<16xf32>
        %swap3A_1681 = arith.index_cast %add3A_1663 : i32 to index
        %swap3A_1682 = arith.constant 16 : index
        %swap3A_1683 = tpu.vector_load %arg8[%swap3A_1681, %swap3A_1682] {strides = array<i32>} : memref<400x128xf32, #tpu.memory_space<vmem>>, vector<1x16xf32>,
        %swap3A_1684 = vector.shape_cast %swap3A_1683 : vector<1x16xf32> to vector<16xf32>
        %swap3A_1685 = vector.shape_cast %add3A_1680 : vector<16xf32> to vector<1x16xf32>
        tpu.vector_store %arg8[%swap3A_1681, %swap3A_1682], %swap3A_1685 {strides = array<i32>} : memref<400x128xf32, #tpu.memory_space<vmem>>, vector<1x16xf32>,
        %get3A_1686 = arith.index_cast %add3A_1663 : i32 to index
        %get3A_1687 = arith.constant 32 : index
        %get3A_1688 = tpu.vector_load %arg8[%get3A_1686, %get3A_1687] {strides = array<i32>} : memref<400x128xf32, #tpu.memory_space<vmem>>, vector<1x16xf32>,
        %get3A_1689 = vector.shape_cast %get3A_1688 : vector<1x16xf32> to vector<16xf32>
        %add3A_1690 = vector.broadcast %squeeze3A_1659 : f32 to vector<16xf32>
        %add3A_1691 = arith.addf %get3A_1689, %add3A_1690 : vector<16xf32>
        %swap3A_1692 = arith.index_cast %add3A_1663 : i32 to index
        %swap3A_1693 = arith.constant 32 : index
        %swap3A_1694 = tpu.vector_load %arg8[%swap3A_1692, %swap3A_1693] {strides = array<i32>} : memref<400x128xf32, #tpu.memory_space<vmem>>, vector<1x16xf32>,
        %swap3A_1695 = vector.shape_cast %swap3A_1694 : vector<1x16xf32> to vector<16xf32>
        %swap3A_1696 = vector.shape_cast %add3A_1691 : vector<16xf32> to vector<1x16xf32>
        tpu.vector_store %arg8[%swap3A_1692, %swap3A_1693], %swap3A_1696 {strides = array<i32>} : memref<400x128xf32, #tpu.memory_space<vmem>>, vector<1x16xf32>,
        %get3A_1697 = arith.index_cast %add3A_1663 : i32 to index
        %get3A_1698 = arith.constant 48 : index
        %get3A_1699 = tpu.vector_load %arg8[%get3A_1697, %get3A_1698] {strides = array<i32>} : memref<400x128xf32, #tpu.memory_space<vmem>>, vector<1x16xf32>,
        %get3A_1700 = vector.shape_cast %get3A_1699 : vector<1x16xf32> to vector<16xf32>
        %add3A_1701 = vector.broadcast %squeeze3A_1659 : f32 to vector<16xf32>
        %add3A_1702 = arith.addf %get3A_1700, %add3A_1701 : vector<16xf32>
        %swap3A_1703 = arith.index_cast %add3A_1663 : i32 to index
        %swap3A_1704 = arith.constant 48 : index
        %swap3A_1705 = tpu.vector_load %arg8[%swap3A_1703, %swap3A_1704] {strides = array<i32>} : memref<400x128xf32, #tpu.memory_space<vmem>>, vector<1x16xf32>,
        %swap3A_1706 = vector.shape_cast %swap3A_1705 : vector<1x16xf32> to vector<16xf32>
        %swap3A_1707 = vector.shape_cast %add3A_1702 : vector<16xf32> to vector<1x16xf32>
        tpu.vector_store %arg8[%swap3A_1703, %swap3A_1704], %swap3A_1707 {strides = array<i32>} : memref<400x128xf32, #tpu.memory_space<vmem>>, vector<1x16xf32>,
        %get3A_1708 = arith.index_cast %add3A_1663 : i32 to index
        %get3A_1709 = arith.constant 64 : index
        %get3A_1710 = tpu.vector_load %arg8[%get3A_1708, %get3A_1709] {strides = array<i32>} : memref<400x128xf32, #tpu.memory_space<vmem>>, vector<1x16xf32>,
        %get3A_1711 = vector.shape_cast %get3A_1710 : vector<1x16xf32> to vector<16xf32>
        %add3A_1712 = vector.broadcast %squeeze3A_1659 : f32 to vector<16xf32>
        %add3A_1713 = arith.addf %get3A_1711, %add3A_1712 : vector<16xf32>
        %swap3A_1714 = arith.index_cast %add3A_1663 : i32 to index
        %swap3A_1715 = arith.constant 64 : index
        %swap3A_1716 = tpu.vector_load %arg8[%swap3A_1714, %swap3A_1715] {strides = array<i32>} : memref<400x128xf32, #tpu.memory_space<vmem>>, vector<1x16xf32>,
        %swap3A_1717 = vector.shape_cast %swap3A_1716 : vector<1x16xf32> to vector<16xf32>
        %swap3A_1718 = vector.shape_cast %add3A_1713 : vector<16xf32> to vector<1x16xf32>
        tpu.vector_store %arg8[%swap3A_1714, %swap3A_1715], %swap3A_1718 {strides = array<i32>} : memref<400x128xf32, #tpu.memory_space<vmem>>, vector<1x16xf32>,
        %get3A_1719 = arith.index_cast %add3A_1663 : i32 to index
        %get3A_1720 = arith.constant 80 : index
        %get3A_1721 = tpu.vector_load %arg8[%get3A_1719, %get3A_1720] {strides = array<i32>} : memref<400x128xf32, #tpu.memory_space<vmem>>, vector<1x16xf32>,
        %get3A_1722 = vector.shape_cast %get3A_1721 : vector<1x16xf32> to vector<16xf32>
        %add3A_1723 = vector.broadcast %squeeze3A_1659 : f32 to vector<16xf32>
        %add3A_1724 = arith.addf %get3A_1722, %add3A_1723 : vector<16xf32>
        %swap3A_1725 = arith.index_cast %add3A_1663 : i32 to index
        %swap3A_1726 = arith.constant 80 : index
        %swap3A_1727 = tpu.vector_load %arg8[%swap3A_1725, %swap3A_1726] {strides = array<i32>} : memref<400x128xf32, #tpu.memory_space<vmem>>, vector<1x16xf32>,
        %swap3A_1728 = vector.shape_cast %swap3A_1727 : vector<1x16xf32> to vector<16xf32>
        %swap3A_1729 = vector.shape_cast %add3A_1724 : vector<16xf32> to vector<1x16xf32>
        tpu.vector_store %arg8[%swap3A_1725, %swap3A_1726], %swap3A_1729 {strides = array<i32>} : memref<400x128xf32, #tpu.memory_space<vmem>>, vector<1x16xf32>,
        %get3A_1730 = arith.index_cast %add3A_1663 : i32 to index
        %get3A_1731 = arith.constant 96 : index
        %get3A_1732 = tpu.vector_load %arg8[%get3A_1730, %get3A_1731] {strides = array<i32>} : memref<400x128xf32, #tpu.memory_space<vmem>>, vector<1x16xf32>,
        %get3A_1733 = vector.shape_cast %get3A_1732 : vector<1x16xf32> to vector<16xf32>
        %add3A_1734 = vector.broadcast %squeeze3A_1659 : f32 to vector<16xf32>
        %add3A_1735 = arith.addf %get3A_1733, %add3A_1734 : vector<16xf32>
        %swap3A_1736 = arith.index_cast %add3A_1663 : i32 to index
        %swap3A_1737 = arith.constant 96 : index
        %swap3A_1738 = tpu.vector_load %arg8[%swap3A_1736, %swap3A_1737] {strides = array<i32>} : memref<400x128xf32, #tpu.memory_space<vmem>>, vector<1x16xf32>,
        %swap3A_1739 = vector.shape_cast %swap3A_1738 : vector<1x16xf32> to vector<16xf32>
        %swap3A_1740 = vector.shape_cast %add3A_1735 : vector<16xf32> to vector<1x16xf32>
        tpu.vector_store %arg8[%swap3A_1736, %swap3A_1737], %swap3A_1740 {strides = array<i32>} : memref<400x128xf32, #tpu.memory_space<vmem>>, vector<1x16xf32>,
        %get3A_1741 = arith.index_cast %add3A_1663 : i32 to index
        %get3A_1742 = arith.constant 112 : index
        %get3A_1743 = tpu.vector_load %arg8[%get3A_1741, %get3A_1742] {strides = array<i32>} : memref<400x128xf32, #tpu.memory_space<vmem>>, vector<1x16xf32>,
        %get3A_1744 = vector.shape_cast %get3A_1743 : vector<1x16xf32> to vector<16xf32>
        %add3A_1745 = vector.broadcast %squeeze3A_1659 : f32 to vector<16xf32>
        %add3A_1746 = arith.addf %get3A_1744, %add3A_1745 : vector<16xf32>
        %swap3A_1747 = arith.index_cast %add3A_1663 : i32 to index
        %swap3A_1748 = arith.constant 112 : index
        %swap3A_1749 = tpu.vector_load %arg8[%swap3A_1747, %swap3A_1748] {strides = array<i32>} : memref<400x128xf32, #tpu.memory_space<vmem>>, vector<1x16xf32>,
        %swap3A_1750 = vector.shape_cast %swap3A_1749 : vector<1x16xf32> to vector<16xf32>
        %swap3A_1751 = vector.shape_cast %add3A_1746 : vector<16xf32> to vector<1x16xf32>
        tpu.vector_store %arg8[%swap3A_1747, %swap3A_1748], %swap3A_1751 {strides = array<i32>} : memref<400x128xf32, #tpu.memory_space<vmem>>, vector<1x16xf32>,
        %slice3A_1752 = vector.extract_strided_slice %get3A_1002 {offsets = [8], sizes = [1], strides = [1]} : vector<16xf32> to vector<1xf32>
        %squeeze3A_1753 = vector.extract %slice3A_1752[0] : f32 from vector<1xf32>
        %mul3A_1754 = arith.constant 16 : i32
        %mul3A_1755 = arith.muli %scan3A_998, %mul3A_1754 : i32
        %add3A_1756 = arith.constant 8 : i32
        %add3A_1757 = arith.addi %mul3A_1755, %add3A_1756 : i32
        %get3A_1758 = arith.index_cast %add3A_1757 : i32 to index
        %get3A_1759 = arith.constant 0 : index
        %get3A_1760 = tpu.vector_load %arg8[%get3A_1758, %get3A_1759] {strides = array<i32>} : memref<400x128xf32, #tpu.memory_space<vmem>>, vector<1x16xf32>,
        %get3A_1761 = vector.shape_cast %get3A_1760 : vector<1x16xf32> to vector<16xf32>
        %add3A_1762 = vector.broadcast %squeeze3A_1753 : f32 to vector<16xf32>
        %add3A_1763 = arith.addf %get3A_1761, %add3A_1762 : vector<16xf32>
        %swap3A_1764 = arith.index_cast %add3A_1757 : i32 to index
        %swap3A_1765 = arith.constant 0 : index
        %swap3A_1766 = tpu.vector_load %arg8[%swap3A_1764, %swap3A_1765] {strides = array<i32>} : memref<400x128xf32, #tpu.memory_space<vmem>>, vector<1x16xf32>,
        %swap3A_1767 = vector.shape_cast %swap3A_1766 : vector<1x16xf32> to vector<16xf32>
        %swap3A_1768 = vector.shape_cast %add3A_1763 : vector<16xf32> to vector<1x16xf32>
        tpu.vector_store %arg8[%swap3A_1764, %swap3A_1765], %swap3A_1768 {strides = array<i32>} : memref<400x128xf32, #tpu.memory_space<vmem>>, vector<1x16xf32>,
        %get3A_1769 = arith.index_cast %add3A_1757 : i32 to index
        %get3A_1770 = arith.constant 16 : index
        %get3A_1771 = tpu.vector_load %arg8[%get3A_1769, %get3A_1770] {strides = array<i32>} : memref<400x128xf32, #tpu.memory_space<vmem>>, vector<1x16xf32>,
        %get3A_1772 = vector.shape_cast %get3A_1771 : vector<1x16xf32> to vector<16xf32>
        %add3A_1773 = vector.broadcast %squeeze3A_1753 : f32 to vector<16xf32>
        %add3A_1774 = arith.addf %get3A_1772, %add3A_1773 : vector<16xf32>
        %swap3A_1775 = arith.index_cast %add3A_1757 : i32 to index
        %swap3A_1776 = arith.constant 16 : index
        %swap3A_1777 = tpu.vector_load %arg8[%swap3A_1775, %swap3A_1776] {strides = array<i32>} : memref<400x128xf32, #tpu.memory_space<vmem>>, vector<1x16xf32>,
        %swap3A_1778 = vector.shape_cast %swap3A_1777 : vector<1x16xf32> to vector<16xf32>
        %swap3A_1779 = vector.shape_cast %add3A_1774 : vector<16xf32> to vector<1x16xf32>
        tpu.vector_store %arg8[%swap3A_1775, %swap3A_1776], %swap3A_1779 {strides = array<i32>} : memref<400x128xf32, #tpu.memory_space<vmem>>, vector<1x16xf32>,
        %get3A_1780 = arith.index_cast %add3A_1757 : i32 to index
        %get3A_1781 = arith.constant 32 : index
        %get3A_1782 = tpu.vector_load %arg8[%get3A_1780, %get3A_1781] {strides = array<i32>} : memref<400x128xf32, #tpu.memory_space<vmem>>, vector<1x16xf32>,
        %get3A_1783 = vector.shape_cast %get3A_1782 : vector<1x16xf32> to vector<16xf32>
        %add3A_1784 = vector.broadcast %squeeze3A_1753 : f32 to vector<16xf32>
        %add3A_1785 = arith.addf %get3A_1783, %add3A_1784 : vector<16xf32>
        %swap3A_1786 = arith.index_cast %add3A_1757 : i32 to index
        %swap3A_1787 = arith.constant 32 : index
        %swap3A_1788 = tpu.vector_load %arg8[%swap3A_1786, %swap3A_1787] {strides = array<i32>} : memref<400x128xf32, #tpu.memory_space<vmem>>, vector<1x16xf32>,
        %swap3A_1789 = vector.shape_cast %swap3A_1788 : vector<1x16xf32> to vector<16xf32>
        %swap3A_1790 = vector.shape_cast %add3A_1785 : vector<16xf32> to vector<1x16xf32>
        tpu.vector_store %arg8[%swap3A_1786, %swap3A_1787], %swap3A_1790 {strides = array<i32>} : memref<400x128xf32, #tpu.memory_space<vmem>>, vector<1x16xf32>,
        %get3A_1791 = arith.index_cast %add3A_1757 : i32 to index
        %get3A_1792 = arith.constant 48 : index
        %get3A_1793 = tpu.vector_load %arg8[%get3A_1791, %get3A_1792] {strides = array<i32>} : memref<400x128xf32, #tpu.memory_space<vmem>>, vector<1x16xf32>,
        %get3A_1794 = vector.shape_cast %get3A_1793 : vector<1x16xf32> to vector<16xf32>
        %add3A_1795 = vector.broadcast %squeeze3A_1753 : f32 to vector<16xf32>
        %add3A_1796 = arith.addf %get3A_1794, %add3A_1795 : vector<16xf32>
        %swap3A_1797 = arith.index_cast %add3A_1757 : i32 to index
        %swap3A_1798 = arith.constant 48 : index
        %swap3A_1799 = tpu.vector_load %arg8[%swap3A_1797, %swap3A_1798] {strides = array<i32>} : memref<400x128xf32, #tpu.memory_space<vmem>>, vector<1x16xf32>,
        %swap3A_1800 = vector.shape_cast %swap3A_1799 : vector<1x16xf32> to vector<16xf32>
        %swap3A_1801 = vector.shape_cast %add3A_1796 : vector<16xf32> to vector<1x16xf32>
        tpu.vector_store %arg8[%swap3A_1797, %swap3A_1798], %swap3A_1801 {strides = array<i32>} : memref<400x128xf32, #tpu.memory_space<vmem>>, vector<1x16xf32>,
        %get3A_1802 = arith.index_cast %add3A_1757 : i32 to index
        %get3A_1803 = arith.constant 64 : index
        %get3A_1804 = tpu.vector_load %arg8[%get3A_1802, %get3A_1803] {strides = array<i32>} : memref<400x128xf32, #tpu.memory_space<vmem>>, vector<1x16xf32>,
        %get3A_1805 = vector.shape_cast %get3A_1804 : vector<1x16xf32> to vector<16xf32>
        %add3A_1806 = vector.broadcast %squeeze3A_1753 : f32 to vector<16xf32>
        %add3A_1807 = arith.addf %get3A_1805, %add3A_1806 : vector<16xf32>
        %swap3A_1808 = arith.index_cast %add3A_1757 : i32 to index
        %swap3A_1809 = arith.constant 64 : index
        %swap3A_1810 = tpu.vector_load %arg8[%swap3A_1808, %swap3A_1809] {strides = array<i32>} : memref<400x128xf32, #tpu.memory_space<vmem>>, vector<1x16xf32>,
        %swap3A_1811 = vector.shape_cast %swap3A_1810 : vector<1x16xf32> to vector<16xf32>
        %swap3A_1812 = vector.shape_cast %add3A_1807 : vector<16xf32> to vector<1x16xf32>
        tpu.vector_store %arg8[%swap3A_1808, %swap3A_1809], %swap3A_1812 {strides = array<i32>} : memref<400x128xf32, #tpu.memory_space<vmem>>, vector<1x16xf32>,
        %get3A_1813 = arith.index_cast %add3A_1757 : i32 to index
        %get3A_1814 = arith.constant 80 : index
        %get3A_1815 = tpu.vector_load %arg8[%get3A_1813, %get3A_1814] {strides = array<i32>} : memref<400x128xf32, #tpu.memory_space<vmem>>, vector<1x16xf32>,
        %get3A_1816 = vector.shape_cast %get3A_1815 : vector<1x16xf32> to vector<16xf32>
        %add3A_1817 = vector.broadcast %squeeze3A_1753 : f32 to vector<16xf32>
        %add3A_1818 = arith.addf %get3A_1816, %add3A_1817 : vector<16xf32>
        %swap3A_1819 = arith.index_cast %add3A_1757 : i32 to index
        %swap3A_1820 = arith.constant 80 : index
        %swap3A_1821 = tpu.vector_load %arg8[%swap3A_1819, %swap3A_1820] {strides = array<i32>} : memref<400x128xf32, #tpu.memory_space<vmem>>, vector<1x16xf32>,
        %swap3A_1822 = vector.shape_cast %swap3A_1821 : vector<1x16xf32> to vector<16xf32>
        %swap3A_1823 = vector.shape_cast %add3A_1818 : vector<16xf32> to vector<1x16xf32>
        tpu.vector_store %arg8[%swap3A_1819, %swap3A_1820], %swap3A_1823 {strides = array<i32>} : memref<400x128xf32, #tpu.memory_space<vmem>>, vector<1x16xf32>,
        %get3A_1824 = arith.index_cast %add3A_1757 : i32 to index
        %get3A_1825 = arith.constant 96 : index
        %get3A_1826 = tpu.vector_load %arg8[%get3A_1824, %get3A_1825] {strides = array<i32>} : memref<400x128xf32, #tpu.memory_space<vmem>>, vector<1x16xf32>,
        %get3A_1827 = vector.shape_cast %get3A_1826 : vector<1x16xf32> to vector<16xf32>
        %add3A_1828 = vector.broadcast %squeeze3A_1753 : f32 to vector<16xf32>
        %add3A_1829 = arith.addf %get3A_1827, %add3A_1828 : vector<16xf32>
        %swap3A_1830 = arith.index_cast %add3A_1757 : i32 to index
        %swap3A_1831 = arith.constant 96 : index
        %swap3A_1832 = tpu.vector_load %arg8[%swap3A_1830, %swap3A_1831] {strides = array<i32>} : memref<400x128xf32, #tpu.memory_space<vmem>>, vector<1x16xf32>,
        %swap3A_1833 = vector.shape_cast %swap3A_1832 : vector<1x16xf32> to vector<16xf32>
        %swap3A_1834 = vector.shape_cast %add3A_1829 : vector<16xf32> to vector<1x16xf32>
        tpu.vector_store %arg8[%swap3A_1830, %swap3A_1831], %swap3A_1834 {strides = array<i32>} : memref<400x128xf32, #tpu.memory_space<vmem>>, vector<1x16xf32>,
        %get3A_1835 = arith.index_cast %add3A_1757 : i32 to index
        %get3A_1836 = arith.constant 112 : index
        %get3A_1837 = tpu.vector_load %arg8[%get3A_1835, %get3A_1836] {strides = array<i32>} : memref<400x128xf32, #tpu.memory_space<vmem>>, vector<1x16xf32>,
        %get3A_1838 = vector.shape_cast %get3A_1837 : vector<1x16xf32> to vector<16xf32>
        %add3A_1839 = vector.broadcast %squeeze3A_1753 : f32 to vector<16xf32>
        %add3A_1840 = arith.addf %get3A_1838, %add3A_1839 : vector<16xf32>
        %swap3A_1841 = arith.index_cast %add3A_1757 : i32 to index
        %swap3A_1842 = arith.constant 112 : index
        %swap3A_1843 = tpu.vector_load %arg8[%swap3A_1841, %swap3A_1842] {strides = array<i32>} : memref<400x128xf32, #tpu.memory_space<vmem>>, vector<1x16xf32>,
        %swap3A_1844 = vector.shape_cast %swap3A_1843 : vector<1x16xf32> to vector<16xf32>
        %swap3A_1845 = vector.shape_cast %add3A_1840 : vector<16xf32> to vector<1x16xf32>
        tpu.vector_store %arg8[%swap3A_1841, %swap3A_1842], %swap3A_1845 {strides = array<i32>} : memref<400x128xf32, #tpu.memory_space<vmem>>, vector<1x16xf32>,
        %slice3A_1846 = vector.extract_strided_slice %get3A_1002 {offsets = [9], sizes = [1], strides = [1]} : vector<16xf32> to vector<1xf32>
        %squeeze3A_1847 = vector.extract %slice3A_1846[0] : f32 from vector<1xf32>
        %mul3A_1848 = arith.constant 16 : i32
        %mul3A_1849 = arith.muli %scan3A_998, %mul3A_1848 : i32
        %add3A_1850 = arith.constant 9 : i32
        %add3A_1851 = arith.addi %mul3A_1849, %add3A_1850 : i32
        %get3A_1852 = arith.index_cast %add3A_1851 : i32 to index
        %get3A_1853 = arith.constant 0 : index
        %get3A_1854 = tpu.vector_load %arg8[%get3A_1852, %get3A_1853] {strides = array<i32>} : memref<400x128xf32, #tpu.memory_space<vmem>>, vector<1x16xf32>,
        %get3A_1855 = vector.shape_cast %get3A_1854 : vector<1x16xf32> to vector<16xf32>
        %add3A_1856 = vector.broadcast %squeeze3A_1847 : f32 to vector<16xf32>
        %add3A_1857 = arith.addf %get3A_1855, %add3A_1856 : vector<16xf32>
        %swap3A_1858 = arith.index_cast %add3A_1851 : i32 to index
        %swap3A_1859 = arith.constant 0 : index
        %swap3A_1860 = tpu.vector_load %arg8[%swap3A_1858, %swap3A_1859] {strides = array<i32>} : memref<400x128xf32, #tpu.memory_space<vmem>>, vector<1x16xf32>,
        %swap3A_1861 = vector.shape_cast %swap3A_1860 : vector<1x16xf32> to vector<16xf32>
        %swap3A_1862 = vector.shape_cast %add3A_1857 : vector<16xf32> to vector<1x16xf32>
        tpu.vector_store %arg8[%swap3A_1858, %swap3A_1859], %swap3A_1862 {strides = array<i32>} : memref<400x128xf32, #tpu.memory_space<vmem>>, vector<1x16xf32>,
        %get3A_1863 = arith.index_cast %add3A_1851 : i32 to index
        %get3A_1864 = arith.constant 16 : index
        %get3A_1865 = tpu.vector_load %arg8[%get3A_1863, %get3A_1864] {strides = array<i32>} : memref<400x128xf32, #tpu.memory_space<vmem>>, vector<1x16xf32>,
        %get3A_1866 = vector.shape_cast %get3A_1865 : vector<1x16xf32> to vector<16xf32>
        %add3A_1867 = vector.broadcast %squeeze3A_1847 : f32 to vector<16xf32>
        %add3A_1868 = arith.addf %get3A_1866, %add3A_1867 : vector<16xf32>
        %swap3A_1869 = arith.index_cast %add3A_1851 : i32 to index
        %swap3A_1870 = arith.constant 16 : index
        %swap3A_1871 = tpu.vector_load %arg8[%swap3A_1869, %swap3A_1870] {strides = array<i32>} : memref<400x128xf32, #tpu.memory_space<vmem>>, vector<1x16xf32>,
        %swap3A_1872 = vector.shape_cast %swap3A_1871 : vector<1x16xf32> to vector<16xf32>
        %swap3A_1873 = vector.shape_cast %add3A_1868 : vector<16xf32> to vector<1x16xf32>
        tpu.vector_store %arg8[%swap3A_1869, %swap3A_1870], %swap3A_1873 {strides = array<i32>} : memref<400x128xf32, #tpu.memory_space<vmem>>, vector<1x16xf32>,
        %get3A_1874 = arith.index_cast %add3A_1851 : i32 to index
        %get3A_1875 = arith.constant 32 : index
        %get3A_1876 = tpu.vector_load %arg8[%get3A_1874, %get3A_1875] {strides = array<i32>} : memref<400x128xf32, #tpu.memory_space<vmem>>, vector<1x16xf32>,
        %get3A_1877 = vector.shape_cast %get3A_1876 : vector<1x16xf32> to vector<16xf32>
        %add3A_1878 = vector.broadcast %squeeze3A_1847 : f32 to vector<16xf32>
        %add3A_1879 = arith.addf %get3A_1877, %add3A_1878 : vector<16xf32>
        %swap3A_1880 = arith.index_cast %add3A_1851 : i32 to index
        %swap3A_1881 = arith.constant 32 : index
        %swap3A_1882 = tpu.vector_load %arg8[%swap3A_1880, %swap3A_1881] {strides = array<i32>} : memref<400x128xf32, #tpu.memory_space<vmem>>, vector<1x16xf32>,
        %swap3A_1883 = vector.shape_cast %swap3A_1882 : vector<1x16xf32> to vector<16xf32>
        %swap3A_1884 = vector.shape_cast %add3A_1879 : vector<16xf32> to vector<1x16xf32>
        tpu.vector_store %arg8[%swap3A_1880, %swap3A_1881], %swap3A_1884 {strides = array<i32>} : memref<400x128xf32, #tpu.memory_space<vmem>>, vector<1x16xf32>,
        %get3A_1885 = arith.index_cast %add3A_1851 : i32 to index
        %get3A_1886 = arith.constant 48 : index
        %get3A_1887 = tpu.vector_load %arg8[%get3A_1885, %get3A_1886] {strides = array<i32>} : memref<400x128xf32, #tpu.memory_space<vmem>>, vector<1x16xf32>,
        %get3A_1888 = vector.shape_cast %get3A_1887 : vector<1x16xf32> to vector<16xf32>
        %add3A_1889 = vector.broadcast %squeeze3A_1847 : f32 to vector<16xf32>
        %add3A_1890 = arith.addf %get3A_1888, %add3A_1889 : vector<16xf32>
        %swap3A_1891 = arith.index_cast %add3A_1851 : i32 to index
        %swap3A_1892 = arith.constant 48 : index
        %swap3A_1893 = tpu.vector_load %arg8[%swap3A_1891, %swap3A_1892] {strides = array<i32>} : memref<400x128xf32, #tpu.memory_space<vmem>>, vector<1x16xf32>,
        %swap3A_1894 = vector.shape_cast %swap3A_1893 : vector<1x16xf32> to vector<16xf32>
        %swap3A_1895 = vector.shape_cast %add3A_1890 : vector<16xf32> to vector<1x16xf32>
        tpu.vector_store %arg8[%swap3A_1891, %swap3A_1892], %swap3A_1895 {strides = array<i32>} : memref<400x128xf32, #tpu.memory_space<vmem>>, vector<1x16xf32>,
        %get3A_1896 = arith.index_cast %add3A_1851 : i32 to index
        %get3A_1897 = arith.constant 64 : index
        %get3A_1898 = tpu.vector_load %arg8[%get3A_1896, %get3A_1897] {strides = array<i32>} : memref<400x128xf32, #tpu.memory_space<vmem>>, vector<1x16xf32>,
        %get3A_1899 = vector.shape_cast %get3A_1898 : vector<1x16xf32> to vector<16xf32>
        %add3A_1900 = vector.broadcast %squeeze3A_1847 : f32 to vector<16xf32>
        %add3A_1901 = arith.addf %get3A_1899, %add3A_1900 : vector<16xf32>
        %swap3A_1902 = arith.index_cast %add3A_1851 : i32 to index
        %swap3A_1903 = arith.constant 64 : index
        %swap3A_1904 = tpu.vector_load %arg8[%swap3A_1902, %swap3A_1903] {strides = array<i32>} : memref<400x128xf32, #tpu.memory_space<vmem>>, vector<1x16xf32>,
        %swap3A_1905 = vector.shape_cast %swap3A_1904 : vector<1x16xf32> to vector<16xf32>
        %swap3A_1906 = vector.shape_cast %add3A_1901 : vector<16xf32> to vector<1x16xf32>
        tpu.vector_store %arg8[%swap3A_1902, %swap3A_1903], %swap3A_1906 {strides = array<i32>} : memref<400x128xf32, #tpu.memory_space<vmem>>, vector<1x16xf32>,
        %get3A_1907 = arith.index_cast %add3A_1851 : i32 to index
        %get3A_1908 = arith.constant 80 : index
        %get3A_1909 = tpu.vector_load %arg8[%get3A_1907, %get3A_1908] {strides = array<i32>} : memref<400x128xf32, #tpu.memory_space<vmem>>, vector<1x16xf32>,
        %get3A_1910 = vector.shape_cast %get3A_1909 : vector<1x16xf32> to vector<16xf32>
        %add3A_1911 = vector.broadcast %squeeze3A_1847 : f32 to vector<16xf32>
        %add3A_1912 = arith.addf %get3A_1910, %add3A_1911 : vector<16xf32>
        %swap3A_1913 = arith.index_cast %add3A_1851 : i32 to index
        %swap3A_1914 = arith.constant 80 : index
        %swap3A_1915 = tpu.vector_load %arg8[%swap3A_1913, %swap3A_1914] {strides = array<i32>} : memref<400x128xf32, #tpu.memory_space<vmem>>, vector<1x16xf32>,
        %swap3A_1916 = vector.shape_cast %swap3A_1915 : vector<1x16xf32> to vector<16xf32>
        %swap3A_1917 = vector.shape_cast %add3A_1912 : vector<16xf32> to vector<1x16xf32>
        tpu.vector_store %arg8[%swap3A_1913, %swap3A_1914], %swap3A_1917 {strides = array<i32>} : memref<400x128xf32, #tpu.memory_space<vmem>>, vector<1x16xf32>,
        %get3A_1918 = arith.index_cast %add3A_1851 : i32 to index
        %get3A_1919 = arith.constant 96 : index
        %get3A_1920 = tpu.vector_load %arg8[%get3A_1918, %get3A_1919] {strides = array<i32>} : memref<400x128xf32, #tpu.memory_space<vmem>>, vector<1x16xf32>,
        %get3A_1921 = vector.shape_cast %get3A_1920 : vector<1x16xf32> to vector<16xf32>
        %add3A_1922 = vector.broadcast %squeeze3A_1847 : f32 to vector<16xf32>
        %add3A_1923 = arith.addf %get3A_1921, %add3A_1922 : vector<16xf32>
        %swap3A_1924 = arith.index_cast %add3A_1851 : i32 to index
        %swap3A_1925 = arith.constant 96 : index
        %swap3A_1926 = tpu.vector_load %arg8[%swap3A_1924, %swap3A_1925] {strides = array<i32>} : memref<400x128xf32, #tpu.memory_space<vmem>>, vector<1x16xf32>,
        %swap3A_1927 = vector.shape_cast %swap3A_1926 : vector<1x16xf32> to vector<16xf32>
        %swap3A_1928 = vector.shape_cast %add3A_1923 : vector<16xf32> to vector<1x16xf32>
        tpu.vector_store %arg8[%swap3A_1924, %swap3A_1925], %swap3A_1928 {strides = array<i32>} : memref<400x128xf32, #tpu.memory_space<vmem>>, vector<1x16xf32>,
        %get3A_1929 = arith.index_cast %add3A_1851 : i32 to index
        %get3A_1930 = arith.constant 112 : index
        %get3A_1931 = tpu.vector_load %arg8[%get3A_1929, %get3A_1930] {strides = array<i32>} : memref<400x128xf32, #tpu.memory_space<vmem>>, vector<1x16xf32>,
        %get3A_1932 = vector.shape_cast %get3A_1931 : vector<1x16xf32> to vector<16xf32>
        %add3A_1933 = vector.broadcast %squeeze3A_1847 : f32 to vector<16xf32>
        %add3A_1934 = arith.addf %get3A_1932, %add3A_1933 : vector<16xf32>
        %swap3A_1935 = arith.index_cast %add3A_1851 : i32 to index
        %swap3A_1936 = arith.constant 112 : index
        %swap3A_1937 = tpu.vector_load %arg8[%swap3A_1935, %swap3A_1936] {strides = array<i32>} : memref<400x128xf32, #tpu.memory_space<vmem>>, vector<1x16xf32>,
        %swap3A_1938 = vector.shape_cast %swap3A_1937 : vector<1x16xf32> to vector<16xf32>
        %swap3A_1939 = vector.shape_cast %add3A_1934 : vector<16xf32> to vector<1x16xf32>
        tpu.vector_store %arg8[%swap3A_1935, %swap3A_1936], %swap3A_1939 {strides = array<i32>} : memref<400x128xf32, #tpu.memory_space<vmem>>, vector<1x16xf32>,
        %slice3A_1940 = vector.extract_strided_slice %get3A_1002 {offsets = [10], sizes = [1], strides = [1]} : vector<16xf32> to vector<1xf32>
        %squeeze3A_1941 = vector.extract %slice3A_1940[0] : f32 from vector<1xf32>
        %mul3A_1942 = arith.constant 16 : i32
        %mul3A_1943 = arith.muli %scan3A_998, %mul3A_1942 : i32
        %add3A_1944 = arith.constant 10 : i32
        %add3A_1945 = arith.addi %mul3A_1943, %add3A_1944 : i32
        %get3A_1946 = arith.index_cast %add3A_1945 : i32 to index
        %get3A_1947 = arith.constant 0 : index
        %get3A_1948 = tpu.vector_load %arg8[%get3A_1946, %get3A_1947] {strides = array<i32>} : memref<400x128xf32, #tpu.memory_space<vmem>>, vector<1x16xf32>,
        %get3A_1949 = vector.shape_cast %get3A_1948 : vector<1x16xf32> to vector<16xf32>
        %add3A_1950 = vector.broadcast %squeeze3A_1941 : f32 to vector<16xf32>
        %add3A_1951 = arith.addf %get3A_1949, %add3A_1950 : vector<16xf32>
        %swap3A_1952 = arith.index_cast %add3A_1945 : i32 to index
        %swap3A_1953 = arith.constant 0 : index
        %swap3A_1954 = tpu.vector_load %arg8[%swap3A_1952, %swap3A_1953] {strides = array<i32>} : memref<400x128xf32, #tpu.memory_space<vmem>>, vector<1x16xf32>,
        %swap3A_1955 = vector.shape_cast %swap3A_1954 : vector<1x16xf32> to vector<16xf32>
        %swap3A_1956 = vector.shape_cast %add3A_1951 : vector<16xf32> to vector<1x16xf32>
        tpu.vector_store %arg8[%swap3A_1952, %swap3A_1953], %swap3A_1956 {strides = array<i32>} : memref<400x128xf32, #tpu.memory_space<vmem>>, vector<1x16xf32>,
        %get3A_1957 = arith.index_cast %add3A_1945 : i32 to index
        %get3A_1958 = arith.constant 16 : index
        %get3A_1959 = tpu.vector_load %arg8[%get3A_1957, %get3A_1958] {strides = array<i32>} : memref<400x128xf32, #tpu.memory_space<vmem>>, vector<1x16xf32>,
        %get3A_1960 = vector.shape_cast %get3A_1959 : vector<1x16xf32> to vector<16xf32>
        %add3A_1961 = vector.broadcast %squeeze3A_1941 : f32 to vector<16xf32>
        %add3A_1962 = arith.addf %get3A_1960, %add3A_1961 : vector<16xf32>
        %swap3A_1963 = arith.index_cast %add3A_1945 : i32 to index
        %swap3A_1964 = arith.constant 16 : index
        %swap3A_1965 = tpu.vector_load %arg8[%swap3A_1963, %swap3A_1964] {strides = array<i32>} : memref<400x128xf32, #tpu.memory_space<vmem>>, vector<1x16xf32>,
        %swap3A_1966 = vector.shape_cast %swap3A_1965 : vector<1x16xf32> to vector<16xf32>
        %swap3A_1967 = vector.shape_cast %add3A_1962 : vector<16xf32> to vector<1x16xf32>
        tpu.vector_store %arg8[%swap3A_1963, %swap3A_1964], %swap3A_1967 {strides = array<i32>} : memref<400x128xf32, #tpu.memory_space<vmem>>, vector<1x16xf32>,
        %get3A_1968 = arith.index_cast %add3A_1945 : i32 to index
        %get3A_1969 = arith.constant 32 : index
        %get3A_1970 = tpu.vector_load %arg8[%get3A_1968, %get3A_1969] {strides = array<i32>} : memref<400x128xf32, #tpu.memory_space<vmem>>, vector<1x16xf32>,
        %get3A_1971 = vector.shape_cast %get3A_1970 : vector<1x16xf32> to vector<16xf32>
        %add3A_1972 = vector.broadcast %squeeze3A_1941 : f32 to vector<16xf32>
        %add3A_1973 = arith.addf %get3A_1971, %add3A_1972 : vector<16xf32>
        %swap3A_1974 = arith.index_cast %add3A_1945 : i32 to index
        %swap3A_1975 = arith.constant 32 : index
        %swap3A_1976 = tpu.vector_load %arg8[%swap3A_1974, %swap3A_1975] {strides = array<i32>} : memref<400x128xf32, #tpu.memory_space<vmem>>, vector<1x16xf32>,
        %swap3A_1977 = vector.shape_cast %swap3A_1976 : vector<1x16xf32> to vector<16xf32>
        %swap3A_1978 = vector.shape_cast %add3A_1973 : vector<16xf32> to vector<1x16xf32>
        tpu.vector_store %arg8[%swap3A_1974, %swap3A_1975], %swap3A_1978 {strides = array<i32>} : memref<400x128xf32, #tpu.memory_space<vmem>>, vector<1x16xf32>,
        %get3A_1979 = arith.index_cast %add3A_1945 : i32 to index
        %get3A_1980 = arith.constant 48 : index
        %get3A_1981 = tpu.vector_load %arg8[%get3A_1979, %get3A_1980] {strides = array<i32>} : memref<400x128xf32, #tpu.memory_space<vmem>>, vector<1x16xf32>,
        %get3A_1982 = vector.shape_cast %get3A_1981 : vector<1x16xf32> to vector<16xf32>
        %add3A_1983 = vector.broadcast %squeeze3A_1941 : f32 to vector<16xf32>
        %add3A_1984 = arith.addf %get3A_1982, %add3A_1983 : vector<16xf32>
        %swap3A_1985 = arith.index_cast %add3A_1945 : i32 to index
        %swap3A_1986 = arith.constant 48 : index
        %swap3A_1987 = tpu.vector_load %arg8[%swap3A_1985, %swap3A_1986] {strides = array<i32>} : memref<400x128xf32, #tpu.memory_space<vmem>>, vector<1x16xf32>,
        %swap3A_1988 = vector.shape_cast %swap3A_1987 : vector<1x16xf32> to vector<16xf32>
        %swap3A_1989 = vector.shape_cast %add3A_1984 : vector<16xf32> to vector<1x16xf32>
        tpu.vector_store %arg8[%swap3A_1985, %swap3A_1986], %swap3A_1989 {strides = array<i32>} : memref<400x128xf32, #tpu.memory_space<vmem>>, vector<1x16xf32>,
        %get3A_1990 = arith.index_cast %add3A_1945 : i32 to index
        %get3A_1991 = arith.constant 64 : index
        %get3A_1992 = tpu.vector_load %arg8[%get3A_1990, %get3A_1991] {strides = array<i32>} : memref<400x128xf32, #tpu.memory_space<vmem>>, vector<1x16xf32>,
        %get3A_1993 = vector.shape_cast %get3A_1992 : vector<1x16xf32> to vector<16xf32>
        %add3A_1994 = vector.broadcast %squeeze3A_1941 : f32 to vector<16xf32>
        %add3A_1995 = arith.addf %get3A_1993, %add3A_1994 : vector<16xf32>
        %swap3A_1996 = arith.index_cast %add3A_1945 : i32 to index
        %swap3A_1997 = arith.constant 64 : index
        %swap3A_1998 = tpu.vector_load %arg8[%swap3A_1996, %swap3A_1997] {strides = array<i32>} : memref<400x128xf32, #tpu.memory_space<vmem>>, vector<1x16xf32>,
        %swap3A_1999 = vector.shape_cast %swap3A_1998 : vector<1x16xf32> to vector<16xf32>
        %swap3A_2000 = vector.shape_cast %add3A_1995 : vector<16xf32> to vector<1x16xf32>
        tpu.vector_store %arg8[%swap3A_1996, %swap3A_1997], %swap3A_2000 {strides = array<i32>} : memref<400x128xf32, #tpu.memory_space<vmem>>, vector<1x16xf32>,
        %get3A_2001 = arith.index_cast %add3A_1945 : i32 to index
        %get3A_2002 = arith.constant 80 : index
        %get3A_2003 = tpu.vector_load %arg8[%get3A_2001, %get3A_2002] {strides = array<i32>} : memref<400x128xf32, #tpu.memory_space<vmem>>, vector<1x16xf32>,
        %get3A_2004 = vector.shape_cast %get3A_2003 : vector<1x16xf32> to vector<16xf32>
        %add3A_2005 = vector.broadcast %squeeze3A_1941 : f32 to vector<16xf32>
        %add3A_2006 = arith.addf %get3A_2004, %add3A_2005 : vector<16xf32>
        %swap3A_2007 = arith.index_cast %add3A_1945 : i32 to index
        %swap3A_2008 = arith.constant 80 : index
        %swap3A_2009 = tpu.vector_load %arg8[%swap3A_2007, %swap3A_2008] {strides = array<i32>} : memref<400x128xf32, #tpu.memory_space<vmem>>, vector<1x16xf32>,
        %swap3A_2010 = vector.shape_cast %swap3A_2009 : vector<1x16xf32> to vector<16xf32>
        %swap3A_2011 = vector.shape_cast %add3A_2006 : vector<16xf32> to vector<1x16xf32>
        tpu.vector_store %arg8[%swap3A_2007, %swap3A_2008], %swap3A_2011 {strides = array<i32>} : memref<400x128xf32, #tpu.memory_space<vmem>>, vector<1x16xf32>,
        %get3A_2012 = arith.index_cast %add3A_1945 : i32 to index
        %get3A_2013 = arith.constant 96 : index
        %get3A_2014 = tpu.vector_load %arg8[%get3A_2012, %get3A_2013] {strides = array<i32>} : memref<400x128xf32, #tpu.memory_space<vmem>>, vector<1x16xf32>,
        %get3A_2015 = vector.shape_cast %get3A_2014 : vector<1x16xf32> to vector<16xf32>
        %add3A_2016 = vector.broadcast %squeeze3A_1941 : f32 to vector<16xf32>
        %add3A_2017 = arith.addf %get3A_2015, %add3A_2016 : vector<16xf32>
        %swap3A_2018 = arith.index_cast %add3A_1945 : i32 to index
        %swap3A_2019 = arith.constant 96 : index
        %swap3A_2020 = tpu.vector_load %arg8[%swap3A_2018, %swap3A_2019] {strides = array<i32>} : memref<400x128xf32, #tpu.memory_space<vmem>>, vector<1x16xf32>,
        %swap3A_2021 = vector.shape_cast %swap3A_2020 : vector<1x16xf32> to vector<16xf32>
        %swap3A_2022 = vector.shape_cast %add3A_2017 : vector<16xf32> to vector<1x16xf32>
        tpu.vector_store %arg8[%swap3A_2018, %swap3A_2019], %swap3A_2022 {strides = array<i32>} : memref<400x128xf32, #tpu.memory_space<vmem>>, vector<1x16xf32>,
        %get3A_2023 = arith.index_cast %add3A_1945 : i32 to index
        %get3A_2024 = arith.constant 112 : index
        %get3A_2025 = tpu.vector_load %arg8[%get3A_2023, %get3A_2024] {strides = array<i32>} : memref<400x128xf32, #tpu.memory_space<vmem>>, vector<1x16xf32>,
        %get3A_2026 = vector.shape_cast %get3A_2025 : vector<1x16xf32> to vector<16xf32>
        %add3A_2027 = vector.broadcast %squeeze3A_1941 : f32 to vector<16xf32>
        %add3A_2028 = arith.addf %get3A_2026, %add3A_2027 : vector<16xf32>
        %swap3A_2029 = arith.index_cast %add3A_1945 : i32 to index
        %swap3A_2030 = arith.constant 112 : index
        %swap3A_2031 = tpu.vector_load %arg8[%swap3A_2029, %swap3A_2030] {strides = array<i32>} : memref<400x128xf32, #tpu.memory_space<vmem>>, vector<1x16xf32>,
        %swap3A_2032 = vector.shape_cast %swap3A_2031 : vector<1x16xf32> to vector<16xf32>
        %swap3A_2033 = vector.shape_cast %add3A_2028 : vector<16xf32> to vector<1x16xf32>
        tpu.vector_store %arg8[%swap3A_2029, %swap3A_2030], %swap3A_2033 {strides = array<i32>} : memref<400x128xf32, #tpu.memory_space<vmem>>, vector<1x16xf32>,
        %slice3A_2034 = vector.extract_strided_slice %get3A_1002 {offsets = [11], sizes = [1], strides = [1]} : vector<16xf32> to vector<1xf32>
        %squeeze3A_2035 = vector.extract %slice3A_2034[0] : f32 from vector<1xf32>
        %mul3A_2036 = arith.constant 16 : i32
        %mul3A_2037 = arith.muli %scan3A_998, %mul3A_2036 : i32
        %add3A_2038 = arith.constant 11 : i32
        %add3A_2039 = arith.addi %mul3A_2037, %add3A_2038 : i32
        %get3A_2040 = arith.index_cast %add3A_2039 : i32 to index
        %get3A_2041 = arith.constant 0 : index
        %get3A_2042 = tpu.vector_load %arg8[%get3A_2040, %get3A_2041] {strides = array<i32>} : memref<400x128xf32, #tpu.memory_space<vmem>>, vector<1x16xf32>,
        %get3A_2043 = vector.shape_cast %get3A_2042 : vector<1x16xf32> to vector<16xf32>
        %add3A_2044 = vector.broadcast %squeeze3A_2035 : f32 to vector<16xf32>
        %add3A_2045 = arith.addf %get3A_2043, %add3A_2044 : vector<16xf32>
        %swap3A_2046 = arith.index_cast %add3A_2039 : i32 to index
        %swap3A_2047 = arith.constant 0 : index
        %swap3A_2048 = tpu.vector_load %arg8[%swap3A_2046, %swap3A_2047] {strides = array<i32>} : memref<400x128xf32, #tpu.memory_space<vmem>>, vector<1x16xf32>,
        %swap3A_2049 = vector.shape_cast %swap3A_2048 : vector<1x16xf32> to vector<16xf32>
        %swap3A_2050 = vector.shape_cast %add3A_2045 : vector<16xf32> to vector<1x16xf32>
        tpu.vector_store %arg8[%swap3A_2046, %swap3A_2047], %swap3A_2050 {strides = array<i32>} : memref<400x128xf32, #tpu.memory_space<vmem>>, vector<1x16xf32>,
        %get3A_2051 = arith.index_cast %add3A_2039 : i32 to index
        %get3A_2052 = arith.constant 16 : index
        %get3A_2053 = tpu.vector_load %arg8[%get3A_2051, %get3A_2052] {strides = array<i32>} : memref<400x128xf32, #tpu.memory_space<vmem>>, vector<1x16xf32>,
        %get3A_2054 = vector.shape_cast %get3A_2053 : vector<1x16xf32> to vector<16xf32>
        %add3A_2055 = vector.broadcast %squeeze3A_2035 : f32 to vector<16xf32>
        %add3A_2056 = arith.addf %get3A_2054, %add3A_2055 : vector<16xf32>
        %swap3A_2057 = arith.index_cast %add3A_2039 : i32 to index
        %swap3A_2058 = arith.constant 16 : index
        %swap3A_2059 = tpu.vector_load %arg8[%swap3A_2057, %swap3A_2058] {strides = array<i32>} : memref<400x128xf32, #tpu.memory_space<vmem>>, vector<1x16xf32>,
        %swap3A_2060 = vector.shape_cast %swap3A_2059 : vector<1x16xf32> to vector<16xf32>
        %swap3A_2061 = vector.shape_cast %add3A_2056 : vector<16xf32> to vector<1x16xf32>
        tpu.vector_store %arg8[%swap3A_2057, %swap3A_2058], %swap3A_2061 {strides = array<i32>} : memref<400x128xf32, #tpu.memory_space<vmem>>, vector<1x16xf32>,
        %get3A_2062 = arith.index_cast %add3A_2039 : i32 to index
        %get3A_2063 = arith.constant 32 : index
        %get3A_2064 = tpu.vector_load %arg8[%get3A_2062, %get3A_2063] {strides = array<i32>} : memref<400x128xf32, #tpu.memory_space<vmem>>, vector<1x16xf32>,
        %get3A_2065 = vector.shape_cast %get3A_2064 : vector<1x16xf32> to vector<16xf32>
        %add3A_2066 = vector.broadcast %squeeze3A_2035 : f32 to vector<16xf32>
        %add3A_2067 = arith.addf %get3A_2065, %add3A_2066 : vector<16xf32>
        %swap3A_2068 = arith.index_cast %add3A_2039 : i32 to index
        %swap3A_2069 = arith.constant 32 : index
        %swap3A_2070 = tpu.vector_load %arg8[%swap3A_2068, %swap3A_2069] {strides = array<i32>} : memref<400x128xf32, #tpu.memory_space<vmem>>, vector<1x16xf32>,
        %swap3A_2071 = vector.shape_cast %swap3A_2070 : vector<1x16xf32> to vector<16xf32>
        %swap3A_2072 = vector.shape_cast %add3A_2067 : vector<16xf32> to vector<1x16xf32>
        tpu.vector_store %arg8[%swap3A_2068, %swap3A_2069], %swap3A_2072 {strides = array<i32>} : memref<400x128xf32, #tpu.memory_space<vmem>>, vector<1x16xf32>,
        %get3A_2073 = arith.index_cast %add3A_2039 : i32 to index
        %get3A_2074 = arith.constant 48 : index
        %get3A_2075 = tpu.vector_load %arg8[%get3A_2073, %get3A_2074] {strides = array<i32>} : memref<400x128xf32, #tpu.memory_space<vmem>>, vector<1x16xf32>,
        %get3A_2076 = vector.shape_cast %get3A_2075 : vector<1x16xf32> to vector<16xf32>
        %add3A_2077 = vector.broadcast %squeeze3A_2035 : f32 to vector<16xf32>
        %add3A_2078 = arith.addf %get3A_2076, %add3A_2077 : vector<16xf32>
        %swap3A_2079 = arith.index_cast %add3A_2039 : i32 to index
        %swap3A_2080 = arith.constant 48 : index
        %swap3A_2081 = tpu.vector_load %arg8[%swap3A_2079, %swap3A_2080] {strides = array<i32>} : memref<400x128xf32, #tpu.memory_space<vmem>>, vector<1x16xf32>,
        %swap3A_2082 = vector.shape_cast %swap3A_2081 : vector<1x16xf32> to vector<16xf32>
        %swap3A_2083 = vector.shape_cast %add3A_2078 : vector<16xf32> to vector<1x16xf32>
        tpu.vector_store %arg8[%swap3A_2079, %swap3A_2080], %swap3A_2083 {strides = array<i32>} : memref<400x128xf32, #tpu.memory_space<vmem>>, vector<1x16xf32>,
        %get3A_2084 = arith.index_cast %add3A_2039 : i32 to index
        %get3A_2085 = arith.constant 64 : index
        %get3A_2086 = tpu.vector_load %arg8[%get3A_2084, %get3A_2085] {strides = array<i32>} : memref<400x128xf32, #tpu.memory_space<vmem>>, vector<1x16xf32>,
        %get3A_2087 = vector.shape_cast %get3A_2086 : vector<1x16xf32> to vector<16xf32>
        %add3A_2088 = vector.broadcast %squeeze3A_2035 : f32 to vector<16xf32>
        %add3A_2089 = arith.addf %get3A_2087, %add3A_2088 : vector<16xf32>
        %swap3A_2090 = arith.index_cast %add3A_2039 : i32 to index
        %swap3A_2091 = arith.constant 64 : index
        %swap3A_2092 = tpu.vector_load %arg8[%swap3A_2090, %swap3A_2091] {strides = array<i32>} : memref<400x128xf32, #tpu.memory_space<vmem>>, vector<1x16xf32>,
        %swap3A_2093 = vector.shape_cast %swap3A_2092 : vector<1x16xf32> to vector<16xf32>
        %swap3A_2094 = vector.shape_cast %add3A_2089 : vector<16xf32> to vector<1x16xf32>
        tpu.vector_store %arg8[%swap3A_2090, %swap3A_2091], %swap3A_2094 {strides = array<i32>} : memref<400x128xf32, #tpu.memory_space<vmem>>, vector<1x16xf32>,
        %get3A_2095 = arith.index_cast %add3A_2039 : i32 to index
        %get3A_2096 = arith.constant 80 : index
        %get3A_2097 = tpu.vector_load %arg8[%get3A_2095, %get3A_2096] {strides = array<i32>} : memref<400x128xf32, #tpu.memory_space<vmem>>, vector<1x16xf32>,
        %get3A_2098 = vector.shape_cast %get3A_2097 : vector<1x16xf32> to vector<16xf32>
        %add3A_2099 = vector.broadcast %squeeze3A_2035 : f32 to vector<16xf32>
        %add3A_2100 = arith.addf %get3A_2098, %add3A_2099 : vector<16xf32>
        %swap3A_2101 = arith.index_cast %add3A_2039 : i32 to index
        %swap3A_2102 = arith.constant 80 : index
        %swap3A_2103 = tpu.vector_load %arg8[%swap3A_2101, %swap3A_2102] {strides = array<i32>} : memref<400x128xf32, #tpu.memory_space<vmem>>, vector<1x16xf32>,
        %swap3A_2104 = vector.shape_cast %swap3A_2103 : vector<1x16xf32> to vector<16xf32>
        %swap3A_2105 = vector.shape_cast %add3A_2100 : vector<16xf32> to vector<1x16xf32>
        tpu.vector_store %arg8[%swap3A_2101, %swap3A_2102], %swap3A_2105 {strides = array<i32>} : memref<400x128xf32, #tpu.memory_space<vmem>>, vector<1x16xf32>,
        %get3A_2106 = arith.index_cast %add3A_2039 : i32 to index
        %get3A_2107 = arith.constant 96 : index
        %get3A_2108 = tpu.vector_load %arg8[%get3A_2106, %get3A_2107] {strides = array<i32>} : memref<400x128xf32, #tpu.memory_space<vmem>>, vector<1x16xf32>,
        %get3A_2109 = vector.shape_cast %get3A_2108 : vector<1x16xf32> to vector<16xf32>
        %add3A_2110 = vector.broadcast %squeeze3A_2035 : f32 to vector<16xf32>
        %add3A_2111 = arith.addf %get3A_2109, %add3A_2110 : vector<16xf32>
        %swap3A_2112 = arith.index_cast %add3A_2039 : i32 to index
        %swap3A_2113 = arith.constant 96 : index
        %swap3A_2114 = tpu.vector_load %arg8[%swap3A_2112, %swap3A_2113] {strides = array<i32>} : memref<400x128xf32, #tpu.memory_space<vmem>>, vector<1x16xf32>,
        %swap3A_2115 = vector.shape_cast %swap3A_2114 : vector<1x16xf32> to vector<16xf32>
        %swap3A_2116 = vector.shape_cast %add3A_2111 : vector<16xf32> to vector<1x16xf32>
        tpu.vector_store %arg8[%swap3A_2112, %swap3A_2113], %swap3A_2116 {strides = array<i32>} : memref<400x128xf32, #tpu.memory_space<vmem>>, vector<1x16xf32>,
        %get3A_2117 = arith.index_cast %add3A_2039 : i32 to index
        %get3A_2118 = arith.constant 112 : index
        %get3A_2119 = tpu.vector_load %arg8[%get3A_2117, %get3A_2118] {strides = array<i32>} : memref<400x128xf32, #tpu.memory_space<vmem>>, vector<1x16xf32>,
        %get3A_2120 = vector.shape_cast %get3A_2119 : vector<1x16xf32> to vector<16xf32>
        %add3A_2121 = vector.broadcast %squeeze3A_2035 : f32 to vector<16xf32>
        %add3A_2122 = arith.addf %get3A_2120, %add3A_2121 : vector<16xf32>
        %swap3A_2123 = arith.index_cast %add3A_2039 : i32 to index
        %swap3A_2124 = arith.constant 112 : index
        %swap3A_2125 = tpu.vector_load %arg8[%swap3A_2123, %swap3A_2124] {strides = array<i32>} : memref<400x128xf32, #tpu.memory_space<vmem>>, vector<1x16xf32>,
        %swap3A_2126 = vector.shape_cast %swap3A_2125 : vector<1x16xf32> to vector<16xf32>
        %swap3A_2127 = vector.shape_cast %add3A_2122 : vector<16xf32> to vector<1x16xf32>
        tpu.vector_store %arg8[%swap3A_2123, %swap3A_2124], %swap3A_2127 {strides = array<i32>} : memref<400x128xf32, #tpu.memory_space<vmem>>, vector<1x16xf32>,
        %slice3A_2128 = vector.extract_strided_slice %get3A_1002 {offsets = [12], sizes = [1], strides = [1]} : vector<16xf32> to vector<1xf32>
        %squeeze3A_2129 = vector.extract %slice3A_2128[0] : f32 from vector<1xf32>
        %mul3A_2130 = arith.constant 16 : i32
        %mul3A_2131 = arith.muli %scan3A_998, %mul3A_2130 : i32
        %add3A_2132 = arith.constant 12 : i32
        %add3A_2133 = arith.addi %mul3A_2131, %add3A_2132 : i32
        %get3A_2134 = arith.index_cast %add3A_2133 : i32 to index
        %get3A_2135 = arith.constant 0 : index
        %get3A_2136 = tpu.vector_load %arg8[%get3A_2134, %get3A_2135] {strides = array<i32>} : memref<400x128xf32, #tpu.memory_space<vmem>>, vector<1x16xf32>,
        %get3A_2137 = vector.shape_cast %get3A_2136 : vector<1x16xf32> to vector<16xf32>
        %add3A_2138 = vector.broadcast %squeeze3A_2129 : f32 to vector<16xf32>
        %add3A_2139 = arith.addf %get3A_2137, %add3A_2138 : vector<16xf32>
        %swap3A_2140 = arith.index_cast %add3A_2133 : i32 to index
        %swap3A_2141 = arith.constant 0 : index
        %swap3A_2142 = tpu.vector_load %arg8[%swap3A_2140, %swap3A_2141] {strides = array<i32>} : memref<400x128xf32, #tpu.memory_space<vmem>>, vector<1x16xf32>,
        %swap3A_2143 = vector.shape_cast %swap3A_2142 : vector<1x16xf32> to vector<16xf32>
        %swap3A_2144 = vector.shape_cast %add3A_2139 : vector<16xf32> to vector<1x16xf32>
        tpu.vector_store %arg8[%swap3A_2140, %swap3A_2141], %swap3A_2144 {strides = array<i32>} : memref<400x128xf32, #tpu.memory_space<vmem>>, vector<1x16xf32>,
        %get3A_2145 = arith.index_cast %add3A_2133 : i32 to index
        %get3A_2146 = arith.constant 16 : index
        %get3A_2147 = tpu.vector_load %arg8[%get3A_2145, %get3A_2146] {strides = array<i32>} : memref<400x128xf32, #tpu.memory_space<vmem>>, vector<1x16xf32>,
        %get3A_2148 = vector.shape_cast %get3A_2147 : vector<1x16xf32> to vector<16xf32>
        %add3A_2149 = vector.broadcast %squeeze3A_2129 : f32 to vector<16xf32>
        %add3A_2150 = arith.addf %get3A_2148, %add3A_2149 : vector<16xf32>
        %swap3A_2151 = arith.index_cast %add3A_2133 : i32 to index
        %swap3A_2152 = arith.constant 16 : index
        %swap3A_2153 = tpu.vector_load %arg8[%swap3A_2151, %swap3A_2152] {strides = array<i32>} : memref<400x128xf32, #tpu.memory_space<vmem>>, vector<1x16xf32>,
        %swap3A_2154 = vector.shape_cast %swap3A_2153 : vector<1x16xf32> to vector<16xf32>
        %swap3A_2155 = vector.shape_cast %add3A_2150 : vector<16xf32> to vector<1x16xf32>
        tpu.vector_store %arg8[%swap3A_2151, %swap3A_2152], %swap3A_2155 {strides = array<i32>} : memref<400x128xf32, #tpu.memory_space<vmem>>, vector<1x16xf32>,
        %get3A_2156 = arith.index_cast %add3A_2133 : i32 to index
        %get3A_2157 = arith.constant 32 : index
        %get3A_2158 = tpu.vector_load %arg8[%get3A_2156, %get3A_2157] {strides = array<i32>} : memref<400x128xf32, #tpu.memory_space<vmem>>, vector<1x16xf32>,
        %get3A_2159 = vector.shape_cast %get3A_2158 : vector<1x16xf32> to vector<16xf32>
        %add3A_2160 = vector.broadcast %squeeze3A_2129 : f32 to vector<16xf32>
        %add3A_2161 = arith.addf %get3A_2159, %add3A_2160 : vector<16xf32>
        %swap3A_2162 = arith.index_cast %add3A_2133 : i32 to index
        %swap3A_2163 = arith.constant 32 : index
        %swap3A_2164 = tpu.vector_load %arg8[%swap3A_2162, %swap3A_2163] {strides = array<i32>} : memref<400x128xf32, #tpu.memory_space<vmem>>, vector<1x16xf32>,
        %swap3A_2165 = vector.shape_cast %swap3A_2164 : vector<1x16xf32> to vector<16xf32>
        %swap3A_2166 = vector.shape_cast %add3A_2161 : vector<16xf32> to vector<1x16xf32>
        tpu.vector_store %arg8[%swap3A_2162, %swap3A_2163], %swap3A_2166 {strides = array<i32>} : memref<400x128xf32, #tpu.memory_space<vmem>>, vector<1x16xf32>,
        %get3A_2167 = arith.index_cast %add3A_2133 : i32 to index
        %get3A_2168 = arith.constant 48 : index
        %get3A_2169 = tpu.vector_load %arg8[%get3A_2167, %get3A_2168] {strides = array<i32>} : memref<400x128xf32, #tpu.memory_space<vmem>>, vector<1x16xf32>,
        %get3A_2170 = vector.shape_cast %get3A_2169 : vector<1x16xf32> to vector<16xf32>
        %add3A_2171 = vector.broadcast %squeeze3A_2129 : f32 to vector<16xf32>
        %add3A_2172 = arith.addf %get3A_2170, %add3A_2171 : vector<16xf32>
        %swap3A_2173 = arith.index_cast %add3A_2133 : i32 to index
        %swap3A_2174 = arith.constant 48 : index
        %swap3A_2175 = tpu.vector_load %arg8[%swap3A_2173, %swap3A_2174] {strides = array<i32>} : memref<400x128xf32, #tpu.memory_space<vmem>>, vector<1x16xf32>,
        %swap3A_2176 = vector.shape_cast %swap3A_2175 : vector<1x16xf32> to vector<16xf32>
        %swap3A_2177 = vector.shape_cast %add3A_2172 : vector<16xf32> to vector<1x16xf32>
        tpu.vector_store %arg8[%swap3A_2173, %swap3A_2174], %swap3A_2177 {strides = array<i32>} : memref<400x128xf32, #tpu.memory_space<vmem>>, vector<1x16xf32>,
        %get3A_2178 = arith.index_cast %add3A_2133 : i32 to index
        %get3A_2179 = arith.constant 64 : index
        %get3A_2180 = tpu.vector_load %arg8[%get3A_2178, %get3A_2179] {strides = array<i32>} : memref<400x128xf32, #tpu.memory_space<vmem>>, vector<1x16xf32>,
        %get3A_2181 = vector.shape_cast %get3A_2180 : vector<1x16xf32> to vector<16xf32>
        %add3A_2182 = vector.broadcast %squeeze3A_2129 : f32 to vector<16xf32>
        %add3A_2183 = arith.addf %get3A_2181, %add3A_2182 : vector<16xf32>
        %swap3A_2184 = arith.index_cast %add3A_2133 : i32 to index
        %swap3A_2185 = arith.constant 64 : index
        %swap3A_2186 = tpu.vector_load %arg8[%swap3A_2184, %swap3A_2185] {strides = array<i32>} : memref<400x128xf32, #tpu.memory_space<vmem>>, vector<1x16xf32>,
        %swap3A_2187 = vector.shape_cast %swap3A_2186 : vector<1x16xf32> to vector<16xf32>
        %swap3A_2188 = vector.shape_cast %add3A_2183 : vector<16xf32> to vector<1x16xf32>
        tpu.vector_store %arg8[%swap3A_2184, %swap3A_2185], %swap3A_2188 {strides = array<i32>} : memref<400x128xf32, #tpu.memory_space<vmem>>, vector<1x16xf32>,
        %get3A_2189 = arith.index_cast %add3A_2133 : i32 to index
        %get3A_2190 = arith.constant 80 : index
        %get3A_2191 = tpu.vector_load %arg8[%get3A_2189, %get3A_2190] {strides = array<i32>} : memref<400x128xf32, #tpu.memory_space<vmem>>, vector<1x16xf32>,
        %get3A_2192 = vector.shape_cast %get3A_2191 : vector<1x16xf32> to vector<16xf32>
        %add3A_2193 = vector.broadcast %squeeze3A_2129 : f32 to vector<16xf32>
        %add3A_2194 = arith.addf %get3A_2192, %add3A_2193 : vector<16xf32>
        %swap3A_2195 = arith.index_cast %add3A_2133 : i32 to index
        %swap3A_2196 = arith.constant 80 : index
        %swap3A_2197 = tpu.vector_load %arg8[%swap3A_2195, %swap3A_2196] {strides = array<i32>} : memref<400x128xf32, #tpu.memory_space<vmem>>, vector<1x16xf32>,
        %swap3A_2198 = vector.shape_cast %swap3A_2197 : vector<1x16xf32> to vector<16xf32>
        %swap3A_2199 = vector.shape_cast %add3A_2194 : vector<16xf32> to vector<1x16xf32>
        tpu.vector_store %arg8[%swap3A_2195, %swap3A_2196], %swap3A_2199 {strides = array<i32>} : memref<400x128xf32, #tpu.memory_space<vmem>>, vector<1x16xf32>,
        %get3A_2200 = arith.index_cast %add3A_2133 : i32 to index
        %get3A_2201 = arith.constant 96 : index
        %get3A_2202 = tpu.vector_load %arg8[%get3A_2200, %get3A_2201] {strides = array<i32>} : memref<400x128xf32, #tpu.memory_space<vmem>>, vector<1x16xf32>,
        %get3A_2203 = vector.shape_cast %get3A_2202 : vector<1x16xf32> to vector<16xf32>
        %add3A_2204 = vector.broadcast %squeeze3A_2129 : f32 to vector<16xf32>
        %add3A_2205 = arith.addf %get3A_2203, %add3A_2204 : vector<16xf32>
        %swap3A_2206 = arith.index_cast %add3A_2133 : i32 to index
        %swap3A_2207 = arith.constant 96 : index
        %swap3A_2208 = tpu.vector_load %arg8[%swap3A_2206, %swap3A_2207] {strides = array<i32>} : memref<400x128xf32, #tpu.memory_space<vmem>>, vector<1x16xf32>,
        %swap3A_2209 = vector.shape_cast %swap3A_2208 : vector<1x16xf32> to vector<16xf32>
        %swap3A_2210 = vector.shape_cast %add3A_2205 : vector<16xf32> to vector<1x16xf32>
        tpu.vector_store %arg8[%swap3A_2206, %swap3A_2207], %swap3A_2210 {strides = array<i32>} : memref<400x128xf32, #tpu.memory_space<vmem>>, vector<1x16xf32>,
        %get3A_2211 = arith.index_cast %add3A_2133 : i32 to index
        %get3A_2212 = arith.constant 112 : index
        %get3A_2213 = tpu.vector_load %arg8[%get3A_2211, %get3A_2212] {strides = array<i32>} : memref<400x128xf32, #tpu.memory_space<vmem>>, vector<1x16xf32>,
        %get3A_2214 = vector.shape_cast %get3A_2213 : vector<1x16xf32> to vector<16xf32>
        %add3A_2215 = vector.broadcast %squeeze3A_2129 : f32 to vector<16xf32>
        %add3A_2216 = arith.addf %get3A_2214, %add3A_2215 : vector<16xf32>
        %swap3A_2217 = arith.index_cast %add3A_2133 : i32 to index
        %swap3A_2218 = arith.constant 112 : index
        %swap3A_2219 = tpu.vector_load %arg8[%swap3A_2217, %swap3A_2218] {strides = array<i32>} : memref<400x128xf32, #tpu.memory_space<vmem>>, vector<1x16xf32>,
        %swap3A_2220 = vector.shape_cast %swap3A_2219 : vector<1x16xf32> to vector<16xf32>
        %swap3A_2221 = vector.shape_cast %add3A_2216 : vector<16xf32> to vector<1x16xf32>
        tpu.vector_store %arg8[%swap3A_2217, %swap3A_2218], %swap3A_2221 {strides = array<i32>} : memref<400x128xf32, #tpu.memory_space<vmem>>, vector<1x16xf32>,
        %slice3A_2222 = vector.extract_strided_slice %get3A_1002 {offsets = [13], sizes = [1], strides = [1]} : vector<16xf32> to vector<1xf32>
        %squeeze3A_2223 = vector.extract %slice3A_2222[0] : f32 from vector<1xf32>
        %mul3A_2224 = arith.constant 16 : i32
        %mul3A_2225 = arith.muli %scan3A_998, %mul3A_2224 : i32
        %add3A_2226 = arith.constant 13 : i32
        %add3A_2227 = arith.addi %mul3A_2225, %add3A_2226 : i32
        %get3A_2228 = arith.index_cast %add3A_2227 : i32 to index
        %get3A_2229 = arith.constant 0 : index
        %get3A_2230 = tpu.vector_load %arg8[%get3A_2228, %get3A_2229] {strides = array<i32>} : memref<400x128xf32, #tpu.memory_space<vmem>>, vector<1x16xf32>,
        %get3A_2231 = vector.shape_cast %get3A_2230 : vector<1x16xf32> to vector<16xf32>
        %add3A_2232 = vector.broadcast %squeeze3A_2223 : f32 to vector<16xf32>
        %add3A_2233 = arith.addf %get3A_2231, %add3A_2232 : vector<16xf32>
        %swap3A_2234 = arith.index_cast %add3A_2227 : i32 to index
        %swap3A_2235 = arith.constant 0 : index
        %swap3A_2236 = tpu.vector_load %arg8[%swap3A_2234, %swap3A_2235] {strides = array<i32>} : memref<400x128xf32, #tpu.memory_space<vmem>>, vector<1x16xf32>,
        %swap3A_2237 = vector.shape_cast %swap3A_2236 : vector<1x16xf32> to vector<16xf32>
        %swap3A_2238 = vector.shape_cast %add3A_2233 : vector<16xf32> to vector<1x16xf32>
        tpu.vector_store %arg8[%swap3A_2234, %swap3A_2235], %swap3A_2238 {strides = array<i32>} : memref<400x128xf32, #tpu.memory_space<vmem>>, vector<1x16xf32>,
        %get3A_2239 = arith.index_cast %add3A_2227 : i32 to index
        %get3A_2240 = arith.constant 16 : index
        %get3A_2241 = tpu.vector_load %arg8[%get3A_2239, %get3A_2240] {strides = array<i32>} : memref<400x128xf32, #tpu.memory_space<vmem>>, vector<1x16xf32>,
        %get3A_2242 = vector.shape_cast %get3A_2241 : vector<1x16xf32> to vector<16xf32>
        %add3A_2243 = vector.broadcast %squeeze3A_2223 : f32 to vector<16xf32>
        %add3A_2244 = arith.addf %get3A_2242, %add3A_2243 : vector<16xf32>
        %swap3A_2245 = arith.index_cast %add3A_2227 : i32 to index
        %swap3A_2246 = arith.constant 16 : index
        %swap3A_2247 = tpu.vector_load %arg8[%swap3A_2245, %swap3A_2246] {strides = array<i32>} : memref<400x128xf32, #tpu.memory_space<vmem>>, vector<1x16xf32>,
        %swap3A_2248 = vector.shape_cast %swap3A_2247 : vector<1x16xf32> to vector<16xf32>
        %swap3A_2249 = vector.shape_cast %add3A_2244 : vector<16xf32> to vector<1x16xf32>
        tpu.vector_store %arg8[%swap3A_2245, %swap3A_2246], %swap3A_2249 {strides = array<i32>} : memref<400x128xf32, #tpu.memory_space<vmem>>, vector<1x16xf32>,
        %get3A_2250 = arith.index_cast %add3A_2227 : i32 to index
        %get3A_2251 = arith.constant 32 : index
        %get3A_2252 = tpu.vector_load %arg8[%get3A_2250, %get3A_2251] {strides = array<i32>} : memref<400x128xf32, #tpu.memory_space<vmem>>, vector<1x16xf32>,
        %get3A_2253 = vector.shape_cast %get3A_2252 : vector<1x16xf32> to vector<16xf32>
        %add3A_2254 = vector.broadcast %squeeze3A_2223 : f32 to vector<16xf32>
        %add3A_2255 = arith.addf %get3A_2253, %add3A_2254 : vector<16xf32>
        %swap3A_2256 = arith.index_cast %add3A_2227 : i32 to index
        %swap3A_2257 = arith.constant 32 : index
        %swap3A_2258 = tpu.vector_load %arg8[%swap3A_2256, %swap3A_2257] {strides = array<i32>} : memref<400x128xf32, #tpu.memory_space<vmem>>, vector<1x16xf32>,
        %swap3A_2259 = vector.shape_cast %swap3A_2258 : vector<1x16xf32> to vector<16xf32>
        %swap3A_2260 = vector.shape_cast %add3A_2255 : vector<16xf32> to vector<1x16xf32>
        tpu.vector_store %arg8[%swap3A_2256, %swap3A_2257], %swap3A_2260 {strides = array<i32>} : memref<400x128xf32, #tpu.memory_space<vmem>>, vector<1x16xf32>,
        %get3A_2261 = arith.index_cast %add3A_2227 : i32 to index
        %get3A_2262 = arith.constant 48 : index
        %get3A_2263 = tpu.vector_load %arg8[%get3A_2261, %get3A_2262] {strides = array<i32>} : memref<400x128xf32, #tpu.memory_space<vmem>>, vector<1x16xf32>,
        %get3A_2264 = vector.shape_cast %get3A_2263 : vector<1x16xf32> to vector<16xf32>
        %add3A_2265 = vector.broadcast %squeeze3A_2223 : f32 to vector<16xf32>
        %add3A_2266 = arith.addf %get3A_2264, %add3A_2265 : vector<16xf32>
        %swap3A_2267 = arith.index_cast %add3A_2227 : i32 to index
        %swap3A_2268 = arith.constant 48 : index
        %swap3A_2269 = tpu.vector_load %arg8[%swap3A_2267, %swap3A_2268] {strides = array<i32>} : memref<400x128xf32, #tpu.memory_space<vmem>>, vector<1x16xf32>,
        %swap3A_2270 = vector.shape_cast %swap3A_2269 : vector<1x16xf32> to vector<16xf32>
        %swap3A_2271 = vector.shape_cast %add3A_2266 : vector<16xf32> to vector<1x16xf32>
        tpu.vector_store %arg8[%swap3A_2267, %swap3A_2268], %swap3A_2271 {strides = array<i32>} : memref<400x128xf32, #tpu.memory_space<vmem>>, vector<1x16xf32>,
        %get3A_2272 = arith.index_cast %add3A_2227 : i32 to index
        %get3A_2273 = arith.constant 64 : index
        %get3A_2274 = tpu.vector_load %arg8[%get3A_2272, %get3A_2273] {strides = array<i32>} : memref<400x128xf32, #tpu.memory_space<vmem>>, vector<1x16xf32>,
        %get3A_2275 = vector.shape_cast %get3A_2274 : vector<1x16xf32> to vector<16xf32>
        %add3A_2276 = vector.broadcast %squeeze3A_2223 : f32 to vector<16xf32>
        %add3A_2277 = arith.addf %get3A_2275, %add3A_2276 : vector<16xf32>
        %swap3A_2278 = arith.index_cast %add3A_2227 : i32 to index
        %swap3A_2279 = arith.constant 64 : index
        %swap3A_2280 = tpu.vector_load %arg8[%swap3A_2278, %swap3A_2279] {strides = array<i32>} : memref<400x128xf32, #tpu.memory_space<vmem>>, vector<1x16xf32>,
        %swap3A_2281 = vector.shape_cast %swap3A_2280 : vector<1x16xf32> to vector<16xf32>
        %swap3A_2282 = vector.shape_cast %add3A_2277 : vector<16xf32> to vector<1x16xf32>
        tpu.vector_store %arg8[%swap3A_2278, %swap3A_2279], %swap3A_2282 {strides = array<i32>} : memref<400x128xf32, #tpu.memory_space<vmem>>, vector<1x16xf32>,
        %get3A_2283 = arith.index_cast %add3A_2227 : i32 to index
        %get3A_2284 = arith.constant 80 : index
        %get3A_2285 = tpu.vector_load %arg8[%get3A_2283, %get3A_2284] {strides = array<i32>} : memref<400x128xf32, #tpu.memory_space<vmem>>, vector<1x16xf32>,
        %get3A_2286 = vector.shape_cast %get3A_2285 : vector<1x16xf32> to vector<16xf32>
        %add3A_2287 = vector.broadcast %squeeze3A_2223 : f32 to vector<16xf32>
        %add3A_2288 = arith.addf %get3A_2286, %add3A_2287 : vector<16xf32>
        %swap3A_2289 = arith.index_cast %add3A_2227 : i32 to index
        %swap3A_2290 = arith.constant 80 : index
        %swap3A_2291 = tpu.vector_load %arg8[%swap3A_2289, %swap3A_2290] {strides = array<i32>} : memref<400x128xf32, #tpu.memory_space<vmem>>, vector<1x16xf32>,
        %swap3A_2292 = vector.shape_cast %swap3A_2291 : vector<1x16xf32> to vector<16xf32>
        %swap3A_2293 = vector.shape_cast %add3A_2288 : vector<16xf32> to vector<1x16xf32>
        tpu.vector_store %arg8[%swap3A_2289, %swap3A_2290], %swap3A_2293 {strides = array<i32>} : memref<400x128xf32, #tpu.memory_space<vmem>>, vector<1x16xf32>,
        %get3A_2294 = arith.index_cast %add3A_2227 : i32 to index
        %get3A_2295 = arith.constant 96 : index
        %get3A_2296 = tpu.vector_load %arg8[%get3A_2294, %get3A_2295] {strides = array<i32>} : memref<400x128xf32, #tpu.memory_space<vmem>>, vector<1x16xf32>,
        %get3A_2297 = vector.shape_cast %get3A_2296 : vector<1x16xf32> to vector<16xf32>
        %add3A_2298 = vector.broadcast %squeeze3A_2223 : f32 to vector<16xf32>
        %add3A_2299 = arith.addf %get3A_2297, %add3A_2298 : vector<16xf32>
        %swap3A_2300 = arith.index_cast %add3A_2227 : i32 to index
        %swap3A_2301 = arith.constant 96 : index
        %swap3A_2302 = tpu.vector_load %arg8[%swap3A_2300, %swap3A_2301] {strides = array<i32>} : memref<400x128xf32, #tpu.memory_space<vmem>>, vector<1x16xf32>,
        %swap3A_2303 = vector.shape_cast %swap3A_2302 : vector<1x16xf32> to vector<16xf32>
        %swap3A_2304 = vector.shape_cast %add3A_2299 : vector<16xf32> to vector<1x16xf32>
        tpu.vector_store %arg8[%swap3A_2300, %swap3A_2301], %swap3A_2304 {strides = array<i32>} : memref<400x128xf32, #tpu.memory_space<vmem>>, vector<1x16xf32>,
        %get3A_2305 = arith.index_cast %add3A_2227 : i32 to index
        %get3A_2306 = arith.constant 112 : index
        %get3A_2307 = tpu.vector_load %arg8[%get3A_2305, %get3A_2306] {strides = array<i32>} : memref<400x128xf32, #tpu.memory_space<vmem>>, vector<1x16xf32>,
        %get3A_2308 = vector.shape_cast %get3A_2307 : vector<1x16xf32> to vector<16xf32>
        %add3A_2309 = vector.broadcast %squeeze3A_2223 : f32 to vector<16xf32>
        %add3A_2310 = arith.addf %get3A_2308, %add3A_2309 : vector<16xf32>
        %swap3A_2311 = arith.index_cast %add3A_2227 : i32 to index
        %swap3A_2312 = arith.constant 112 : index
        %swap3A_2313 = tpu.vector_load %arg8[%swap3A_2311, %swap3A_2312] {strides = array<i32>} : memref<400x128xf32, #tpu.memory_space<vmem>>, vector<1x16xf32>,
        %swap3A_2314 = vector.shape_cast %swap3A_2313 : vector<1x16xf32> to vector<16xf32>
        %swap3A_2315 = vector.shape_cast %add3A_2310 : vector<16xf32> to vector<1x16xf32>
        tpu.vector_store %arg8[%swap3A_2311, %swap3A_2312], %swap3A_2315 {strides = array<i32>} : memref<400x128xf32, #tpu.memory_space<vmem>>, vector<1x16xf32>,
        %slice3A_2316 = vector.extract_strided_slice %get3A_1002 {offsets = [14], sizes = [1], strides = [1]} : vector<16xf32> to vector<1xf32>
        %squeeze3A_2317 = vector.extract %slice3A_2316[0] : f32 from vector<1xf32>
        %mul3A_2318 = arith.constant 16 : i32
        %mul3A_2319 = arith.muli %scan3A_998, %mul3A_2318 : i32
        %add3A_2320 = arith.constant 14 : i32
        %add3A_2321 = arith.addi %mul3A_2319, %add3A_2320 : i32
        %get3A_2322 = arith.index_cast %add3A_2321 : i32 to index
        %get3A_2323 = arith.constant 0 : index
        %get3A_2324 = tpu.vector_load %arg8[%get3A_2322, %get3A_2323] {strides = array<i32>} : memref<400x128xf32, #tpu.memory_space<vmem>>, vector<1x16xf32>,
        %get3A_2325 = vector.shape_cast %get3A_2324 : vector<1x16xf32> to vector<16xf32>
        %add3A_2326 = vector.broadcast %squeeze3A_2317 : f32 to vector<16xf32>
        %add3A_2327 = arith.addf %get3A_2325, %add3A_2326 : vector<16xf32>
        %swap3A_2328 = arith.index_cast %add3A_2321 : i32 to index
        %swap3A_2329 = arith.constant 0 : index
        %swap3A_2330 = tpu.vector_load %arg8[%swap3A_2328, %swap3A_2329] {strides = array<i32>} : memref<400x128xf32, #tpu.memory_space<vmem>>, vector<1x16xf32>,
        %swap3A_2331 = vector.shape_cast %swap3A_2330 : vector<1x16xf32> to vector<16xf32>
        %swap3A_2332 = vector.shape_cast %add3A_2327 : vector<16xf32> to vector<1x16xf32>
        tpu.vector_store %arg8[%swap3A_2328, %swap3A_2329], %swap3A_2332 {strides = array<i32>} : memref<400x128xf32, #tpu.memory_space<vmem>>, vector<1x16xf32>,
        %get3A_2333 = arith.index_cast %add3A_2321 : i32 to index
        %get3A_2334 = arith.constant 16 : index
        %get3A_2335 = tpu.vector_load %arg8[%get3A_2333, %get3A_2334] {strides = array<i32>} : memref<400x128xf32, #tpu.memory_space<vmem>>, vector<1x16xf32>,
        %get3A_2336 = vector.shape_cast %get3A_2335 : vector<1x16xf32> to vector<16xf32>
        %add3A_2337 = vector.broadcast %squeeze3A_2317 : f32 to vector<16xf32>
        %add3A_2338 = arith.addf %get3A_2336, %add3A_2337 : vector<16xf32>
        %swap3A_2339 = arith.index_cast %add3A_2321 : i32 to index
        %swap3A_2340 = arith.constant 16 : index
        %swap3A_2341 = tpu.vector_load %arg8[%swap3A_2339, %swap3A_2340] {strides = array<i32>} : memref<400x128xf32, #tpu.memory_space<vmem>>, vector<1x16xf32>,
        %swap3A_2342 = vector.shape_cast %swap3A_2341 : vector<1x16xf32> to vector<16xf32>
        %swap3A_2343 = vector.shape_cast %add3A_2338 : vector<16xf32> to vector<1x16xf32>
        tpu.vector_store %arg8[%swap3A_2339, %swap3A_2340], %swap3A_2343 {strides = array<i32>} : memref<400x128xf32, #tpu.memory_space<vmem>>, vector<1x16xf32>,
        %get3A_2344 = arith.index_cast %add3A_2321 : i32 to index
        %get3A_2345 = arith.constant 32 : index
        %get3A_2346 = tpu.vector_load %arg8[%get3A_2344, %get3A_2345] {strides = array<i32>} : memref<400x128xf32, #tpu.memory_space<vmem>>, vector<1x16xf32>,
        %get3A_2347 = vector.shape_cast %get3A_2346 : vector<1x16xf32> to vector<16xf32>
        %add3A_2348 = vector.broadcast %squeeze3A_2317 : f32 to vector<16xf32>
        %add3A_2349 = arith.addf %get3A_2347, %add3A_2348 : vector<16xf32>
        %swap3A_2350 = arith.index_cast %add3A_2321 : i32 to index
        %swap3A_2351 = arith.constant 32 : index
        %swap3A_2352 = tpu.vector_load %arg8[%swap3A_2350, %swap3A_2351] {strides = array<i32>} : memref<400x128xf32, #tpu.memory_space<vmem>>, vector<1x16xf32>,
        %swap3A_2353 = vector.shape_cast %swap3A_2352 : vector<1x16xf32> to vector<16xf32>
        %swap3A_2354 = vector.shape_cast %add3A_2349 : vector<16xf32> to vector<1x16xf32>
        tpu.vector_store %arg8[%swap3A_2350, %swap3A_2351], %swap3A_2354 {strides = array<i32>} : memref<400x128xf32, #tpu.memory_space<vmem>>, vector<1x16xf32>,
        %get3A_2355 = arith.index_cast %add3A_2321 : i32 to index
        %get3A_2356 = arith.constant 48 : index
        %get3A_2357 = tpu.vector_load %arg8[%get3A_2355, %get3A_2356] {strides = array<i32>} : memref<400x128xf32, #tpu.memory_space<vmem>>, vector<1x16xf32>,
        %get3A_2358 = vector.shape_cast %get3A_2357 : vector<1x16xf32> to vector<16xf32>
        %add3A_2359 = vector.broadcast %squeeze3A_2317 : f32 to vector<16xf32>
        %add3A_2360 = arith.addf %get3A_2358, %add3A_2359 : vector<16xf32>
        %swap3A_2361 = arith.index_cast %add3A_2321 : i32 to index
        %swap3A_2362 = arith.constant 48 : index
        %swap3A_2363 = tpu.vector_load %arg8[%swap3A_2361, %swap3A_2362] {strides = array<i32>} : memref<400x128xf32, #tpu.memory_space<vmem>>, vector<1x16xf32>,
        %swap3A_2364 = vector.shape_cast %swap3A_2363 : vector<1x16xf32> to vector<16xf32>
        %swap3A_2365 = vector.shape_cast %add3A_2360 : vector<16xf32> to vector<1x16xf32>
        tpu.vector_store %arg8[%swap3A_2361, %swap3A_2362], %swap3A_2365 {strides = array<i32>} : memref<400x128xf32, #tpu.memory_space<vmem>>, vector<1x16xf32>,
        %get3A_2366 = arith.index_cast %add3A_2321 : i32 to index
        %get3A_2367 = arith.constant 64 : index
        %get3A_2368 = tpu.vector_load %arg8[%get3A_2366, %get3A_2367] {strides = array<i32>} : memref<400x128xf32, #tpu.memory_space<vmem>>, vector<1x16xf32>,
        %get3A_2369 = vector.shape_cast %get3A_2368 : vector<1x16xf32> to vector<16xf32>
        %add3A_2370 = vector.broadcast %squeeze3A_2317 : f32 to vector<16xf32>
        %add3A_2371 = arith.addf %get3A_2369, %add3A_2370 : vector<16xf32>
        %swap3A_2372 = arith.index_cast %add3A_2321 : i32 to index
        %swap3A_2373 = arith.constant 64 : index
        %swap3A_2374 = tpu.vector_load %arg8[%swap3A_2372, %swap3A_2373] {strides = array<i32>} : memref<400x128xf32, #tpu.memory_space<vmem>>, vector<1x16xf32>,
        %swap3A_2375 = vector.shape_cast %swap3A_2374 : vector<1x16xf32> to vector<16xf32>
        %swap3A_2376 = vector.shape_cast %add3A_2371 : vector<16xf32> to vector<1x16xf32>
        tpu.vector_store %arg8[%swap3A_2372, %swap3A_2373], %swap3A_2376 {strides = array<i32>} : memref<400x128xf32, #tpu.memory_space<vmem>>, vector<1x16xf32>,
        %get3A_2377 = arith.index_cast %add3A_2321 : i32 to index
        %get3A_2378 = arith.constant 80 : index
        %get3A_2379 = tpu.vector_load %arg8[%get3A_2377, %get3A_2378] {strides = array<i32>} : memref<400x128xf32, #tpu.memory_space<vmem>>, vector<1x16xf32>,
        %get3A_2380 = vector.shape_cast %get3A_2379 : vector<1x16xf32> to vector<16xf32>
        %add3A_2381 = vector.broadcast %squeeze3A_2317 : f32 to vector<16xf32>
        %add3A_2382 = arith.addf %get3A_2380, %add3A_2381 : vector<16xf32>
        %swap3A_2383 = arith.index_cast %add3A_2321 : i32 to index
        %swap3A_2384 = arith.constant 80 : index
        %swap3A_2385 = tpu.vector_load %arg8[%swap3A_2383, %swap3A_2384] {strides = array<i32>} : memref<400x128xf32, #tpu.memory_space<vmem>>, vector<1x16xf32>,
        %swap3A_2386 = vector.shape_cast %swap3A_2385 : vector<1x16xf32> to vector<16xf32>
        %swap3A_2387 = vector.shape_cast %add3A_2382 : vector<16xf32> to vector<1x16xf32>
        tpu.vector_store %arg8[%swap3A_2383, %swap3A_2384], %swap3A_2387 {strides = array<i32>} : memref<400x128xf32, #tpu.memory_space<vmem>>, vector<1x16xf32>,
        %get3A_2388 = arith.index_cast %add3A_2321 : i32 to index
        %get3A_2389 = arith.constant 96 : index
        %get3A_2390 = tpu.vector_load %arg8[%get3A_2388, %get3A_2389] {strides = array<i32>} : memref<400x128xf32, #tpu.memory_space<vmem>>, vector<1x16xf32>,
        %get3A_2391 = vector.shape_cast %get3A_2390 : vector<1x16xf32> to vector<16xf32>
        %add3A_2392 = vector.broadcast %squeeze3A_2317 : f32 to vector<16xf32>
        %add3A_2393 = arith.addf %get3A_2391, %add3A_2392 : vector<16xf32>
        %swap3A_2394 = arith.index_cast %add3A_2321 : i32 to index
        %swap3A_2395 = arith.constant 96 : index
        %swap3A_2396 = tpu.vector_load %arg8[%swap3A_2394, %swap3A_2395] {strides = array<i32>} : memref<400x128xf32, #tpu.memory_space<vmem>>, vector<1x16xf32>,
        %swap3A_2397 = vector.shape_cast %swap3A_2396 : vector<1x16xf32> to vector<16xf32>
        %swap3A_2398 = vector.shape_cast %add3A_2393 : vector<16xf32> to vector<1x16xf32>
        tpu.vector_store %arg8[%swap3A_2394, %swap3A_2395], %swap3A_2398 {strides = array<i32>} : memref<400x128xf32, #tpu.memory_space<vmem>>, vector<1x16xf32>,
        %get3A_2399 = arith.index_cast %add3A_2321 : i32 to index
        %get3A_2400 = arith.constant 112 : index
        %get3A_2401 = tpu.vector_load %arg8[%get3A_2399, %get3A_2400] {strides = array<i32>} : memref<400x128xf32, #tpu.memory_space<vmem>>, vector<1x16xf32>,
        %get3A_2402 = vector.shape_cast %get3A_2401 : vector<1x16xf32> to vector<16xf32>
        %add3A_2403 = vector.broadcast %squeeze3A_2317 : f32 to vector<16xf32>
        %add3A_2404 = arith.addf %get3A_2402, %add3A_2403 : vector<16xf32>
        %swap3A_2405 = arith.index_cast %add3A_2321 : i32 to index
        %swap3A_2406 = arith.constant 112 : index
        %swap3A_2407 = tpu.vector_load %arg8[%swap3A_2405, %swap3A_2406] {strides = array<i32>} : memref<400x128xf32, #tpu.memory_space<vmem>>, vector<1x16xf32>,
        %swap3A_2408 = vector.shape_cast %swap3A_2407 : vector<1x16xf32> to vector<16xf32>
        %swap3A_2409 = vector.shape_cast %add3A_2404 : vector<16xf32> to vector<1x16xf32>
        tpu.vector_store %arg8[%swap3A_2405, %swap3A_2406], %swap3A_2409 {strides = array<i32>} : memref<400x128xf32, #tpu.memory_space<vmem>>, vector<1x16xf32>,
        %slice3A_2410 = vector.extract_strided_slice %get3A_1002 {offsets = [15], sizes = [1], strides = [1]} : vector<16xf32> to vector<1xf32>
        %squeeze3A_2411 = vector.extract %slice3A_2410[0] : f32 from vector<1xf32>
        %mul3A_2412 = arith.constant 16 : i32
        %mul3A_2413 = arith.muli %scan3A_998, %mul3A_2412 : i32
        %add3A_2414 = arith.constant 15 : i32
        %add3A_2415 = arith.addi %mul3A_2413, %add3A_2414 : i32
        %get3A_2416 = arith.index_cast %add3A_2415 : i32 to index
        %get3A_2417 = arith.constant 0 : index
        %get3A_2418 = tpu.vector_load %arg8[%get3A_2416, %get3A_2417] {strides = array<i32>} : memref<400x128xf32, #tpu.memory_space<vmem>>, vector<1x16xf32>,
        %get3A_2419 = vector.shape_cast %get3A_2418 : vector<1x16xf32> to vector<16xf32>
        %add3A_2420 = vector.broadcast %squeeze3A_2411 : f32 to vector<16xf32>
        %add3A_2421 = arith.addf %get3A_2419, %add3A_2420 : vector<16xf32>
        %swap3A_2422 = arith.index_cast %add3A_2415 : i32 to index
        %swap3A_2423 = arith.constant 0 : index
        %swap3A_2424 = tpu.vector_load %arg8[%swap3A_2422, %swap3A_2423] {strides = array<i32>} : memref<400x128xf32, #tpu.memory_space<vmem>>, vector<1x16xf32>,
        %swap3A_2425 = vector.shape_cast %swap3A_2424 : vector<1x16xf32> to vector<16xf32>
        %swap3A_2426 = vector.shape_cast %add3A_2421 : vector<16xf32> to vector<1x16xf32>
        tpu.vector_store %arg8[%swap3A_2422, %swap3A_2423], %swap3A_2426 {strides = array<i32>} : memref<400x128xf32, #tpu.memory_space<vmem>>, vector<1x16xf32>,
        %get3A_2427 = arith.index_cast %add3A_2415 : i32 to index
        %get3A_2428 = arith.constant 16 : index
        %get3A_2429 = tpu.vector_load %arg8[%get3A_2427, %get3A_2428] {strides = array<i32>} : memref<400x128xf32, #tpu.memory_space<vmem>>, vector<1x16xf32>,
        %get3A_2430 = vector.shape_cast %get3A_2429 : vector<1x16xf32> to vector<16xf32>
        %add3A_2431 = vector.broadcast %squeeze3A_2411 : f32 to vector<16xf32>
        %add3A_2432 = arith.addf %get3A_2430, %add3A_2431 : vector<16xf32>
        %swap3A_2433 = arith.index_cast %add3A_2415 : i32 to index
        %swap3A_2434 = arith.constant 16 : index
        %swap3A_2435 = tpu.vector_load %arg8[%swap3A_2433, %swap3A_2434] {strides = array<i32>} : memref<400x128xf32, #tpu.memory_space<vmem>>, vector<1x16xf32>,
        %swap3A_2436 = vector.shape_cast %swap3A_2435 : vector<1x16xf32> to vector<16xf32>
        %swap3A_2437 = vector.shape_cast %add3A_2432 : vector<16xf32> to vector<1x16xf32>
        tpu.vector_store %arg8[%swap3A_2433, %swap3A_2434], %swap3A_2437 {strides = array<i32>} : memref<400x128xf32, #tpu.memory_space<vmem>>, vector<1x16xf32>,
        %get3A_2438 = arith.index_cast %add3A_2415 : i32 to index
        %get3A_2439 = arith.constant 32 : index
        %get3A_2440 = tpu.vector_load %arg8[%get3A_2438, %get3A_2439] {strides = array<i32>} : memref<400x128xf32, #tpu.memory_space<vmem>>, vector<1x16xf32>,
        %get3A_2441 = vector.shape_cast %get3A_2440 : vector<1x16xf32> to vector<16xf32>
        %add3A_2442 = vector.broadcast %squeeze3A_2411 : f32 to vector<16xf32>
        %add3A_2443 = arith.addf %get3A_2441, %add3A_2442 : vector<16xf32>
        %swap3A_2444 = arith.index_cast %add3A_2415 : i32 to index
        %swap3A_2445 = arith.constant 32 : index
        %swap3A_2446 = tpu.vector_load %arg8[%swap3A_2444, %swap3A_2445] {strides = array<i32>} : memref<400x128xf32, #tpu.memory_space<vmem>>, vector<1x16xf32>,
        %swap3A_2447 = vector.shape_cast %swap3A_2446 : vector<1x16xf32> to vector<16xf32>
        %swap3A_2448 = vector.shape_cast %add3A_2443 : vector<16xf32> to vector<1x16xf32>
        tpu.vector_store %arg8[%swap3A_2444, %swap3A_2445], %swap3A_2448 {strides = array<i32>} : memref<400x128xf32, #tpu.memory_space<vmem>>, vector<1x16xf32>,
        %get3A_2449 = arith.index_cast %add3A_2415 : i32 to index
        %get3A_2450 = arith.constant 48 : index
        %get3A_2451 = tpu.vector_load %arg8[%get3A_2449, %get3A_2450] {strides = array<i32>} : memref<400x128xf32, #tpu.memory_space<vmem>>, vector<1x16xf32>,
        %get3A_2452 = vector.shape_cast %get3A_2451 : vector<1x16xf32> to vector<16xf32>
        %add3A_2453 = vector.broadcast %squeeze3A_2411 : f32 to vector<16xf32>
        %add3A_2454 = arith.addf %get3A_2452, %add3A_2453 : vector<16xf32>
        %swap3A_2455 = arith.index_cast %add3A_2415 : i32 to index
        %swap3A_2456 = arith.constant 48 : index
        %swap3A_2457 = tpu.vector_load %arg8[%swap3A_2455, %swap3A_2456] {strides = array<i32>} : memref<400x128xf32, #tpu.memory_space<vmem>>, vector<1x16xf32>,
        %swap3A_2458 = vector.shape_cast %swap3A_2457 : vector<1x16xf32> to vector<16xf32>
        %swap3A_2459 = vector.shape_cast %add3A_2454 : vector<16xf32> to vector<1x16xf32>
        tpu.vector_store %arg8[%swap3A_2455, %swap3A_2456], %swap3A_2459 {strides = array<i32>} : memref<400x128xf32, #tpu.memory_space<vmem>>, vector<1x16xf32>,
        %get3A_2460 = arith.index_cast %add3A_2415 : i32 to index
        %get3A_2461 = arith.constant 64 : index
        %get3A_2462 = tpu.vector_load %arg8[%get3A_2460, %get3A_2461] {strides = array<i32>} : memref<400x128xf32, #tpu.memory_space<vmem>>, vector<1x16xf32>,
        %get3A_2463 = vector.shape_cast %get3A_2462 : vector<1x16xf32> to vector<16xf32>
        %add3A_2464 = vector.broadcast %squeeze3A_2411 : f32 to vector<16xf32>
        %add3A_2465 = arith.addf %get3A_2463, %add3A_2464 : vector<16xf32>
        %swap3A_2466 = arith.index_cast %add3A_2415 : i32 to index
        %swap3A_2467 = arith.constant 64 : index
        %swap3A_2468 = tpu.vector_load %arg8[%swap3A_2466, %swap3A_2467] {strides = array<i32>} : memref<400x128xf32, #tpu.memory_space<vmem>>, vector<1x16xf32>,
        %swap3A_2469 = vector.shape_cast %swap3A_2468 : vector<1x16xf32> to vector<16xf32>
        %swap3A_2470 = vector.shape_cast %add3A_2465 : vector<16xf32> to vector<1x16xf32>
        tpu.vector_store %arg8[%swap3A_2466, %swap3A_2467], %swap3A_2470 {strides = array<i32>} : memref<400x128xf32, #tpu.memory_space<vmem>>, vector<1x16xf32>,
        %get3A_2471 = arith.index_cast %add3A_2415 : i32 to index
        %get3A_2472 = arith.constant 80 : index
        %get3A_2473 = tpu.vector_load %arg8[%get3A_2471, %get3A_2472] {strides = array<i32>} : memref<400x128xf32, #tpu.memory_space<vmem>>, vector<1x16xf32>,
        %get3A_2474 = vector.shape_cast %get3A_2473 : vector<1x16xf32> to vector<16xf32>
        %add3A_2475 = vector.broadcast %squeeze3A_2411 : f32 to vector<16xf32>
        %add3A_2476 = arith.addf %get3A_2474, %add3A_2475 : vector<16xf32>
        %swap3A_2477 = arith.index_cast %add3A_2415 : i32 to index
        %swap3A_2478 = arith.constant 80 : index
        %swap3A_2479 = tpu.vector_load %arg8[%swap3A_2477, %swap3A_2478] {strides = array<i32>} : memref<400x128xf32, #tpu.memory_space<vmem>>, vector<1x16xf32>,
        %swap3A_2480 = vector.shape_cast %swap3A_2479 : vector<1x16xf32> to vector<16xf32>
        %swap3A_2481 = vector.shape_cast %add3A_2476 : vector<16xf32> to vector<1x16xf32>
        tpu.vector_store %arg8[%swap3A_2477, %swap3A_2478], %swap3A_2481 {strides = array<i32>} : memref<400x128xf32, #tpu.memory_space<vmem>>, vector<1x16xf32>,
        %get3A_2482 = arith.index_cast %add3A_2415 : i32 to index
        %get3A_2483 = arith.constant 96 : index
        %get3A_2484 = tpu.vector_load %arg8[%get3A_2482, %get3A_2483] {strides = array<i32>} : memref<400x128xf32, #tpu.memory_space<vmem>>, vector<1x16xf32>,
        %get3A_2485 = vector.shape_cast %get3A_2484 : vector<1x16xf32> to vector<16xf32>
        %add3A_2486 = vector.broadcast %squeeze3A_2411 : f32 to vector<16xf32>
        %add3A_2487 = arith.addf %get3A_2485, %add3A_2486 : vector<16xf32>
        %swap3A_2488 = arith.index_cast %add3A_2415 : i32 to index
        %swap3A_2489 = arith.constant 96 : index
        %swap3A_2490 = tpu.vector_load %arg8[%swap3A_2488, %swap3A_2489] {strides = array<i32>} : memref<400x128xf32, #tpu.memory_space<vmem>>, vector<1x16xf32>,
        %swap3A_2491 = vector.shape_cast %swap3A_2490 : vector<1x16xf32> to vector<16xf32>
        %swap3A_2492 = vector.shape_cast %add3A_2487 : vector<16xf32> to vector<1x16xf32>
        tpu.vector_store %arg8[%swap3A_2488, %swap3A_2489], %swap3A_2492 {strides = array<i32>} : memref<400x128xf32, #tpu.memory_space<vmem>>, vector<1x16xf32>,
        %get3A_2493 = arith.index_cast %add3A_2415 : i32 to index
        %get3A_2494 = arith.constant 112 : index
        %get3A_2495 = tpu.vector_load %arg8[%get3A_2493, %get3A_2494] {strides = array<i32>} : memref<400x128xf32, #tpu.memory_space<vmem>>, vector<1x16xf32>,
        %get3A_2496 = vector.shape_cast %get3A_2495 : vector<1x16xf32> to vector<16xf32>
        %add3A_2497 = vector.broadcast %squeeze3A_2411 : f32 to vector<16xf32>
        %add3A_2498 = arith.addf %get3A_2496, %add3A_2497 : vector<16xf32>
        %swap3A_2499 = arith.index_cast %add3A_2415 : i32 to index
        %swap3A_2500 = arith.constant 112 : index
        %swap3A_2501 = tpu.vector_load %arg8[%swap3A_2499, %swap3A_2500] {strides = array<i32>} : memref<400x128xf32, #tpu.memory_space<vmem>>, vector<1x16xf32>,
        %swap3A_2502 = vector.shape_cast %swap3A_2501 : vector<1x16xf32> to vector<16xf32>
        %swap3A_2503 = vector.shape_cast %add3A_2498 : vector<16xf32> to vector<1x16xf32>
        tpu.vector_store %arg8[%swap3A_2499, %swap3A_2500], %swap3A_2503 {strides = array<i32>} : memref<400x128xf32, #tpu.memory_space<vmem>>, vector<1x16xf32>,
      }
      %scan3A_338 = arith.constant 25 : i32
      %gt3A = arith.constant 0 : i32
      %gt3A_339 = arith.cmpi sgt, %scan3A_325, %gt3A : i32
      %convert_element_type3A = arith.extui %gt3A_339 : i1 to i32
      %cond3A = arith.constant 0 : i32
      %cond3A_340 = arith.cmpi ne, %convert_element_type3A, %cond3A : i32
      scf.if %cond3A_340 {
        %jit3A_998 = arith.constant 50 : i32
        %div3A_999 = arith.divsi %mul3A_2, %jit3A_998 : i32
        %sign3A_1000 = arith.constant 0 : i32
        %sign3A_1001 = arith.cmpi sgt, %mul3A_2, %sign3A_1000 : i32
        %sign3A_1002 = arith.extui %sign3A_1001 : i1 to i32
        %sign3A_1003 = arith.constant 0 : i32
        %sign3A_1004 = arith.cmpi slt, %mul3A_2, %sign3A_1003 : i32
        %sign3A_1005 = arith.extui %sign3A_1004 : i1 to i32
        %sign3A_1006 = arith.subi %sign3A_1002, %sign3A_1005 : i32
        %sign3A_1007 = arith.constant 0 : i32
        %sign3A_1008 = arith.cmpi sgt, %jit3A_998, %sign3A_1007 : i32
        %sign3A_1009 = arith.extui %sign3A_1008 : i1 to i32
        %sign3A_1010 = arith.constant 0 : i32
        %sign3A_1011 = arith.cmpi slt, %jit3A_998, %sign3A_1010 : i32
        %sign3A_1012 = arith.extui %sign3A_1011 : i1 to i32
        %sign3A_1013 = arith.subi %sign3A_1009, %sign3A_1012 : i32
        %ne3A_1014 = arith.cmpi ne, %sign3A_1006, %sign3A_1013 : i32
        %rem3A_1015 = arith.remsi %mul3A_2, %jit3A_998 : i32
        %ne3A_1016 = arith.constant 0 : i32
        %ne3A_1017 = arith.cmpi ne, %rem3A_1015, %ne3A_1016 : i32
        %and3A_1018 = arith.andi %ne3A_1014, %ne3A_1017 : i1
        %sub3A_1019 = arith.constant 1 : i32
        %sub3A_1020 = arith.subi %div3A_999, %sub3A_1019 : i32
        %select_n3A_1021 = arith.select %and3A_1018, %sub3A_1020, %div3A_999 : i32
        %add3A_1022 = arith.constant 0 : i32
        %add3A_1023 = arith.addi %select_n3A_1021, %add3A_1022 : i32
        %dma_wait3A_1024 = arith.constant 0 : i32
        %dma_wait3A_1025 = arith.constant 0 : i32
        %dma_wait3A_1026 = tpu.memref_slice %arg9[%dma_wait3A_1024, %dma_wait3A_1025] : memref<400x128xf32, #tpu.memory_space<vmem>> -> memref<50x128xf32, #tpu.memory_space<vmem>>
        %dma_wait3A_1027 = arith.constant 0 : i32
        %dma_wait3A_1028 = arith.constant 0 : i32
        %dma_wait3A_1029 = tpu.memref_slice %arg5[%add3A_1023, %dma_wait3A_1027, %dma_wait3A_1028] : memref<4096x50x128xf32, #tpu.memory_space<hbm>> -> memref<1x50x128xf32, #tpu.memory_space<hbm>>
        %dma_wait3A_1030 = tpu.memref_squeeze %dma_wait3A_1029 : memref<1x50x128xf32, #tpu.memory_space<hbm>> -> memref<50x128xf32, #tpu.memory_space<hbm>>
        %dma_wait3A_1031 = arith.constant 0 : i32
        %dma_wait3A_1032 = arith.constant 0 : i32
        %dma_wait3A_1033 = tpu.memref_slice %arg5[%add3A_1023, %dma_wait3A_1031, %dma_wait3A_1032] : memref<4096x50x128xf32, #tpu.memory_space<hbm>> -> memref<1x50x128xf32, #tpu.memory_space<hbm>>
        %dma_wait3A_1034 = tpu.memref_squeeze %dma_wait3A_1033 : memref<1x50x128xf32, #tpu.memory_space<hbm>> -> memref<50x128xf32, #tpu.memory_space<hbm>>
        %dma_wait3A_1035 = arith.constant 0 : i32
        %dma_wait3A_1036 = arith.constant 0 : i32
        %dma_wait3A_1037 = tpu.memref_slice %arg9[%dma_wait3A_1035, %dma_wait3A_1036] : memref<400x128xf32, #tpu.memory_space<vmem>> -> memref<50x128xf32, #tpu.memory_space<vmem>>
        tpu.wait_dma2 semaphore(%arg17 : memref<!tpu.dma_semaphore, #tpu.memory_space<semaphore_mem>>) src(%dma_wait3A_1037 : memref<50x128xf32, #tpu.memory_space<vmem>>) dst(%dma_wait3A_1034 : memref<50x128xf32, #tpu.memory_space<hbm>>)
        %jit3A_1038 = arith.constant 50 : i32
        %div3A_1039 = arith.divsi %mul3A_2, %jit3A_1038 : i32
        %sign3A_1040 = arith.constant 0 : i32
        %sign3A_1041 = arith.cmpi sgt, %mul3A_2, %sign3A_1040 : i32
        %sign3A_1042 = arith.extui %sign3A_1041 : i1 to i32
        %sign3A_1043 = arith.constant 0 : i32
        %sign3A_1044 = arith.cmpi slt, %mul3A_2, %sign3A_1043 : i32
        %sign3A_1045 = arith.extui %sign3A_1044 : i1 to i32
        %sign3A_1046 = arith.subi %sign3A_1042, %sign3A_1045 : i32
        %sign3A_1047 = arith.constant 0 : i32
        %sign3A_1048 = arith.cmpi sgt, %jit3A_1038, %sign3A_1047 : i32
        %sign3A_1049 = arith.extui %sign3A_1048 : i1 to i32
        %sign3A_1050 = arith.constant 0 : i32
        %sign3A_1051 = arith.cmpi slt, %jit3A_1038, %sign3A_1050 : i32
        %sign3A_1052 = arith.extui %sign3A_1051 : i1 to i32
        %sign3A_1053 = arith.subi %sign3A_1049, %sign3A_1052 : i32
        %ne3A_1054 = arith.cmpi ne, %sign3A_1046, %sign3A_1053 : i32
        %rem3A_1055 = arith.remsi %mul3A_2, %jit3A_1038 : i32
        %ne3A_1056 = arith.constant 0 : i32
        %ne3A_1057 = arith.cmpi ne, %rem3A_1055, %ne3A_1056 : i32
        %and3A_1058 = arith.andi %ne3A_1054, %ne3A_1057 : i1
        %sub3A_1059 = arith.constant 1 : i32
        %sub3A_1060 = arith.subi %div3A_1039, %sub3A_1059 : i32
        %select_n3A_1061 = arith.select %and3A_1058, %sub3A_1060, %div3A_1039 : i32
        %add3A_1062 = arith.constant 1 : i32
        %add3A_1063 = arith.addi %select_n3A_1061, %add3A_1062 : i32
        %dma_wait3A_1064 = arith.constant 50 : i32
        %dma_wait3A_1065 = arith.constant 0 : i32
        %dma_wait3A_1066 = tpu.memref_slice %arg9[%dma_wait3A_1064, %dma_wait3A_1065] : memref<400x128xf32, #tpu.memory_space<vmem>> -> memref<50x128xf32, #tpu.memory_space<vmem>>
        %dma_wait3A_1067 = arith.constant 0 : i32
        %dma_wait3A_1068 = arith.constant 0 : i32
        %dma_wait3A_1069 = tpu.memref_slice %arg5[%add3A_1063, %dma_wait3A_1067, %dma_wait3A_1068] : memref<4096x50x128xf32, #tpu.memory_space<hbm>> -> memref<1x50x128xf32, #tpu.memory_space<hbm>>
        %dma_wait3A_1070 = tpu.memref_squeeze %dma_wait3A_1069 : memref<1x50x128xf32, #tpu.memory_space<hbm>> -> memref<50x128xf32, #tpu.memory_space<hbm>>
        %dma_wait3A_1071 = arith.constant 0 : i32
        %dma_wait3A_1072 = arith.constant 0 : i32
        %dma_wait3A_1073 = tpu.memref_slice %arg5[%add3A_1063, %dma_wait3A_1071, %dma_wait3A_1072] : memref<4096x50x128xf32, #tpu.memory_space<hbm>> -> memref<1x50x128xf32, #tpu.memory_space<hbm>>
        %dma_wait3A_1074 = tpu.memref_squeeze %dma_wait3A_1073 : memref<1x50x128xf32, #tpu.memory_space<hbm>> -> memref<50x128xf32, #tpu.memory_space<hbm>>
        %dma_wait3A_1075 = arith.constant 50 : i32
        %dma_wait3A_1076 = arith.constant 0 : i32
        %dma_wait3A_1077 = tpu.memref_slice %arg9[%dma_wait3A_1075, %dma_wait3A_1076] : memref<400x128xf32, #tpu.memory_space<vmem>> -> memref<50x128xf32, #tpu.memory_space<vmem>>
        tpu.wait_dma2 semaphore(%arg17 : memref<!tpu.dma_semaphore, #tpu.memory_space<semaphore_mem>>) src(%dma_wait3A_1077 : memref<50x128xf32, #tpu.memory_space<vmem>>) dst(%dma_wait3A_1074 : memref<50x128xf32, #tpu.memory_space<hbm>>)
        %jit3A_1078 = arith.constant 50 : i32
        %div3A_1079 = arith.divsi %mul3A_2, %jit3A_1078 : i32
        %sign3A_1080 = arith.constant 0 : i32
        %sign3A_1081 = arith.cmpi sgt, %mul3A_2, %sign3A_1080 : i32
        %sign3A_1082 = arith.extui %sign3A_1081 : i1 to i32
        %sign3A_1083 = arith.constant 0 : i32
        %sign3A_1084 = arith.cmpi slt, %mul3A_2, %sign3A_1083 : i32
        %sign3A_1085 = arith.extui %sign3A_1084 : i1 to i32
        %sign3A_1086 = arith.subi %sign3A_1082, %sign3A_1085 : i32
        %sign3A_1087 = arith.constant 0 : i32
        %sign3A_1088 = arith.cmpi sgt, %jit3A_1078, %sign3A_1087 : i32
        %sign3A_1089 = arith.extui %sign3A_1088 : i1 to i32
        %sign3A_1090 = arith.constant 0 : i32
        %sign3A_1091 = arith.cmpi slt, %jit3A_1078, %sign3A_1090 : i32
        %sign3A_1092 = arith.extui %sign3A_1091 : i1 to i32
        %sign3A_1093 = arith.subi %sign3A_1089, %sign3A_1092 : i32
        %ne3A_1094 = arith.cmpi ne, %sign3A_1086, %sign3A_1093 : i32
        %rem3A_1095 = arith.remsi %mul3A_2, %jit3A_1078 : i32
        %ne3A_1096 = arith.constant 0 : i32
        %ne3A_1097 = arith.cmpi ne, %rem3A_1095, %ne3A_1096 : i32
        %and3A_1098 = arith.andi %ne3A_1094, %ne3A_1097 : i1
        %sub3A_1099 = arith.constant 1 : i32
        %sub3A_1100 = arith.subi %div3A_1079, %sub3A_1099 : i32
        %select_n3A_1101 = arith.select %and3A_1098, %sub3A_1100, %div3A_1079 : i32
        %add3A_1102 = arith.constant 2 : i32
        %add3A_1103 = arith.addi %select_n3A_1101, %add3A_1102 : i32
        %dma_wait3A_1104 = arith.constant 100 : i32
        %dma_wait3A_1105 = arith.constant 0 : i32
        %dma_wait3A_1106 = tpu.memref_slice %arg9[%dma_wait3A_1104, %dma_wait3A_1105] : memref<400x128xf32, #tpu.memory_space<vmem>> -> memref<50x128xf32, #tpu.memory_space<vmem>>
        %dma_wait3A_1107 = arith.constant 0 : i32
        %dma_wait3A_1108 = arith.constant 0 : i32
        %dma_wait3A_1109 = tpu.memref_slice %arg5[%add3A_1103, %dma_wait3A_1107, %dma_wait3A_1108] : memref<4096x50x128xf32, #tpu.memory_space<hbm>> -> memref<1x50x128xf32, #tpu.memory_space<hbm>>
        %dma_wait3A_1110 = tpu.memref_squeeze %dma_wait3A_1109 : memref<1x50x128xf32, #tpu.memory_space<hbm>> -> memref<50x128xf32, #tpu.memory_space<hbm>>
        %dma_wait3A_1111 = arith.constant 0 : i32
        %dma_wait3A_1112 = arith.constant 0 : i32
        %dma_wait3A_1113 = tpu.memref_slice %arg5[%add3A_1103, %dma_wait3A_1111, %dma_wait3A_1112] : memref<4096x50x128xf32, #tpu.memory_space<hbm>> -> memref<1x50x128xf32, #tpu.memory_space<hbm>>
        %dma_wait3A_1114 = tpu.memref_squeeze %dma_wait3A_1113 : memref<1x50x128xf32, #tpu.memory_space<hbm>> -> memref<50x128xf32, #tpu.memory_space<hbm>>
        %dma_wait3A_1115 = arith.constant 100 : i32
        %dma_wait3A_1116 = arith.constant 0 : i32
        %dma_wait3A_1117 = tpu.memref_slice %arg9[%dma_wait3A_1115, %dma_wait3A_1116] : memref<400x128xf32, #tpu.memory_space<vmem>> -> memref<50x128xf32, #tpu.memory_space<vmem>>
        tpu.wait_dma2 semaphore(%arg17 : memref<!tpu.dma_semaphore, #tpu.memory_space<semaphore_mem>>) src(%dma_wait3A_1117 : memref<50x128xf32, #tpu.memory_space<vmem>>) dst(%dma_wait3A_1114 : memref<50x128xf32, #tpu.memory_space<hbm>>)
        %jit3A_1118 = arith.constant 50 : i32
        %div3A_1119 = arith.divsi %mul3A_2, %jit3A_1118 : i32
        %sign3A_1120 = arith.constant 0 : i32
        %sign3A_1121 = arith.cmpi sgt, %mul3A_2, %sign3A_1120 : i32
        %sign3A_1122 = arith.extui %sign3A_1121 : i1 to i32
        %sign3A_1123 = arith.constant 0 : i32
        %sign3A_1124 = arith.cmpi slt, %mul3A_2, %sign3A_1123 : i32
        %sign3A_1125 = arith.extui %sign3A_1124 : i1 to i32
        %sign3A_1126 = arith.subi %sign3A_1122, %sign3A_1125 : i32
        %sign3A_1127 = arith.constant 0 : i32
        %sign3A_1128 = arith.cmpi sgt, %jit3A_1118, %sign3A_1127 : i32
        %sign3A_1129 = arith.extui %sign3A_1128 : i1 to i32
        %sign3A_1130 = arith.constant 0 : i32
        %sign3A_1131 = arith.cmpi slt, %jit3A_1118, %sign3A_1130 : i32
        %sign3A_1132 = arith.extui %sign3A_1131 : i1 to i32
        %sign3A_1133 = arith.subi %sign3A_1129, %sign3A_1132 : i32
        %ne3A_1134 = arith.cmpi ne, %sign3A_1126, %sign3A_1133 : i32
        %rem3A_1135 = arith.remsi %mul3A_2, %jit3A_1118 : i32
        %ne3A_1136 = arith.constant 0 : i32
        %ne3A_1137 = arith.cmpi ne, %rem3A_1135, %ne3A_1136 : i32
        %and3A_1138 = arith.andi %ne3A_1134, %ne3A_1137 : i1
        %sub3A_1139 = arith.constant 1 : i32
        %sub3A_1140 = arith.subi %div3A_1119, %sub3A_1139 : i32
        %select_n3A_1141 = arith.select %and3A_1138, %sub3A_1140, %div3A_1119 : i32
        %add3A_1142 = arith.constant 3 : i32
        %add3A_1143 = arith.addi %select_n3A_1141, %add3A_1142 : i32
        %dma_wait3A_1144 = arith.constant 150 : i32
        %dma_wait3A_1145 = arith.constant 0 : i32
        %dma_wait3A_1146 = tpu.memref_slice %arg9[%dma_wait3A_1144, %dma_wait3A_1145] : memref<400x128xf32, #tpu.memory_space<vmem>> -> memref<50x128xf32, #tpu.memory_space<vmem>>
        %dma_wait3A_1147 = arith.constant 0 : i32
        %dma_wait3A_1148 = arith.constant 0 : i32
        %dma_wait3A_1149 = tpu.memref_slice %arg5[%add3A_1143, %dma_wait3A_1147, %dma_wait3A_1148] : memref<4096x50x128xf32, #tpu.memory_space<hbm>> -> memref<1x50x128xf32, #tpu.memory_space<hbm>>
        %dma_wait3A_1150 = tpu.memref_squeeze %dma_wait3A_1149 : memref<1x50x128xf32, #tpu.memory_space<hbm>> -> memref<50x128xf32, #tpu.memory_space<hbm>>
        %dma_wait3A_1151 = arith.constant 0 : i32
        %dma_wait3A_1152 = arith.constant 0 : i32
        %dma_wait3A_1153 = tpu.memref_slice %arg5[%add3A_1143, %dma_wait3A_1151, %dma_wait3A_1152] : memref<4096x50x128xf32, #tpu.memory_space<hbm>> -> memref<1x50x128xf32, #tpu.memory_space<hbm>>
        %dma_wait3A_1154 = tpu.memref_squeeze %dma_wait3A_1153 : memref<1x50x128xf32, #tpu.memory_space<hbm>> -> memref<50x128xf32, #tpu.memory_space<hbm>>
        %dma_wait3A_1155 = arith.constant 150 : i32
        %dma_wait3A_1156 = arith.constant 0 : i32
        %dma_wait3A_1157 = tpu.memref_slice %arg9[%dma_wait3A_1155, %dma_wait3A_1156] : memref<400x128xf32, #tpu.memory_space<vmem>> -> memref<50x128xf32, #tpu.memory_space<vmem>>
        tpu.wait_dma2 semaphore(%arg17 : memref<!tpu.dma_semaphore, #tpu.memory_space<semaphore_mem>>) src(%dma_wait3A_1157 : memref<50x128xf32, #tpu.memory_space<vmem>>) dst(%dma_wait3A_1154 : memref<50x128xf32, #tpu.memory_space<hbm>>)
        %jit3A_1158 = arith.constant 50 : i32
        %div3A_1159 = arith.divsi %mul3A_2, %jit3A_1158 : i32
        %sign3A_1160 = arith.constant 0 : i32
        %sign3A_1161 = arith.cmpi sgt, %mul3A_2, %sign3A_1160 : i32
        %sign3A_1162 = arith.extui %sign3A_1161 : i1 to i32
        %sign3A_1163 = arith.constant 0 : i32
        %sign3A_1164 = arith.cmpi slt, %mul3A_2, %sign3A_1163 : i32
        %sign3A_1165 = arith.extui %sign3A_1164 : i1 to i32
        %sign3A_1166 = arith.subi %sign3A_1162, %sign3A_1165 : i32
        %sign3A_1167 = arith.constant 0 : i32
        %sign3A_1168 = arith.cmpi sgt, %jit3A_1158, %sign3A_1167 : i32
        %sign3A_1169 = arith.extui %sign3A_1168 : i1 to i32
        %sign3A_1170 = arith.constant 0 : i32
        %sign3A_1171 = arith.cmpi slt, %jit3A_1158, %sign3A_1170 : i32
        %sign3A_1172 = arith.extui %sign3A_1171 : i1 to i32
        %sign3A_1173 = arith.subi %sign3A_1169, %sign3A_1172 : i32
        %ne3A_1174 = arith.cmpi ne, %sign3A_1166, %sign3A_1173 : i32
        %rem3A_1175 = arith.remsi %mul3A_2, %jit3A_1158 : i32
        %ne3A_1176 = arith.constant 0 : i32
        %ne3A_1177 = arith.cmpi ne, %rem3A_1175, %ne3A_1176 : i32
        %and3A_1178 = arith.andi %ne3A_1174, %ne3A_1177 : i1
        %sub3A_1179 = arith.constant 1 : i32
        %sub3A_1180 = arith.subi %div3A_1159, %sub3A_1179 : i32
        %select_n3A_1181 = arith.select %and3A_1178, %sub3A_1180, %div3A_1159 : i32
        %add3A_1182 = arith.constant 4 : i32
        %add3A_1183 = arith.addi %select_n3A_1181, %add3A_1182 : i32
        %dma_wait3A_1184 = arith.constant 200 : i32
        %dma_wait3A_1185 = arith.constant 0 : i32
        %dma_wait3A_1186 = tpu.memref_slice %arg9[%dma_wait3A_1184, %dma_wait3A_1185] : memref<400x128xf32, #tpu.memory_space<vmem>> -> memref<50x128xf32, #tpu.memory_space<vmem>>
        %dma_wait3A_1187 = arith.constant 0 : i32
        %dma_wait3A_1188 = arith.constant 0 : i32
        %dma_wait3A_1189 = tpu.memref_slice %arg5[%add3A_1183, %dma_wait3A_1187, %dma_wait3A_1188] : memref<4096x50x128xf32, #tpu.memory_space<hbm>> -> memref<1x50x128xf32, #tpu.memory_space<hbm>>
        %dma_wait3A_1190 = tpu.memref_squeeze %dma_wait3A_1189 : memref<1x50x128xf32, #tpu.memory_space<hbm>> -> memref<50x128xf32, #tpu.memory_space<hbm>>
        %dma_wait3A_1191 = arith.constant 0 : i32
        %dma_wait3A_1192 = arith.constant 0 : i32
        %dma_wait3A_1193 = tpu.memref_slice %arg5[%add3A_1183, %dma_wait3A_1191, %dma_wait3A_1192] : memref<4096x50x128xf32, #tpu.memory_space<hbm>> -> memref<1x50x128xf32, #tpu.memory_space<hbm>>
        %dma_wait3A_1194 = tpu.memref_squeeze %dma_wait3A_1193 : memref<1x50x128xf32, #tpu.memory_space<hbm>> -> memref<50x128xf32, #tpu.memory_space<hbm>>
        %dma_wait3A_1195 = arith.constant 200 : i32
        %dma_wait3A_1196 = arith.constant 0 : i32
        %dma_wait3A_1197 = tpu.memref_slice %arg9[%dma_wait3A_1195, %dma_wait3A_1196] : memref<400x128xf32, #tpu.memory_space<vmem>> -> memref<50x128xf32, #tpu.memory_space<vmem>>
        tpu.wait_dma2 semaphore(%arg17 : memref<!tpu.dma_semaphore, #tpu.memory_space<semaphore_mem>>) src(%dma_wait3A_1197 : memref<50x128xf32, #tpu.memory_space<vmem>>) dst(%dma_wait3A_1194 : memref<50x128xf32, #tpu.memory_space<hbm>>)
        %jit3A_1198 = arith.constant 50 : i32
        %div3A_1199 = arith.divsi %mul3A_2, %jit3A_1198 : i32
        %sign3A_1200 = arith.constant 0 : i32
        %sign3A_1201 = arith.cmpi sgt, %mul3A_2, %sign3A_1200 : i32
        %sign3A_1202 = arith.extui %sign3A_1201 : i1 to i32
        %sign3A_1203 = arith.constant 0 : i32
        %sign3A_1204 = arith.cmpi slt, %mul3A_2, %sign3A_1203 : i32
        %sign3A_1205 = arith.extui %sign3A_1204 : i1 to i32
        %sign3A_1206 = arith.subi %sign3A_1202, %sign3A_1205 : i32
        %sign3A_1207 = arith.constant 0 : i32
        %sign3A_1208 = arith.cmpi sgt, %jit3A_1198, %sign3A_1207 : i32
        %sign3A_1209 = arith.extui %sign3A_1208 : i1 to i32
        %sign3A_1210 = arith.constant 0 : i32
        %sign3A_1211 = arith.cmpi slt, %jit3A_1198, %sign3A_1210 : i32
        %sign3A_1212 = arith.extui %sign3A_1211 : i1 to i32
        %sign3A_1213 = arith.subi %sign3A_1209, %sign3A_1212 : i32
        %ne3A_1214 = arith.cmpi ne, %sign3A_1206, %sign3A_1213 : i32
        %rem3A_1215 = arith.remsi %mul3A_2, %jit3A_1198 : i32
        %ne3A_1216 = arith.constant 0 : i32
        %ne3A_1217 = arith.cmpi ne, %rem3A_1215, %ne3A_1216 : i32
        %and3A_1218 = arith.andi %ne3A_1214, %ne3A_1217 : i1
        %sub3A_1219 = arith.constant 1 : i32
        %sub3A_1220 = arith.subi %div3A_1199, %sub3A_1219 : i32
        %select_n3A_1221 = arith.select %and3A_1218, %sub3A_1220, %div3A_1199 : i32
        %add3A_1222 = arith.constant 5 : i32
        %add3A_1223 = arith.addi %select_n3A_1221, %add3A_1222 : i32
        %dma_wait3A_1224 = arith.constant 250 : i32
        %dma_wait3A_1225 = arith.constant 0 : i32
        %dma_wait3A_1226 = tpu.memref_slice %arg9[%dma_wait3A_1224, %dma_wait3A_1225] : memref<400x128xf32, #tpu.memory_space<vmem>> -> memref<50x128xf32, #tpu.memory_space<vmem>>
        %dma_wait3A_1227 = arith.constant 0 : i32
        %dma_wait3A_1228 = arith.constant 0 : i32
        %dma_wait3A_1229 = tpu.memref_slice %arg5[%add3A_1223, %dma_wait3A_1227, %dma_wait3A_1228] : memref<4096x50x128xf32, #tpu.memory_space<hbm>> -> memref<1x50x128xf32, #tpu.memory_space<hbm>>
        %dma_wait3A_1230 = tpu.memref_squeeze %dma_wait3A_1229 : memref<1x50x128xf32, #tpu.memory_space<hbm>> -> memref<50x128xf32, #tpu.memory_space<hbm>>
        %dma_wait3A_1231 = arith.constant 0 : i32
        %dma_wait3A_1232 = arith.constant 0 : i32
        %dma_wait3A_1233 = tpu.memref_slice %arg5[%add3A_1223, %dma_wait3A_1231, %dma_wait3A_1232] : memref<4096x50x128xf32, #tpu.memory_space<hbm>> -> memref<1x50x128xf32, #tpu.memory_space<hbm>>
        %dma_wait3A_1234 = tpu.memref_squeeze %dma_wait3A_1233 : memref<1x50x128xf32, #tpu.memory_space<hbm>> -> memref<50x128xf32, #tpu.memory_space<hbm>>
        %dma_wait3A_1235 = arith.constant 250 : i32
        %dma_wait3A_1236 = arith.constant 0 : i32
        %dma_wait3A_1237 = tpu.memref_slice %arg9[%dma_wait3A_1235, %dma_wait3A_1236] : memref<400x128xf32, #tpu.memory_space<vmem>> -> memref<50x128xf32, #tpu.memory_space<vmem>>
        tpu.wait_dma2 semaphore(%arg17 : memref<!tpu.dma_semaphore, #tpu.memory_space<semaphore_mem>>) src(%dma_wait3A_1237 : memref<50x128xf32, #tpu.memory_space<vmem>>) dst(%dma_wait3A_1234 : memref<50x128xf32, #tpu.memory_space<hbm>>)
        %jit3A_1238 = arith.constant 50 : i32
        %div3A_1239 = arith.divsi %mul3A_2, %jit3A_1238 : i32
        %sign3A_1240 = arith.constant 0 : i32
        %sign3A_1241 = arith.cmpi sgt, %mul3A_2, %sign3A_1240 : i32
        %sign3A_1242 = arith.extui %sign3A_1241 : i1 to i32
        %sign3A_1243 = arith.constant 0 : i32
        %sign3A_1244 = arith.cmpi slt, %mul3A_2, %sign3A_1243 : i32
        %sign3A_1245 = arith.extui %sign3A_1244 : i1 to i32
        %sign3A_1246 = arith.subi %sign3A_1242, %sign3A_1245 : i32
        %sign3A_1247 = arith.constant 0 : i32
        %sign3A_1248 = arith.cmpi sgt, %jit3A_1238, %sign3A_1247 : i32
        %sign3A_1249 = arith.extui %sign3A_1248 : i1 to i32
        %sign3A_1250 = arith.constant 0 : i32
        %sign3A_1251 = arith.cmpi slt, %jit3A_1238, %sign3A_1250 : i32
        %sign3A_1252 = arith.extui %sign3A_1251 : i1 to i32
        %sign3A_1253 = arith.subi %sign3A_1249, %sign3A_1252 : i32
        %ne3A_1254 = arith.cmpi ne, %sign3A_1246, %sign3A_1253 : i32
        %rem3A_1255 = arith.remsi %mul3A_2, %jit3A_1238 : i32
        %ne3A_1256 = arith.constant 0 : i32
        %ne3A_1257 = arith.cmpi ne, %rem3A_1255, %ne3A_1256 : i32
        %and3A_1258 = arith.andi %ne3A_1254, %ne3A_1257 : i1
        %sub3A_1259 = arith.constant 1 : i32
        %sub3A_1260 = arith.subi %div3A_1239, %sub3A_1259 : i32
        %select_n3A_1261 = arith.select %and3A_1258, %sub3A_1260, %div3A_1239 : i32
        %add3A_1262 = arith.constant 6 : i32
        %add3A_1263 = arith.addi %select_n3A_1261, %add3A_1262 : i32
        %dma_wait3A_1264 = arith.constant 300 : i32
        %dma_wait3A_1265 = arith.constant 0 : i32
        %dma_wait3A_1266 = tpu.memref_slice %arg9[%dma_wait3A_1264, %dma_wait3A_1265] : memref<400x128xf32, #tpu.memory_space<vmem>> -> memref<50x128xf32, #tpu.memory_space<vmem>>
        %dma_wait3A_1267 = arith.constant 0 : i32
        %dma_wait3A_1268 = arith.constant 0 : i32
        %dma_wait3A_1269 = tpu.memref_slice %arg5[%add3A_1263, %dma_wait3A_1267, %dma_wait3A_1268] : memref<4096x50x128xf32, #tpu.memory_space<hbm>> -> memref<1x50x128xf32, #tpu.memory_space<hbm>>
        %dma_wait3A_1270 = tpu.memref_squeeze %dma_wait3A_1269 : memref<1x50x128xf32, #tpu.memory_space<hbm>> -> memref<50x128xf32, #tpu.memory_space<hbm>>
        %dma_wait3A_1271 = arith.constant 0 : i32
        %dma_wait3A_1272 = arith.constant 0 : i32
        %dma_wait3A_1273 = tpu.memref_slice %arg5[%add3A_1263, %dma_wait3A_1271, %dma_wait3A_1272] : memref<4096x50x128xf32, #tpu.memory_space<hbm>> -> memref<1x50x128xf32, #tpu.memory_space<hbm>>
        %dma_wait3A_1274 = tpu.memref_squeeze %dma_wait3A_1273 : memref<1x50x128xf32, #tpu.memory_space<hbm>> -> memref<50x128xf32, #tpu.memory_space<hbm>>
        %dma_wait3A_1275 = arith.constant 300 : i32
        %dma_wait3A_1276 = arith.constant 0 : i32
        %dma_wait3A_1277 = tpu.memref_slice %arg9[%dma_wait3A_1275, %dma_wait3A_1276] : memref<400x128xf32, #tpu.memory_space<vmem>> -> memref<50x128xf32, #tpu.memory_space<vmem>>
        tpu.wait_dma2 semaphore(%arg17 : memref<!tpu.dma_semaphore, #tpu.memory_space<semaphore_mem>>) src(%dma_wait3A_1277 : memref<50x128xf32, #tpu.memory_space<vmem>>) dst(%dma_wait3A_1274 : memref<50x128xf32, #tpu.memory_space<hbm>>)
        %jit3A_1278 = arith.constant 50 : i32
        %div3A_1279 = arith.divsi %mul3A_2, %jit3A_1278 : i32
        %sign3A_1280 = arith.constant 0 : i32
        %sign3A_1281 = arith.cmpi sgt, %mul3A_2, %sign3A_1280 : i32
        %sign3A_1282 = arith.extui %sign3A_1281 : i1 to i32
        %sign3A_1283 = arith.constant 0 : i32
        %sign3A_1284 = arith.cmpi slt, %mul3A_2, %sign3A_1283 : i32
        %sign3A_1285 = arith.extui %sign3A_1284 : i1 to i32
        %sign3A_1286 = arith.subi %sign3A_1282, %sign3A_1285 : i32
        %sign3A_1287 = arith.constant 0 : i32
        %sign3A_1288 = arith.cmpi sgt, %jit3A_1278, %sign3A_1287 : i32
        %sign3A_1289 = arith.extui %sign3A_1288 : i1 to i32
        %sign3A_1290 = arith.constant 0 : i32
        %sign3A_1291 = arith.cmpi slt, %jit3A_1278, %sign3A_1290 : i32
        %sign3A_1292 = arith.extui %sign3A_1291 : i1 to i32
        %sign3A_1293 = arith.subi %sign3A_1289, %sign3A_1292 : i32
        %ne3A_1294 = arith.cmpi ne, %sign3A_1286, %sign3A_1293 : i32
        %rem3A_1295 = arith.remsi %mul3A_2, %jit3A_1278 : i32
        %ne3A_1296 = arith.constant 0 : i32
        %ne3A_1297 = arith.cmpi ne, %rem3A_1295, %ne3A_1296 : i32
        %and3A_1298 = arith.andi %ne3A_1294, %ne3A_1297 : i1
        %sub3A_1299 = arith.constant 1 : i32
        %sub3A_1300 = arith.subi %div3A_1279, %sub3A_1299 : i32
        %select_n3A_1301 = arith.select %and3A_1298, %sub3A_1300, %div3A_1279 : i32
        %add3A_1302 = arith.constant 7 : i32
        %add3A_1303 = arith.addi %select_n3A_1301, %add3A_1302 : i32
        %dma_wait3A_1304 = arith.constant 350 : i32
        %dma_wait3A_1305 = arith.constant 0 : i32
        %dma_wait3A_1306 = tpu.memref_slice %arg9[%dma_wait3A_1304, %dma_wait3A_1305] : memref<400x128xf32, #tpu.memory_space<vmem>> -> memref<50x128xf32, #tpu.memory_space<vmem>>
        %dma_wait3A_1307 = arith.constant 0 : i32
        %dma_wait3A_1308 = arith.constant 0 : i32
        %dma_wait3A_1309 = tpu.memref_slice %arg5[%add3A_1303, %dma_wait3A_1307, %dma_wait3A_1308] : memref<4096x50x128xf32, #tpu.memory_space<hbm>> -> memref<1x50x128xf32, #tpu.memory_space<hbm>>
        %dma_wait3A_1310 = tpu.memref_squeeze %dma_wait3A_1309 : memref<1x50x128xf32, #tpu.memory_space<hbm>> -> memref<50x128xf32, #tpu.memory_space<hbm>>
        %dma_wait3A_1311 = arith.constant 0 : i32
        %dma_wait3A_1312 = arith.constant 0 : i32
        %dma_wait3A_1313 = tpu.memref_slice %arg5[%add3A_1303, %dma_wait3A_1311, %dma_wait3A_1312] : memref<4096x50x128xf32, #tpu.memory_space<hbm>> -> memref<1x50x128xf32, #tpu.memory_space<hbm>>
        %dma_wait3A_1314 = tpu.memref_squeeze %dma_wait3A_1313 : memref<1x50x128xf32, #tpu.memory_space<hbm>> -> memref<50x128xf32, #tpu.memory_space<hbm>>
        %dma_wait3A_1315 = arith.constant 350 : i32
        %dma_wait3A_1316 = arith.constant 0 : i32
        %dma_wait3A_1317 = tpu.memref_slice %arg9[%dma_wait3A_1315, %dma_wait3A_1316] : memref<400x128xf32, #tpu.memory_space<vmem>> -> memref<50x128xf32, #tpu.memory_space<vmem>>
        tpu.wait_dma2 semaphore(%arg17 : memref<!tpu.dma_semaphore, #tpu.memory_space<semaphore_mem>>) src(%dma_wait3A_1317 : memref<50x128xf32, #tpu.memory_space<vmem>>) dst(%dma_wait3A_1314 : memref<50x128xf32, #tpu.memory_space<hbm>>)
      } else {
      }
      %add3A_341 = arith.constant 1 : i32
      %add3A_342 = arith.addi %mul3A_327, %add3A_341 : i32
      %mul3A_343 = arith.constant 400 : i32
      %mul3A_344 = arith.muli %add3A_342, %mul3A_343 : i32
      %add3A_345 = arith.addi %mul3A_2, %mul3A_344 : i32
      "tpu.region"() ({
        %run_scoped3A = tpu.sem_alloc : memref<!tpu.dma_semaphore, #tpu.memory_space<semaphore_mem>>
        %dma_start3A_998 = tpu.memref_slice %arg2[%add3A_345] : memref<204800xi32, #tpu.memory_space<hbm>> -> memref<400xi32, #tpu.memory_space<hbm>>
        %dma_start3A_999 = tpu.memref_slice %arg2[%add3A_345] : memref<204800xi32, #tpu.memory_space<hbm>> -> memref<400xi32, #tpu.memory_space<hbm>>
        tpu.enqueue_dma source(%dma_start3A_999 : memref<400xi32, #tpu.memory_space<hbm>>) target(%arg7 : memref<400xi32, #tpu.memory_space<vmem>>) target_semaphore(%run_scoped3A : memref<!tpu.dma_semaphore, #tpu.memory_space<semaphore_mem>>)
        %dma_wait3A_1000 = tpu.memref_slice %arg2[%add3A_345] : memref<204800xi32, #tpu.memory_space<hbm>> -> memref<400xi32, #tpu.memory_space<hbm>>
        %dma_wait3A_1001 = tpu.memref_slice %arg2[%add3A_345] : memref<204800xi32, #tpu.memory_space<hbm>> -> memref<400xi32, #tpu.memory_space<hbm>>
        tpu.wait_dma2 semaphore(%run_scoped3A : memref<!tpu.dma_semaphore, #tpu.memory_space<semaphore_mem>>) src(%dma_wait3A_1001 : memref<400xi32, #tpu.memory_space<hbm>>) dst(%arg7 : memref<400xi32, #tpu.memory_space<vmem>>)
        tpu.yield
      }) : () -> ()
      %dma_start3A_346 = arith.constant 0 : i32
      %dma_start3A_347 = arith.constant 0 : i32
      %dma_start3A_348 = tpu.memref_slice %arg3[%dma_start3A_346, %dma_start3A_347] : memref<100000x128xf32, #tpu.memory_space<hbm>> -> memref<100000x128xf32, #tpu.memory_space<hbm>>
      tpu.enqueue_indirect_dma source(%dma_start3A_348 : memref<100000x128xf32, #tpu.memory_space<hbm>>) target(%arg9 : memref<400x128xf32, #tpu.memory_space<vmem>>) offsets(%arg7 : memref<400xi32, #tpu.memory_space<vmem>>) semaphore(%arg13 : memref<!tpu.dma_semaphore, #tpu.memory_space<semaphore_mem>>)
      %dma_start3A_349 = arith.constant 0 : i32
      %dma_start3A_350 = tpu.memref_slice %arg4[%dma_start3A_349] : memref<100000xf32, #tpu.memory_space<hbm>> -> memref<100000xf32, #tpu.memory_space<hbm>>
      tpu.enqueue_indirect_dma source(%dma_start3A_350 : memref<100000xf32, #tpu.memory_space<hbm>>) target(%arg11 : memref<400xf32, #tpu.memory_space<vmem>>) offsets(%arg7 : memref<400xi32, #tpu.memory_space<vmem>>) semaphore(%arg15 : memref<!tpu.dma_semaphore, #tpu.memory_space<semaphore_mem>>)
      %mul3A_351 = arith.constant 400 : i32
      %mul3A_352 = arith.muli %mul3A_327, %mul3A_351 : i32
      %add3A_353 = arith.addi %mul3A_2, %mul3A_352 : i32
      %jit3A_354 = arith.constant 50 : i32
      %div3A_355 = arith.divsi %add3A_353, %jit3A_354 : i32
      %sign3A_356 = arith.constant 0 : i32
      %sign3A_357 = arith.cmpi sgt, %add3A_353, %sign3A_356 : i32
      %sign3A_358 = arith.extui %sign3A_357 : i1 to i32
      %sign3A_359 = arith.constant 0 : i32
      %sign3A_360 = arith.cmpi slt, %add3A_353, %sign3A_359 : i32
      %sign3A_361 = arith.extui %sign3A_360 : i1 to i32
      %sign3A_362 = arith.subi %sign3A_358, %sign3A_361 : i32
      %sign3A_363 = arith.constant 0 : i32
      %sign3A_364 = arith.cmpi sgt, %jit3A_354, %sign3A_363 : i32
      %sign3A_365 = arith.extui %sign3A_364 : i1 to i32
      %sign3A_366 = arith.constant 0 : i32
      %sign3A_367 = arith.cmpi slt, %jit3A_354, %sign3A_366 : i32
      %sign3A_368 = arith.extui %sign3A_367 : i1 to i32
      %sign3A_369 = arith.subi %sign3A_365, %sign3A_368 : i32
      %ne3A_370 = arith.cmpi ne, %sign3A_362, %sign3A_369 : i32
      %rem3A_371 = arith.remsi %add3A_353, %jit3A_354 : i32
      %ne3A_372 = arith.constant 0 : i32
      %ne3A_373 = arith.cmpi ne, %rem3A_371, %ne3A_372 : i32
      %and3A_374 = arith.andi %ne3A_370, %ne3A_373 : i1
      %sub3A_375 = arith.constant 1 : i32
      %sub3A_376 = arith.subi %div3A_355, %sub3A_375 : i32
      %select_n3A_377 = arith.select %and3A_374, %sub3A_376, %div3A_355 : i32
      %add3A_378 = arith.constant 0 : i32
      %add3A_379 = arith.addi %select_n3A_377, %add3A_378 : i32
      %dma_start3A_380 = arith.constant 0 : i32
      %dma_start3A_381 = arith.constant 0 : i32
      %dma_start3A_382 = tpu.memref_slice %arg8[%dma_start3A_380, %dma_start3A_381] : memref<400x128xf32, #tpu.memory_space<vmem>> -> memref<50x128xf32, #tpu.memory_space<vmem>>
      %dma_start3A_383 = arith.constant 0 : i32
      %dma_start3A_384 = arith.constant 0 : i32
      %dma_start3A_385 = tpu.memref_slice %arg5[%add3A_379, %dma_start3A_383, %dma_start3A_384] : memref<4096x50x128xf32, #tpu.memory_space<hbm>> -> memref<1x50x128xf32, #tpu.memory_space<hbm>>
      %dma_start3A_386 = tpu.memref_squeeze %dma_start3A_385 : memref<1x50x128xf32, #tpu.memory_space<hbm>> -> memref<50x128xf32, #tpu.memory_space<hbm>>
      %dma_start3A_387 = arith.constant 0 : i32
      %dma_start3A_388 = arith.constant 0 : i32
      %dma_start3A_389 = tpu.memref_slice %arg5[%add3A_379, %dma_start3A_387, %dma_start3A_388] : memref<4096x50x128xf32, #tpu.memory_space<hbm>> -> memref<1x50x128xf32, #tpu.memory_space<hbm>>
      %dma_start3A_390 = tpu.memref_squeeze %dma_start3A_389 : memref<1x50x128xf32, #tpu.memory_space<hbm>> -> memref<50x128xf32, #tpu.memory_space<hbm>>
      %dma_start3A_391 = arith.constant 0 : i32
      %dma_start3A_392 = arith.constant 0 : i32
      %dma_start3A_393 = tpu.memref_slice %arg8[%dma_start3A_391, %dma_start3A_392] : memref<400x128xf32, #tpu.memory_space<vmem>> -> memref<50x128xf32, #tpu.memory_space<vmem>>
      tpu.enqueue_dma source(%dma_start3A_393 : memref<50x128xf32, #tpu.memory_space<vmem>>) target(%dma_start3A_390 : memref<50x128xf32, #tpu.memory_space<hbm>>) target_semaphore(%arg16 : memref<!tpu.dma_semaphore, #tpu.memory_space<semaphore_mem>>)
      %add3A_394 = arith.constant 1 : i32
      %add3A_395 = arith.addi %select_n3A_377, %add3A_394 : i32
      %dma_start3A_396 = arith.constant 50 : i32
      %dma_start3A_397 = arith.constant 0 : i32
      %dma_start3A_398 = tpu.memref_slice %arg8[%dma_start3A_396, %dma_start3A_397] : memref<400x128xf32, #tpu.memory_space<vmem>> -> memref<50x128xf32, #tpu.memory_space<vmem>>
      %dma_start3A_399 = arith.constant 0 : i32
      %dma_start3A_400 = arith.constant 0 : i32
      %dma_start3A_401 = tpu.memref_slice %arg5[%add3A_395, %dma_start3A_399, %dma_start3A_400] : memref<4096x50x128xf32, #tpu.memory_space<hbm>> -> memref<1x50x128xf32, #tpu.memory_space<hbm>>
      %dma_start3A_402 = tpu.memref_squeeze %dma_start3A_401 : memref<1x50x128xf32, #tpu.memory_space<hbm>> -> memref<50x128xf32, #tpu.memory_space<hbm>>
      %dma_start3A_403 = arith.constant 0 : i32
      %dma_start3A_404 = arith.constant 0 : i32
      %dma_start3A_405 = tpu.memref_slice %arg5[%add3A_395, %dma_start3A_403, %dma_start3A_404] : memref<4096x50x128xf32, #tpu.memory_space<hbm>> -> memref<1x50x128xf32, #tpu.memory_space<hbm>>
      %dma_start3A_406 = tpu.memref_squeeze %dma_start3A_405 : memref<1x50x128xf32, #tpu.memory_space<hbm>> -> memref<50x128xf32, #tpu.memory_space<hbm>>
      %dma_start3A_407 = arith.constant 50 : i32
      %dma_start3A_408 = arith.constant 0 : i32
      %dma_start3A_409 = tpu.memref_slice %arg8[%dma_start3A_407, %dma_start3A_408] : memref<400x128xf32, #tpu.memory_space<vmem>> -> memref<50x128xf32, #tpu.memory_space<vmem>>
      tpu.enqueue_dma source(%dma_start3A_409 : memref<50x128xf32, #tpu.memory_space<vmem>>) target(%dma_start3A_406 : memref<50x128xf32, #tpu.memory_space<hbm>>) target_semaphore(%arg16 : memref<!tpu.dma_semaphore, #tpu.memory_space<semaphore_mem>>)
      %add3A_410 = arith.constant 2 : i32
      %add3A_411 = arith.addi %select_n3A_377, %add3A_410 : i32
      %dma_start3A_412 = arith.constant 100 : i32
      %dma_start3A_413 = arith.constant 0 : i32
      %dma_start3A_414 = tpu.memref_slice %arg8[%dma_start3A_412, %dma_start3A_413] : memref<400x128xf32, #tpu.memory_space<vmem>> -> memref<50x128xf32, #tpu.memory_space<vmem>>
      %dma_start3A_415 = arith.constant 0 : i32
      %dma_start3A_416 = arith.constant 0 : i32
      %dma_start3A_417 = tpu.memref_slice %arg5[%add3A_411, %dma_start3A_415, %dma_start3A_416] : memref<4096x50x128xf32, #tpu.memory_space<hbm>> -> memref<1x50x128xf32, #tpu.memory_space<hbm>>
      %dma_start3A_418 = tpu.memref_squeeze %dma_start3A_417 : memref<1x50x128xf32, #tpu.memory_space<hbm>> -> memref<50x128xf32, #tpu.memory_space<hbm>>
      %dma_start3A_419 = arith.constant 0 : i32
      %dma_start3A_420 = arith.constant 0 : i32
      %dma_start3A_421 = tpu.memref_slice %arg5[%add3A_411, %dma_start3A_419, %dma_start3A_420] : memref<4096x50x128xf32, #tpu.memory_space<hbm>> -> memref<1x50x128xf32, #tpu.memory_space<hbm>>
      %dma_start3A_422 = tpu.memref_squeeze %dma_start3A_421 : memref<1x50x128xf32, #tpu.memory_space<hbm>> -> memref<50x128xf32, #tpu.memory_space<hbm>>
      %dma_start3A_423 = arith.constant 100 : i32
      %dma_start3A_424 = arith.constant 0 : i32
      %dma_start3A_425 = tpu.memref_slice %arg8[%dma_start3A_423, %dma_start3A_424] : memref<400x128xf32, #tpu.memory_space<vmem>> -> memref<50x128xf32, #tpu.memory_space<vmem>>
      tpu.enqueue_dma source(%dma_start3A_425 : memref<50x128xf32, #tpu.memory_space<vmem>>) target(%dma_start3A_422 : memref<50x128xf32, #tpu.memory_space<hbm>>) target_semaphore(%arg16 : memref<!tpu.dma_semaphore, #tpu.memory_space<semaphore_mem>>)
      %add3A_426 = arith.constant 3 : i32
      %add3A_427 = arith.addi %select_n3A_377, %add3A_426 : i32
      %dma_start3A_428 = arith.constant 150 : i32
      %dma_start3A_429 = arith.constant 0 : i32
      %dma_start3A_430 = tpu.memref_slice %arg8[%dma_start3A_428, %dma_start3A_429] : memref<400x128xf32, #tpu.memory_space<vmem>> -> memref<50x128xf32, #tpu.memory_space<vmem>>
      %dma_start3A_431 = arith.constant 0 : i32
      %dma_start3A_432 = arith.constant 0 : i32
      %dma_start3A_433 = tpu.memref_slice %arg5[%add3A_427, %dma_start3A_431, %dma_start3A_432] : memref<4096x50x128xf32, #tpu.memory_space<hbm>> -> memref<1x50x128xf32, #tpu.memory_space<hbm>>
      %dma_start3A_434 = tpu.memref_squeeze %dma_start3A_433 : memref<1x50x128xf32, #tpu.memory_space<hbm>> -> memref<50x128xf32, #tpu.memory_space<hbm>>
      %dma_start3A_435 = arith.constant 0 : i32
      %dma_start3A_436 = arith.constant 0 : i32
      %dma_start3A_437 = tpu.memref_slice %arg5[%add3A_427, %dma_start3A_435, %dma_start3A_436] : memref<4096x50x128xf32, #tpu.memory_space<hbm>> -> memref<1x50x128xf32, #tpu.memory_space<hbm>>
      %dma_start3A_438 = tpu.memref_squeeze %dma_start3A_437 : memref<1x50x128xf32, #tpu.memory_space<hbm>> -> memref<50x128xf32, #tpu.memory_space<hbm>>
      %dma_start3A_439 = arith.constant 150 : i32
      %dma_start3A_440 = arith.constant 0 : i32
      %dma_start3A_441 = tpu.memref_slice %arg8[%dma_start3A_439, %dma_start3A_440] : memref<400x128xf32, #tpu.memory_space<vmem>> -> memref<50x128xf32, #tpu.memory_space<vmem>>
      tpu.enqueue_dma source(%dma_start3A_441 : memref<50x128xf32, #tpu.memory_space<vmem>>) target(%dma_start3A_438 : memref<50x128xf32, #tpu.memory_space<hbm>>) target_semaphore(%arg16 : memref<!tpu.dma_semaphore, #tpu.memory_space<semaphore_mem>>)
      %add3A_442 = arith.constant 4 : i32
      %add3A_443 = arith.addi %select_n3A_377, %add3A_442 : i32
      %dma_start3A_444 = arith.constant 200 : i32
      %dma_start3A_445 = arith.constant 0 : i32
      %dma_start3A_446 = tpu.memref_slice %arg8[%dma_start3A_444, %dma_start3A_445] : memref<400x128xf32, #tpu.memory_space<vmem>> -> memref<50x128xf32, #tpu.memory_space<vmem>>
      %dma_start3A_447 = arith.constant 0 : i32
      %dma_start3A_448 = arith.constant 0 : i32
      %dma_start3A_449 = tpu.memref_slice %arg5[%add3A_443, %dma_start3A_447, %dma_start3A_448] : memref<4096x50x128xf32, #tpu.memory_space<hbm>> -> memref<1x50x128xf32, #tpu.memory_space<hbm>>
      %dma_start3A_450 = tpu.memref_squeeze %dma_start3A_449 : memref<1x50x128xf32, #tpu.memory_space<hbm>> -> memref<50x128xf32, #tpu.memory_space<hbm>>
      %dma_start3A_451 = arith.constant 0 : i32
      %dma_start3A_452 = arith.constant 0 : i32
      %dma_start3A_453 = tpu.memref_slice %arg5[%add3A_443, %dma_start3A_451, %dma_start3A_452] : memref<4096x50x128xf32, #tpu.memory_space<hbm>> -> memref<1x50x128xf32, #tpu.memory_space<hbm>>
      %dma_start3A_454 = tpu.memref_squeeze %dma_start3A_453 : memref<1x50x128xf32, #tpu.memory_space<hbm>> -> memref<50x128xf32, #tpu.memory_space<hbm>>
      %dma_start3A_455 = arith.constant 200 : i32
      %dma_start3A_456 = arith.constant 0 : i32
      %dma_start3A_457 = tpu.memref_slice %arg8[%dma_start3A_455, %dma_start3A_456] : memref<400x128xf32, #tpu.memory_space<vmem>> -> memref<50x128xf32, #tpu.memory_space<vmem>>
      tpu.enqueue_dma source(%dma_start3A_457 : memref<50x128xf32, #tpu.memory_space<vmem>>) target(%dma_start3A_454 : memref<50x128xf32, #tpu.memory_space<hbm>>) target_semaphore(%arg16 : memref<!tpu.dma_semaphore, #tpu.memory_space<semaphore_mem>>)
      %add3A_458 = arith.constant 5 : i32
      %add3A_459 = arith.addi %select_n3A_377, %add3A_458 : i32
      %dma_start3A_460 = arith.constant 250 : i32
      %dma_start3A_461 = arith.constant 0 : i32
      %dma_start3A_462 = tpu.memref_slice %arg8[%dma_start3A_460, %dma_start3A_461] : memref<400x128xf32, #tpu.memory_space<vmem>> -> memref<50x128xf32, #tpu.memory_space<vmem>>
      %dma_start3A_463 = arith.constant 0 : i32
      %dma_start3A_464 = arith.constant 0 : i32
      %dma_start3A_465 = tpu.memref_slice %arg5[%add3A_459, %dma_start3A_463, %dma_start3A_464] : memref<4096x50x128xf32, #tpu.memory_space<hbm>> -> memref<1x50x128xf32, #tpu.memory_space<hbm>>
      %dma_start3A_466 = tpu.memref_squeeze %dma_start3A_465 : memref<1x50x128xf32, #tpu.memory_space<hbm>> -> memref<50x128xf32, #tpu.memory_space<hbm>>
      %dma_start3A_467 = arith.constant 0 : i32
      %dma_start3A_468 = arith.constant 0 : i32
      %dma_start3A_469 = tpu.memref_slice %arg5[%add3A_459, %dma_start3A_467, %dma_start3A_468] : memref<4096x50x128xf32, #tpu.memory_space<hbm>> -> memref<1x50x128xf32, #tpu.memory_space<hbm>>
      %dma_start3A_470 = tpu.memref_squeeze %dma_start3A_469 : memref<1x50x128xf32, #tpu.memory_space<hbm>> -> memref<50x128xf32, #tpu.memory_space<hbm>>
      %dma_start3A_471 = arith.constant 250 : i32
      %dma_start3A_472 = arith.constant 0 : i32
      %dma_start3A_473 = tpu.memref_slice %arg8[%dma_start3A_471, %dma_start3A_472] : memref<400x128xf32, #tpu.memory_space<vmem>> -> memref<50x128xf32, #tpu.memory_space<vmem>>
      tpu.enqueue_dma source(%dma_start3A_473 : memref<50x128xf32, #tpu.memory_space<vmem>>) target(%dma_start3A_470 : memref<50x128xf32, #tpu.memory_space<hbm>>) target_semaphore(%arg16 : memref<!tpu.dma_semaphore, #tpu.memory_space<semaphore_mem>>)
      %add3A_474 = arith.constant 6 : i32
      %add3A_475 = arith.addi %select_n3A_377, %add3A_474 : i32
      %dma_start3A_476 = arith.constant 300 : i32
      %dma_start3A_477 = arith.constant 0 : i32
      %dma_start3A_478 = tpu.memref_slice %arg8[%dma_start3A_476, %dma_start3A_477] : memref<400x128xf32, #tpu.memory_space<vmem>> -> memref<50x128xf32, #tpu.memory_space<vmem>>
      %dma_start3A_479 = arith.constant 0 : i32
      %dma_start3A_480 = arith.constant 0 : i32
      %dma_start3A_481 = tpu.memref_slice %arg5[%add3A_475, %dma_start3A_479, %dma_start3A_480] : memref<4096x50x128xf32, #tpu.memory_space<hbm>> -> memref<1x50x128xf32, #tpu.memory_space<hbm>>
      %dma_start3A_482 = tpu.memref_squeeze %dma_start3A_481 : memref<1x50x128xf32, #tpu.memory_space<hbm>> -> memref<50x128xf32, #tpu.memory_space<hbm>>
      %dma_start3A_483 = arith.constant 0 : i32
      %dma_start3A_484 = arith.constant 0 : i32
      %dma_start3A_485 = tpu.memref_slice %arg5[%add3A_475, %dma_start3A_483, %dma_start3A_484] : memref<4096x50x128xf32, #tpu.memory_space<hbm>> -> memref<1x50x128xf32, #tpu.memory_space<hbm>>
      %dma_start3A_486 = tpu.memref_squeeze %dma_start3A_485 : memref<1x50x128xf32, #tpu.memory_space<hbm>> -> memref<50x128xf32, #tpu.memory_space<hbm>>
      %dma_start3A_487 = arith.constant 300 : i32
      %dma_start3A_488 = arith.constant 0 : i32
      %dma_start3A_489 = tpu.memref_slice %arg8[%dma_start3A_487, %dma_start3A_488] : memref<400x128xf32, #tpu.memory_space<vmem>> -> memref<50x128xf32, #tpu.memory_space<vmem>>
      tpu.enqueue_dma source(%dma_start3A_489 : memref<50x128xf32, #tpu.memory_space<vmem>>) target(%dma_start3A_486 : memref<50x128xf32, #tpu.memory_space<hbm>>) target_semaphore(%arg16 : memref<!tpu.dma_semaphore, #tpu.memory_space<semaphore_mem>>)
      %add3A_490 = arith.constant 7 : i32
      %add3A_491 = arith.addi %select_n3A_377, %add3A_490 : i32
      %dma_start3A_492 = arith.constant 350 : i32
      %dma_start3A_493 = arith.constant 0 : i32
      %dma_start3A_494 = tpu.memref_slice %arg8[%dma_start3A_492, %dma_start3A_493] : memref<400x128xf32, #tpu.memory_space<vmem>> -> memref<50x128xf32, #tpu.memory_space<vmem>>
      %dma_start3A_495 = arith.constant 0 : i32
      %dma_start3A_496 = arith.constant 0 : i32
      %dma_start3A_497 = tpu.memref_slice %arg5[%add3A_491, %dma_start3A_495, %dma_start3A_496] : memref<4096x50x128xf32, #tpu.memory_space<hbm>> -> memref<1x50x128xf32, #tpu.memory_space<hbm>>
      %dma_start3A_498 = tpu.memref_squeeze %dma_start3A_497 : memref<1x50x128xf32, #tpu.memory_space<hbm>> -> memref<50x128xf32, #tpu.memory_space<hbm>>
      %dma_start3A_499 = arith.constant 0 : i32
      %dma_start3A_500 = arith.constant 0 : i32
      %dma_start3A_501 = tpu.memref_slice %arg5[%add3A_491, %dma_start3A_499, %dma_start3A_500] : memref<4096x50x128xf32, #tpu.memory_space<hbm>> -> memref<1x50x128xf32, #tpu.memory_space<hbm>>
      %dma_start3A_502 = tpu.memref_squeeze %dma_start3A_501 : memref<1x50x128xf32, #tpu.memory_space<hbm>> -> memref<50x128xf32, #tpu.memory_space<hbm>>
      %dma_start3A_503 = arith.constant 350 : i32
      %dma_start3A_504 = arith.constant 0 : i32
      %dma_start3A_505 = tpu.memref_slice %arg8[%dma_start3A_503, %dma_start3A_504] : memref<400x128xf32, #tpu.memory_space<vmem>> -> memref<50x128xf32, #tpu.memory_space<vmem>>
      tpu.enqueue_dma source(%dma_start3A_505 : memref<50x128xf32, #tpu.memory_space<vmem>>) target(%dma_start3A_502 : memref<50x128xf32, #tpu.memory_space<hbm>>) target_semaphore(%arg16 : memref<!tpu.dma_semaphore, #tpu.memory_space<semaphore_mem>>)
      %dma_wait3A_506 = arith.constant 0 : i32
      %dma_wait3A_507 = arith.constant 0 : i32
      %dma_wait3A_508 = tpu.memref_slice %arg3[%dma_wait3A_506, %dma_wait3A_507] : memref<100000x128xf32, #tpu.memory_space<hbm>> -> memref<100000x128xf32, #tpu.memory_space<hbm>>
      tpu.wait_indirect_dma semaphore(%arg13 : memref<!tpu.dma_semaphore, #tpu.memory_space<semaphore_mem>>) src(%dma_wait3A_508 : memref<100000x128xf32, #tpu.memory_space<hbm>>) dst(%arg9 : memref<400x128xf32, #tpu.memory_space<vmem>>)
      %dma_wait3A_509 = arith.constant 0 : i32
      %dma_wait3A_510 = tpu.memref_slice %arg4[%dma_wait3A_509] : memref<100000xf32, #tpu.memory_space<hbm>> -> memref<100000xf32, #tpu.memory_space<hbm>>
      tpu.wait_indirect_dma semaphore(%arg15 : memref<!tpu.dma_semaphore, #tpu.memory_space<semaphore_mem>>) src(%dma_wait3A_510 : memref<100000xf32, #tpu.memory_space<hbm>>) dst(%arg11 : memref<400xf32, #tpu.memory_space<vmem>>)
      %scan3A_511 = arith.constant 0 : i32
      %scan3A_512 = arith.constant 0 : i32
      %scan3A_513 = arith.constant 25 : i32
      %scan3A_514 = arith.addi %scan3A_512, %scan3A_513 : i32
      %scan3A_515 = arith.constant 1 : i32
      scf.for %scan3A_998 = %scan3A_512 to %scan3A_514 step %scan3A_515  : i32 {
        %mul3A_999 = arith.constant 16 : i32
        %mul3A_1000 = arith.muli %scan3A_998, %mul3A_999 : i32
        %get3A = arith.index_cast %mul3A_1000 : i32 to index
        %get3A_1001 = tpu.vector_load %arg11[%get3A] {strides = array<i32>} : memref<400xf32, #tpu.memory_space<vmem>>, vector<16xf32>,
        %get3A_1002 = vector.shape_cast %get3A_1001 : vector<16xf32> to vector<16xf32>
        %slice3A = vector.extract_strided_slice %get3A_1002 {offsets = [0], sizes = [1], strides = [1]} : vector<16xf32> to vector<1xf32>
        %squeeze3A = vector.extract %slice3A[0] : f32 from vector<1xf32>
        %mul3A_1003 = arith.constant 16 : i32
        %mul3A_1004 = arith.muli %scan3A_998, %mul3A_1003 : i32
        %add3A_1005 = arith.constant 0 : i32
        %add3A_1006 = arith.addi %mul3A_1004, %add3A_1005 : i32
        %get3A_1007 = arith.index_cast %add3A_1006 : i32 to index
        %get3A_1008 = arith.constant 0 : index
        %get3A_1009 = tpu.vector_load %arg9[%get3A_1007, %get3A_1008] {strides = array<i32>} : memref<400x128xf32, #tpu.memory_space<vmem>>, vector<1x16xf32>,
        %get3A_1010 = vector.shape_cast %get3A_1009 : vector<1x16xf32> to vector<16xf32>
        %add3A_1011 = vector.broadcast %squeeze3A : f32 to vector<16xf32>
        %add3A_1012 = arith.addf %get3A_1010, %add3A_1011 : vector<16xf32>
        %swap3A = arith.index_cast %add3A_1006 : i32 to index
        %swap3A_1013 = arith.constant 0 : index
        %swap3A_1014 = tpu.vector_load %arg9[%swap3A, %swap3A_1013] {strides = array<i32>} : memref<400x128xf32, #tpu.memory_space<vmem>>, vector<1x16xf32>,
        %swap3A_1015 = vector.shape_cast %swap3A_1014 : vector<1x16xf32> to vector<16xf32>
        %swap3A_1016 = vector.shape_cast %add3A_1012 : vector<16xf32> to vector<1x16xf32>
        tpu.vector_store %arg9[%swap3A, %swap3A_1013], %swap3A_1016 {strides = array<i32>} : memref<400x128xf32, #tpu.memory_space<vmem>>, vector<1x16xf32>,
        %get3A_1017 = arith.index_cast %add3A_1006 : i32 to index
        %get3A_1018 = arith.constant 16 : index
        %get3A_1019 = tpu.vector_load %arg9[%get3A_1017, %get3A_1018] {strides = array<i32>} : memref<400x128xf32, #tpu.memory_space<vmem>>, vector<1x16xf32>,
        %get3A_1020 = vector.shape_cast %get3A_1019 : vector<1x16xf32> to vector<16xf32>
        %add3A_1021 = vector.broadcast %squeeze3A : f32 to vector<16xf32>
        %add3A_1022 = arith.addf %get3A_1020, %add3A_1021 : vector<16xf32>
        %swap3A_1023 = arith.index_cast %add3A_1006 : i32 to index
        %swap3A_1024 = arith.constant 16 : index
        %swap3A_1025 = tpu.vector_load %arg9[%swap3A_1023, %swap3A_1024] {strides = array<i32>} : memref<400x128xf32, #tpu.memory_space<vmem>>, vector<1x16xf32>,
        %swap3A_1026 = vector.shape_cast %swap3A_1025 : vector<1x16xf32> to vector<16xf32>
        %swap3A_1027 = vector.shape_cast %add3A_1022 : vector<16xf32> to vector<1x16xf32>
        tpu.vector_store %arg9[%swap3A_1023, %swap3A_1024], %swap3A_1027 {strides = array<i32>} : memref<400x128xf32, #tpu.memory_space<vmem>>, vector<1x16xf32>,
        %get3A_1028 = arith.index_cast %add3A_1006 : i32 to index
        %get3A_1029 = arith.constant 32 : index
        %get3A_1030 = tpu.vector_load %arg9[%get3A_1028, %get3A_1029] {strides = array<i32>} : memref<400x128xf32, #tpu.memory_space<vmem>>, vector<1x16xf32>,
        %get3A_1031 = vector.shape_cast %get3A_1030 : vector<1x16xf32> to vector<16xf32>
        %add3A_1032 = vector.broadcast %squeeze3A : f32 to vector<16xf32>
        %add3A_1033 = arith.addf %get3A_1031, %add3A_1032 : vector<16xf32>
        %swap3A_1034 = arith.index_cast %add3A_1006 : i32 to index
        %swap3A_1035 = arith.constant 32 : index
        %swap3A_1036 = tpu.vector_load %arg9[%swap3A_1034, %swap3A_1035] {strides = array<i32>} : memref<400x128xf32, #tpu.memory_space<vmem>>, vector<1x16xf32>,
        %swap3A_1037 = vector.shape_cast %swap3A_1036 : vector<1x16xf32> to vector<16xf32>
        %swap3A_1038 = vector.shape_cast %add3A_1033 : vector<16xf32> to vector<1x16xf32>
        tpu.vector_store %arg9[%swap3A_1034, %swap3A_1035], %swap3A_1038 {strides = array<i32>} : memref<400x128xf32, #tpu.memory_space<vmem>>, vector<1x16xf32>,
        %get3A_1039 = arith.index_cast %add3A_1006 : i32 to index
        %get3A_1040 = arith.constant 48 : index
        %get3A_1041 = tpu.vector_load %arg9[%get3A_1039, %get3A_1040] {strides = array<i32>} : memref<400x128xf32, #tpu.memory_space<vmem>>, vector<1x16xf32>,
        %get3A_1042 = vector.shape_cast %get3A_1041 : vector<1x16xf32> to vector<16xf32>
        %add3A_1043 = vector.broadcast %squeeze3A : f32 to vector<16xf32>
        %add3A_1044 = arith.addf %get3A_1042, %add3A_1043 : vector<16xf32>
        %swap3A_1045 = arith.index_cast %add3A_1006 : i32 to index
        %swap3A_1046 = arith.constant 48 : index
        %swap3A_1047 = tpu.vector_load %arg9[%swap3A_1045, %swap3A_1046] {strides = array<i32>} : memref<400x128xf32, #tpu.memory_space<vmem>>, vector<1x16xf32>,
        %swap3A_1048 = vector.shape_cast %swap3A_1047 : vector<1x16xf32> to vector<16xf32>
        %swap3A_1049 = vector.shape_cast %add3A_1044 : vector<16xf32> to vector<1x16xf32>
        tpu.vector_store %arg9[%swap3A_1045, %swap3A_1046], %swap3A_1049 {strides = array<i32>} : memref<400x128xf32, #tpu.memory_space<vmem>>, vector<1x16xf32>,
        %get3A_1050 = arith.index_cast %add3A_1006 : i32 to index
        %get3A_1051 = arith.constant 64 : index
        %get3A_1052 = tpu.vector_load %arg9[%get3A_1050, %get3A_1051] {strides = array<i32>} : memref<400x128xf32, #tpu.memory_space<vmem>>, vector<1x16xf32>,
        %get3A_1053 = vector.shape_cast %get3A_1052 : vector<1x16xf32> to vector<16xf32>
        %add3A_1054 = vector.broadcast %squeeze3A : f32 to vector<16xf32>
        %add3A_1055 = arith.addf %get3A_1053, %add3A_1054 : vector<16xf32>
        %swap3A_1056 = arith.index_cast %add3A_1006 : i32 to index
        %swap3A_1057 = arith.constant 64 : index
        %swap3A_1058 = tpu.vector_load %arg9[%swap3A_1056, %swap3A_1057] {strides = array<i32>} : memref<400x128xf32, #tpu.memory_space<vmem>>, vector<1x16xf32>,
        %swap3A_1059 = vector.shape_cast %swap3A_1058 : vector<1x16xf32> to vector<16xf32>
        %swap3A_1060 = vector.shape_cast %add3A_1055 : vector<16xf32> to vector<1x16xf32>
        tpu.vector_store %arg9[%swap3A_1056, %swap3A_1057], %swap3A_1060 {strides = array<i32>} : memref<400x128xf32, #tpu.memory_space<vmem>>, vector<1x16xf32>,
        %get3A_1061 = arith.index_cast %add3A_1006 : i32 to index
        %get3A_1062 = arith.constant 80 : index
        %get3A_1063 = tpu.vector_load %arg9[%get3A_1061, %get3A_1062] {strides = array<i32>} : memref<400x128xf32, #tpu.memory_space<vmem>>, vector<1x16xf32>,
        %get3A_1064 = vector.shape_cast %get3A_1063 : vector<1x16xf32> to vector<16xf32>
        %add3A_1065 = vector.broadcast %squeeze3A : f32 to vector<16xf32>
        %add3A_1066 = arith.addf %get3A_1064, %add3A_1065 : vector<16xf32>
        %swap3A_1067 = arith.index_cast %add3A_1006 : i32 to index
        %swap3A_1068 = arith.constant 80 : index
        %swap3A_1069 = tpu.vector_load %arg9[%swap3A_1067, %swap3A_1068] {strides = array<i32>} : memref<400x128xf32, #tpu.memory_space<vmem>>, vector<1x16xf32>,
        %swap3A_1070 = vector.shape_cast %swap3A_1069 : vector<1x16xf32> to vector<16xf32>
        %swap3A_1071 = vector.shape_cast %add3A_1066 : vector<16xf32> to vector<1x16xf32>
        tpu.vector_store %arg9[%swap3A_1067, %swap3A_1068], %swap3A_1071 {strides = array<i32>} : memref<400x128xf32, #tpu.memory_space<vmem>>, vector<1x16xf32>,
        %get3A_1072 = arith.index_cast %add3A_1006 : i32 to index
        %get3A_1073 = arith.constant 96 : index
        %get3A_1074 = tpu.vector_load %arg9[%get3A_1072, %get3A_1073] {strides = array<i32>} : memref<400x128xf32, #tpu.memory_space<vmem>>, vector<1x16xf32>,
        %get3A_1075 = vector.shape_cast %get3A_1074 : vector<1x16xf32> to vector<16xf32>
        %add3A_1076 = vector.broadcast %squeeze3A : f32 to vector<16xf32>
        %add3A_1077 = arith.addf %get3A_1075, %add3A_1076 : vector<16xf32>
        %swap3A_1078 = arith.index_cast %add3A_1006 : i32 to index
        %swap3A_1079 = arith.constant 96 : index
        %swap3A_1080 = tpu.vector_load %arg9[%swap3A_1078, %swap3A_1079] {strides = array<i32>} : memref<400x128xf32, #tpu.memory_space<vmem>>, vector<1x16xf32>,
        %swap3A_1081 = vector.shape_cast %swap3A_1080 : vector<1x16xf32> to vector<16xf32>
        %swap3A_1082 = vector.shape_cast %add3A_1077 : vector<16xf32> to vector<1x16xf32>
        tpu.vector_store %arg9[%swap3A_1078, %swap3A_1079], %swap3A_1082 {strides = array<i32>} : memref<400x128xf32, #tpu.memory_space<vmem>>, vector<1x16xf32>,
        %get3A_1083 = arith.index_cast %add3A_1006 : i32 to index
        %get3A_1084 = arith.constant 112 : index
        %get3A_1085 = tpu.vector_load %arg9[%get3A_1083, %get3A_1084] {strides = array<i32>} : memref<400x128xf32, #tpu.memory_space<vmem>>, vector<1x16xf32>,
        %get3A_1086 = vector.shape_cast %get3A_1085 : vector<1x16xf32> to vector<16xf32>
        %add3A_1087 = vector.broadcast %squeeze3A : f32 to vector<16xf32>
        %add3A_1088 = arith.addf %get3A_1086, %add3A_1087 : vector<16xf32>
        %swap3A_1089 = arith.index_cast %add3A_1006 : i32 to index
        %swap3A_1090 = arith.constant 112 : index
        %swap3A_1091 = tpu.vector_load %arg9[%swap3A_1089, %swap3A_1090] {strides = array<i32>} : memref<400x128xf32, #tpu.memory_space<vmem>>, vector<1x16xf32>,
        %swap3A_1092 = vector.shape_cast %swap3A_1091 : vector<1x16xf32> to vector<16xf32>
        %swap3A_1093 = vector.shape_cast %add3A_1088 : vector<16xf32> to vector<1x16xf32>
        tpu.vector_store %arg9[%swap3A_1089, %swap3A_1090], %swap3A_1093 {strides = array<i32>} : memref<400x128xf32, #tpu.memory_space<vmem>>, vector<1x16xf32>,
        %slice3A_1094 = vector.extract_strided_slice %get3A_1002 {offsets = [1], sizes = [1], strides = [1]} : vector<16xf32> to vector<1xf32>
        %squeeze3A_1095 = vector.extract %slice3A_1094[0] : f32 from vector<1xf32>
        %mul3A_1096 = arith.constant 16 : i32
        %mul3A_1097 = arith.muli %scan3A_998, %mul3A_1096 : i32
        %add3A_1098 = arith.constant 1 : i32
        %add3A_1099 = arith.addi %mul3A_1097, %add3A_1098 : i32
        %get3A_1100 = arith.index_cast %add3A_1099 : i32 to index
        %get3A_1101 = arith.constant 0 : index
        %get3A_1102 = tpu.vector_load %arg9[%get3A_1100, %get3A_1101] {strides = array<i32>} : memref<400x128xf32, #tpu.memory_space<vmem>>, vector<1x16xf32>,
        %get3A_1103 = vector.shape_cast %get3A_1102 : vector<1x16xf32> to vector<16xf32>
        %add3A_1104 = vector.broadcast %squeeze3A_1095 : f32 to vector<16xf32>
        %add3A_1105 = arith.addf %get3A_1103, %add3A_1104 : vector<16xf32>
        %swap3A_1106 = arith.index_cast %add3A_1099 : i32 to index
        %swap3A_1107 = arith.constant 0 : index
        %swap3A_1108 = tpu.vector_load %arg9[%swap3A_1106, %swap3A_1107] {strides = array<i32>} : memref<400x128xf32, #tpu.memory_space<vmem>>, vector<1x16xf32>,
        %swap3A_1109 = vector.shape_cast %swap3A_1108 : vector<1x16xf32> to vector<16xf32>
        %swap3A_1110 = vector.shape_cast %add3A_1105 : vector<16xf32> to vector<1x16xf32>
        tpu.vector_store %arg9[%swap3A_1106, %swap3A_1107], %swap3A_1110 {strides = array<i32>} : memref<400x128xf32, #tpu.memory_space<vmem>>, vector<1x16xf32>,
        %get3A_1111 = arith.index_cast %add3A_1099 : i32 to index
        %get3A_1112 = arith.constant 16 : index
        %get3A_1113 = tpu.vector_load %arg9[%get3A_1111, %get3A_1112] {strides = array<i32>} : memref<400x128xf32, #tpu.memory_space<vmem>>, vector<1x16xf32>,
        %get3A_1114 = vector.shape_cast %get3A_1113 : vector<1x16xf32> to vector<16xf32>
        %add3A_1115 = vector.broadcast %squeeze3A_1095 : f32 to vector<16xf32>
        %add3A_1116 = arith.addf %get3A_1114, %add3A_1115 : vector<16xf32>
        %swap3A_1117 = arith.index_cast %add3A_1099 : i32 to index
        %swap3A_1118 = arith.constant 16 : index
        %swap3A_1119 = tpu.vector_load %arg9[%swap3A_1117, %swap3A_1118] {strides = array<i32>} : memref<400x128xf32, #tpu.memory_space<vmem>>, vector<1x16xf32>,
        %swap3A_1120 = vector.shape_cast %swap3A_1119 : vector<1x16xf32> to vector<16xf32>
        %swap3A_1121 = vector.shape_cast %add3A_1116 : vector<16xf32> to vector<1x16xf32>
        tpu.vector_store %arg9[%swap3A_1117, %swap3A_1118], %swap3A_1121 {strides = array<i32>} : memref<400x128xf32, #tpu.memory_space<vmem>>, vector<1x16xf32>,
        %get3A_1122 = arith.index_cast %add3A_1099 : i32 to index
        %get3A_1123 = arith.constant 32 : index
        %get3A_1124 = tpu.vector_load %arg9[%get3A_1122, %get3A_1123] {strides = array<i32>} : memref<400x128xf32, #tpu.memory_space<vmem>>, vector<1x16xf32>,
        %get3A_1125 = vector.shape_cast %get3A_1124 : vector<1x16xf32> to vector<16xf32>
        %add3A_1126 = vector.broadcast %squeeze3A_1095 : f32 to vector<16xf32>
        %add3A_1127 = arith.addf %get3A_1125, %add3A_1126 : vector<16xf32>
        %swap3A_1128 = arith.index_cast %add3A_1099 : i32 to index
        %swap3A_1129 = arith.constant 32 : index
        %swap3A_1130 = tpu.vector_load %arg9[%swap3A_1128, %swap3A_1129] {strides = array<i32>} : memref<400x128xf32, #tpu.memory_space<vmem>>, vector<1x16xf32>,
        %swap3A_1131 = vector.shape_cast %swap3A_1130 : vector<1x16xf32> to vector<16xf32>
        %swap3A_1132 = vector.shape_cast %add3A_1127 : vector<16xf32> to vector<1x16xf32>
        tpu.vector_store %arg9[%swap3A_1128, %swap3A_1129], %swap3A_1132 {strides = array<i32>} : memref<400x128xf32, #tpu.memory_space<vmem>>, vector<1x16xf32>,
        %get3A_1133 = arith.index_cast %add3A_1099 : i32 to index
        %get3A_1134 = arith.constant 48 : index
        %get3A_1135 = tpu.vector_load %arg9[%get3A_1133, %get3A_1134] {strides = array<i32>} : memref<400x128xf32, #tpu.memory_space<vmem>>, vector<1x16xf32>,
        %get3A_1136 = vector.shape_cast %get3A_1135 : vector<1x16xf32> to vector<16xf32>
        %add3A_1137 = vector.broadcast %squeeze3A_1095 : f32 to vector<16xf32>
        %add3A_1138 = arith.addf %get3A_1136, %add3A_1137 : vector<16xf32>
        %swap3A_1139 = arith.index_cast %add3A_1099 : i32 to index
        %swap3A_1140 = arith.constant 48 : index
        %swap3A_1141 = tpu.vector_load %arg9[%swap3A_1139, %swap3A_1140] {strides = array<i32>} : memref<400x128xf32, #tpu.memory_space<vmem>>, vector<1x16xf32>,
        %swap3A_1142 = vector.shape_cast %swap3A_1141 : vector<1x16xf32> to vector<16xf32>
        %swap3A_1143 = vector.shape_cast %add3A_1138 : vector<16xf32> to vector<1x16xf32>
        tpu.vector_store %arg9[%swap3A_1139, %swap3A_1140], %swap3A_1143 {strides = array<i32>} : memref<400x128xf32, #tpu.memory_space<vmem>>, vector<1x16xf32>,
        %get3A_1144 = arith.index_cast %add3A_1099 : i32 to index
        %get3A_1145 = arith.constant 64 : index
        %get3A_1146 = tpu.vector_load %arg9[%get3A_1144, %get3A_1145] {strides = array<i32>} : memref<400x128xf32, #tpu.memory_space<vmem>>, vector<1x16xf32>,
        %get3A_1147 = vector.shape_cast %get3A_1146 : vector<1x16xf32> to vector<16xf32>
        %add3A_1148 = vector.broadcast %squeeze3A_1095 : f32 to vector<16xf32>
        %add3A_1149 = arith.addf %get3A_1147, %add3A_1148 : vector<16xf32>
        %swap3A_1150 = arith.index_cast %add3A_1099 : i32 to index
        %swap3A_1151 = arith.constant 64 : index
        %swap3A_1152 = tpu.vector_load %arg9[%swap3A_1150, %swap3A_1151] {strides = array<i32>} : memref<400x128xf32, #tpu.memory_space<vmem>>, vector<1x16xf32>,
        %swap3A_1153 = vector.shape_cast %swap3A_1152 : vector<1x16xf32> to vector<16xf32>
        %swap3A_1154 = vector.shape_cast %add3A_1149 : vector<16xf32> to vector<1x16xf32>
        tpu.vector_store %arg9[%swap3A_1150, %swap3A_1151], %swap3A_1154 {strides = array<i32>} : memref<400x128xf32, #tpu.memory_space<vmem>>, vector<1x16xf32>,
        %get3A_1155 = arith.index_cast %add3A_1099 : i32 to index
        %get3A_1156 = arith.constant 80 : index
        %get3A_1157 = tpu.vector_load %arg9[%get3A_1155, %get3A_1156] {strides = array<i32>} : memref<400x128xf32, #tpu.memory_space<vmem>>, vector<1x16xf32>,
        %get3A_1158 = vector.shape_cast %get3A_1157 : vector<1x16xf32> to vector<16xf32>
        %add3A_1159 = vector.broadcast %squeeze3A_1095 : f32 to vector<16xf32>
        %add3A_1160 = arith.addf %get3A_1158, %add3A_1159 : vector<16xf32>
        %swap3A_1161 = arith.index_cast %add3A_1099 : i32 to index
        %swap3A_1162 = arith.constant 80 : index
        %swap3A_1163 = tpu.vector_load %arg9[%swap3A_1161, %swap3A_1162] {strides = array<i32>} : memref<400x128xf32, #tpu.memory_space<vmem>>, vector<1x16xf32>,
        %swap3A_1164 = vector.shape_cast %swap3A_1163 : vector<1x16xf32> to vector<16xf32>
        %swap3A_1165 = vector.shape_cast %add3A_1160 : vector<16xf32> to vector<1x16xf32>
        tpu.vector_store %arg9[%swap3A_1161, %swap3A_1162], %swap3A_1165 {strides = array<i32>} : memref<400x128xf32, #tpu.memory_space<vmem>>, vector<1x16xf32>,
        %get3A_1166 = arith.index_cast %add3A_1099 : i32 to index
        %get3A_1167 = arith.constant 96 : index
        %get3A_1168 = tpu.vector_load %arg9[%get3A_1166, %get3A_1167] {strides = array<i32>} : memref<400x128xf32, #tpu.memory_space<vmem>>, vector<1x16xf32>,
        %get3A_1169 = vector.shape_cast %get3A_1168 : vector<1x16xf32> to vector<16xf32>
        %add3A_1170 = vector.broadcast %squeeze3A_1095 : f32 to vector<16xf32>
        %add3A_1171 = arith.addf %get3A_1169, %add3A_1170 : vector<16xf32>
        %swap3A_1172 = arith.index_cast %add3A_1099 : i32 to index
        %swap3A_1173 = arith.constant 96 : index
        %swap3A_1174 = tpu.vector_load %arg9[%swap3A_1172, %swap3A_1173] {strides = array<i32>} : memref<400x128xf32, #tpu.memory_space<vmem>>, vector<1x16xf32>,
        %swap3A_1175 = vector.shape_cast %swap3A_1174 : vector<1x16xf32> to vector<16xf32>
        %swap3A_1176 = vector.shape_cast %add3A_1171 : vector<16xf32> to vector<1x16xf32>
        tpu.vector_store %arg9[%swap3A_1172, %swap3A_1173], %swap3A_1176 {strides = array<i32>} : memref<400x128xf32, #tpu.memory_space<vmem>>, vector<1x16xf32>,
        %get3A_1177 = arith.index_cast %add3A_1099 : i32 to index
        %get3A_1178 = arith.constant 112 : index
        %get3A_1179 = tpu.vector_load %arg9[%get3A_1177, %get3A_1178] {strides = array<i32>} : memref<400x128xf32, #tpu.memory_space<vmem>>, vector<1x16xf32>,
        %get3A_1180 = vector.shape_cast %get3A_1179 : vector<1x16xf32> to vector<16xf32>
        %add3A_1181 = vector.broadcast %squeeze3A_1095 : f32 to vector<16xf32>
        %add3A_1182 = arith.addf %get3A_1180, %add3A_1181 : vector<16xf32>
        %swap3A_1183 = arith.index_cast %add3A_1099 : i32 to index
        %swap3A_1184 = arith.constant 112 : index
        %swap3A_1185 = tpu.vector_load %arg9[%swap3A_1183, %swap3A_1184] {strides = array<i32>} : memref<400x128xf32, #tpu.memory_space<vmem>>, vector<1x16xf32>,
        %swap3A_1186 = vector.shape_cast %swap3A_1185 : vector<1x16xf32> to vector<16xf32>
        %swap3A_1187 = vector.shape_cast %add3A_1182 : vector<16xf32> to vector<1x16xf32>
        tpu.vector_store %arg9[%swap3A_1183, %swap3A_1184], %swap3A_1187 {strides = array<i32>} : memref<400x128xf32, #tpu.memory_space<vmem>>, vector<1x16xf32>,
        %slice3A_1188 = vector.extract_strided_slice %get3A_1002 {offsets = [2], sizes = [1], strides = [1]} : vector<16xf32> to vector<1xf32>
        %squeeze3A_1189 = vector.extract %slice3A_1188[0] : f32 from vector<1xf32>
        %mul3A_1190 = arith.constant 16 : i32
        %mul3A_1191 = arith.muli %scan3A_998, %mul3A_1190 : i32
        %add3A_1192 = arith.constant 2 : i32
        %add3A_1193 = arith.addi %mul3A_1191, %add3A_1192 : i32
        %get3A_1194 = arith.index_cast %add3A_1193 : i32 to index
        %get3A_1195 = arith.constant 0 : index
        %get3A_1196 = tpu.vector_load %arg9[%get3A_1194, %get3A_1195] {strides = array<i32>} : memref<400x128xf32, #tpu.memory_space<vmem>>, vector<1x16xf32>,
        %get3A_1197 = vector.shape_cast %get3A_1196 : vector<1x16xf32> to vector<16xf32>
        %add3A_1198 = vector.broadcast %squeeze3A_1189 : f32 to vector<16xf32>
        %add3A_1199 = arith.addf %get3A_1197, %add3A_1198 : vector<16xf32>
        %swap3A_1200 = arith.index_cast %add3A_1193 : i32 to index
        %swap3A_1201 = arith.constant 0 : index
        %swap3A_1202 = tpu.vector_load %arg9[%swap3A_1200, %swap3A_1201] {strides = array<i32>} : memref<400x128xf32, #tpu.memory_space<vmem>>, vector<1x16xf32>,
        %swap3A_1203 = vector.shape_cast %swap3A_1202 : vector<1x16xf32> to vector<16xf32>
        %swap3A_1204 = vector.shape_cast %add3A_1199 : vector<16xf32> to vector<1x16xf32>
        tpu.vector_store %arg9[%swap3A_1200, %swap3A_1201], %swap3A_1204 {strides = array<i32>} : memref<400x128xf32, #tpu.memory_space<vmem>>, vector<1x16xf32>,
        %get3A_1205 = arith.index_cast %add3A_1193 : i32 to index
        %get3A_1206 = arith.constant 16 : index
        %get3A_1207 = tpu.vector_load %arg9[%get3A_1205, %get3A_1206] {strides = array<i32>} : memref<400x128xf32, #tpu.memory_space<vmem>>, vector<1x16xf32>,
        %get3A_1208 = vector.shape_cast %get3A_1207 : vector<1x16xf32> to vector<16xf32>
        %add3A_1209 = vector.broadcast %squeeze3A_1189 : f32 to vector<16xf32>
        %add3A_1210 = arith.addf %get3A_1208, %add3A_1209 : vector<16xf32>
        %swap3A_1211 = arith.index_cast %add3A_1193 : i32 to index
        %swap3A_1212 = arith.constant 16 : index
        %swap3A_1213 = tpu.vector_load %arg9[%swap3A_1211, %swap3A_1212] {strides = array<i32>} : memref<400x128xf32, #tpu.memory_space<vmem>>, vector<1x16xf32>,
        %swap3A_1214 = vector.shape_cast %swap3A_1213 : vector<1x16xf32> to vector<16xf32>
        %swap3A_1215 = vector.shape_cast %add3A_1210 : vector<16xf32> to vector<1x16xf32>
        tpu.vector_store %arg9[%swap3A_1211, %swap3A_1212], %swap3A_1215 {strides = array<i32>} : memref<400x128xf32, #tpu.memory_space<vmem>>, vector<1x16xf32>,
        %get3A_1216 = arith.index_cast %add3A_1193 : i32 to index
        %get3A_1217 = arith.constant 32 : index
        %get3A_1218 = tpu.vector_load %arg9[%get3A_1216, %get3A_1217] {strides = array<i32>} : memref<400x128xf32, #tpu.memory_space<vmem>>, vector<1x16xf32>,
        %get3A_1219 = vector.shape_cast %get3A_1218 : vector<1x16xf32> to vector<16xf32>
        %add3A_1220 = vector.broadcast %squeeze3A_1189 : f32 to vector<16xf32>
        %add3A_1221 = arith.addf %get3A_1219, %add3A_1220 : vector<16xf32>
        %swap3A_1222 = arith.index_cast %add3A_1193 : i32 to index
        %swap3A_1223 = arith.constant 32 : index
        %swap3A_1224 = tpu.vector_load %arg9[%swap3A_1222, %swap3A_1223] {strides = array<i32>} : memref<400x128xf32, #tpu.memory_space<vmem>>, vector<1x16xf32>,
        %swap3A_1225 = vector.shape_cast %swap3A_1224 : vector<1x16xf32> to vector<16xf32>
        %swap3A_1226 = vector.shape_cast %add3A_1221 : vector<16xf32> to vector<1x16xf32>
        tpu.vector_store %arg9[%swap3A_1222, %swap3A_1223], %swap3A_1226 {strides = array<i32>} : memref<400x128xf32, #tpu.memory_space<vmem>>, vector<1x16xf32>,
        %get3A_1227 = arith.index_cast %add3A_1193 : i32 to index
        %get3A_1228 = arith.constant 48 : index
        %get3A_1229 = tpu.vector_load %arg9[%get3A_1227, %get3A_1228] {strides = array<i32>} : memref<400x128xf32, #tpu.memory_space<vmem>>, vector<1x16xf32>,
        %get3A_1230 = vector.shape_cast %get3A_1229 : vector<1x16xf32> to vector<16xf32>
        %add3A_1231 = vector.broadcast %squeeze3A_1189 : f32 to vector<16xf32>
        %add3A_1232 = arith.addf %get3A_1230, %add3A_1231 : vector<16xf32>
        %swap3A_1233 = arith.index_cast %add3A_1193 : i32 to index
        %swap3A_1234 = arith.constant 48 : index
        %swap3A_1235 = tpu.vector_load %arg9[%swap3A_1233, %swap3A_1234] {strides = array<i32>} : memref<400x128xf32, #tpu.memory_space<vmem>>, vector<1x16xf32>,
        %swap3A_1236 = vector.shape_cast %swap3A_1235 : vector<1x16xf32> to vector<16xf32>
        %swap3A_1237 = vector.shape_cast %add3A_1232 : vector<16xf32> to vector<1x16xf32>
        tpu.vector_store %arg9[%swap3A_1233, %swap3A_1234], %swap3A_1237 {strides = array<i32>} : memref<400x128xf32, #tpu.memory_space<vmem>>, vector<1x16xf32>,
        %get3A_1238 = arith.index_cast %add3A_1193 : i32 to index
        %get3A_1239 = arith.constant 64 : index
        %get3A_1240 = tpu.vector_load %arg9[%get3A_1238, %get3A_1239] {strides = array<i32>} : memref<400x128xf32, #tpu.memory_space<vmem>>, vector<1x16xf32>,
        %get3A_1241 = vector.shape_cast %get3A_1240 : vector<1x16xf32> to vector<16xf32>
        %add3A_1242 = vector.broadcast %squeeze3A_1189 : f32 to vector<16xf32>
        %add3A_1243 = arith.addf %get3A_1241, %add3A_1242 : vector<16xf32>
        %swap3A_1244 = arith.index_cast %add3A_1193 : i32 to index
        %swap3A_1245 = arith.constant 64 : index
        %swap3A_1246 = tpu.vector_load %arg9[%swap3A_1244, %swap3A_1245] {strides = array<i32>} : memref<400x128xf32, #tpu.memory_space<vmem>>, vector<1x16xf32>,
        %swap3A_1247 = vector.shape_cast %swap3A_1246 : vector<1x16xf32> to vector<16xf32>
        %swap3A_1248 = vector.shape_cast %add3A_1243 : vector<16xf32> to vector<1x16xf32>
        tpu.vector_store %arg9[%swap3A_1244, %swap3A_1245], %swap3A_1248 {strides = array<i32>} : memref<400x128xf32, #tpu.memory_space<vmem>>, vector<1x16xf32>,
        %get3A_1249 = arith.index_cast %add3A_1193 : i32 to index
        %get3A_1250 = arith.constant 80 : index
        %get3A_1251 = tpu.vector_load %arg9[%get3A_1249, %get3A_1250] {strides = array<i32>} : memref<400x128xf32, #tpu.memory_space<vmem>>, vector<1x16xf32>,
        %get3A_1252 = vector.shape_cast %get3A_1251 : vector<1x16xf32> to vector<16xf32>
        %add3A_1253 = vector.broadcast %squeeze3A_1189 : f32 to vector<16xf32>
        %add3A_1254 = arith.addf %get3A_1252, %add3A_1253 : vector<16xf32>
        %swap3A_1255 = arith.index_cast %add3A_1193 : i32 to index
        %swap3A_1256 = arith.constant 80 : index
        %swap3A_1257 = tpu.vector_load %arg9[%swap3A_1255, %swap3A_1256] {strides = array<i32>} : memref<400x128xf32, #tpu.memory_space<vmem>>, vector<1x16xf32>,
        %swap3A_1258 = vector.shape_cast %swap3A_1257 : vector<1x16xf32> to vector<16xf32>
        %swap3A_1259 = vector.shape_cast %add3A_1254 : vector<16xf32> to vector<1x16xf32>
        tpu.vector_store %arg9[%swap3A_1255, %swap3A_1256], %swap3A_1259 {strides = array<i32>} : memref<400x128xf32, #tpu.memory_space<vmem>>, vector<1x16xf32>,
        %get3A_1260 = arith.index_cast %add3A_1193 : i32 to index
        %get3A_1261 = arith.constant 96 : index
        %get3A_1262 = tpu.vector_load %arg9[%get3A_1260, %get3A_1261] {strides = array<i32>} : memref<400x128xf32, #tpu.memory_space<vmem>>, vector<1x16xf32>,
        %get3A_1263 = vector.shape_cast %get3A_1262 : vector<1x16xf32> to vector<16xf32>
        %add3A_1264 = vector.broadcast %squeeze3A_1189 : f32 to vector<16xf32>
        %add3A_1265 = arith.addf %get3A_1263, %add3A_1264 : vector<16xf32>
        %swap3A_1266 = arith.index_cast %add3A_1193 : i32 to index
        %swap3A_1267 = arith.constant 96 : index
        %swap3A_1268 = tpu.vector_load %arg9[%swap3A_1266, %swap3A_1267] {strides = array<i32>} : memref<400x128xf32, #tpu.memory_space<vmem>>, vector<1x16xf32>,
        %swap3A_1269 = vector.shape_cast %swap3A_1268 : vector<1x16xf32> to vector<16xf32>
        %swap3A_1270 = vector.shape_cast %add3A_1265 : vector<16xf32> to vector<1x16xf32>
        tpu.vector_store %arg9[%swap3A_1266, %swap3A_1267], %swap3A_1270 {strides = array<i32>} : memref<400x128xf32, #tpu.memory_space<vmem>>, vector<1x16xf32>,
        %get3A_1271 = arith.index_cast %add3A_1193 : i32 to index
        %get3A_1272 = arith.constant 112 : index
        %get3A_1273 = tpu.vector_load %arg9[%get3A_1271, %get3A_1272] {strides = array<i32>} : memref<400x128xf32, #tpu.memory_space<vmem>>, vector<1x16xf32>,
        %get3A_1274 = vector.shape_cast %get3A_1273 : vector<1x16xf32> to vector<16xf32>
        %add3A_1275 = vector.broadcast %squeeze3A_1189 : f32 to vector<16xf32>
        %add3A_1276 = arith.addf %get3A_1274, %add3A_1275 : vector<16xf32>
        %swap3A_1277 = arith.index_cast %add3A_1193 : i32 to index
        %swap3A_1278 = arith.constant 112 : index
        %swap3A_1279 = tpu.vector_load %arg9[%swap3A_1277, %swap3A_1278] {strides = array<i32>} : memref<400x128xf32, #tpu.memory_space<vmem>>, vector<1x16xf32>,
        %swap3A_1280 = vector.shape_cast %swap3A_1279 : vector<1x16xf32> to vector<16xf32>
        %swap3A_1281 = vector.shape_cast %add3A_1276 : vector<16xf32> to vector<1x16xf32>
        tpu.vector_store %arg9[%swap3A_1277, %swap3A_1278], %swap3A_1281 {strides = array<i32>} : memref<400x128xf32, #tpu.memory_space<vmem>>, vector<1x16xf32>,
        %slice3A_1282 = vector.extract_strided_slice %get3A_1002 {offsets = [3], sizes = [1], strides = [1]} : vector<16xf32> to vector<1xf32>
        %squeeze3A_1283 = vector.extract %slice3A_1282[0] : f32 from vector<1xf32>
        %mul3A_1284 = arith.constant 16 : i32
        %mul3A_1285 = arith.muli %scan3A_998, %mul3A_1284 : i32
        %add3A_1286 = arith.constant 3 : i32
        %add3A_1287 = arith.addi %mul3A_1285, %add3A_1286 : i32
        %get3A_1288 = arith.index_cast %add3A_1287 : i32 to index
        %get3A_1289 = arith.constant 0 : index
        %get3A_1290 = tpu.vector_load %arg9[%get3A_1288, %get3A_1289] {strides = array<i32>} : memref<400x128xf32, #tpu.memory_space<vmem>>, vector<1x16xf32>,
        %get3A_1291 = vector.shape_cast %get3A_1290 : vector<1x16xf32> to vector<16xf32>
        %add3A_1292 = vector.broadcast %squeeze3A_1283 : f32 to vector<16xf32>
        %add3A_1293 = arith.addf %get3A_1291, %add3A_1292 : vector<16xf32>
        %swap3A_1294 = arith.index_cast %add3A_1287 : i32 to index
        %swap3A_1295 = arith.constant 0 : index
        %swap3A_1296 = tpu.vector_load %arg9[%swap3A_1294, %swap3A_1295] {strides = array<i32>} : memref<400x128xf32, #tpu.memory_space<vmem>>, vector<1x16xf32>,
        %swap3A_1297 = vector.shape_cast %swap3A_1296 : vector<1x16xf32> to vector<16xf32>
        %swap3A_1298 = vector.shape_cast %add3A_1293 : vector<16xf32> to vector<1x16xf32>
        tpu.vector_store %arg9[%swap3A_1294, %swap3A_1295], %swap3A_1298 {strides = array<i32>} : memref<400x128xf32, #tpu.memory_space<vmem>>, vector<1x16xf32>,
        %get3A_1299 = arith.index_cast %add3A_1287 : i32 to index
        %get3A_1300 = arith.constant 16 : index
        %get3A_1301 = tpu.vector_load %arg9[%get3A_1299, %get3A_1300] {strides = array<i32>} : memref<400x128xf32, #tpu.memory_space<vmem>>, vector<1x16xf32>,
        %get3A_1302 = vector.shape_cast %get3A_1301 : vector<1x16xf32> to vector<16xf32>
        %add3A_1303 = vector.broadcast %squeeze3A_1283 : f32 to vector<16xf32>
        %add3A_1304 = arith.addf %get3A_1302, %add3A_1303 : vector<16xf32>
        %swap3A_1305 = arith.index_cast %add3A_1287 : i32 to index
        %swap3A_1306 = arith.constant 16 : index
        %swap3A_1307 = tpu.vector_load %arg9[%swap3A_1305, %swap3A_1306] {strides = array<i32>} : memref<400x128xf32, #tpu.memory_space<vmem>>, vector<1x16xf32>,
        %swap3A_1308 = vector.shape_cast %swap3A_1307 : vector<1x16xf32> to vector<16xf32>
        %swap3A_1309 = vector.shape_cast %add3A_1304 : vector<16xf32> to vector<1x16xf32>
        tpu.vector_store %arg9[%swap3A_1305, %swap3A_1306], %swap3A_1309 {strides = array<i32>} : memref<400x128xf32, #tpu.memory_space<vmem>>, vector<1x16xf32>,
        %get3A_1310 = arith.index_cast %add3A_1287 : i32 to index
        %get3A_1311 = arith.constant 32 : index
        %get3A_1312 = tpu.vector_load %arg9[%get3A_1310, %get3A_1311] {strides = array<i32>} : memref<400x128xf32, #tpu.memory_space<vmem>>, vector<1x16xf32>,
        %get3A_1313 = vector.shape_cast %get3A_1312 : vector<1x16xf32> to vector<16xf32>
        %add3A_1314 = vector.broadcast %squeeze3A_1283 : f32 to vector<16xf32>
        %add3A_1315 = arith.addf %get3A_1313, %add3A_1314 : vector<16xf32>
        %swap3A_1316 = arith.index_cast %add3A_1287 : i32 to index
        %swap3A_1317 = arith.constant 32 : index
        %swap3A_1318 = tpu.vector_load %arg9[%swap3A_1316, %swap3A_1317] {strides = array<i32>} : memref<400x128xf32, #tpu.memory_space<vmem>>, vector<1x16xf32>,
        %swap3A_1319 = vector.shape_cast %swap3A_1318 : vector<1x16xf32> to vector<16xf32>
        %swap3A_1320 = vector.shape_cast %add3A_1315 : vector<16xf32> to vector<1x16xf32>
        tpu.vector_store %arg9[%swap3A_1316, %swap3A_1317], %swap3A_1320 {strides = array<i32>} : memref<400x128xf32, #tpu.memory_space<vmem>>, vector<1x16xf32>,
        %get3A_1321 = arith.index_cast %add3A_1287 : i32 to index
        %get3A_1322 = arith.constant 48 : index
        %get3A_1323 = tpu.vector_load %arg9[%get3A_1321, %get3A_1322] {strides = array<i32>} : memref<400x128xf32, #tpu.memory_space<vmem>>, vector<1x16xf32>,
        %get3A_1324 = vector.shape_cast %get3A_1323 : vector<1x16xf32> to vector<16xf32>
        %add3A_1325 = vector.broadcast %squeeze3A_1283 : f32 to vector<16xf32>
        %add3A_1326 = arith.addf %get3A_1324, %add3A_1325 : vector<16xf32>
        %swap3A_1327 = arith.index_cast %add3A_1287 : i32 to index
        %swap3A_1328 = arith.constant 48 : index
        %swap3A_1329 = tpu.vector_load %arg9[%swap3A_1327, %swap3A_1328] {strides = array<i32>} : memref<400x128xf32, #tpu.memory_space<vmem>>, vector<1x16xf32>,
        %swap3A_1330 = vector.shape_cast %swap3A_1329 : vector<1x16xf32> to vector<16xf32>
        %swap3A_1331 = vector.shape_cast %add3A_1326 : vector<16xf32> to vector<1x16xf32>
        tpu.vector_store %arg9[%swap3A_1327, %swap3A_1328], %swap3A_1331 {strides = array<i32>} : memref<400x128xf32, #tpu.memory_space<vmem>>, vector<1x16xf32>,
        %get3A_1332 = arith.index_cast %add3A_1287 : i32 to index
        %get3A_1333 = arith.constant 64 : index
        %get3A_1334 = tpu.vector_load %arg9[%get3A_1332, %get3A_1333] {strides = array<i32>} : memref<400x128xf32, #tpu.memory_space<vmem>>, vector<1x16xf32>,
        %get3A_1335 = vector.shape_cast %get3A_1334 : vector<1x16xf32> to vector<16xf32>
        %add3A_1336 = vector.broadcast %squeeze3A_1283 : f32 to vector<16xf32>
        %add3A_1337 = arith.addf %get3A_1335, %add3A_1336 : vector<16xf32>
        %swap3A_1338 = arith.index_cast %add3A_1287 : i32 to index
        %swap3A_1339 = arith.constant 64 : index
        %swap3A_1340 = tpu.vector_load %arg9[%swap3A_1338, %swap3A_1339] {strides = array<i32>} : memref<400x128xf32, #tpu.memory_space<vmem>>, vector<1x16xf32>,
        %swap3A_1341 = vector.shape_cast %swap3A_1340 : vector<1x16xf32> to vector<16xf32>
        %swap3A_1342 = vector.shape_cast %add3A_1337 : vector<16xf32> to vector<1x16xf32>
        tpu.vector_store %arg9[%swap3A_1338, %swap3A_1339], %swap3A_1342 {strides = array<i32>} : memref<400x128xf32, #tpu.memory_space<vmem>>, vector<1x16xf32>,
        %get3A_1343 = arith.index_cast %add3A_1287 : i32 to index
        %get3A_1344 = arith.constant 80 : index
        %get3A_1345 = tpu.vector_load %arg9[%get3A_1343, %get3A_1344] {strides = array<i32>} : memref<400x128xf32, #tpu.memory_space<vmem>>, vector<1x16xf32>,
        %get3A_1346 = vector.shape_cast %get3A_1345 : vector<1x16xf32> to vector<16xf32>
        %add3A_1347 = vector.broadcast %squeeze3A_1283 : f32 to vector<16xf32>
        %add3A_1348 = arith.addf %get3A_1346, %add3A_1347 : vector<16xf32>
        %swap3A_1349 = arith.index_cast %add3A_1287 : i32 to index
        %swap3A_1350 = arith.constant 80 : index
        %swap3A_1351 = tpu.vector_load %arg9[%swap3A_1349, %swap3A_1350] {strides = array<i32>} : memref<400x128xf32, #tpu.memory_space<vmem>>, vector<1x16xf32>,
        %swap3A_1352 = vector.shape_cast %swap3A_1351 : vector<1x16xf32> to vector<16xf32>
        %swap3A_1353 = vector.shape_cast %add3A_1348 : vector<16xf32> to vector<1x16xf32>
        tpu.vector_store %arg9[%swap3A_1349, %swap3A_1350], %swap3A_1353 {strides = array<i32>} : memref<400x128xf32, #tpu.memory_space<vmem>>, vector<1x16xf32>,
        %get3A_1354 = arith.index_cast %add3A_1287 : i32 to index
        %get3A_1355 = arith.constant 96 : index
        %get3A_1356 = tpu.vector_load %arg9[%get3A_1354, %get3A_1355] {strides = array<i32>} : memref<400x128xf32, #tpu.memory_space<vmem>>, vector<1x16xf32>,
        %get3A_1357 = vector.shape_cast %get3A_1356 : vector<1x16xf32> to vector<16xf32>
        %add3A_1358 = vector.broadcast %squeeze3A_1283 : f32 to vector<16xf32>
        %add3A_1359 = arith.addf %get3A_1357, %add3A_1358 : vector<16xf32>
        %swap3A_1360 = arith.index_cast %add3A_1287 : i32 to index
        %swap3A_1361 = arith.constant 96 : index
        %swap3A_1362 = tpu.vector_load %arg9[%swap3A_1360, %swap3A_1361] {strides = array<i32>} : memref<400x128xf32, #tpu.memory_space<vmem>>, vector<1x16xf32>,
        %swap3A_1363 = vector.shape_cast %swap3A_1362 : vector<1x16xf32> to vector<16xf32>
        %swap3A_1364 = vector.shape_cast %add3A_1359 : vector<16xf32> to vector<1x16xf32>
        tpu.vector_store %arg9[%swap3A_1360, %swap3A_1361], %swap3A_1364 {strides = array<i32>} : memref<400x128xf32, #tpu.memory_space<vmem>>, vector<1x16xf32>,
        %get3A_1365 = arith.index_cast %add3A_1287 : i32 to index
        %get3A_1366 = arith.constant 112 : index
        %get3A_1367 = tpu.vector_load %arg9[%get3A_1365, %get3A_1366] {strides = array<i32>} : memref<400x128xf32, #tpu.memory_space<vmem>>, vector<1x16xf32>,
        %get3A_1368 = vector.shape_cast %get3A_1367 : vector<1x16xf32> to vector<16xf32>
        %add3A_1369 = vector.broadcast %squeeze3A_1283 : f32 to vector<16xf32>
        %add3A_1370 = arith.addf %get3A_1368, %add3A_1369 : vector<16xf32>
        %swap3A_1371 = arith.index_cast %add3A_1287 : i32 to index
        %swap3A_1372 = arith.constant 112 : index
        %swap3A_1373 = tpu.vector_load %arg9[%swap3A_1371, %swap3A_1372] {strides = array<i32>} : memref<400x128xf32, #tpu.memory_space<vmem>>, vector<1x16xf32>,
        %swap3A_1374 = vector.shape_cast %swap3A_1373 : vector<1x16xf32> to vector<16xf32>
        %swap3A_1375 = vector.shape_cast %add3A_1370 : vector<16xf32> to vector<1x16xf32>
        tpu.vector_store %arg9[%swap3A_1371, %swap3A_1372], %swap3A_1375 {strides = array<i32>} : memref<400x128xf32, #tpu.memory_space<vmem>>, vector<1x16xf32>,
        %slice3A_1376 = vector.extract_strided_slice %get3A_1002 {offsets = [4], sizes = [1], strides = [1]} : vector<16xf32> to vector<1xf32>
        %squeeze3A_1377 = vector.extract %slice3A_1376[0] : f32 from vector<1xf32>
        %mul3A_1378 = arith.constant 16 : i32
        %mul3A_1379 = arith.muli %scan3A_998, %mul3A_1378 : i32
        %add3A_1380 = arith.constant 4 : i32
        %add3A_1381 = arith.addi %mul3A_1379, %add3A_1380 : i32
        %get3A_1382 = arith.index_cast %add3A_1381 : i32 to index
        %get3A_1383 = arith.constant 0 : index
        %get3A_1384 = tpu.vector_load %arg9[%get3A_1382, %get3A_1383] {strides = array<i32>} : memref<400x128xf32, #tpu.memory_space<vmem>>, vector<1x16xf32>,
        %get3A_1385 = vector.shape_cast %get3A_1384 : vector<1x16xf32> to vector<16xf32>
        %add3A_1386 = vector.broadcast %squeeze3A_1377 : f32 to vector<16xf32>
        %add3A_1387 = arith.addf %get3A_1385, %add3A_1386 : vector<16xf32>
        %swap3A_1388 = arith.index_cast %add3A_1381 : i32 to index
        %swap3A_1389 = arith.constant 0 : index
        %swap3A_1390 = tpu.vector_load %arg9[%swap3A_1388, %swap3A_1389] {strides = array<i32>} : memref<400x128xf32, #tpu.memory_space<vmem>>, vector<1x16xf32>,
        %swap3A_1391 = vector.shape_cast %swap3A_1390 : vector<1x16xf32> to vector<16xf32>
        %swap3A_1392 = vector.shape_cast %add3A_1387 : vector<16xf32> to vector<1x16xf32>
        tpu.vector_store %arg9[%swap3A_1388, %swap3A_1389], %swap3A_1392 {strides = array<i32>} : memref<400x128xf32, #tpu.memory_space<vmem>>, vector<1x16xf32>,
        %get3A_1393 = arith.index_cast %add3A_1381 : i32 to index
        %get3A_1394 = arith.constant 16 : index
        %get3A_1395 = tpu.vector_load %arg9[%get3A_1393, %get3A_1394] {strides = array<i32>} : memref<400x128xf32, #tpu.memory_space<vmem>>, vector<1x16xf32>,
        %get3A_1396 = vector.shape_cast %get3A_1395 : vector<1x16xf32> to vector<16xf32>
        %add3A_1397 = vector.broadcast %squeeze3A_1377 : f32 to vector<16xf32>
        %add3A_1398 = arith.addf %get3A_1396, %add3A_1397 : vector<16xf32>
        %swap3A_1399 = arith.index_cast %add3A_1381 : i32 to index
        %swap3A_1400 = arith.constant 16 : index
        %swap3A_1401 = tpu.vector_load %arg9[%swap3A_1399, %swap3A_1400] {strides = array<i32>} : memref<400x128xf32, #tpu.memory_space<vmem>>, vector<1x16xf32>,
        %swap3A_1402 = vector.shape_cast %swap3A_1401 : vector<1x16xf32> to vector<16xf32>
        %swap3A_1403 = vector.shape_cast %add3A_1398 : vector<16xf32> to vector<1x16xf32>
        tpu.vector_store %arg9[%swap3A_1399, %swap3A_1400], %swap3A_1403 {strides = array<i32>} : memref<400x128xf32, #tpu.memory_space<vmem>>, vector<1x16xf32>,
        %get3A_1404 = arith.index_cast %add3A_1381 : i32 to index
        %get3A_1405 = arith.constant 32 : index
        %get3A_1406 = tpu.vector_load %arg9[%get3A_1404, %get3A_1405] {strides = array<i32>} : memref<400x128xf32, #tpu.memory_space<vmem>>, vector<1x16xf32>,
        %get3A_1407 = vector.shape_cast %get3A_1406 : vector<1x16xf32> to vector<16xf32>
        %add3A_1408 = vector.broadcast %squeeze3A_1377 : f32 to vector<16xf32>
        %add3A_1409 = arith.addf %get3A_1407, %add3A_1408 : vector<16xf32>
        %swap3A_1410 = arith.index_cast %add3A_1381 : i32 to index
        %swap3A_1411 = arith.constant 32 : index
        %swap3A_1412 = tpu.vector_load %arg9[%swap3A_1410, %swap3A_1411] {strides = array<i32>} : memref<400x128xf32, #tpu.memory_space<vmem>>, vector<1x16xf32>,
        %swap3A_1413 = vector.shape_cast %swap3A_1412 : vector<1x16xf32> to vector<16xf32>
        %swap3A_1414 = vector.shape_cast %add3A_1409 : vector<16xf32> to vector<1x16xf32>
        tpu.vector_store %arg9[%swap3A_1410, %swap3A_1411], %swap3A_1414 {strides = array<i32>} : memref<400x128xf32, #tpu.memory_space<vmem>>, vector<1x16xf32>,
        %get3A_1415 = arith.index_cast %add3A_1381 : i32 to index
        %get3A_1416 = arith.constant 48 : index
        %get3A_1417 = tpu.vector_load %arg9[%get3A_1415, %get3A_1416] {strides = array<i32>} : memref<400x128xf32, #tpu.memory_space<vmem>>, vector<1x16xf32>,
        %get3A_1418 = vector.shape_cast %get3A_1417 : vector<1x16xf32> to vector<16xf32>
        %add3A_1419 = vector.broadcast %squeeze3A_1377 : f32 to vector<16xf32>
        %add3A_1420 = arith.addf %get3A_1418, %add3A_1419 : vector<16xf32>
        %swap3A_1421 = arith.index_cast %add3A_1381 : i32 to index
        %swap3A_1422 = arith.constant 48 : index
        %swap3A_1423 = tpu.vector_load %arg9[%swap3A_1421, %swap3A_1422] {strides = array<i32>} : memref<400x128xf32, #tpu.memory_space<vmem>>, vector<1x16xf32>,
        %swap3A_1424 = vector.shape_cast %swap3A_1423 : vector<1x16xf32> to vector<16xf32>
        %swap3A_1425 = vector.shape_cast %add3A_1420 : vector<16xf32> to vector<1x16xf32>
        tpu.vector_store %arg9[%swap3A_1421, %swap3A_1422], %swap3A_1425 {strides = array<i32>} : memref<400x128xf32, #tpu.memory_space<vmem>>, vector<1x16xf32>,
        %get3A_1426 = arith.index_cast %add3A_1381 : i32 to index
        %get3A_1427 = arith.constant 64 : index
        %get3A_1428 = tpu.vector_load %arg9[%get3A_1426, %get3A_1427] {strides = array<i32>} : memref<400x128xf32, #tpu.memory_space<vmem>>, vector<1x16xf32>,
        %get3A_1429 = vector.shape_cast %get3A_1428 : vector<1x16xf32> to vector<16xf32>
        %add3A_1430 = vector.broadcast %squeeze3A_1377 : f32 to vector<16xf32>
        %add3A_1431 = arith.addf %get3A_1429, %add3A_1430 : vector<16xf32>
        %swap3A_1432 = arith.index_cast %add3A_1381 : i32 to index
        %swap3A_1433 = arith.constant 64 : index
        %swap3A_1434 = tpu.vector_load %arg9[%swap3A_1432, %swap3A_1433] {strides = array<i32>} : memref<400x128xf32, #tpu.memory_space<vmem>>, vector<1x16xf32>,
        %swap3A_1435 = vector.shape_cast %swap3A_1434 : vector<1x16xf32> to vector<16xf32>
        %swap3A_1436 = vector.shape_cast %add3A_1431 : vector<16xf32> to vector<1x16xf32>
        tpu.vector_store %arg9[%swap3A_1432, %swap3A_1433], %swap3A_1436 {strides = array<i32>} : memref<400x128xf32, #tpu.memory_space<vmem>>, vector<1x16xf32>,
        %get3A_1437 = arith.index_cast %add3A_1381 : i32 to index
        %get3A_1438 = arith.constant 80 : index
        %get3A_1439 = tpu.vector_load %arg9[%get3A_1437, %get3A_1438] {strides = array<i32>} : memref<400x128xf32, #tpu.memory_space<vmem>>, vector<1x16xf32>,
        %get3A_1440 = vector.shape_cast %get3A_1439 : vector<1x16xf32> to vector<16xf32>
        %add3A_1441 = vector.broadcast %squeeze3A_1377 : f32 to vector<16xf32>
        %add3A_1442 = arith.addf %get3A_1440, %add3A_1441 : vector<16xf32>
        %swap3A_1443 = arith.index_cast %add3A_1381 : i32 to index
        %swap3A_1444 = arith.constant 80 : index
        %swap3A_1445 = tpu.vector_load %arg9[%swap3A_1443, %swap3A_1444] {strides = array<i32>} : memref<400x128xf32, #tpu.memory_space<vmem>>, vector<1x16xf32>,
        %swap3A_1446 = vector.shape_cast %swap3A_1445 : vector<1x16xf32> to vector<16xf32>
        %swap3A_1447 = vector.shape_cast %add3A_1442 : vector<16xf32> to vector<1x16xf32>
        tpu.vector_store %arg9[%swap3A_1443, %swap3A_1444], %swap3A_1447 {strides = array<i32>} : memref<400x128xf32, #tpu.memory_space<vmem>>, vector<1x16xf32>,
        %get3A_1448 = arith.index_cast %add3A_1381 : i32 to index
        %get3A_1449 = arith.constant 96 : index
        %get3A_1450 = tpu.vector_load %arg9[%get3A_1448, %get3A_1449] {strides = array<i32>} : memref<400x128xf32, #tpu.memory_space<vmem>>, vector<1x16xf32>,
        %get3A_1451 = vector.shape_cast %get3A_1450 : vector<1x16xf32> to vector<16xf32>
        %add3A_1452 = vector.broadcast %squeeze3A_1377 : f32 to vector<16xf32>
        %add3A_1453 = arith.addf %get3A_1451, %add3A_1452 : vector<16xf32>
        %swap3A_1454 = arith.index_cast %add3A_1381 : i32 to index
        %swap3A_1455 = arith.constant 96 : index
        %swap3A_1456 = tpu.vector_load %arg9[%swap3A_1454, %swap3A_1455] {strides = array<i32>} : memref<400x128xf32, #tpu.memory_space<vmem>>, vector<1x16xf32>,
        %swap3A_1457 = vector.shape_cast %swap3A_1456 : vector<1x16xf32> to vector<16xf32>
        %swap3A_1458 = vector.shape_cast %add3A_1453 : vector<16xf32> to vector<1x16xf32>
        tpu.vector_store %arg9[%swap3A_1454, %swap3A_1455], %swap3A_1458 {strides = array<i32>} : memref<400x128xf32, #tpu.memory_space<vmem>>, vector<1x16xf32>,
        %get3A_1459 = arith.index_cast %add3A_1381 : i32 to index
        %get3A_1460 = arith.constant 112 : index
        %get3A_1461 = tpu.vector_load %arg9[%get3A_1459, %get3A_1460] {strides = array<i32>} : memref<400x128xf32, #tpu.memory_space<vmem>>, vector<1x16xf32>,
        %get3A_1462 = vector.shape_cast %get3A_1461 : vector<1x16xf32> to vector<16xf32>
        %add3A_1463 = vector.broadcast %squeeze3A_1377 : f32 to vector<16xf32>
        %add3A_1464 = arith.addf %get3A_1462, %add3A_1463 : vector<16xf32>
        %swap3A_1465 = arith.index_cast %add3A_1381 : i32 to index
        %swap3A_1466 = arith.constant 112 : index
        %swap3A_1467 = tpu.vector_load %arg9[%swap3A_1465, %swap3A_1466] {strides = array<i32>} : memref<400x128xf32, #tpu.memory_space<vmem>>, vector<1x16xf32>,
        %swap3A_1468 = vector.shape_cast %swap3A_1467 : vector<1x16xf32> to vector<16xf32>
        %swap3A_1469 = vector.shape_cast %add3A_1464 : vector<16xf32> to vector<1x16xf32>
        tpu.vector_store %arg9[%swap3A_1465, %swap3A_1466], %swap3A_1469 {strides = array<i32>} : memref<400x128xf32, #tpu.memory_space<vmem>>, vector<1x16xf32>,
        %slice3A_1470 = vector.extract_strided_slice %get3A_1002 {offsets = [5], sizes = [1], strides = [1]} : vector<16xf32> to vector<1xf32>
        %squeeze3A_1471 = vector.extract %slice3A_1470[0] : f32 from vector<1xf32>
        %mul3A_1472 = arith.constant 16 : i32
        %mul3A_1473 = arith.muli %scan3A_998, %mul3A_1472 : i32
        %add3A_1474 = arith.constant 5 : i32
        %add3A_1475 = arith.addi %mul3A_1473, %add3A_1474 : i32
        %get3A_1476 = arith.index_cast %add3A_1475 : i32 to index
        %get3A_1477 = arith.constant 0 : index
        %get3A_1478 = tpu.vector_load %arg9[%get3A_1476, %get3A_1477] {strides = array<i32>} : memref<400x128xf32, #tpu.memory_space<vmem>>, vector<1x16xf32>,
        %get3A_1479 = vector.shape_cast %get3A_1478 : vector<1x16xf32> to vector<16xf32>
        %add3A_1480 = vector.broadcast %squeeze3A_1471 : f32 to vector<16xf32>
        %add3A_1481 = arith.addf %get3A_1479, %add3A_1480 : vector<16xf32>
        %swap3A_1482 = arith.index_cast %add3A_1475 : i32 to index
        %swap3A_1483 = arith.constant 0 : index
        %swap3A_1484 = tpu.vector_load %arg9[%swap3A_1482, %swap3A_1483] {strides = array<i32>} : memref<400x128xf32, #tpu.memory_space<vmem>>, vector<1x16xf32>,
        %swap3A_1485 = vector.shape_cast %swap3A_1484 : vector<1x16xf32> to vector<16xf32>
        %swap3A_1486 = vector.shape_cast %add3A_1481 : vector<16xf32> to vector<1x16xf32>
        tpu.vector_store %arg9[%swap3A_1482, %swap3A_1483], %swap3A_1486 {strides = array<i32>} : memref<400x128xf32, #tpu.memory_space<vmem>>, vector<1x16xf32>,
        %get3A_1487 = arith.index_cast %add3A_1475 : i32 to index
        %get3A_1488 = arith.constant 16 : index
        %get3A_1489 = tpu.vector_load %arg9[%get3A_1487, %get3A_1488] {strides = array<i32>} : memref<400x128xf32, #tpu.memory_space<vmem>>, vector<1x16xf32>,
        %get3A_1490 = vector.shape_cast %get3A_1489 : vector<1x16xf32> to vector<16xf32>
        %add3A_1491 = vector.broadcast %squeeze3A_1471 : f32 to vector<16xf32>
        %add3A_1492 = arith.addf %get3A_1490, %add3A_1491 : vector<16xf32>
        %swap3A_1493 = arith.index_cast %add3A_1475 : i32 to index
        %swap3A_1494 = arith.constant 16 : index
        %swap3A_1495 = tpu.vector_load %arg9[%swap3A_1493, %swap3A_1494] {strides = array<i32>} : memref<400x128xf32, #tpu.memory_space<vmem>>, vector<1x16xf32>,
        %swap3A_1496 = vector.shape_cast %swap3A_1495 : vector<1x16xf32> to vector<16xf32>
        %swap3A_1497 = vector.shape_cast %add3A_1492 : vector<16xf32> to vector<1x16xf32>
        tpu.vector_store %arg9[%swap3A_1493, %swap3A_1494], %swap3A_1497 {strides = array<i32>} : memref<400x128xf32, #tpu.memory_space<vmem>>, vector<1x16xf32>,
        %get3A_1498 = arith.index_cast %add3A_1475 : i32 to index
        %get3A_1499 = arith.constant 32 : index
        %get3A_1500 = tpu.vector_load %arg9[%get3A_1498, %get3A_1499] {strides = array<i32>} : memref<400x128xf32, #tpu.memory_space<vmem>>, vector<1x16xf32>,
        %get3A_1501 = vector.shape_cast %get3A_1500 : vector<1x16xf32> to vector<16xf32>
        %add3A_1502 = vector.broadcast %squeeze3A_1471 : f32 to vector<16xf32>
        %add3A_1503 = arith.addf %get3A_1501, %add3A_1502 : vector<16xf32>
        %swap3A_1504 = arith.index_cast %add3A_1475 : i32 to index
        %swap3A_1505 = arith.constant 32 : index
        %swap3A_1506 = tpu.vector_load %arg9[%swap3A_1504, %swap3A_1505] {strides = array<i32>} : memref<400x128xf32, #tpu.memory_space<vmem>>, vector<1x16xf32>,
        %swap3A_1507 = vector.shape_cast %swap3A_1506 : vector<1x16xf32> to vector<16xf32>
        %swap3A_1508 = vector.shape_cast %add3A_1503 : vector<16xf32> to vector<1x16xf32>
        tpu.vector_store %arg9[%swap3A_1504, %swap3A_1505], %swap3A_1508 {strides = array<i32>} : memref<400x128xf32, #tpu.memory_space<vmem>>, vector<1x16xf32>,
        %get3A_1509 = arith.index_cast %add3A_1475 : i32 to index
        %get3A_1510 = arith.constant 48 : index
        %get3A_1511 = tpu.vector_load %arg9[%get3A_1509, %get3A_1510] {strides = array<i32>} : memref<400x128xf32, #tpu.memory_space<vmem>>, vector<1x16xf32>,
        %get3A_1512 = vector.shape_cast %get3A_1511 : vector<1x16xf32> to vector<16xf32>
        %add3A_1513 = vector.broadcast %squeeze3A_1471 : f32 to vector<16xf32>
        %add3A_1514 = arith.addf %get3A_1512, %add3A_1513 : vector<16xf32>
        %swap3A_1515 = arith.index_cast %add3A_1475 : i32 to index
        %swap3A_1516 = arith.constant 48 : index
        %swap3A_1517 = tpu.vector_load %arg9[%swap3A_1515, %swap3A_1516] {strides = array<i32>} : memref<400x128xf32, #tpu.memory_space<vmem>>, vector<1x16xf32>,
        %swap3A_1518 = vector.shape_cast %swap3A_1517 : vector<1x16xf32> to vector<16xf32>
        %swap3A_1519 = vector.shape_cast %add3A_1514 : vector<16xf32> to vector<1x16xf32>
        tpu.vector_store %arg9[%swap3A_1515, %swap3A_1516], %swap3A_1519 {strides = array<i32>} : memref<400x128xf32, #tpu.memory_space<vmem>>, vector<1x16xf32>,
        %get3A_1520 = arith.index_cast %add3A_1475 : i32 to index
        %get3A_1521 = arith.constant 64 : index
        %get3A_1522 = tpu.vector_load %arg9[%get3A_1520, %get3A_1521] {strides = array<i32>} : memref<400x128xf32, #tpu.memory_space<vmem>>, vector<1x16xf32>,
        %get3A_1523 = vector.shape_cast %get3A_1522 : vector<1x16xf32> to vector<16xf32>
        %add3A_1524 = vector.broadcast %squeeze3A_1471 : f32 to vector<16xf32>
        %add3A_1525 = arith.addf %get3A_1523, %add3A_1524 : vector<16xf32>
        %swap3A_1526 = arith.index_cast %add3A_1475 : i32 to index
        %swap3A_1527 = arith.constant 64 : index
        %swap3A_1528 = tpu.vector_load %arg9[%swap3A_1526, %swap3A_1527] {strides = array<i32>} : memref<400x128xf32, #tpu.memory_space<vmem>>, vector<1x16xf32>,
        %swap3A_1529 = vector.shape_cast %swap3A_1528 : vector<1x16xf32> to vector<16xf32>
        %swap3A_1530 = vector.shape_cast %add3A_1525 : vector<16xf32> to vector<1x16xf32>
        tpu.vector_store %arg9[%swap3A_1526, %swap3A_1527], %swap3A_1530 {strides = array<i32>} : memref<400x128xf32, #tpu.memory_space<vmem>>, vector<1x16xf32>,
        %get3A_1531 = arith.index_cast %add3A_1475 : i32 to index
        %get3A_1532 = arith.constant 80 : index
        %get3A_1533 = tpu.vector_load %arg9[%get3A_1531, %get3A_1532] {strides = array<i32>} : memref<400x128xf32, #tpu.memory_space<vmem>>, vector<1x16xf32>,
        %get3A_1534 = vector.shape_cast %get3A_1533 : vector<1x16xf32> to vector<16xf32>
        %add3A_1535 = vector.broadcast %squeeze3A_1471 : f32 to vector<16xf32>
        %add3A_1536 = arith.addf %get3A_1534, %add3A_1535 : vector<16xf32>
        %swap3A_1537 = arith.index_cast %add3A_1475 : i32 to index
        %swap3A_1538 = arith.constant 80 : index
        %swap3A_1539 = tpu.vector_load %arg9[%swap3A_1537, %swap3A_1538] {strides = array<i32>} : memref<400x128xf32, #tpu.memory_space<vmem>>, vector<1x16xf32>,
        %swap3A_1540 = vector.shape_cast %swap3A_1539 : vector<1x16xf32> to vector<16xf32>
        %swap3A_1541 = vector.shape_cast %add3A_1536 : vector<16xf32> to vector<1x16xf32>
        tpu.vector_store %arg9[%swap3A_1537, %swap3A_1538], %swap3A_1541 {strides = array<i32>} : memref<400x128xf32, #tpu.memory_space<vmem>>, vector<1x16xf32>,
        %get3A_1542 = arith.index_cast %add3A_1475 : i32 to index
        %get3A_1543 = arith.constant 96 : index
        %get3A_1544 = tpu.vector_load %arg9[%get3A_1542, %get3A_1543] {strides = array<i32>} : memref<400x128xf32, #tpu.memory_space<vmem>>, vector<1x16xf32>,
        %get3A_1545 = vector.shape_cast %get3A_1544 : vector<1x16xf32> to vector<16xf32>
        %add3A_1546 = vector.broadcast %squeeze3A_1471 : f32 to vector<16xf32>
        %add3A_1547 = arith.addf %get3A_1545, %add3A_1546 : vector<16xf32>
        %swap3A_1548 = arith.index_cast %add3A_1475 : i32 to index
        %swap3A_1549 = arith.constant 96 : index
        %swap3A_1550 = tpu.vector_load %arg9[%swap3A_1548, %swap3A_1549] {strides = array<i32>} : memref<400x128xf32, #tpu.memory_space<vmem>>, vector<1x16xf32>,
        %swap3A_1551 = vector.shape_cast %swap3A_1550 : vector<1x16xf32> to vector<16xf32>
        %swap3A_1552 = vector.shape_cast %add3A_1547 : vector<16xf32> to vector<1x16xf32>
        tpu.vector_store %arg9[%swap3A_1548, %swap3A_1549], %swap3A_1552 {strides = array<i32>} : memref<400x128xf32, #tpu.memory_space<vmem>>, vector<1x16xf32>,
        %get3A_1553 = arith.index_cast %add3A_1475 : i32 to index
        %get3A_1554 = arith.constant 112 : index
        %get3A_1555 = tpu.vector_load %arg9[%get3A_1553, %get3A_1554] {strides = array<i32>} : memref<400x128xf32, #tpu.memory_space<vmem>>, vector<1x16xf32>,
        %get3A_1556 = vector.shape_cast %get3A_1555 : vector<1x16xf32> to vector<16xf32>
        %add3A_1557 = vector.broadcast %squeeze3A_1471 : f32 to vector<16xf32>
        %add3A_1558 = arith.addf %get3A_1556, %add3A_1557 : vector<16xf32>
        %swap3A_1559 = arith.index_cast %add3A_1475 : i32 to index
        %swap3A_1560 = arith.constant 112 : index
        %swap3A_1561 = tpu.vector_load %arg9[%swap3A_1559, %swap3A_1560] {strides = array<i32>} : memref<400x128xf32, #tpu.memory_space<vmem>>, vector<1x16xf32>,
        %swap3A_1562 = vector.shape_cast %swap3A_1561 : vector<1x16xf32> to vector<16xf32>
        %swap3A_1563 = vector.shape_cast %add3A_1558 : vector<16xf32> to vector<1x16xf32>
        tpu.vector_store %arg9[%swap3A_1559, %swap3A_1560], %swap3A_1563 {strides = array<i32>} : memref<400x128xf32, #tpu.memory_space<vmem>>, vector<1x16xf32>,
        %slice3A_1564 = vector.extract_strided_slice %get3A_1002 {offsets = [6], sizes = [1], strides = [1]} : vector<16xf32> to vector<1xf32>
        %squeeze3A_1565 = vector.extract %slice3A_1564[0] : f32 from vector<1xf32>
        %mul3A_1566 = arith.constant 16 : i32
        %mul3A_1567 = arith.muli %scan3A_998, %mul3A_1566 : i32
        %add3A_1568 = arith.constant 6 : i32
        %add3A_1569 = arith.addi %mul3A_1567, %add3A_1568 : i32
        %get3A_1570 = arith.index_cast %add3A_1569 : i32 to index
        %get3A_1571 = arith.constant 0 : index
        %get3A_1572 = tpu.vector_load %arg9[%get3A_1570, %get3A_1571] {strides = array<i32>} : memref<400x128xf32, #tpu.memory_space<vmem>>, vector<1x16xf32>,
        %get3A_1573 = vector.shape_cast %get3A_1572 : vector<1x16xf32> to vector<16xf32>
        %add3A_1574 = vector.broadcast %squeeze3A_1565 : f32 to vector<16xf32>
        %add3A_1575 = arith.addf %get3A_1573, %add3A_1574 : vector<16xf32>
        %swap3A_1576 = arith.index_cast %add3A_1569 : i32 to index
        %swap3A_1577 = arith.constant 0 : index
        %swap3A_1578 = tpu.vector_load %arg9[%swap3A_1576, %swap3A_1577] {strides = array<i32>} : memref<400x128xf32, #tpu.memory_space<vmem>>, vector<1x16xf32>,
        %swap3A_1579 = vector.shape_cast %swap3A_1578 : vector<1x16xf32> to vector<16xf32>
        %swap3A_1580 = vector.shape_cast %add3A_1575 : vector<16xf32> to vector<1x16xf32>
        tpu.vector_store %arg9[%swap3A_1576, %swap3A_1577], %swap3A_1580 {strides = array<i32>} : memref<400x128xf32, #tpu.memory_space<vmem>>, vector<1x16xf32>,
        %get3A_1581 = arith.index_cast %add3A_1569 : i32 to index
        %get3A_1582 = arith.constant 16 : index
        %get3A_1583 = tpu.vector_load %arg9[%get3A_1581, %get3A_1582] {strides = array<i32>} : memref<400x128xf32, #tpu.memory_space<vmem>>, vector<1x16xf32>,
        %get3A_1584 = vector.shape_cast %get3A_1583 : vector<1x16xf32> to vector<16xf32>
        %add3A_1585 = vector.broadcast %squeeze3A_1565 : f32 to vector<16xf32>
        %add3A_1586 = arith.addf %get3A_1584, %add3A_1585 : vector<16xf32>
        %swap3A_1587 = arith.index_cast %add3A_1569 : i32 to index
        %swap3A_1588 = arith.constant 16 : index
        %swap3A_1589 = tpu.vector_load %arg9[%swap3A_1587, %swap3A_1588] {strides = array<i32>} : memref<400x128xf32, #tpu.memory_space<vmem>>, vector<1x16xf32>,
        %swap3A_1590 = vector.shape_cast %swap3A_1589 : vector<1x16xf32> to vector<16xf32>
        %swap3A_1591 = vector.shape_cast %add3A_1586 : vector<16xf32> to vector<1x16xf32>
        tpu.vector_store %arg9[%swap3A_1587, %swap3A_1588], %swap3A_1591 {strides = array<i32>} : memref<400x128xf32, #tpu.memory_space<vmem>>, vector<1x16xf32>,
        %get3A_1592 = arith.index_cast %add3A_1569 : i32 to index
        %get3A_1593 = arith.constant 32 : index
        %get3A_1594 = tpu.vector_load %arg9[%get3A_1592, %get3A_1593] {strides = array<i32>} : memref<400x128xf32, #tpu.memory_space<vmem>>, vector<1x16xf32>,
        %get3A_1595 = vector.shape_cast %get3A_1594 : vector<1x16xf32> to vector<16xf32>
        %add3A_1596 = vector.broadcast %squeeze3A_1565 : f32 to vector<16xf32>
        %add3A_1597 = arith.addf %get3A_1595, %add3A_1596 : vector<16xf32>
        %swap3A_1598 = arith.index_cast %add3A_1569 : i32 to index
        %swap3A_1599 = arith.constant 32 : index
        %swap3A_1600 = tpu.vector_load %arg9[%swap3A_1598, %swap3A_1599] {strides = array<i32>} : memref<400x128xf32, #tpu.memory_space<vmem>>, vector<1x16xf32>,
        %swap3A_1601 = vector.shape_cast %swap3A_1600 : vector<1x16xf32> to vector<16xf32>
        %swap3A_1602 = vector.shape_cast %add3A_1597 : vector<16xf32> to vector<1x16xf32>
        tpu.vector_store %arg9[%swap3A_1598, %swap3A_1599], %swap3A_1602 {strides = array<i32>} : memref<400x128xf32, #tpu.memory_space<vmem>>, vector<1x16xf32>,
        %get3A_1603 = arith.index_cast %add3A_1569 : i32 to index
        %get3A_1604 = arith.constant 48 : index
        %get3A_1605 = tpu.vector_load %arg9[%get3A_1603, %get3A_1604] {strides = array<i32>} : memref<400x128xf32, #tpu.memory_space<vmem>>, vector<1x16xf32>,
        %get3A_1606 = vector.shape_cast %get3A_1605 : vector<1x16xf32> to vector<16xf32>
        %add3A_1607 = vector.broadcast %squeeze3A_1565 : f32 to vector<16xf32>
        %add3A_1608 = arith.addf %get3A_1606, %add3A_1607 : vector<16xf32>
        %swap3A_1609 = arith.index_cast %add3A_1569 : i32 to index
        %swap3A_1610 = arith.constant 48 : index
        %swap3A_1611 = tpu.vector_load %arg9[%swap3A_1609, %swap3A_1610] {strides = array<i32>} : memref<400x128xf32, #tpu.memory_space<vmem>>, vector<1x16xf32>,
        %swap3A_1612 = vector.shape_cast %swap3A_1611 : vector<1x16xf32> to vector<16xf32>
        %swap3A_1613 = vector.shape_cast %add3A_1608 : vector<16xf32> to vector<1x16xf32>
        tpu.vector_store %arg9[%swap3A_1609, %swap3A_1610], %swap3A_1613 {strides = array<i32>} : memref<400x128xf32, #tpu.memory_space<vmem>>, vector<1x16xf32>,
        %get3A_1614 = arith.index_cast %add3A_1569 : i32 to index
        %get3A_1615 = arith.constant 64 : index
        %get3A_1616 = tpu.vector_load %arg9[%get3A_1614, %get3A_1615] {strides = array<i32>} : memref<400x128xf32, #tpu.memory_space<vmem>>, vector<1x16xf32>,
        %get3A_1617 = vector.shape_cast %get3A_1616 : vector<1x16xf32> to vector<16xf32>
        %add3A_1618 = vector.broadcast %squeeze3A_1565 : f32 to vector<16xf32>
        %add3A_1619 = arith.addf %get3A_1617, %add3A_1618 : vector<16xf32>
        %swap3A_1620 = arith.index_cast %add3A_1569 : i32 to index
        %swap3A_1621 = arith.constant 64 : index
        %swap3A_1622 = tpu.vector_load %arg9[%swap3A_1620, %swap3A_1621] {strides = array<i32>} : memref<400x128xf32, #tpu.memory_space<vmem>>, vector<1x16xf32>,
        %swap3A_1623 = vector.shape_cast %swap3A_1622 : vector<1x16xf32> to vector<16xf32>
        %swap3A_1624 = vector.shape_cast %add3A_1619 : vector<16xf32> to vector<1x16xf32>
        tpu.vector_store %arg9[%swap3A_1620, %swap3A_1621], %swap3A_1624 {strides = array<i32>} : memref<400x128xf32, #tpu.memory_space<vmem>>, vector<1x16xf32>,
        %get3A_1625 = arith.index_cast %add3A_1569 : i32 to index
        %get3A_1626 = arith.constant 80 : index
        %get3A_1627 = tpu.vector_load %arg9[%get3A_1625, %get3A_1626] {strides = array<i32>} : memref<400x128xf32, #tpu.memory_space<vmem>>, vector<1x16xf32>,
        %get3A_1628 = vector.shape_cast %get3A_1627 : vector<1x16xf32> to vector<16xf32>
        %add3A_1629 = vector.broadcast %squeeze3A_1565 : f32 to vector<16xf32>
        %add3A_1630 = arith.addf %get3A_1628, %add3A_1629 : vector<16xf32>
        %swap3A_1631 = arith.index_cast %add3A_1569 : i32 to index
        %swap3A_1632 = arith.constant 80 : index
        %swap3A_1633 = tpu.vector_load %arg9[%swap3A_1631, %swap3A_1632] {strides = array<i32>} : memref<400x128xf32, #tpu.memory_space<vmem>>, vector<1x16xf32>,
        %swap3A_1634 = vector.shape_cast %swap3A_1633 : vector<1x16xf32> to vector<16xf32>
        %swap3A_1635 = vector.shape_cast %add3A_1630 : vector<16xf32> to vector<1x16xf32>
        tpu.vector_store %arg9[%swap3A_1631, %swap3A_1632], %swap3A_1635 {strides = array<i32>} : memref<400x128xf32, #tpu.memory_space<vmem>>, vector<1x16xf32>,
        %get3A_1636 = arith.index_cast %add3A_1569 : i32 to index
        %get3A_1637 = arith.constant 96 : index
        %get3A_1638 = tpu.vector_load %arg9[%get3A_1636, %get3A_1637] {strides = array<i32>} : memref<400x128xf32, #tpu.memory_space<vmem>>, vector<1x16xf32>,
        %get3A_1639 = vector.shape_cast %get3A_1638 : vector<1x16xf32> to vector<16xf32>
        %add3A_1640 = vector.broadcast %squeeze3A_1565 : f32 to vector<16xf32>
        %add3A_1641 = arith.addf %get3A_1639, %add3A_1640 : vector<16xf32>
        %swap3A_1642 = arith.index_cast %add3A_1569 : i32 to index
        %swap3A_1643 = arith.constant 96 : index
        %swap3A_1644 = tpu.vector_load %arg9[%swap3A_1642, %swap3A_1643] {strides = array<i32>} : memref<400x128xf32, #tpu.memory_space<vmem>>, vector<1x16xf32>,
        %swap3A_1645 = vector.shape_cast %swap3A_1644 : vector<1x16xf32> to vector<16xf32>
        %swap3A_1646 = vector.shape_cast %add3A_1641 : vector<16xf32> to vector<1x16xf32>
        tpu.vector_store %arg9[%swap3A_1642, %swap3A_1643], %swap3A_1646 {strides = array<i32>} : memref<400x128xf32, #tpu.memory_space<vmem>>, vector<1x16xf32>,
        %get3A_1647 = arith.index_cast %add3A_1569 : i32 to index
        %get3A_1648 = arith.constant 112 : index
        %get3A_1649 = tpu.vector_load %arg9[%get3A_1647, %get3A_1648] {strides = array<i32>} : memref<400x128xf32, #tpu.memory_space<vmem>>, vector<1x16xf32>,
        %get3A_1650 = vector.shape_cast %get3A_1649 : vector<1x16xf32> to vector<16xf32>
        %add3A_1651 = vector.broadcast %squeeze3A_1565 : f32 to vector<16xf32>
        %add3A_1652 = arith.addf %get3A_1650, %add3A_1651 : vector<16xf32>
        %swap3A_1653 = arith.index_cast %add3A_1569 : i32 to index
        %swap3A_1654 = arith.constant 112 : index
        %swap3A_1655 = tpu.vector_load %arg9[%swap3A_1653, %swap3A_1654] {strides = array<i32>} : memref<400x128xf32, #tpu.memory_space<vmem>>, vector<1x16xf32>,
        %swap3A_1656 = vector.shape_cast %swap3A_1655 : vector<1x16xf32> to vector<16xf32>
        %swap3A_1657 = vector.shape_cast %add3A_1652 : vector<16xf32> to vector<1x16xf32>
        tpu.vector_store %arg9[%swap3A_1653, %swap3A_1654], %swap3A_1657 {strides = array<i32>} : memref<400x128xf32, #tpu.memory_space<vmem>>, vector<1x16xf32>,
        %slice3A_1658 = vector.extract_strided_slice %get3A_1002 {offsets = [7], sizes = [1], strides = [1]} : vector<16xf32> to vector<1xf32>
        %squeeze3A_1659 = vector.extract %slice3A_1658[0] : f32 from vector<1xf32>
        %mul3A_1660 = arith.constant 16 : i32
        %mul3A_1661 = arith.muli %scan3A_998, %mul3A_1660 : i32
        %add3A_1662 = arith.constant 7 : i32
        %add3A_1663 = arith.addi %mul3A_1661, %add3A_1662 : i32
        %get3A_1664 = arith.index_cast %add3A_1663 : i32 to index
        %get3A_1665 = arith.constant 0 : index
        %get3A_1666 = tpu.vector_load %arg9[%get3A_1664, %get3A_1665] {strides = array<i32>} : memref<400x128xf32, #tpu.memory_space<vmem>>, vector<1x16xf32>,
        %get3A_1667 = vector.shape_cast %get3A_1666 : vector<1x16xf32> to vector<16xf32>
        %add3A_1668 = vector.broadcast %squeeze3A_1659 : f32 to vector<16xf32>
        %add3A_1669 = arith.addf %get3A_1667, %add3A_1668 : vector<16xf32>
        %swap3A_1670 = arith.index_cast %add3A_1663 : i32 to index
        %swap3A_1671 = arith.constant 0 : index
        %swap3A_1672 = tpu.vector_load %arg9[%swap3A_1670, %swap3A_1671] {strides = array<i32>} : memref<400x128xf32, #tpu.memory_space<vmem>>, vector<1x16xf32>,
        %swap3A_1673 = vector.shape_cast %swap3A_1672 : vector<1x16xf32> to vector<16xf32>
        %swap3A_1674 = vector.shape_cast %add3A_1669 : vector<16xf32> to vector<1x16xf32>
        tpu.vector_store %arg9[%swap3A_1670, %swap3A_1671], %swap3A_1674 {strides = array<i32>} : memref<400x128xf32, #tpu.memory_space<vmem>>, vector<1x16xf32>,
        %get3A_1675 = arith.index_cast %add3A_1663 : i32 to index
        %get3A_1676 = arith.constant 16 : index
        %get3A_1677 = tpu.vector_load %arg9[%get3A_1675, %get3A_1676] {strides = array<i32>} : memref<400x128xf32, #tpu.memory_space<vmem>>, vector<1x16xf32>,
        %get3A_1678 = vector.shape_cast %get3A_1677 : vector<1x16xf32> to vector<16xf32>
        %add3A_1679 = vector.broadcast %squeeze3A_1659 : f32 to vector<16xf32>
        %add3A_1680 = arith.addf %get3A_1678, %add3A_1679 : vector<16xf32>
        %swap3A_1681 = arith.index_cast %add3A_1663 : i32 to index
        %swap3A_1682 = arith.constant 16 : index
        %swap3A_1683 = tpu.vector_load %arg9[%swap3A_1681, %swap3A_1682] {strides = array<i32>} : memref<400x128xf32, #tpu.memory_space<vmem>>, vector<1x16xf32>,
        %swap3A_1684 = vector.shape_cast %swap3A_1683 : vector<1x16xf32> to vector<16xf32>
        %swap3A_1685 = vector.shape_cast %add3A_1680 : vector<16xf32> to vector<1x16xf32>
        tpu.vector_store %arg9[%swap3A_1681, %swap3A_1682], %swap3A_1685 {strides = array<i32>} : memref<400x128xf32, #tpu.memory_space<vmem>>, vector<1x16xf32>,
        %get3A_1686 = arith.index_cast %add3A_1663 : i32 to index
        %get3A_1687 = arith.constant 32 : index
        %get3A_1688 = tpu.vector_load %arg9[%get3A_1686, %get3A_1687] {strides = array<i32>} : memref<400x128xf32, #tpu.memory_space<vmem>>, vector<1x16xf32>,
        %get3A_1689 = vector.shape_cast %get3A_1688 : vector<1x16xf32> to vector<16xf32>
        %add3A_1690 = vector.broadcast %squeeze3A_1659 : f32 to vector<16xf32>
        %add3A_1691 = arith.addf %get3A_1689, %add3A_1690 : vector<16xf32>
        %swap3A_1692 = arith.index_cast %add3A_1663 : i32 to index
        %swap3A_1693 = arith.constant 32 : index
        %swap3A_1694 = tpu.vector_load %arg9[%swap3A_1692, %swap3A_1693] {strides = array<i32>} : memref<400x128xf32, #tpu.memory_space<vmem>>, vector<1x16xf32>,
        %swap3A_1695 = vector.shape_cast %swap3A_1694 : vector<1x16xf32> to vector<16xf32>
        %swap3A_1696 = vector.shape_cast %add3A_1691 : vector<16xf32> to vector<1x16xf32>
        tpu.vector_store %arg9[%swap3A_1692, %swap3A_1693], %swap3A_1696 {strides = array<i32>} : memref<400x128xf32, #tpu.memory_space<vmem>>, vector<1x16xf32>,
        %get3A_1697 = arith.index_cast %add3A_1663 : i32 to index
        %get3A_1698 = arith.constant 48 : index
        %get3A_1699 = tpu.vector_load %arg9[%get3A_1697, %get3A_1698] {strides = array<i32>} : memref<400x128xf32, #tpu.memory_space<vmem>>, vector<1x16xf32>,
        %get3A_1700 = vector.shape_cast %get3A_1699 : vector<1x16xf32> to vector<16xf32>
        %add3A_1701 = vector.broadcast %squeeze3A_1659 : f32 to vector<16xf32>
        %add3A_1702 = arith.addf %get3A_1700, %add3A_1701 : vector<16xf32>
        %swap3A_1703 = arith.index_cast %add3A_1663 : i32 to index
        %swap3A_1704 = arith.constant 48 : index
        %swap3A_1705 = tpu.vector_load %arg9[%swap3A_1703, %swap3A_1704] {strides = array<i32>} : memref<400x128xf32, #tpu.memory_space<vmem>>, vector<1x16xf32>,
        %swap3A_1706 = vector.shape_cast %swap3A_1705 : vector<1x16xf32> to vector<16xf32>
        %swap3A_1707 = vector.shape_cast %add3A_1702 : vector<16xf32> to vector<1x16xf32>
        tpu.vector_store %arg9[%swap3A_1703, %swap3A_1704], %swap3A_1707 {strides = array<i32>} : memref<400x128xf32, #tpu.memory_space<vmem>>, vector<1x16xf32>,
        %get3A_1708 = arith.index_cast %add3A_1663 : i32 to index
        %get3A_1709 = arith.constant 64 : index
        %get3A_1710 = tpu.vector_load %arg9[%get3A_1708, %get3A_1709] {strides = array<i32>} : memref<400x128xf32, #tpu.memory_space<vmem>>, vector<1x16xf32>,
        %get3A_1711 = vector.shape_cast %get3A_1710 : vector<1x16xf32> to vector<16xf32>
        %add3A_1712 = vector.broadcast %squeeze3A_1659 : f32 to vector<16xf32>
        %add3A_1713 = arith.addf %get3A_1711, %add3A_1712 : vector<16xf32>
        %swap3A_1714 = arith.index_cast %add3A_1663 : i32 to index
        %swap3A_1715 = arith.constant 64 : index
        %swap3A_1716 = tpu.vector_load %arg9[%swap3A_1714, %swap3A_1715] {strides = array<i32>} : memref<400x128xf32, #tpu.memory_space<vmem>>, vector<1x16xf32>,
        %swap3A_1717 = vector.shape_cast %swap3A_1716 : vector<1x16xf32> to vector<16xf32>
        %swap3A_1718 = vector.shape_cast %add3A_1713 : vector<16xf32> to vector<1x16xf32>
        tpu.vector_store %arg9[%swap3A_1714, %swap3A_1715], %swap3A_1718 {strides = array<i32>} : memref<400x128xf32, #tpu.memory_space<vmem>>, vector<1x16xf32>,
        %get3A_1719 = arith.index_cast %add3A_1663 : i32 to index
        %get3A_1720 = arith.constant 80 : index
        %get3A_1721 = tpu.vector_load %arg9[%get3A_1719, %get3A_1720] {strides = array<i32>} : memref<400x128xf32, #tpu.memory_space<vmem>>, vector<1x16xf32>,
        %get3A_1722 = vector.shape_cast %get3A_1721 : vector<1x16xf32> to vector<16xf32>
        %add3A_1723 = vector.broadcast %squeeze3A_1659 : f32 to vector<16xf32>
        %add3A_1724 = arith.addf %get3A_1722, %add3A_1723 : vector<16xf32>
        %swap3A_1725 = arith.index_cast %add3A_1663 : i32 to index
        %swap3A_1726 = arith.constant 80 : index
        %swap3A_1727 = tpu.vector_load %arg9[%swap3A_1725, %swap3A_1726] {strides = array<i32>} : memref<400x128xf32, #tpu.memory_space<vmem>>, vector<1x16xf32>,
        %swap3A_1728 = vector.shape_cast %swap3A_1727 : vector<1x16xf32> to vector<16xf32>
        %swap3A_1729 = vector.shape_cast %add3A_1724 : vector<16xf32> to vector<1x16xf32>
        tpu.vector_store %arg9[%swap3A_1725, %swap3A_1726], %swap3A_1729 {strides = array<i32>} : memref<400x128xf32, #tpu.memory_space<vmem>>, vector<1x16xf32>,
        %get3A_1730 = arith.index_cast %add3A_1663 : i32 to index
        %get3A_1731 = arith.constant 96 : index
        %get3A_1732 = tpu.vector_load %arg9[%get3A_1730, %get3A_1731] {strides = array<i32>} : memref<400x128xf32, #tpu.memory_space<vmem>>, vector<1x16xf32>,
        %get3A_1733 = vector.shape_cast %get3A_1732 : vector<1x16xf32> to vector<16xf32>
        %add3A_1734 = vector.broadcast %squeeze3A_1659 : f32 to vector<16xf32>
        %add3A_1735 = arith.addf %get3A_1733, %add3A_1734 : vector<16xf32>
        %swap3A_1736 = arith.index_cast %add3A_1663 : i32 to index
        %swap3A_1737 = arith.constant 96 : index
        %swap3A_1738 = tpu.vector_load %arg9[%swap3A_1736, %swap3A_1737] {strides = array<i32>} : memref<400x128xf32, #tpu.memory_space<vmem>>, vector<1x16xf32>,
        %swap3A_1739 = vector.shape_cast %swap3A_1738 : vector<1x16xf32> to vector<16xf32>
        %swap3A_1740 = vector.shape_cast %add3A_1735 : vector<16xf32> to vector<1x16xf32>
        tpu.vector_store %arg9[%swap3A_1736, %swap3A_1737], %swap3A_1740 {strides = array<i32>} : memref<400x128xf32, #tpu.memory_space<vmem>>, vector<1x16xf32>,
        %get3A_1741 = arith.index_cast %add3A_1663 : i32 to index
        %get3A_1742 = arith.constant 112 : index
        %get3A_1743 = tpu.vector_load %arg9[%get3A_1741, %get3A_1742] {strides = array<i32>} : memref<400x128xf32, #tpu.memory_space<vmem>>, vector<1x16xf32>,
        %get3A_1744 = vector.shape_cast %get3A_1743 : vector<1x16xf32> to vector<16xf32>
        %add3A_1745 = vector.broadcast %squeeze3A_1659 : f32 to vector<16xf32>
        %add3A_1746 = arith.addf %get3A_1744, %add3A_1745 : vector<16xf32>
        %swap3A_1747 = arith.index_cast %add3A_1663 : i32 to index
        %swap3A_1748 = arith.constant 112 : index
        %swap3A_1749 = tpu.vector_load %arg9[%swap3A_1747, %swap3A_1748] {strides = array<i32>} : memref<400x128xf32, #tpu.memory_space<vmem>>, vector<1x16xf32>,
        %swap3A_1750 = vector.shape_cast %swap3A_1749 : vector<1x16xf32> to vector<16xf32>
        %swap3A_1751 = vector.shape_cast %add3A_1746 : vector<16xf32> to vector<1x16xf32>
        tpu.vector_store %arg9[%swap3A_1747, %swap3A_1748], %swap3A_1751 {strides = array<i32>} : memref<400x128xf32, #tpu.memory_space<vmem>>, vector<1x16xf32>,
        %slice3A_1752 = vector.extract_strided_slice %get3A_1002 {offsets = [8], sizes = [1], strides = [1]} : vector<16xf32> to vector<1xf32>
        %squeeze3A_1753 = vector.extract %slice3A_1752[0] : f32 from vector<1xf32>
        %mul3A_1754 = arith.constant 16 : i32
        %mul3A_1755 = arith.muli %scan3A_998, %mul3A_1754 : i32
        %add3A_1756 = arith.constant 8 : i32
        %add3A_1757 = arith.addi %mul3A_1755, %add3A_1756 : i32
        %get3A_1758 = arith.index_cast %add3A_1757 : i32 to index
        %get3A_1759 = arith.constant 0 : index
        %get3A_1760 = tpu.vector_load %arg9[%get3A_1758, %get3A_1759] {strides = array<i32>} : memref<400x128xf32, #tpu.memory_space<vmem>>, vector<1x16xf32>,
        %get3A_1761 = vector.shape_cast %get3A_1760 : vector<1x16xf32> to vector<16xf32>
        %add3A_1762 = vector.broadcast %squeeze3A_1753 : f32 to vector<16xf32>
        %add3A_1763 = arith.addf %get3A_1761, %add3A_1762 : vector<16xf32>
        %swap3A_1764 = arith.index_cast %add3A_1757 : i32 to index
        %swap3A_1765 = arith.constant 0 : index
        %swap3A_1766 = tpu.vector_load %arg9[%swap3A_1764, %swap3A_1765] {strides = array<i32>} : memref<400x128xf32, #tpu.memory_space<vmem>>, vector<1x16xf32>,
        %swap3A_1767 = vector.shape_cast %swap3A_1766 : vector<1x16xf32> to vector<16xf32>
        %swap3A_1768 = vector.shape_cast %add3A_1763 : vector<16xf32> to vector<1x16xf32>
        tpu.vector_store %arg9[%swap3A_1764, %swap3A_1765], %swap3A_1768 {strides = array<i32>} : memref<400x128xf32, #tpu.memory_space<vmem>>, vector<1x16xf32>,
        %get3A_1769 = arith.index_cast %add3A_1757 : i32 to index
        %get3A_1770 = arith.constant 16 : index
        %get3A_1771 = tpu.vector_load %arg9[%get3A_1769, %get3A_1770] {strides = array<i32>} : memref<400x128xf32, #tpu.memory_space<vmem>>, vector<1x16xf32>,
        %get3A_1772 = vector.shape_cast %get3A_1771 : vector<1x16xf32> to vector<16xf32>
        %add3A_1773 = vector.broadcast %squeeze3A_1753 : f32 to vector<16xf32>
        %add3A_1774 = arith.addf %get3A_1772, %add3A_1773 : vector<16xf32>
        %swap3A_1775 = arith.index_cast %add3A_1757 : i32 to index
        %swap3A_1776 = arith.constant 16 : index
        %swap3A_1777 = tpu.vector_load %arg9[%swap3A_1775, %swap3A_1776] {strides = array<i32>} : memref<400x128xf32, #tpu.memory_space<vmem>>, vector<1x16xf32>,
        %swap3A_1778 = vector.shape_cast %swap3A_1777 : vector<1x16xf32> to vector<16xf32>
        %swap3A_1779 = vector.shape_cast %add3A_1774 : vector<16xf32> to vector<1x16xf32>
        tpu.vector_store %arg9[%swap3A_1775, %swap3A_1776], %swap3A_1779 {strides = array<i32>} : memref<400x128xf32, #tpu.memory_space<vmem>>, vector<1x16xf32>,
        %get3A_1780 = arith.index_cast %add3A_1757 : i32 to index
        %get3A_1781 = arith.constant 32 : index
        %get3A_1782 = tpu.vector_load %arg9[%get3A_1780, %get3A_1781] {strides = array<i32>} : memref<400x128xf32, #tpu.memory_space<vmem>>, vector<1x16xf32>,
        %get3A_1783 = vector.shape_cast %get3A_1782 : vector<1x16xf32> to vector<16xf32>
        %add3A_1784 = vector.broadcast %squeeze3A_1753 : f32 to vector<16xf32>
        %add3A_1785 = arith.addf %get3A_1783, %add3A_1784 : vector<16xf32>
        %swap3A_1786 = arith.index_cast %add3A_1757 : i32 to index
        %swap3A_1787 = arith.constant 32 : index
        %swap3A_1788 = tpu.vector_load %arg9[%swap3A_1786, %swap3A_1787] {strides = array<i32>} : memref<400x128xf32, #tpu.memory_space<vmem>>, vector<1x16xf32>,
        %swap3A_1789 = vector.shape_cast %swap3A_1788 : vector<1x16xf32> to vector<16xf32>
        %swap3A_1790 = vector.shape_cast %add3A_1785 : vector<16xf32> to vector<1x16xf32>
        tpu.vector_store %arg9[%swap3A_1786, %swap3A_1787], %swap3A_1790 {strides = array<i32>} : memref<400x128xf32, #tpu.memory_space<vmem>>, vector<1x16xf32>,
        %get3A_1791 = arith.index_cast %add3A_1757 : i32 to index
        %get3A_1792 = arith.constant 48 : index
        %get3A_1793 = tpu.vector_load %arg9[%get3A_1791, %get3A_1792] {strides = array<i32>} : memref<400x128xf32, #tpu.memory_space<vmem>>, vector<1x16xf32>,
        %get3A_1794 = vector.shape_cast %get3A_1793 : vector<1x16xf32> to vector<16xf32>
        %add3A_1795 = vector.broadcast %squeeze3A_1753 : f32 to vector<16xf32>
        %add3A_1796 = arith.addf %get3A_1794, %add3A_1795 : vector<16xf32>
        %swap3A_1797 = arith.index_cast %add3A_1757 : i32 to index
        %swap3A_1798 = arith.constant 48 : index
        %swap3A_1799 = tpu.vector_load %arg9[%swap3A_1797, %swap3A_1798] {strides = array<i32>} : memref<400x128xf32, #tpu.memory_space<vmem>>, vector<1x16xf32>,
        %swap3A_1800 = vector.shape_cast %swap3A_1799 : vector<1x16xf32> to vector<16xf32>
        %swap3A_1801 = vector.shape_cast %add3A_1796 : vector<16xf32> to vector<1x16xf32>
        tpu.vector_store %arg9[%swap3A_1797, %swap3A_1798], %swap3A_1801 {strides = array<i32>} : memref<400x128xf32, #tpu.memory_space<vmem>>, vector<1x16xf32>,
        %get3A_1802 = arith.index_cast %add3A_1757 : i32 to index
        %get3A_1803 = arith.constant 64 : index
        %get3A_1804 = tpu.vector_load %arg9[%get3A_1802, %get3A_1803] {strides = array<i32>} : memref<400x128xf32, #tpu.memory_space<vmem>>, vector<1x16xf32>,
        %get3A_1805 = vector.shape_cast %get3A_1804 : vector<1x16xf32> to vector<16xf32>
        %add3A_1806 = vector.broadcast %squeeze3A_1753 : f32 to vector<16xf32>
        %add3A_1807 = arith.addf %get3A_1805, %add3A_1806 : vector<16xf32>
        %swap3A_1808 = arith.index_cast %add3A_1757 : i32 to index
        %swap3A_1809 = arith.constant 64 : index
        %swap3A_1810 = tpu.vector_load %arg9[%swap3A_1808, %swap3A_1809] {strides = array<i32>} : memref<400x128xf32, #tpu.memory_space<vmem>>, vector<1x16xf32>,
        %swap3A_1811 = vector.shape_cast %swap3A_1810 : vector<1x16xf32> to vector<16xf32>
        %swap3A_1812 = vector.shape_cast %add3A_1807 : vector<16xf32> to vector<1x16xf32>
        tpu.vector_store %arg9[%swap3A_1808, %swap3A_1809], %swap3A_1812 {strides = array<i32>} : memref<400x128xf32, #tpu.memory_space<vmem>>, vector<1x16xf32>,
        %get3A_1813 = arith.index_cast %add3A_1757 : i32 to index
        %get3A_1814 = arith.constant 80 : index
        %get3A_1815 = tpu.vector_load %arg9[%get3A_1813, %get3A_1814] {strides = array<i32>} : memref<400x128xf32, #tpu.memory_space<vmem>>, vector<1x16xf32>,
        %get3A_1816 = vector.shape_cast %get3A_1815 : vector<1x16xf32> to vector<16xf32>
        %add3A_1817 = vector.broadcast %squeeze3A_1753 : f32 to vector<16xf32>
        %add3A_1818 = arith.addf %get3A_1816, %add3A_1817 : vector<16xf32>
        %swap3A_1819 = arith.index_cast %add3A_1757 : i32 to index
        %swap3A_1820 = arith.constant 80 : index
        %swap3A_1821 = tpu.vector_load %arg9[%swap3A_1819, %swap3A_1820] {strides = array<i32>} : memref<400x128xf32, #tpu.memory_space<vmem>>, vector<1x16xf32>,
        %swap3A_1822 = vector.shape_cast %swap3A_1821 : vector<1x16xf32> to vector<16xf32>
        %swap3A_1823 = vector.shape_cast %add3A_1818 : vector<16xf32> to vector<1x16xf32>
        tpu.vector_store %arg9[%swap3A_1819, %swap3A_1820], %swap3A_1823 {strides = array<i32>} : memref<400x128xf32, #tpu.memory_space<vmem>>, vector<1x16xf32>,
        %get3A_1824 = arith.index_cast %add3A_1757 : i32 to index
        %get3A_1825 = arith.constant 96 : index
        %get3A_1826 = tpu.vector_load %arg9[%get3A_1824, %get3A_1825] {strides = array<i32>} : memref<400x128xf32, #tpu.memory_space<vmem>>, vector<1x16xf32>,
        %get3A_1827 = vector.shape_cast %get3A_1826 : vector<1x16xf32> to vector<16xf32>
        %add3A_1828 = vector.broadcast %squeeze3A_1753 : f32 to vector<16xf32>
        %add3A_1829 = arith.addf %get3A_1827, %add3A_1828 : vector<16xf32>
        %swap3A_1830 = arith.index_cast %add3A_1757 : i32 to index
        %swap3A_1831 = arith.constant 96 : index
        %swap3A_1832 = tpu.vector_load %arg9[%swap3A_1830, %swap3A_1831] {strides = array<i32>} : memref<400x128xf32, #tpu.memory_space<vmem>>, vector<1x16xf32>,
        %swap3A_1833 = vector.shape_cast %swap3A_1832 : vector<1x16xf32> to vector<16xf32>
        %swap3A_1834 = vector.shape_cast %add3A_1829 : vector<16xf32> to vector<1x16xf32>
        tpu.vector_store %arg9[%swap3A_1830, %swap3A_1831], %swap3A_1834 {strides = array<i32>} : memref<400x128xf32, #tpu.memory_space<vmem>>, vector<1x16xf32>,
        %get3A_1835 = arith.index_cast %add3A_1757 : i32 to index
        %get3A_1836 = arith.constant 112 : index
        %get3A_1837 = tpu.vector_load %arg9[%get3A_1835, %get3A_1836] {strides = array<i32>} : memref<400x128xf32, #tpu.memory_space<vmem>>, vector<1x16xf32>,
        %get3A_1838 = vector.shape_cast %get3A_1837 : vector<1x16xf32> to vector<16xf32>
        %add3A_1839 = vector.broadcast %squeeze3A_1753 : f32 to vector<16xf32>
        %add3A_1840 = arith.addf %get3A_1838, %add3A_1839 : vector<16xf32>
        %swap3A_1841 = arith.index_cast %add3A_1757 : i32 to index
        %swap3A_1842 = arith.constant 112 : index
        %swap3A_1843 = tpu.vector_load %arg9[%swap3A_1841, %swap3A_1842] {strides = array<i32>} : memref<400x128xf32, #tpu.memory_space<vmem>>, vector<1x16xf32>,
        %swap3A_1844 = vector.shape_cast %swap3A_1843 : vector<1x16xf32> to vector<16xf32>
        %swap3A_1845 = vector.shape_cast %add3A_1840 : vector<16xf32> to vector<1x16xf32>
        tpu.vector_store %arg9[%swap3A_1841, %swap3A_1842], %swap3A_1845 {strides = array<i32>} : memref<400x128xf32, #tpu.memory_space<vmem>>, vector<1x16xf32>,
        %slice3A_1846 = vector.extract_strided_slice %get3A_1002 {offsets = [9], sizes = [1], strides = [1]} : vector<16xf32> to vector<1xf32>
        %squeeze3A_1847 = vector.extract %slice3A_1846[0] : f32 from vector<1xf32>
        %mul3A_1848 = arith.constant 16 : i32
        %mul3A_1849 = arith.muli %scan3A_998, %mul3A_1848 : i32
        %add3A_1850 = arith.constant 9 : i32
        %add3A_1851 = arith.addi %mul3A_1849, %add3A_1850 : i32
        %get3A_1852 = arith.index_cast %add3A_1851 : i32 to index
        %get3A_1853 = arith.constant 0 : index
        %get3A_1854 = tpu.vector_load %arg9[%get3A_1852, %get3A_1853] {strides = array<i32>} : memref<400x128xf32, #tpu.memory_space<vmem>>, vector<1x16xf32>,
        %get3A_1855 = vector.shape_cast %get3A_1854 : vector<1x16xf32> to vector<16xf32>
        %add3A_1856 = vector.broadcast %squeeze3A_1847 : f32 to vector<16xf32>
        %add3A_1857 = arith.addf %get3A_1855, %add3A_1856 : vector<16xf32>
        %swap3A_1858 = arith.index_cast %add3A_1851 : i32 to index
        %swap3A_1859 = arith.constant 0 : index
        %swap3A_1860 = tpu.vector_load %arg9[%swap3A_1858, %swap3A_1859] {strides = array<i32>} : memref<400x128xf32, #tpu.memory_space<vmem>>, vector<1x16xf32>,
        %swap3A_1861 = vector.shape_cast %swap3A_1860 : vector<1x16xf32> to vector<16xf32>
        %swap3A_1862 = vector.shape_cast %add3A_1857 : vector<16xf32> to vector<1x16xf32>
        tpu.vector_store %arg9[%swap3A_1858, %swap3A_1859], %swap3A_1862 {strides = array<i32>} : memref<400x128xf32, #tpu.memory_space<vmem>>, vector<1x16xf32>,
        %get3A_1863 = arith.index_cast %add3A_1851 : i32 to index
        %get3A_1864 = arith.constant 16 : index
        %get3A_1865 = tpu.vector_load %arg9[%get3A_1863, %get3A_1864] {strides = array<i32>} : memref<400x128xf32, #tpu.memory_space<vmem>>, vector<1x16xf32>,
        %get3A_1866 = vector.shape_cast %get3A_1865 : vector<1x16xf32> to vector<16xf32>
        %add3A_1867 = vector.broadcast %squeeze3A_1847 : f32 to vector<16xf32>
        %add3A_1868 = arith.addf %get3A_1866, %add3A_1867 : vector<16xf32>
        %swap3A_1869 = arith.index_cast %add3A_1851 : i32 to index
        %swap3A_1870 = arith.constant 16 : index
        %swap3A_1871 = tpu.vector_load %arg9[%swap3A_1869, %swap3A_1870] {strides = array<i32>} : memref<400x128xf32, #tpu.memory_space<vmem>>, vector<1x16xf32>,
        %swap3A_1872 = vector.shape_cast %swap3A_1871 : vector<1x16xf32> to vector<16xf32>
        %swap3A_1873 = vector.shape_cast %add3A_1868 : vector<16xf32> to vector<1x16xf32>
        tpu.vector_store %arg9[%swap3A_1869, %swap3A_1870], %swap3A_1873 {strides = array<i32>} : memref<400x128xf32, #tpu.memory_space<vmem>>, vector<1x16xf32>,
        %get3A_1874 = arith.index_cast %add3A_1851 : i32 to index
        %get3A_1875 = arith.constant 32 : index
        %get3A_1876 = tpu.vector_load %arg9[%get3A_1874, %get3A_1875] {strides = array<i32>} : memref<400x128xf32, #tpu.memory_space<vmem>>, vector<1x16xf32>,
        %get3A_1877 = vector.shape_cast %get3A_1876 : vector<1x16xf32> to vector<16xf32>
        %add3A_1878 = vector.broadcast %squeeze3A_1847 : f32 to vector<16xf32>
        %add3A_1879 = arith.addf %get3A_1877, %add3A_1878 : vector<16xf32>
        %swap3A_1880 = arith.index_cast %add3A_1851 : i32 to index
        %swap3A_1881 = arith.constant 32 : index
        %swap3A_1882 = tpu.vector_load %arg9[%swap3A_1880, %swap3A_1881] {strides = array<i32>} : memref<400x128xf32, #tpu.memory_space<vmem>>, vector<1x16xf32>,
        %swap3A_1883 = vector.shape_cast %swap3A_1882 : vector<1x16xf32> to vector<16xf32>
        %swap3A_1884 = vector.shape_cast %add3A_1879 : vector<16xf32> to vector<1x16xf32>
        tpu.vector_store %arg9[%swap3A_1880, %swap3A_1881], %swap3A_1884 {strides = array<i32>} : memref<400x128xf32, #tpu.memory_space<vmem>>, vector<1x16xf32>,
        %get3A_1885 = arith.index_cast %add3A_1851 : i32 to index
        %get3A_1886 = arith.constant 48 : index
        %get3A_1887 = tpu.vector_load %arg9[%get3A_1885, %get3A_1886] {strides = array<i32>} : memref<400x128xf32, #tpu.memory_space<vmem>>, vector<1x16xf32>,
        %get3A_1888 = vector.shape_cast %get3A_1887 : vector<1x16xf32> to vector<16xf32>
        %add3A_1889 = vector.broadcast %squeeze3A_1847 : f32 to vector<16xf32>
        %add3A_1890 = arith.addf %get3A_1888, %add3A_1889 : vector<16xf32>
        %swap3A_1891 = arith.index_cast %add3A_1851 : i32 to index
        %swap3A_1892 = arith.constant 48 : index
        %swap3A_1893 = tpu.vector_load %arg9[%swap3A_1891, %swap3A_1892] {strides = array<i32>} : memref<400x128xf32, #tpu.memory_space<vmem>>, vector<1x16xf32>,
        %swap3A_1894 = vector.shape_cast %swap3A_1893 : vector<1x16xf32> to vector<16xf32>
        %swap3A_1895 = vector.shape_cast %add3A_1890 : vector<16xf32> to vector<1x16xf32>
        tpu.vector_store %arg9[%swap3A_1891, %swap3A_1892], %swap3A_1895 {strides = array<i32>} : memref<400x128xf32, #tpu.memory_space<vmem>>, vector<1x16xf32>,
        %get3A_1896 = arith.index_cast %add3A_1851 : i32 to index
        %get3A_1897 = arith.constant 64 : index
        %get3A_1898 = tpu.vector_load %arg9[%get3A_1896, %get3A_1897] {strides = array<i32>} : memref<400x128xf32, #tpu.memory_space<vmem>>, vector<1x16xf32>,
        %get3A_1899 = vector.shape_cast %get3A_1898 : vector<1x16xf32> to vector<16xf32>
        %add3A_1900 = vector.broadcast %squeeze3A_1847 : f32 to vector<16xf32>
        %add3A_1901 = arith.addf %get3A_1899, %add3A_1900 : vector<16xf32>
        %swap3A_1902 = arith.index_cast %add3A_1851 : i32 to index
        %swap3A_1903 = arith.constant 64 : index
        %swap3A_1904 = tpu.vector_load %arg9[%swap3A_1902, %swap3A_1903] {strides = array<i32>} : memref<400x128xf32, #tpu.memory_space<vmem>>, vector<1x16xf32>,
        %swap3A_1905 = vector.shape_cast %swap3A_1904 : vector<1x16xf32> to vector<16xf32>
        %swap3A_1906 = vector.shape_cast %add3A_1901 : vector<16xf32> to vector<1x16xf32>
        tpu.vector_store %arg9[%swap3A_1902, %swap3A_1903], %swap3A_1906 {strides = array<i32>} : memref<400x128xf32, #tpu.memory_space<vmem>>, vector<1x16xf32>,
        %get3A_1907 = arith.index_cast %add3A_1851 : i32 to index
        %get3A_1908 = arith.constant 80 : index
        %get3A_1909 = tpu.vector_load %arg9[%get3A_1907, %get3A_1908] {strides = array<i32>} : memref<400x128xf32, #tpu.memory_space<vmem>>, vector<1x16xf32>,
        %get3A_1910 = vector.shape_cast %get3A_1909 : vector<1x16xf32> to vector<16xf32>
        %add3A_1911 = vector.broadcast %squeeze3A_1847 : f32 to vector<16xf32>
        %add3A_1912 = arith.addf %get3A_1910, %add3A_1911 : vector<16xf32>
        %swap3A_1913 = arith.index_cast %add3A_1851 : i32 to index
        %swap3A_1914 = arith.constant 80 : index
        %swap3A_1915 = tpu.vector_load %arg9[%swap3A_1913, %swap3A_1914] {strides = array<i32>} : memref<400x128xf32, #tpu.memory_space<vmem>>, vector<1x16xf32>,
        %swap3A_1916 = vector.shape_cast %swap3A_1915 : vector<1x16xf32> to vector<16xf32>
        %swap3A_1917 = vector.shape_cast %add3A_1912 : vector<16xf32> to vector<1x16xf32>
        tpu.vector_store %arg9[%swap3A_1913, %swap3A_1914], %swap3A_1917 {strides = array<i32>} : memref<400x128xf32, #tpu.memory_space<vmem>>, vector<1x16xf32>,
        %get3A_1918 = arith.index_cast %add3A_1851 : i32 to index
        %get3A_1919 = arith.constant 96 : index
        %get3A_1920 = tpu.vector_load %arg9[%get3A_1918, %get3A_1919] {strides = array<i32>} : memref<400x128xf32, #tpu.memory_space<vmem>>, vector<1x16xf32>,
        %get3A_1921 = vector.shape_cast %get3A_1920 : vector<1x16xf32> to vector<16xf32>
        %add3A_1922 = vector.broadcast %squeeze3A_1847 : f32 to vector<16xf32>
        %add3A_1923 = arith.addf %get3A_1921, %add3A_1922 : vector<16xf32>
        %swap3A_1924 = arith.index_cast %add3A_1851 : i32 to index
        %swap3A_1925 = arith.constant 96 : index
        %swap3A_1926 = tpu.vector_load %arg9[%swap3A_1924, %swap3A_1925] {strides = array<i32>} : memref<400x128xf32, #tpu.memory_space<vmem>>, vector<1x16xf32>,
        %swap3A_1927 = vector.shape_cast %swap3A_1926 : vector<1x16xf32> to vector<16xf32>
        %swap3A_1928 = vector.shape_cast %add3A_1923 : vector<16xf32> to vector<1x16xf32>
        tpu.vector_store %arg9[%swap3A_1924, %swap3A_1925], %swap3A_1928 {strides = array<i32>} : memref<400x128xf32, #tpu.memory_space<vmem>>, vector<1x16xf32>,
        %get3A_1929 = arith.index_cast %add3A_1851 : i32 to index
        %get3A_1930 = arith.constant 112 : index
        %get3A_1931 = tpu.vector_load %arg9[%get3A_1929, %get3A_1930] {strides = array<i32>} : memref<400x128xf32, #tpu.memory_space<vmem>>, vector<1x16xf32>,
        %get3A_1932 = vector.shape_cast %get3A_1931 : vector<1x16xf32> to vector<16xf32>
        %add3A_1933 = vector.broadcast %squeeze3A_1847 : f32 to vector<16xf32>
        %add3A_1934 = arith.addf %get3A_1932, %add3A_1933 : vector<16xf32>
        %swap3A_1935 = arith.index_cast %add3A_1851 : i32 to index
        %swap3A_1936 = arith.constant 112 : index
        %swap3A_1937 = tpu.vector_load %arg9[%swap3A_1935, %swap3A_1936] {strides = array<i32>} : memref<400x128xf32, #tpu.memory_space<vmem>>, vector<1x16xf32>,
        %swap3A_1938 = vector.shape_cast %swap3A_1937 : vector<1x16xf32> to vector<16xf32>
        %swap3A_1939 = vector.shape_cast %add3A_1934 : vector<16xf32> to vector<1x16xf32>
        tpu.vector_store %arg9[%swap3A_1935, %swap3A_1936], %swap3A_1939 {strides = array<i32>} : memref<400x128xf32, #tpu.memory_space<vmem>>, vector<1x16xf32>,
        %slice3A_1940 = vector.extract_strided_slice %get3A_1002 {offsets = [10], sizes = [1], strides = [1]} : vector<16xf32> to vector<1xf32>
        %squeeze3A_1941 = vector.extract %slice3A_1940[0] : f32 from vector<1xf32>
        %mul3A_1942 = arith.constant 16 : i32
        %mul3A_1943 = arith.muli %scan3A_998, %mul3A_1942 : i32
        %add3A_1944 = arith.constant 10 : i32
        %add3A_1945 = arith.addi %mul3A_1943, %add3A_1944 : i32
        %get3A_1946 = arith.index_cast %add3A_1945 : i32 to index
        %get3A_1947 = arith.constant 0 : index
        %get3A_1948 = tpu.vector_load %arg9[%get3A_1946, %get3A_1947] {strides = array<i32>} : memref<400x128xf32, #tpu.memory_space<vmem>>, vector<1x16xf32>,
        %get3A_1949 = vector.shape_cast %get3A_1948 : vector<1x16xf32> to vector<16xf32>
        %add3A_1950 = vector.broadcast %squeeze3A_1941 : f32 to vector<16xf32>
        %add3A_1951 = arith.addf %get3A_1949, %add3A_1950 : vector<16xf32>
        %swap3A_1952 = arith.index_cast %add3A_1945 : i32 to index
        %swap3A_1953 = arith.constant 0 : index
        %swap3A_1954 = tpu.vector_load %arg9[%swap3A_1952, %swap3A_1953] {strides = array<i32>} : memref<400x128xf32, #tpu.memory_space<vmem>>, vector<1x16xf32>,
        %swap3A_1955 = vector.shape_cast %swap3A_1954 : vector<1x16xf32> to vector<16xf32>
        %swap3A_1956 = vector.shape_cast %add3A_1951 : vector<16xf32> to vector<1x16xf32>
        tpu.vector_store %arg9[%swap3A_1952, %swap3A_1953], %swap3A_1956 {strides = array<i32>} : memref<400x128xf32, #tpu.memory_space<vmem>>, vector<1x16xf32>,
        %get3A_1957 = arith.index_cast %add3A_1945 : i32 to index
        %get3A_1958 = arith.constant 16 : index
        %get3A_1959 = tpu.vector_load %arg9[%get3A_1957, %get3A_1958] {strides = array<i32>} : memref<400x128xf32, #tpu.memory_space<vmem>>, vector<1x16xf32>,
        %get3A_1960 = vector.shape_cast %get3A_1959 : vector<1x16xf32> to vector<16xf32>
        %add3A_1961 = vector.broadcast %squeeze3A_1941 : f32 to vector<16xf32>
        %add3A_1962 = arith.addf %get3A_1960, %add3A_1961 : vector<16xf32>
        %swap3A_1963 = arith.index_cast %add3A_1945 : i32 to index
        %swap3A_1964 = arith.constant 16 : index
        %swap3A_1965 = tpu.vector_load %arg9[%swap3A_1963, %swap3A_1964] {strides = array<i32>} : memref<400x128xf32, #tpu.memory_space<vmem>>, vector<1x16xf32>,
        %swap3A_1966 = vector.shape_cast %swap3A_1965 : vector<1x16xf32> to vector<16xf32>
        %swap3A_1967 = vector.shape_cast %add3A_1962 : vector<16xf32> to vector<1x16xf32>
        tpu.vector_store %arg9[%swap3A_1963, %swap3A_1964], %swap3A_1967 {strides = array<i32>} : memref<400x128xf32, #tpu.memory_space<vmem>>, vector<1x16xf32>,
        %get3A_1968 = arith.index_cast %add3A_1945 : i32 to index
        %get3A_1969 = arith.constant 32 : index
        %get3A_1970 = tpu.vector_load %arg9[%get3A_1968, %get3A_1969] {strides = array<i32>} : memref<400x128xf32, #tpu.memory_space<vmem>>, vector<1x16xf32>,
        %get3A_1971 = vector.shape_cast %get3A_1970 : vector<1x16xf32> to vector<16xf32>
        %add3A_1972 = vector.broadcast %squeeze3A_1941 : f32 to vector<16xf32>
        %add3A_1973 = arith.addf %get3A_1971, %add3A_1972 : vector<16xf32>
        %swap3A_1974 = arith.index_cast %add3A_1945 : i32 to index
        %swap3A_1975 = arith.constant 32 : index
        %swap3A_1976 = tpu.vector_load %arg9[%swap3A_1974, %swap3A_1975] {strides = array<i32>} : memref<400x128xf32, #tpu.memory_space<vmem>>, vector<1x16xf32>,
        %swap3A_1977 = vector.shape_cast %swap3A_1976 : vector<1x16xf32> to vector<16xf32>
        %swap3A_1978 = vector.shape_cast %add3A_1973 : vector<16xf32> to vector<1x16xf32>
        tpu.vector_store %arg9[%swap3A_1974, %swap3A_1975], %swap3A_1978 {strides = array<i32>} : memref<400x128xf32, #tpu.memory_space<vmem>>, vector<1x16xf32>,
        %get3A_1979 = arith.index_cast %add3A_1945 : i32 to index
        %get3A_1980 = arith.constant 48 : index
        %get3A_1981 = tpu.vector_load %arg9[%get3A_1979, %get3A_1980] {strides = array<i32>} : memref<400x128xf32, #tpu.memory_space<vmem>>, vector<1x16xf32>,
        %get3A_1982 = vector.shape_cast %get3A_1981 : vector<1x16xf32> to vector<16xf32>
        %add3A_1983 = vector.broadcast %squeeze3A_1941 : f32 to vector<16xf32>
        %add3A_1984 = arith.addf %get3A_1982, %add3A_1983 : vector<16xf32>
        %swap3A_1985 = arith.index_cast %add3A_1945 : i32 to index
        %swap3A_1986 = arith.constant 48 : index
        %swap3A_1987 = tpu.vector_load %arg9[%swap3A_1985, %swap3A_1986] {strides = array<i32>} : memref<400x128xf32, #tpu.memory_space<vmem>>, vector<1x16xf32>,
        %swap3A_1988 = vector.shape_cast %swap3A_1987 : vector<1x16xf32> to vector<16xf32>
        %swap3A_1989 = vector.shape_cast %add3A_1984 : vector<16xf32> to vector<1x16xf32>
        tpu.vector_store %arg9[%swap3A_1985, %swap3A_1986], %swap3A_1989 {strides = array<i32>} : memref<400x128xf32, #tpu.memory_space<vmem>>, vector<1x16xf32>,
        %get3A_1990 = arith.index_cast %add3A_1945 : i32 to index
        %get3A_1991 = arith.constant 64 : index
        %get3A_1992 = tpu.vector_load %arg9[%get3A_1990, %get3A_1991] {strides = array<i32>} : memref<400x128xf32, #tpu.memory_space<vmem>>, vector<1x16xf32>,
        %get3A_1993 = vector.shape_cast %get3A_1992 : vector<1x16xf32> to vector<16xf32>
        %add3A_1994 = vector.broadcast %squeeze3A_1941 : f32 to vector<16xf32>
        %add3A_1995 = arith.addf %get3A_1993, %add3A_1994 : vector<16xf32>
        %swap3A_1996 = arith.index_cast %add3A_1945 : i32 to index
        %swap3A_1997 = arith.constant 64 : index
        %swap3A_1998 = tpu.vector_load %arg9[%swap3A_1996, %swap3A_1997] {strides = array<i32>} : memref<400x128xf32, #tpu.memory_space<vmem>>, vector<1x16xf32>,
        %swap3A_1999 = vector.shape_cast %swap3A_1998 : vector<1x16xf32> to vector<16xf32>
        %swap3A_2000 = vector.shape_cast %add3A_1995 : vector<16xf32> to vector<1x16xf32>
        tpu.vector_store %arg9[%swap3A_1996, %swap3A_1997], %swap3A_2000 {strides = array<i32>} : memref<400x128xf32, #tpu.memory_space<vmem>>, vector<1x16xf32>,
        %get3A_2001 = arith.index_cast %add3A_1945 : i32 to index
        %get3A_2002 = arith.constant 80 : index
        %get3A_2003 = tpu.vector_load %arg9[%get3A_2001, %get3A_2002] {strides = array<i32>} : memref<400x128xf32, #tpu.memory_space<vmem>>, vector<1x16xf32>,
        %get3A_2004 = vector.shape_cast %get3A_2003 : vector<1x16xf32> to vector<16xf32>
        %add3A_2005 = vector.broadcast %squeeze3A_1941 : f32 to vector<16xf32>
        %add3A_2006 = arith.addf %get3A_2004, %add3A_2005 : vector<16xf32>
        %swap3A_2007 = arith.index_cast %add3A_1945 : i32 to index
        %swap3A_2008 = arith.constant 80 : index
        %swap3A_2009 = tpu.vector_load %arg9[%swap3A_2007, %swap3A_2008] {strides = array<i32>} : memref<400x128xf32, #tpu.memory_space<vmem>>, vector<1x16xf32>,
        %swap3A_2010 = vector.shape_cast %swap3A_2009 : vector<1x16xf32> to vector<16xf32>
        %swap3A_2011 = vector.shape_cast %add3A_2006 : vector<16xf32> to vector<1x16xf32>
        tpu.vector_store %arg9[%swap3A_2007, %swap3A_2008], %swap3A_2011 {strides = array<i32>} : memref<400x128xf32, #tpu.memory_space<vmem>>, vector<1x16xf32>,
        %get3A_2012 = arith.index_cast %add3A_1945 : i32 to index
        %get3A_2013 = arith.constant 96 : index
        %get3A_2014 = tpu.vector_load %arg9[%get3A_2012, %get3A_2013] {strides = array<i32>} : memref<400x128xf32, #tpu.memory_space<vmem>>, vector<1x16xf32>,
        %get3A_2015 = vector.shape_cast %get3A_2014 : vector<1x16xf32> to vector<16xf32>
        %add3A_2016 = vector.broadcast %squeeze3A_1941 : f32 to vector<16xf32>
        %add3A_2017 = arith.addf %get3A_2015, %add3A_2016 : vector<16xf32>
        %swap3A_2018 = arith.index_cast %add3A_1945 : i32 to index
        %swap3A_2019 = arith.constant 96 : index
        %swap3A_2020 = tpu.vector_load %arg9[%swap3A_2018, %swap3A_2019] {strides = array<i32>} : memref<400x128xf32, #tpu.memory_space<vmem>>, vector<1x16xf32>,
        %swap3A_2021 = vector.shape_cast %swap3A_2020 : vector<1x16xf32> to vector<16xf32>
        %swap3A_2022 = vector.shape_cast %add3A_2017 : vector<16xf32> to vector<1x16xf32>
        tpu.vector_store %arg9[%swap3A_2018, %swap3A_2019], %swap3A_2022 {strides = array<i32>} : memref<400x128xf32, #tpu.memory_space<vmem>>, vector<1x16xf32>,
        %get3A_2023 = arith.index_cast %add3A_1945 : i32 to index
        %get3A_2024 = arith.constant 112 : index
        %get3A_2025 = tpu.vector_load %arg9[%get3A_2023, %get3A_2024] {strides = array<i32>} : memref<400x128xf32, #tpu.memory_space<vmem>>, vector<1x16xf32>,
        %get3A_2026 = vector.shape_cast %get3A_2025 : vector<1x16xf32> to vector<16xf32>
        %add3A_2027 = vector.broadcast %squeeze3A_1941 : f32 to vector<16xf32>
        %add3A_2028 = arith.addf %get3A_2026, %add3A_2027 : vector<16xf32>
        %swap3A_2029 = arith.index_cast %add3A_1945 : i32 to index
        %swap3A_2030 = arith.constant 112 : index
        %swap3A_2031 = tpu.vector_load %arg9[%swap3A_2029, %swap3A_2030] {strides = array<i32>} : memref<400x128xf32, #tpu.memory_space<vmem>>, vector<1x16xf32>,
        %swap3A_2032 = vector.shape_cast %swap3A_2031 : vector<1x16xf32> to vector<16xf32>
        %swap3A_2033 = vector.shape_cast %add3A_2028 : vector<16xf32> to vector<1x16xf32>
        tpu.vector_store %arg9[%swap3A_2029, %swap3A_2030], %swap3A_2033 {strides = array<i32>} : memref<400x128xf32, #tpu.memory_space<vmem>>, vector<1x16xf32>,
        %slice3A_2034 = vector.extract_strided_slice %get3A_1002 {offsets = [11], sizes = [1], strides = [1]} : vector<16xf32> to vector<1xf32>
        %squeeze3A_2035 = vector.extract %slice3A_2034[0] : f32 from vector<1xf32>
        %mul3A_2036 = arith.constant 16 : i32
        %mul3A_2037 = arith.muli %scan3A_998, %mul3A_2036 : i32
        %add3A_2038 = arith.constant 11 : i32
        %add3A_2039 = arith.addi %mul3A_2037, %add3A_2038 : i32
        %get3A_2040 = arith.index_cast %add3A_2039 : i32 to index
        %get3A_2041 = arith.constant 0 : index
        %get3A_2042 = tpu.vector_load %arg9[%get3A_2040, %get3A_2041] {strides = array<i32>} : memref<400x128xf32, #tpu.memory_space<vmem>>, vector<1x16xf32>,
        %get3A_2043 = vector.shape_cast %get3A_2042 : vector<1x16xf32> to vector<16xf32>
        %add3A_2044 = vector.broadcast %squeeze3A_2035 : f32 to vector<16xf32>
        %add3A_2045 = arith.addf %get3A_2043, %add3A_2044 : vector<16xf32>
        %swap3A_2046 = arith.index_cast %add3A_2039 : i32 to index
        %swap3A_2047 = arith.constant 0 : index
        %swap3A_2048 = tpu.vector_load %arg9[%swap3A_2046, %swap3A_2047] {strides = array<i32>} : memref<400x128xf32, #tpu.memory_space<vmem>>, vector<1x16xf32>,
        %swap3A_2049 = vector.shape_cast %swap3A_2048 : vector<1x16xf32> to vector<16xf32>
        %swap3A_2050 = vector.shape_cast %add3A_2045 : vector<16xf32> to vector<1x16xf32>
        tpu.vector_store %arg9[%swap3A_2046, %swap3A_2047], %swap3A_2050 {strides = array<i32>} : memref<400x128xf32, #tpu.memory_space<vmem>>, vector<1x16xf32>,
        %get3A_2051 = arith.index_cast %add3A_2039 : i32 to index
        %get3A_2052 = arith.constant 16 : index
        %get3A_2053 = tpu.vector_load %arg9[%get3A_2051, %get3A_2052] {strides = array<i32>} : memref<400x128xf32, #tpu.memory_space<vmem>>, vector<1x16xf32>,
        %get3A_2054 = vector.shape_cast %get3A_2053 : vector<1x16xf32> to vector<16xf32>
        %add3A_2055 = vector.broadcast %squeeze3A_2035 : f32 to vector<16xf32>
        %add3A_2056 = arith.addf %get3A_2054, %add3A_2055 : vector<16xf32>
        %swap3A_2057 = arith.index_cast %add3A_2039 : i32 to index
        %swap3A_2058 = arith.constant 16 : index
        %swap3A_2059 = tpu.vector_load %arg9[%swap3A_2057, %swap3A_2058] {strides = array<i32>} : memref<400x128xf32, #tpu.memory_space<vmem>>, vector<1x16xf32>,
        %swap3A_2060 = vector.shape_cast %swap3A_2059 : vector<1x16xf32> to vector<16xf32>
        %swap3A_2061 = vector.shape_cast %add3A_2056 : vector<16xf32> to vector<1x16xf32>
        tpu.vector_store %arg9[%swap3A_2057, %swap3A_2058], %swap3A_2061 {strides = array<i32>} : memref<400x128xf32, #tpu.memory_space<vmem>>, vector<1x16xf32>,
        %get3A_2062 = arith.index_cast %add3A_2039 : i32 to index
        %get3A_2063 = arith.constant 32 : index
        %get3A_2064 = tpu.vector_load %arg9[%get3A_2062, %get3A_2063] {strides = array<i32>} : memref<400x128xf32, #tpu.memory_space<vmem>>, vector<1x16xf32>,
        %get3A_2065 = vector.shape_cast %get3A_2064 : vector<1x16xf32> to vector<16xf32>
        %add3A_2066 = vector.broadcast %squeeze3A_2035 : f32 to vector<16xf32>
        %add3A_2067 = arith.addf %get3A_2065, %add3A_2066 : vector<16xf32>
        %swap3A_2068 = arith.index_cast %add3A_2039 : i32 to index
        %swap3A_2069 = arith.constant 32 : index
        %swap3A_2070 = tpu.vector_load %arg9[%swap3A_2068, %swap3A_2069] {strides = array<i32>} : memref<400x128xf32, #tpu.memory_space<vmem>>, vector<1x16xf32>,
        %swap3A_2071 = vector.shape_cast %swap3A_2070 : vector<1x16xf32> to vector<16xf32>
        %swap3A_2072 = vector.shape_cast %add3A_2067 : vector<16xf32> to vector<1x16xf32>
        tpu.vector_store %arg9[%swap3A_2068, %swap3A_2069], %swap3A_2072 {strides = array<i32>} : memref<400x128xf32, #tpu.memory_space<vmem>>, vector<1x16xf32>,
        %get3A_2073 = arith.index_cast %add3A_2039 : i32 to index
        %get3A_2074 = arith.constant 48 : index
        %get3A_2075 = tpu.vector_load %arg9[%get3A_2073, %get3A_2074] {strides = array<i32>} : memref<400x128xf32, #tpu.memory_space<vmem>>, vector<1x16xf32>,
        %get3A_2076 = vector.shape_cast %get3A_2075 : vector<1x16xf32> to vector<16xf32>
        %add3A_2077 = vector.broadcast %squeeze3A_2035 : f32 to vector<16xf32>
        %add3A_2078 = arith.addf %get3A_2076, %add3A_2077 : vector<16xf32>
        %swap3A_2079 = arith.index_cast %add3A_2039 : i32 to index
        %swap3A_2080 = arith.constant 48 : index
        %swap3A_2081 = tpu.vector_load %arg9[%swap3A_2079, %swap3A_2080] {strides = array<i32>} : memref<400x128xf32, #tpu.memory_space<vmem>>, vector<1x16xf32>,
        %swap3A_2082 = vector.shape_cast %swap3A_2081 : vector<1x16xf32> to vector<16xf32>
        %swap3A_2083 = vector.shape_cast %add3A_2078 : vector<16xf32> to vector<1x16xf32>
        tpu.vector_store %arg9[%swap3A_2079, %swap3A_2080], %swap3A_2083 {strides = array<i32>} : memref<400x128xf32, #tpu.memory_space<vmem>>, vector<1x16xf32>,
        %get3A_2084 = arith.index_cast %add3A_2039 : i32 to index
        %get3A_2085 = arith.constant 64 : index
        %get3A_2086 = tpu.vector_load %arg9[%get3A_2084, %get3A_2085] {strides = array<i32>} : memref<400x128xf32, #tpu.memory_space<vmem>>, vector<1x16xf32>,
        %get3A_2087 = vector.shape_cast %get3A_2086 : vector<1x16xf32> to vector<16xf32>
        %add3A_2088 = vector.broadcast %squeeze3A_2035 : f32 to vector<16xf32>
        %add3A_2089 = arith.addf %get3A_2087, %add3A_2088 : vector<16xf32>
        %swap3A_2090 = arith.index_cast %add3A_2039 : i32 to index
        %swap3A_2091 = arith.constant 64 : index
        %swap3A_2092 = tpu.vector_load %arg9[%swap3A_2090, %swap3A_2091] {strides = array<i32>} : memref<400x128xf32, #tpu.memory_space<vmem>>, vector<1x16xf32>,
        %swap3A_2093 = vector.shape_cast %swap3A_2092 : vector<1x16xf32> to vector<16xf32>
        %swap3A_2094 = vector.shape_cast %add3A_2089 : vector<16xf32> to vector<1x16xf32>
        tpu.vector_store %arg9[%swap3A_2090, %swap3A_2091], %swap3A_2094 {strides = array<i32>} : memref<400x128xf32, #tpu.memory_space<vmem>>, vector<1x16xf32>,
        %get3A_2095 = arith.index_cast %add3A_2039 : i32 to index
        %get3A_2096 = arith.constant 80 : index
        %get3A_2097 = tpu.vector_load %arg9[%get3A_2095, %get3A_2096] {strides = array<i32>} : memref<400x128xf32, #tpu.memory_space<vmem>>, vector<1x16xf32>,
        %get3A_2098 = vector.shape_cast %get3A_2097 : vector<1x16xf32> to vector<16xf32>
        %add3A_2099 = vector.broadcast %squeeze3A_2035 : f32 to vector<16xf32>
        %add3A_2100 = arith.addf %get3A_2098, %add3A_2099 : vector<16xf32>
        %swap3A_2101 = arith.index_cast %add3A_2039 : i32 to index
        %swap3A_2102 = arith.constant 80 : index
        %swap3A_2103 = tpu.vector_load %arg9[%swap3A_2101, %swap3A_2102] {strides = array<i32>} : memref<400x128xf32, #tpu.memory_space<vmem>>, vector<1x16xf32>,
        %swap3A_2104 = vector.shape_cast %swap3A_2103 : vector<1x16xf32> to vector<16xf32>
        %swap3A_2105 = vector.shape_cast %add3A_2100 : vector<16xf32> to vector<1x16xf32>
        tpu.vector_store %arg9[%swap3A_2101, %swap3A_2102], %swap3A_2105 {strides = array<i32>} : memref<400x128xf32, #tpu.memory_space<vmem>>, vector<1x16xf32>,
        %get3A_2106 = arith.index_cast %add3A_2039 : i32 to index
        %get3A_2107 = arith.constant 96 : index
        %get3A_2108 = tpu.vector_load %arg9[%get3A_2106, %get3A_2107] {strides = array<i32>} : memref<400x128xf32, #tpu.memory_space<vmem>>, vector<1x16xf32>,
        %get3A_2109 = vector.shape_cast %get3A_2108 : vector<1x16xf32> to vector<16xf32>
        %add3A_2110 = vector.broadcast %squeeze3A_2035 : f32 to vector<16xf32>
        %add3A_2111 = arith.addf %get3A_2109, %add3A_2110 : vector<16xf32>
        %swap3A_2112 = arith.index_cast %add3A_2039 : i32 to index
        %swap3A_2113 = arith.constant 96 : index
        %swap3A_2114 = tpu.vector_load %arg9[%swap3A_2112, %swap3A_2113] {strides = array<i32>} : memref<400x128xf32, #tpu.memory_space<vmem>>, vector<1x16xf32>,
        %swap3A_2115 = vector.shape_cast %swap3A_2114 : vector<1x16xf32> to vector<16xf32>
        %swap3A_2116 = vector.shape_cast %add3A_2111 : vector<16xf32> to vector<1x16xf32>
        tpu.vector_store %arg9[%swap3A_2112, %swap3A_2113], %swap3A_2116 {strides = array<i32>} : memref<400x128xf32, #tpu.memory_space<vmem>>, vector<1x16xf32>,
        %get3A_2117 = arith.index_cast %add3A_2039 : i32 to index
        %get3A_2118 = arith.constant 112 : index
        %get3A_2119 = tpu.vector_load %arg9[%get3A_2117, %get3A_2118] {strides = array<i32>} : memref<400x128xf32, #tpu.memory_space<vmem>>, vector<1x16xf32>,
        %get3A_2120 = vector.shape_cast %get3A_2119 : vector<1x16xf32> to vector<16xf32>
        %add3A_2121 = vector.broadcast %squeeze3A_2035 : f32 to vector<16xf32>
        %add3A_2122 = arith.addf %get3A_2120, %add3A_2121 : vector<16xf32>
        %swap3A_2123 = arith.index_cast %add3A_2039 : i32 to index
        %swap3A_2124 = arith.constant 112 : index
        %swap3A_2125 = tpu.vector_load %arg9[%swap3A_2123, %swap3A_2124] {strides = array<i32>} : memref<400x128xf32, #tpu.memory_space<vmem>>, vector<1x16xf32>,
        %swap3A_2126 = vector.shape_cast %swap3A_2125 : vector<1x16xf32> to vector<16xf32>
        %swap3A_2127 = vector.shape_cast %add3A_2122 : vector<16xf32> to vector<1x16xf32>
        tpu.vector_store %arg9[%swap3A_2123, %swap3A_2124], %swap3A_2127 {strides = array<i32>} : memref<400x128xf32, #tpu.memory_space<vmem>>, vector<1x16xf32>,
        %slice3A_2128 = vector.extract_strided_slice %get3A_1002 {offsets = [12], sizes = [1], strides = [1]} : vector<16xf32> to vector<1xf32>
        %squeeze3A_2129 = vector.extract %slice3A_2128[0] : f32 from vector<1xf32>
        %mul3A_2130 = arith.constant 16 : i32
        %mul3A_2131 = arith.muli %scan3A_998, %mul3A_2130 : i32
        %add3A_2132 = arith.constant 12 : i32
        %add3A_2133 = arith.addi %mul3A_2131, %add3A_2132 : i32
        %get3A_2134 = arith.index_cast %add3A_2133 : i32 to index
        %get3A_2135 = arith.constant 0 : index
        %get3A_2136 = tpu.vector_load %arg9[%get3A_2134, %get3A_2135] {strides = array<i32>} : memref<400x128xf32, #tpu.memory_space<vmem>>, vector<1x16xf32>,
        %get3A_2137 = vector.shape_cast %get3A_2136 : vector<1x16xf32> to vector<16xf32>
        %add3A_2138 = vector.broadcast %squeeze3A_2129 : f32 to vector<16xf32>
        %add3A_2139 = arith.addf %get3A_2137, %add3A_2138 : vector<16xf32>
        %swap3A_2140 = arith.index_cast %add3A_2133 : i32 to index
        %swap3A_2141 = arith.constant 0 : index
        %swap3A_2142 = tpu.vector_load %arg9[%swap3A_2140, %swap3A_2141] {strides = array<i32>} : memref<400x128xf32, #tpu.memory_space<vmem>>, vector<1x16xf32>,
        %swap3A_2143 = vector.shape_cast %swap3A_2142 : vector<1x16xf32> to vector<16xf32>
        %swap3A_2144 = vector.shape_cast %add3A_2139 : vector<16xf32> to vector<1x16xf32>
        tpu.vector_store %arg9[%swap3A_2140, %swap3A_2141], %swap3A_2144 {strides = array<i32>} : memref<400x128xf32, #tpu.memory_space<vmem>>, vector<1x16xf32>,
        %get3A_2145 = arith.index_cast %add3A_2133 : i32 to index
        %get3A_2146 = arith.constant 16 : index
        %get3A_2147 = tpu.vector_load %arg9[%get3A_2145, %get3A_2146] {strides = array<i32>} : memref<400x128xf32, #tpu.memory_space<vmem>>, vector<1x16xf32>,
        %get3A_2148 = vector.shape_cast %get3A_2147 : vector<1x16xf32> to vector<16xf32>
        %add3A_2149 = vector.broadcast %squeeze3A_2129 : f32 to vector<16xf32>
        %add3A_2150 = arith.addf %get3A_2148, %add3A_2149 : vector<16xf32>
        %swap3A_2151 = arith.index_cast %add3A_2133 : i32 to index
        %swap3A_2152 = arith.constant 16 : index
        %swap3A_2153 = tpu.vector_load %arg9[%swap3A_2151, %swap3A_2152] {strides = array<i32>} : memref<400x128xf32, #tpu.memory_space<vmem>>, vector<1x16xf32>,
        %swap3A_2154 = vector.shape_cast %swap3A_2153 : vector<1x16xf32> to vector<16xf32>
        %swap3A_2155 = vector.shape_cast %add3A_2150 : vector<16xf32> to vector<1x16xf32>
        tpu.vector_store %arg9[%swap3A_2151, %swap3A_2152], %swap3A_2155 {strides = array<i32>} : memref<400x128xf32, #tpu.memory_space<vmem>>, vector<1x16xf32>,
        %get3A_2156 = arith.index_cast %add3A_2133 : i32 to index
        %get3A_2157 = arith.constant 32 : index
        %get3A_2158 = tpu.vector_load %arg9[%get3A_2156, %get3A_2157] {strides = array<i32>} : memref<400x128xf32, #tpu.memory_space<vmem>>, vector<1x16xf32>,
        %get3A_2159 = vector.shape_cast %get3A_2158 : vector<1x16xf32> to vector<16xf32>
        %add3A_2160 = vector.broadcast %squeeze3A_2129 : f32 to vector<16xf32>
        %add3A_2161 = arith.addf %get3A_2159, %add3A_2160 : vector<16xf32>
        %swap3A_2162 = arith.index_cast %add3A_2133 : i32 to index
        %swap3A_2163 = arith.constant 32 : index
        %swap3A_2164 = tpu.vector_load %arg9[%swap3A_2162, %swap3A_2163] {strides = array<i32>} : memref<400x128xf32, #tpu.memory_space<vmem>>, vector<1x16xf32>,
        %swap3A_2165 = vector.shape_cast %swap3A_2164 : vector<1x16xf32> to vector<16xf32>
        %swap3A_2166 = vector.shape_cast %add3A_2161 : vector<16xf32> to vector<1x16xf32>
        tpu.vector_store %arg9[%swap3A_2162, %swap3A_2163], %swap3A_2166 {strides = array<i32>} : memref<400x128xf32, #tpu.memory_space<vmem>>, vector<1x16xf32>,
        %get3A_2167 = arith.index_cast %add3A_2133 : i32 to index
        %get3A_2168 = arith.constant 48 : index
        %get3A_2169 = tpu.vector_load %arg9[%get3A_2167, %get3A_2168] {strides = array<i32>} : memref<400x128xf32, #tpu.memory_space<vmem>>, vector<1x16xf32>,
        %get3A_2170 = vector.shape_cast %get3A_2169 : vector<1x16xf32> to vector<16xf32>
        %add3A_2171 = vector.broadcast %squeeze3A_2129 : f32 to vector<16xf32>
        %add3A_2172 = arith.addf %get3A_2170, %add3A_2171 : vector<16xf32>
        %swap3A_2173 = arith.index_cast %add3A_2133 : i32 to index
        %swap3A_2174 = arith.constant 48 : index
        %swap3A_2175 = tpu.vector_load %arg9[%swap3A_2173, %swap3A_2174] {strides = array<i32>} : memref<400x128xf32, #tpu.memory_space<vmem>>, vector<1x16xf32>,
        %swap3A_2176 = vector.shape_cast %swap3A_2175 : vector<1x16xf32> to vector<16xf32>
        %swap3A_2177 = vector.shape_cast %add3A_2172 : vector<16xf32> to vector<1x16xf32>
        tpu.vector_store %arg9[%swap3A_2173, %swap3A_2174], %swap3A_2177 {strides = array<i32>} : memref<400x128xf32, #tpu.memory_space<vmem>>, vector<1x16xf32>,
        %get3A_2178 = arith.index_cast %add3A_2133 : i32 to index
        %get3A_2179 = arith.constant 64 : index
        %get3A_2180 = tpu.vector_load %arg9[%get3A_2178, %get3A_2179] {strides = array<i32>} : memref<400x128xf32, #tpu.memory_space<vmem>>, vector<1x16xf32>,
        %get3A_2181 = vector.shape_cast %get3A_2180 : vector<1x16xf32> to vector<16xf32>
        %add3A_2182 = vector.broadcast %squeeze3A_2129 : f32 to vector<16xf32>
        %add3A_2183 = arith.addf %get3A_2181, %add3A_2182 : vector<16xf32>
        %swap3A_2184 = arith.index_cast %add3A_2133 : i32 to index
        %swap3A_2185 = arith.constant 64 : index
        %swap3A_2186 = tpu.vector_load %arg9[%swap3A_2184, %swap3A_2185] {strides = array<i32>} : memref<400x128xf32, #tpu.memory_space<vmem>>, vector<1x16xf32>,
        %swap3A_2187 = vector.shape_cast %swap3A_2186 : vector<1x16xf32> to vector<16xf32>
        %swap3A_2188 = vector.shape_cast %add3A_2183 : vector<16xf32> to vector<1x16xf32>
        tpu.vector_store %arg9[%swap3A_2184, %swap3A_2185], %swap3A_2188 {strides = array<i32>} : memref<400x128xf32, #tpu.memory_space<vmem>>, vector<1x16xf32>,
        %get3A_2189 = arith.index_cast %add3A_2133 : i32 to index
        %get3A_2190 = arith.constant 80 : index
        %get3A_2191 = tpu.vector_load %arg9[%get3A_2189, %get3A_2190] {strides = array<i32>} : memref<400x128xf32, #tpu.memory_space<vmem>>, vector<1x16xf32>,
        %get3A_2192 = vector.shape_cast %get3A_2191 : vector<1x16xf32> to vector<16xf32>
        %add3A_2193 = vector.broadcast %squeeze3A_2129 : f32 to vector<16xf32>
        %add3A_2194 = arith.addf %get3A_2192, %add3A_2193 : vector<16xf32>
        %swap3A_2195 = arith.index_cast %add3A_2133 : i32 to index
        %swap3A_2196 = arith.constant 80 : index
        %swap3A_2197 = tpu.vector_load %arg9[%swap3A_2195, %swap3A_2196] {strides = array<i32>} : memref<400x128xf32, #tpu.memory_space<vmem>>, vector<1x16xf32>,
        %swap3A_2198 = vector.shape_cast %swap3A_2197 : vector<1x16xf32> to vector<16xf32>
        %swap3A_2199 = vector.shape_cast %add3A_2194 : vector<16xf32> to vector<1x16xf32>
        tpu.vector_store %arg9[%swap3A_2195, %swap3A_2196], %swap3A_2199 {strides = array<i32>} : memref<400x128xf32, #tpu.memory_space<vmem>>, vector<1x16xf32>,
        %get3A_2200 = arith.index_cast %add3A_2133 : i32 to index
        %get3A_2201 = arith.constant 96 : index
        %get3A_2202 = tpu.vector_load %arg9[%get3A_2200, %get3A_2201] {strides = array<i32>} : memref<400x128xf32, #tpu.memory_space<vmem>>, vector<1x16xf32>,
        %get3A_2203 = vector.shape_cast %get3A_2202 : vector<1x16xf32> to vector<16xf32>
        %add3A_2204 = vector.broadcast %squeeze3A_2129 : f32 to vector<16xf32>
        %add3A_2205 = arith.addf %get3A_2203, %add3A_2204 : vector<16xf32>
        %swap3A_2206 = arith.index_cast %add3A_2133 : i32 to index
        %swap3A_2207 = arith.constant 96 : index
        %swap3A_2208 = tpu.vector_load %arg9[%swap3A_2206, %swap3A_2207] {strides = array<i32>} : memref<400x128xf32, #tpu.memory_space<vmem>>, vector<1x16xf32>,
        %swap3A_2209 = vector.shape_cast %swap3A_2208 : vector<1x16xf32> to vector<16xf32>
        %swap3A_2210 = vector.shape_cast %add3A_2205 : vector<16xf32> to vector<1x16xf32>
        tpu.vector_store %arg9[%swap3A_2206, %swap3A_2207], %swap3A_2210 {strides = array<i32>} : memref<400x128xf32, #tpu.memory_space<vmem>>, vector<1x16xf32>,
        %get3A_2211 = arith.index_cast %add3A_2133 : i32 to index
        %get3A_2212 = arith.constant 112 : index
        %get3A_2213 = tpu.vector_load %arg9[%get3A_2211, %get3A_2212] {strides = array<i32>} : memref<400x128xf32, #tpu.memory_space<vmem>>, vector<1x16xf32>,
        %get3A_2214 = vector.shape_cast %get3A_2213 : vector<1x16xf32> to vector<16xf32>
        %add3A_2215 = vector.broadcast %squeeze3A_2129 : f32 to vector<16xf32>
        %add3A_2216 = arith.addf %get3A_2214, %add3A_2215 : vector<16xf32>
        %swap3A_2217 = arith.index_cast %add3A_2133 : i32 to index
        %swap3A_2218 = arith.constant 112 : index
        %swap3A_2219 = tpu.vector_load %arg9[%swap3A_2217, %swap3A_2218] {strides = array<i32>} : memref<400x128xf32, #tpu.memory_space<vmem>>, vector<1x16xf32>,
        %swap3A_2220 = vector.shape_cast %swap3A_2219 : vector<1x16xf32> to vector<16xf32>
        %swap3A_2221 = vector.shape_cast %add3A_2216 : vector<16xf32> to vector<1x16xf32>
        tpu.vector_store %arg9[%swap3A_2217, %swap3A_2218], %swap3A_2221 {strides = array<i32>} : memref<400x128xf32, #tpu.memory_space<vmem>>, vector<1x16xf32>,
        %slice3A_2222 = vector.extract_strided_slice %get3A_1002 {offsets = [13], sizes = [1], strides = [1]} : vector<16xf32> to vector<1xf32>
        %squeeze3A_2223 = vector.extract %slice3A_2222[0] : f32 from vector<1xf32>
        %mul3A_2224 = arith.constant 16 : i32
        %mul3A_2225 = arith.muli %scan3A_998, %mul3A_2224 : i32
        %add3A_2226 = arith.constant 13 : i32
        %add3A_2227 = arith.addi %mul3A_2225, %add3A_2226 : i32
        %get3A_2228 = arith.index_cast %add3A_2227 : i32 to index
        %get3A_2229 = arith.constant 0 : index
        %get3A_2230 = tpu.vector_load %arg9[%get3A_2228, %get3A_2229] {strides = array<i32>} : memref<400x128xf32, #tpu.memory_space<vmem>>, vector<1x16xf32>,
        %get3A_2231 = vector.shape_cast %get3A_2230 : vector<1x16xf32> to vector<16xf32>
        %add3A_2232 = vector.broadcast %squeeze3A_2223 : f32 to vector<16xf32>
        %add3A_2233 = arith.addf %get3A_2231, %add3A_2232 : vector<16xf32>
        %swap3A_2234 = arith.index_cast %add3A_2227 : i32 to index
        %swap3A_2235 = arith.constant 0 : index
        %swap3A_2236 = tpu.vector_load %arg9[%swap3A_2234, %swap3A_2235] {strides = array<i32>} : memref<400x128xf32, #tpu.memory_space<vmem>>, vector<1x16xf32>,
        %swap3A_2237 = vector.shape_cast %swap3A_2236 : vector<1x16xf32> to vector<16xf32>
        %swap3A_2238 = vector.shape_cast %add3A_2233 : vector<16xf32> to vector<1x16xf32>
        tpu.vector_store %arg9[%swap3A_2234, %swap3A_2235], %swap3A_2238 {strides = array<i32>} : memref<400x128xf32, #tpu.memory_space<vmem>>, vector<1x16xf32>,
        %get3A_2239 = arith.index_cast %add3A_2227 : i32 to index
        %get3A_2240 = arith.constant 16 : index
        %get3A_2241 = tpu.vector_load %arg9[%get3A_2239, %get3A_2240] {strides = array<i32>} : memref<400x128xf32, #tpu.memory_space<vmem>>, vector<1x16xf32>,
        %get3A_2242 = vector.shape_cast %get3A_2241 : vector<1x16xf32> to vector<16xf32>
        %add3A_2243 = vector.broadcast %squeeze3A_2223 : f32 to vector<16xf32>
        %add3A_2244 = arith.addf %get3A_2242, %add3A_2243 : vector<16xf32>
        %swap3A_2245 = arith.index_cast %add3A_2227 : i32 to index
        %swap3A_2246 = arith.constant 16 : index
        %swap3A_2247 = tpu.vector_load %arg9[%swap3A_2245, %swap3A_2246] {strides = array<i32>} : memref<400x128xf32, #tpu.memory_space<vmem>>, vector<1x16xf32>,
        %swap3A_2248 = vector.shape_cast %swap3A_2247 : vector<1x16xf32> to vector<16xf32>
        %swap3A_2249 = vector.shape_cast %add3A_2244 : vector<16xf32> to vector<1x16xf32>
        tpu.vector_store %arg9[%swap3A_2245, %swap3A_2246], %swap3A_2249 {strides = array<i32>} : memref<400x128xf32, #tpu.memory_space<vmem>>, vector<1x16xf32>,
        %get3A_2250 = arith.index_cast %add3A_2227 : i32 to index
        %get3A_2251 = arith.constant 32 : index
        %get3A_2252 = tpu.vector_load %arg9[%get3A_2250, %get3A_2251] {strides = array<i32>} : memref<400x128xf32, #tpu.memory_space<vmem>>, vector<1x16xf32>,
        %get3A_2253 = vector.shape_cast %get3A_2252 : vector<1x16xf32> to vector<16xf32>
        %add3A_2254 = vector.broadcast %squeeze3A_2223 : f32 to vector<16xf32>
        %add3A_2255 = arith.addf %get3A_2253, %add3A_2254 : vector<16xf32>
        %swap3A_2256 = arith.index_cast %add3A_2227 : i32 to index
        %swap3A_2257 = arith.constant 32 : index
        %swap3A_2258 = tpu.vector_load %arg9[%swap3A_2256, %swap3A_2257] {strides = array<i32>} : memref<400x128xf32, #tpu.memory_space<vmem>>, vector<1x16xf32>,
        %swap3A_2259 = vector.shape_cast %swap3A_2258 : vector<1x16xf32> to vector<16xf32>
        %swap3A_2260 = vector.shape_cast %add3A_2255 : vector<16xf32> to vector<1x16xf32>
        tpu.vector_store %arg9[%swap3A_2256, %swap3A_2257], %swap3A_2260 {strides = array<i32>} : memref<400x128xf32, #tpu.memory_space<vmem>>, vector<1x16xf32>,
        %get3A_2261 = arith.index_cast %add3A_2227 : i32 to index
        %get3A_2262 = arith.constant 48 : index
        %get3A_2263 = tpu.vector_load %arg9[%get3A_2261, %get3A_2262] {strides = array<i32>} : memref<400x128xf32, #tpu.memory_space<vmem>>, vector<1x16xf32>,
        %get3A_2264 = vector.shape_cast %get3A_2263 : vector<1x16xf32> to vector<16xf32>
        %add3A_2265 = vector.broadcast %squeeze3A_2223 : f32 to vector<16xf32>
        %add3A_2266 = arith.addf %get3A_2264, %add3A_2265 : vector<16xf32>
        %swap3A_2267 = arith.index_cast %add3A_2227 : i32 to index
        %swap3A_2268 = arith.constant 48 : index
        %swap3A_2269 = tpu.vector_load %arg9[%swap3A_2267, %swap3A_2268] {strides = array<i32>} : memref<400x128xf32, #tpu.memory_space<vmem>>, vector<1x16xf32>,
        %swap3A_2270 = vector.shape_cast %swap3A_2269 : vector<1x16xf32> to vector<16xf32>
        %swap3A_2271 = vector.shape_cast %add3A_2266 : vector<16xf32> to vector<1x16xf32>
        tpu.vector_store %arg9[%swap3A_2267, %swap3A_2268], %swap3A_2271 {strides = array<i32>} : memref<400x128xf32, #tpu.memory_space<vmem>>, vector<1x16xf32>,
        %get3A_2272 = arith.index_cast %add3A_2227 : i32 to index
        %get3A_2273 = arith.constant 64 : index
        %get3A_2274 = tpu.vector_load %arg9[%get3A_2272, %get3A_2273] {strides = array<i32>} : memref<400x128xf32, #tpu.memory_space<vmem>>, vector<1x16xf32>,
        %get3A_2275 = vector.shape_cast %get3A_2274 : vector<1x16xf32> to vector<16xf32>
        %add3A_2276 = vector.broadcast %squeeze3A_2223 : f32 to vector<16xf32>
        %add3A_2277 = arith.addf %get3A_2275, %add3A_2276 : vector<16xf32>
        %swap3A_2278 = arith.index_cast %add3A_2227 : i32 to index
        %swap3A_2279 = arith.constant 64 : index
        %swap3A_2280 = tpu.vector_load %arg9[%swap3A_2278, %swap3A_2279] {strides = array<i32>} : memref<400x128xf32, #tpu.memory_space<vmem>>, vector<1x16xf32>,
        %swap3A_2281 = vector.shape_cast %swap3A_2280 : vector<1x16xf32> to vector<16xf32>
        %swap3A_2282 = vector.shape_cast %add3A_2277 : vector<16xf32> to vector<1x16xf32>
        tpu.vector_store %arg9[%swap3A_2278, %swap3A_2279], %swap3A_2282 {strides = array<i32>} : memref<400x128xf32, #tpu.memory_space<vmem>>, vector<1x16xf32>,
        %get3A_2283 = arith.index_cast %add3A_2227 : i32 to index
        %get3A_2284 = arith.constant 80 : index
        %get3A_2285 = tpu.vector_load %arg9[%get3A_2283, %get3A_2284] {strides = array<i32>} : memref<400x128xf32, #tpu.memory_space<vmem>>, vector<1x16xf32>,
        %get3A_2286 = vector.shape_cast %get3A_2285 : vector<1x16xf32> to vector<16xf32>
        %add3A_2287 = vector.broadcast %squeeze3A_2223 : f32 to vector<16xf32>
        %add3A_2288 = arith.addf %get3A_2286, %add3A_2287 : vector<16xf32>
        %swap3A_2289 = arith.index_cast %add3A_2227 : i32 to index
        %swap3A_2290 = arith.constant 80 : index
        %swap3A_2291 = tpu.vector_load %arg9[%swap3A_2289, %swap3A_2290] {strides = array<i32>} : memref<400x128xf32, #tpu.memory_space<vmem>>, vector<1x16xf32>,
        %swap3A_2292 = vector.shape_cast %swap3A_2291 : vector<1x16xf32> to vector<16xf32>
        %swap3A_2293 = vector.shape_cast %add3A_2288 : vector<16xf32> to vector<1x16xf32>
        tpu.vector_store %arg9[%swap3A_2289, %swap3A_2290], %swap3A_2293 {strides = array<i32>} : memref<400x128xf32, #tpu.memory_space<vmem>>, vector<1x16xf32>,
        %get3A_2294 = arith.index_cast %add3A_2227 : i32 to index
        %get3A_2295 = arith.constant 96 : index
        %get3A_2296 = tpu.vector_load %arg9[%get3A_2294, %get3A_2295] {strides = array<i32>} : memref<400x128xf32, #tpu.memory_space<vmem>>, vector<1x16xf32>,
        %get3A_2297 = vector.shape_cast %get3A_2296 : vector<1x16xf32> to vector<16xf32>
        %add3A_2298 = vector.broadcast %squeeze3A_2223 : f32 to vector<16xf32>
        %add3A_2299 = arith.addf %get3A_2297, %add3A_2298 : vector<16xf32>
        %swap3A_2300 = arith.index_cast %add3A_2227 : i32 to index
        %swap3A_2301 = arith.constant 96 : index
        %swap3A_2302 = tpu.vector_load %arg9[%swap3A_2300, %swap3A_2301] {strides = array<i32>} : memref<400x128xf32, #tpu.memory_space<vmem>>, vector<1x16xf32>,
        %swap3A_2303 = vector.shape_cast %swap3A_2302 : vector<1x16xf32> to vector<16xf32>
        %swap3A_2304 = vector.shape_cast %add3A_2299 : vector<16xf32> to vector<1x16xf32>
        tpu.vector_store %arg9[%swap3A_2300, %swap3A_2301], %swap3A_2304 {strides = array<i32>} : memref<400x128xf32, #tpu.memory_space<vmem>>, vector<1x16xf32>,
        %get3A_2305 = arith.index_cast %add3A_2227 : i32 to index
        %get3A_2306 = arith.constant 112 : index
        %get3A_2307 = tpu.vector_load %arg9[%get3A_2305, %get3A_2306] {strides = array<i32>} : memref<400x128xf32, #tpu.memory_space<vmem>>, vector<1x16xf32>,
        %get3A_2308 = vector.shape_cast %get3A_2307 : vector<1x16xf32> to vector<16xf32>
        %add3A_2309 = vector.broadcast %squeeze3A_2223 : f32 to vector<16xf32>
        %add3A_2310 = arith.addf %get3A_2308, %add3A_2309 : vector<16xf32>
        %swap3A_2311 = arith.index_cast %add3A_2227 : i32 to index
        %swap3A_2312 = arith.constant 112 : index
        %swap3A_2313 = tpu.vector_load %arg9[%swap3A_2311, %swap3A_2312] {strides = array<i32>} : memref<400x128xf32, #tpu.memory_space<vmem>>, vector<1x16xf32>,
        %swap3A_2314 = vector.shape_cast %swap3A_2313 : vector<1x16xf32> to vector<16xf32>
        %swap3A_2315 = vector.shape_cast %add3A_2310 : vector<16xf32> to vector<1x16xf32>
        tpu.vector_store %arg9[%swap3A_2311, %swap3A_2312], %swap3A_2315 {strides = array<i32>} : memref<400x128xf32, #tpu.memory_space<vmem>>, vector<1x16xf32>,
        %slice3A_2316 = vector.extract_strided_slice %get3A_1002 {offsets = [14], sizes = [1], strides = [1]} : vector<16xf32> to vector<1xf32>
        %squeeze3A_2317 = vector.extract %slice3A_2316[0] : f32 from vector<1xf32>
        %mul3A_2318 = arith.constant 16 : i32
        %mul3A_2319 = arith.muli %scan3A_998, %mul3A_2318 : i32
        %add3A_2320 = arith.constant 14 : i32
        %add3A_2321 = arith.addi %mul3A_2319, %add3A_2320 : i32
        %get3A_2322 = arith.index_cast %add3A_2321 : i32 to index
        %get3A_2323 = arith.constant 0 : index
        %get3A_2324 = tpu.vector_load %arg9[%get3A_2322, %get3A_2323] {strides = array<i32>} : memref<400x128xf32, #tpu.memory_space<vmem>>, vector<1x16xf32>,
        %get3A_2325 = vector.shape_cast %get3A_2324 : vector<1x16xf32> to vector<16xf32>
        %add3A_2326 = vector.broadcast %squeeze3A_2317 : f32 to vector<16xf32>
        %add3A_2327 = arith.addf %get3A_2325, %add3A_2326 : vector<16xf32>
        %swap3A_2328 = arith.index_cast %add3A_2321 : i32 to index
        %swap3A_2329 = arith.constant 0 : index
        %swap3A_2330 = tpu.vector_load %arg9[%swap3A_2328, %swap3A_2329] {strides = array<i32>} : memref<400x128xf32, #tpu.memory_space<vmem>>, vector<1x16xf32>,
        %swap3A_2331 = vector.shape_cast %swap3A_2330 : vector<1x16xf32> to vector<16xf32>
        %swap3A_2332 = vector.shape_cast %add3A_2327 : vector<16xf32> to vector<1x16xf32>
        tpu.vector_store %arg9[%swap3A_2328, %swap3A_2329], %swap3A_2332 {strides = array<i32>} : memref<400x128xf32, #tpu.memory_space<vmem>>, vector<1x16xf32>,
        %get3A_2333 = arith.index_cast %add3A_2321 : i32 to index
        %get3A_2334 = arith.constant 16 : index
        %get3A_2335 = tpu.vector_load %arg9[%get3A_2333, %get3A_2334] {strides = array<i32>} : memref<400x128xf32, #tpu.memory_space<vmem>>, vector<1x16xf32>,
        %get3A_2336 = vector.shape_cast %get3A_2335 : vector<1x16xf32> to vector<16xf32>
        %add3A_2337 = vector.broadcast %squeeze3A_2317 : f32 to vector<16xf32>
        %add3A_2338 = arith.addf %get3A_2336, %add3A_2337 : vector<16xf32>
        %swap3A_2339 = arith.index_cast %add3A_2321 : i32 to index
        %swap3A_2340 = arith.constant 16 : index
        %swap3A_2341 = tpu.vector_load %arg9[%swap3A_2339, %swap3A_2340] {strides = array<i32>} : memref<400x128xf32, #tpu.memory_space<vmem>>, vector<1x16xf32>,
        %swap3A_2342 = vector.shape_cast %swap3A_2341 : vector<1x16xf32> to vector<16xf32>
        %swap3A_2343 = vector.shape_cast %add3A_2338 : vector<16xf32> to vector<1x16xf32>
        tpu.vector_store %arg9[%swap3A_2339, %swap3A_2340], %swap3A_2343 {strides = array<i32>} : memref<400x128xf32, #tpu.memory_space<vmem>>, vector<1x16xf32>,
        %get3A_2344 = arith.index_cast %add3A_2321 : i32 to index
        %get3A_2345 = arith.constant 32 : index
        %get3A_2346 = tpu.vector_load %arg9[%get3A_2344, %get3A_2345] {strides = array<i32>} : memref<400x128xf32, #tpu.memory_space<vmem>>, vector<1x16xf32>,
        %get3A_2347 = vector.shape_cast %get3A_2346 : vector<1x16xf32> to vector<16xf32>
        %add3A_2348 = vector.broadcast %squeeze3A_2317 : f32 to vector<16xf32>
        %add3A_2349 = arith.addf %get3A_2347, %add3A_2348 : vector<16xf32>
        %swap3A_2350 = arith.index_cast %add3A_2321 : i32 to index
        %swap3A_2351 = arith.constant 32 : index
        %swap3A_2352 = tpu.vector_load %arg9[%swap3A_2350, %swap3A_2351] {strides = array<i32>} : memref<400x128xf32, #tpu.memory_space<vmem>>, vector<1x16xf32>,
        %swap3A_2353 = vector.shape_cast %swap3A_2352 : vector<1x16xf32> to vector<16xf32>
        %swap3A_2354 = vector.shape_cast %add3A_2349 : vector<16xf32> to vector<1x16xf32>
        tpu.vector_store %arg9[%swap3A_2350, %swap3A_2351], %swap3A_2354 {strides = array<i32>} : memref<400x128xf32, #tpu.memory_space<vmem>>, vector<1x16xf32>,
        %get3A_2355 = arith.index_cast %add3A_2321 : i32 to index
        %get3A_2356 = arith.constant 48 : index
        %get3A_2357 = tpu.vector_load %arg9[%get3A_2355, %get3A_2356] {strides = array<i32>} : memref<400x128xf32, #tpu.memory_space<vmem>>, vector<1x16xf32>,
        %get3A_2358 = vector.shape_cast %get3A_2357 : vector<1x16xf32> to vector<16xf32>
        %add3A_2359 = vector.broadcast %squeeze3A_2317 : f32 to vector<16xf32>
        %add3A_2360 = arith.addf %get3A_2358, %add3A_2359 : vector<16xf32>
        %swap3A_2361 = arith.index_cast %add3A_2321 : i32 to index
        %swap3A_2362 = arith.constant 48 : index
        %swap3A_2363 = tpu.vector_load %arg9[%swap3A_2361, %swap3A_2362] {strides = array<i32>} : memref<400x128xf32, #tpu.memory_space<vmem>>, vector<1x16xf32>,
        %swap3A_2364 = vector.shape_cast %swap3A_2363 : vector<1x16xf32> to vector<16xf32>
        %swap3A_2365 = vector.shape_cast %add3A_2360 : vector<16xf32> to vector<1x16xf32>
        tpu.vector_store %arg9[%swap3A_2361, %swap3A_2362], %swap3A_2365 {strides = array<i32>} : memref<400x128xf32, #tpu.memory_space<vmem>>, vector<1x16xf32>,
        %get3A_2366 = arith.index_cast %add3A_2321 : i32 to index
        %get3A_2367 = arith.constant 64 : index
        %get3A_2368 = tpu.vector_load %arg9[%get3A_2366, %get3A_2367] {strides = array<i32>} : memref<400x128xf32, #tpu.memory_space<vmem>>, vector<1x16xf32>,
        %get3A_2369 = vector.shape_cast %get3A_2368 : vector<1x16xf32> to vector<16xf32>
        %add3A_2370 = vector.broadcast %squeeze3A_2317 : f32 to vector<16xf32>
        %add3A_2371 = arith.addf %get3A_2369, %add3A_2370 : vector<16xf32>
        %swap3A_2372 = arith.index_cast %add3A_2321 : i32 to index
        %swap3A_2373 = arith.constant 64 : index
        %swap3A_2374 = tpu.vector_load %arg9[%swap3A_2372, %swap3A_2373] {strides = array<i32>} : memref<400x128xf32, #tpu.memory_space<vmem>>, vector<1x16xf32>,
        %swap3A_2375 = vector.shape_cast %swap3A_2374 : vector<1x16xf32> to vector<16xf32>
        %swap3A_2376 = vector.shape_cast %add3A_2371 : vector<16xf32> to vector<1x16xf32>
        tpu.vector_store %arg9[%swap3A_2372, %swap3A_2373], %swap3A_2376 {strides = array<i32>} : memref<400x128xf32, #tpu.memory_space<vmem>>, vector<1x16xf32>,
        %get3A_2377 = arith.index_cast %add3A_2321 : i32 to index
        %get3A_2378 = arith.constant 80 : index
        %get3A_2379 = tpu.vector_load %arg9[%get3A_2377, %get3A_2378] {strides = array<i32>} : memref<400x128xf32, #tpu.memory_space<vmem>>, vector<1x16xf32>,
        %get3A_2380 = vector.shape_cast %get3A_2379 : vector<1x16xf32> to vector<16xf32>
        %add3A_2381 = vector.broadcast %squeeze3A_2317 : f32 to vector<16xf32>
        %add3A_2382 = arith.addf %get3A_2380, %add3A_2381 : vector<16xf32>
        %swap3A_2383 = arith.index_cast %add3A_2321 : i32 to index
        %swap3A_2384 = arith.constant 80 : index
        %swap3A_2385 = tpu.vector_load %arg9[%swap3A_2383, %swap3A_2384] {strides = array<i32>} : memref<400x128xf32, #tpu.memory_space<vmem>>, vector<1x16xf32>,
        %swap3A_2386 = vector.shape_cast %swap3A_2385 : vector<1x16xf32> to vector<16xf32>
        %swap3A_2387 = vector.shape_cast %add3A_2382 : vector<16xf32> to vector<1x16xf32>
        tpu.vector_store %arg9[%swap3A_2383, %swap3A_2384], %swap3A_2387 {strides = array<i32>} : memref<400x128xf32, #tpu.memory_space<vmem>>, vector<1x16xf32>,
        %get3A_2388 = arith.index_cast %add3A_2321 : i32 to index
        %get3A_2389 = arith.constant 96 : index
        %get3A_2390 = tpu.vector_load %arg9[%get3A_2388, %get3A_2389] {strides = array<i32>} : memref<400x128xf32, #tpu.memory_space<vmem>>, vector<1x16xf32>,
        %get3A_2391 = vector.shape_cast %get3A_2390 : vector<1x16xf32> to vector<16xf32>
        %add3A_2392 = vector.broadcast %squeeze3A_2317 : f32 to vector<16xf32>
        %add3A_2393 = arith.addf %get3A_2391, %add3A_2392 : vector<16xf32>
        %swap3A_2394 = arith.index_cast %add3A_2321 : i32 to index
        %swap3A_2395 = arith.constant 96 : index
        %swap3A_2396 = tpu.vector_load %arg9[%swap3A_2394, %swap3A_2395] {strides = array<i32>} : memref<400x128xf32, #tpu.memory_space<vmem>>, vector<1x16xf32>,
        %swap3A_2397 = vector.shape_cast %swap3A_2396 : vector<1x16xf32> to vector<16xf32>
        %swap3A_2398 = vector.shape_cast %add3A_2393 : vector<16xf32> to vector<1x16xf32>
        tpu.vector_store %arg9[%swap3A_2394, %swap3A_2395], %swap3A_2398 {strides = array<i32>} : memref<400x128xf32, #tpu.memory_space<vmem>>, vector<1x16xf32>,
        %get3A_2399 = arith.index_cast %add3A_2321 : i32 to index
        %get3A_2400 = arith.constant 112 : index
        %get3A_2401 = tpu.vector_load %arg9[%get3A_2399, %get3A_2400] {strides = array<i32>} : memref<400x128xf32, #tpu.memory_space<vmem>>, vector<1x16xf32>,
        %get3A_2402 = vector.shape_cast %get3A_2401 : vector<1x16xf32> to vector<16xf32>
        %add3A_2403 = vector.broadcast %squeeze3A_2317 : f32 to vector<16xf32>
        %add3A_2404 = arith.addf %get3A_2402, %add3A_2403 : vector<16xf32>
        %swap3A_2405 = arith.index_cast %add3A_2321 : i32 to index
        %swap3A_2406 = arith.constant 112 : index
        %swap3A_2407 = tpu.vector_load %arg9[%swap3A_2405, %swap3A_2406] {strides = array<i32>} : memref<400x128xf32, #tpu.memory_space<vmem>>, vector<1x16xf32>,
        %swap3A_2408 = vector.shape_cast %swap3A_2407 : vector<1x16xf32> to vector<16xf32>
        %swap3A_2409 = vector.shape_cast %add3A_2404 : vector<16xf32> to vector<1x16xf32>
        tpu.vector_store %arg9[%swap3A_2405, %swap3A_2406], %swap3A_2409 {strides = array<i32>} : memref<400x128xf32, #tpu.memory_space<vmem>>, vector<1x16xf32>,
        %slice3A_2410 = vector.extract_strided_slice %get3A_1002 {offsets = [15], sizes = [1], strides = [1]} : vector<16xf32> to vector<1xf32>
        %squeeze3A_2411 = vector.extract %slice3A_2410[0] : f32 from vector<1xf32>
        %mul3A_2412 = arith.constant 16 : i32
        %mul3A_2413 = arith.muli %scan3A_998, %mul3A_2412 : i32
        %add3A_2414 = arith.constant 15 : i32
        %add3A_2415 = arith.addi %mul3A_2413, %add3A_2414 : i32
        %get3A_2416 = arith.index_cast %add3A_2415 : i32 to index
        %get3A_2417 = arith.constant 0 : index
        %get3A_2418 = tpu.vector_load %arg9[%get3A_2416, %get3A_2417] {strides = array<i32>} : memref<400x128xf32, #tpu.memory_space<vmem>>, vector<1x16xf32>,
        %get3A_2419 = vector.shape_cast %get3A_2418 : vector<1x16xf32> to vector<16xf32>
        %add3A_2420 = vector.broadcast %squeeze3A_2411 : f32 to vector<16xf32>
        %add3A_2421 = arith.addf %get3A_2419, %add3A_2420 : vector<16xf32>
        %swap3A_2422 = arith.index_cast %add3A_2415 : i32 to index
        %swap3A_2423 = arith.constant 0 : index
        %swap3A_2424 = tpu.vector_load %arg9[%swap3A_2422, %swap3A_2423] {strides = array<i32>} : memref<400x128xf32, #tpu.memory_space<vmem>>, vector<1x16xf32>,
        %swap3A_2425 = vector.shape_cast %swap3A_2424 : vector<1x16xf32> to vector<16xf32>
        %swap3A_2426 = vector.shape_cast %add3A_2421 : vector<16xf32> to vector<1x16xf32>
        tpu.vector_store %arg9[%swap3A_2422, %swap3A_2423], %swap3A_2426 {strides = array<i32>} : memref<400x128xf32, #tpu.memory_space<vmem>>, vector<1x16xf32>,
        %get3A_2427 = arith.index_cast %add3A_2415 : i32 to index
        %get3A_2428 = arith.constant 16 : index
        %get3A_2429 = tpu.vector_load %arg9[%get3A_2427, %get3A_2428] {strides = array<i32>} : memref<400x128xf32, #tpu.memory_space<vmem>>, vector<1x16xf32>,
        %get3A_2430 = vector.shape_cast %get3A_2429 : vector<1x16xf32> to vector<16xf32>
        %add3A_2431 = vector.broadcast %squeeze3A_2411 : f32 to vector<16xf32>
        %add3A_2432 = arith.addf %get3A_2430, %add3A_2431 : vector<16xf32>
        %swap3A_2433 = arith.index_cast %add3A_2415 : i32 to index
        %swap3A_2434 = arith.constant 16 : index
        %swap3A_2435 = tpu.vector_load %arg9[%swap3A_2433, %swap3A_2434] {strides = array<i32>} : memref<400x128xf32, #tpu.memory_space<vmem>>, vector<1x16xf32>,
        %swap3A_2436 = vector.shape_cast %swap3A_2435 : vector<1x16xf32> to vector<16xf32>
        %swap3A_2437 = vector.shape_cast %add3A_2432 : vector<16xf32> to vector<1x16xf32>
        tpu.vector_store %arg9[%swap3A_2433, %swap3A_2434], %swap3A_2437 {strides = array<i32>} : memref<400x128xf32, #tpu.memory_space<vmem>>, vector<1x16xf32>,
        %get3A_2438 = arith.index_cast %add3A_2415 : i32 to index
        %get3A_2439 = arith.constant 32 : index
        %get3A_2440 = tpu.vector_load %arg9[%get3A_2438, %get3A_2439] {strides = array<i32>} : memref<400x128xf32, #tpu.memory_space<vmem>>, vector<1x16xf32>,
        %get3A_2441 = vector.shape_cast %get3A_2440 : vector<1x16xf32> to vector<16xf32>
        %add3A_2442 = vector.broadcast %squeeze3A_2411 : f32 to vector<16xf32>
        %add3A_2443 = arith.addf %get3A_2441, %add3A_2442 : vector<16xf32>
        %swap3A_2444 = arith.index_cast %add3A_2415 : i32 to index
        %swap3A_2445 = arith.constant 32 : index
        %swap3A_2446 = tpu.vector_load %arg9[%swap3A_2444, %swap3A_2445] {strides = array<i32>} : memref<400x128xf32, #tpu.memory_space<vmem>>, vector<1x16xf32>,
        %swap3A_2447 = vector.shape_cast %swap3A_2446 : vector<1x16xf32> to vector<16xf32>
        %swap3A_2448 = vector.shape_cast %add3A_2443 : vector<16xf32> to vector<1x16xf32>
        tpu.vector_store %arg9[%swap3A_2444, %swap3A_2445], %swap3A_2448 {strides = array<i32>} : memref<400x128xf32, #tpu.memory_space<vmem>>, vector<1x16xf32>,
        %get3A_2449 = arith.index_cast %add3A_2415 : i32 to index
        %get3A_2450 = arith.constant 48 : index
        %get3A_2451 = tpu.vector_load %arg9[%get3A_2449, %get3A_2450] {strides = array<i32>} : memref<400x128xf32, #tpu.memory_space<vmem>>, vector<1x16xf32>,
        %get3A_2452 = vector.shape_cast %get3A_2451 : vector<1x16xf32> to vector<16xf32>
        %add3A_2453 = vector.broadcast %squeeze3A_2411 : f32 to vector<16xf32>
        %add3A_2454 = arith.addf %get3A_2452, %add3A_2453 : vector<16xf32>
        %swap3A_2455 = arith.index_cast %add3A_2415 : i32 to index
        %swap3A_2456 = arith.constant 48 : index
        %swap3A_2457 = tpu.vector_load %arg9[%swap3A_2455, %swap3A_2456] {strides = array<i32>} : memref<400x128xf32, #tpu.memory_space<vmem>>, vector<1x16xf32>,
        %swap3A_2458 = vector.shape_cast %swap3A_2457 : vector<1x16xf32> to vector<16xf32>
        %swap3A_2459 = vector.shape_cast %add3A_2454 : vector<16xf32> to vector<1x16xf32>
        tpu.vector_store %arg9[%swap3A_2455, %swap3A_2456], %swap3A_2459 {strides = array<i32>} : memref<400x128xf32, #tpu.memory_space<vmem>>, vector<1x16xf32>,
        %get3A_2460 = arith.index_cast %add3A_2415 : i32 to index
        %get3A_2461 = arith.constant 64 : index
        %get3A_2462 = tpu.vector_load %arg9[%get3A_2460, %get3A_2461] {strides = array<i32>} : memref<400x128xf32, #tpu.memory_space<vmem>>, vector<1x16xf32>,
        %get3A_2463 = vector.shape_cast %get3A_2462 : vector<1x16xf32> to vector<16xf32>
        %add3A_2464 = vector.broadcast %squeeze3A_2411 : f32 to vector<16xf32>
        %add3A_2465 = arith.addf %get3A_2463, %add3A_2464 : vector<16xf32>
        %swap3A_2466 = arith.index_cast %add3A_2415 : i32 to index
        %swap3A_2467 = arith.constant 64 : index
        %swap3A_2468 = tpu.vector_load %arg9[%swap3A_2466, %swap3A_2467] {strides = array<i32>} : memref<400x128xf32, #tpu.memory_space<vmem>>, vector<1x16xf32>,
        %swap3A_2469 = vector.shape_cast %swap3A_2468 : vector<1x16xf32> to vector<16xf32>
        %swap3A_2470 = vector.shape_cast %add3A_2465 : vector<16xf32> to vector<1x16xf32>
        tpu.vector_store %arg9[%swap3A_2466, %swap3A_2467], %swap3A_2470 {strides = array<i32>} : memref<400x128xf32, #tpu.memory_space<vmem>>, vector<1x16xf32>,
        %get3A_2471 = arith.index_cast %add3A_2415 : i32 to index
        %get3A_2472 = arith.constant 80 : index
        %get3A_2473 = tpu.vector_load %arg9[%get3A_2471, %get3A_2472] {strides = array<i32>} : memref<400x128xf32, #tpu.memory_space<vmem>>, vector<1x16xf32>,
        %get3A_2474 = vector.shape_cast %get3A_2473 : vector<1x16xf32> to vector<16xf32>
        %add3A_2475 = vector.broadcast %squeeze3A_2411 : f32 to vector<16xf32>
        %add3A_2476 = arith.addf %get3A_2474, %add3A_2475 : vector<16xf32>
        %swap3A_2477 = arith.index_cast %add3A_2415 : i32 to index
        %swap3A_2478 = arith.constant 80 : index
        %swap3A_2479 = tpu.vector_load %arg9[%swap3A_2477, %swap3A_2478] {strides = array<i32>} : memref<400x128xf32, #tpu.memory_space<vmem>>, vector<1x16xf32>,
        %swap3A_2480 = vector.shape_cast %swap3A_2479 : vector<1x16xf32> to vector<16xf32>
        %swap3A_2481 = vector.shape_cast %add3A_2476 : vector<16xf32> to vector<1x16xf32>
        tpu.vector_store %arg9[%swap3A_2477, %swap3A_2478], %swap3A_2481 {strides = array<i32>} : memref<400x128xf32, #tpu.memory_space<vmem>>, vector<1x16xf32>,
        %get3A_2482 = arith.index_cast %add3A_2415 : i32 to index
        %get3A_2483 = arith.constant 96 : index
        %get3A_2484 = tpu.vector_load %arg9[%get3A_2482, %get3A_2483] {strides = array<i32>} : memref<400x128xf32, #tpu.memory_space<vmem>>, vector<1x16xf32>,
        %get3A_2485 = vector.shape_cast %get3A_2484 : vector<1x16xf32> to vector<16xf32>
        %add3A_2486 = vector.broadcast %squeeze3A_2411 : f32 to vector<16xf32>
        %add3A_2487 = arith.addf %get3A_2485, %add3A_2486 : vector<16xf32>
        %swap3A_2488 = arith.index_cast %add3A_2415 : i32 to index
        %swap3A_2489 = arith.constant 96 : index
        %swap3A_2490 = tpu.vector_load %arg9[%swap3A_2488, %swap3A_2489] {strides = array<i32>} : memref<400x128xf32, #tpu.memory_space<vmem>>, vector<1x16xf32>,
        %swap3A_2491 = vector.shape_cast %swap3A_2490 : vector<1x16xf32> to vector<16xf32>
        %swap3A_2492 = vector.shape_cast %add3A_2487 : vector<16xf32> to vector<1x16xf32>
        tpu.vector_store %arg9[%swap3A_2488, %swap3A_2489], %swap3A_2492 {strides = array<i32>} : memref<400x128xf32, #tpu.memory_space<vmem>>, vector<1x16xf32>,
        %get3A_2493 = arith.index_cast %add3A_2415 : i32 to index
        %get3A_2494 = arith.constant 112 : index
        %get3A_2495 = tpu.vector_load %arg9[%get3A_2493, %get3A_2494] {strides = array<i32>} : memref<400x128xf32, #tpu.memory_space<vmem>>, vector<1x16xf32>,
        %get3A_2496 = vector.shape_cast %get3A_2495 : vector<1x16xf32> to vector<16xf32>
        %add3A_2497 = vector.broadcast %squeeze3A_2411 : f32 to vector<16xf32>
        %add3A_2498 = arith.addf %get3A_2496, %add3A_2497 : vector<16xf32>
        %swap3A_2499 = arith.index_cast %add3A_2415 : i32 to index
        %swap3A_2500 = arith.constant 112 : index
        %swap3A_2501 = tpu.vector_load %arg9[%swap3A_2499, %swap3A_2500] {strides = array<i32>} : memref<400x128xf32, #tpu.memory_space<vmem>>, vector<1x16xf32>,
        %swap3A_2502 = vector.shape_cast %swap3A_2501 : vector<1x16xf32> to vector<16xf32>
        %swap3A_2503 = vector.shape_cast %add3A_2498 : vector<16xf32> to vector<1x16xf32>
        tpu.vector_store %arg9[%swap3A_2499, %swap3A_2500], %swap3A_2503 {strides = array<i32>} : memref<400x128xf32, #tpu.memory_space<vmem>>, vector<1x16xf32>,
      }
      %scan3A_516 = arith.constant 25 : i32
      %jit3A_517 = arith.constant 50 : i32
      %div3A_518 = arith.divsi %mul3A_2, %jit3A_517 : i32
      %sign3A_519 = arith.constant 0 : i32
      %sign3A_520 = arith.cmpi sgt, %mul3A_2, %sign3A_519 : i32
      %sign3A_521 = arith.extui %sign3A_520 : i1 to i32
      %sign3A_522 = arith.constant 0 : i32
      %sign3A_523 = arith.cmpi slt, %mul3A_2, %sign3A_522 : i32
      %sign3A_524 = arith.extui %sign3A_523 : i1 to i32
      %sign3A_525 = arith.subi %sign3A_521, %sign3A_524 : i32
      %sign3A_526 = arith.constant 0 : i32
      %sign3A_527 = arith.cmpi sgt, %jit3A_517, %sign3A_526 : i32
      %sign3A_528 = arith.extui %sign3A_527 : i1 to i32
      %sign3A_529 = arith.constant 0 : i32
      %sign3A_530 = arith.cmpi slt, %jit3A_517, %sign3A_529 : i32
      %sign3A_531 = arith.extui %sign3A_530 : i1 to i32
      %sign3A_532 = arith.subi %sign3A_528, %sign3A_531 : i32
      %ne3A_533 = arith.cmpi ne, %sign3A_525, %sign3A_532 : i32
      %rem3A_534 = arith.remsi %mul3A_2, %jit3A_517 : i32
      %ne3A_535 = arith.constant 0 : i32
      %ne3A_536 = arith.cmpi ne, %rem3A_534, %ne3A_535 : i32
      %and3A_537 = arith.andi %ne3A_533, %ne3A_536 : i1
      %sub3A_538 = arith.constant 1 : i32
      %sub3A_539 = arith.subi %div3A_518, %sub3A_538 : i32
      %select_n3A_540 = arith.select %and3A_537, %sub3A_539, %div3A_518 : i32
      %add3A_541 = arith.constant 0 : i32
      %add3A_542 = arith.addi %select_n3A_540, %add3A_541 : i32
      %dma_wait3A_543 = arith.constant 0 : i32
      %dma_wait3A_544 = arith.constant 0 : i32
      %dma_wait3A_545 = tpu.memref_slice %arg8[%dma_wait3A_543, %dma_wait3A_544] : memref<400x128xf32, #tpu.memory_space<vmem>> -> memref<50x128xf32, #tpu.memory_space<vmem>>
      %dma_wait3A_546 = arith.constant 0 : i32
      %dma_wait3A_547 = arith.constant 0 : i32
      %dma_wait3A_548 = tpu.memref_slice %arg5[%add3A_542, %dma_wait3A_546, %dma_wait3A_547] : memref<4096x50x128xf32, #tpu.memory_space<hbm>> -> memref<1x50x128xf32, #tpu.memory_space<hbm>>
      %dma_wait3A_549 = tpu.memref_squeeze %dma_wait3A_548 : memref<1x50x128xf32, #tpu.memory_space<hbm>> -> memref<50x128xf32, #tpu.memory_space<hbm>>
      %dma_wait3A_550 = arith.constant 0 : i32
      %dma_wait3A_551 = arith.constant 0 : i32
      %dma_wait3A_552 = tpu.memref_slice %arg5[%add3A_542, %dma_wait3A_550, %dma_wait3A_551] : memref<4096x50x128xf32, #tpu.memory_space<hbm>> -> memref<1x50x128xf32, #tpu.memory_space<hbm>>
      %dma_wait3A_553 = tpu.memref_squeeze %dma_wait3A_552 : memref<1x50x128xf32, #tpu.memory_space<hbm>> -> memref<50x128xf32, #tpu.memory_space<hbm>>
      %dma_wait3A_554 = arith.constant 0 : i32
      %dma_wait3A_555 = arith.constant 0 : i32
      %dma_wait3A_556 = tpu.memref_slice %arg8[%dma_wait3A_554, %dma_wait3A_555] : memref<400x128xf32, #tpu.memory_space<vmem>> -> memref<50x128xf32, #tpu.memory_space<vmem>>
      tpu.wait_dma2 semaphore(%arg16 : memref<!tpu.dma_semaphore, #tpu.memory_space<semaphore_mem>>) src(%dma_wait3A_556 : memref<50x128xf32, #tpu.memory_space<vmem>>) dst(%dma_wait3A_553 : memref<50x128xf32, #tpu.memory_space<hbm>>)
      %jit3A_557 = arith.constant 50 : i32
      %div3A_558 = arith.divsi %mul3A_2, %jit3A_557 : i32
      %sign3A_559 = arith.constant 0 : i32
      %sign3A_560 = arith.cmpi sgt, %mul3A_2, %sign3A_559 : i32
      %sign3A_561 = arith.extui %sign3A_560 : i1 to i32
      %sign3A_562 = arith.constant 0 : i32
      %sign3A_563 = arith.cmpi slt, %mul3A_2, %sign3A_562 : i32
      %sign3A_564 = arith.extui %sign3A_563 : i1 to i32
      %sign3A_565 = arith.subi %sign3A_561, %sign3A_564 : i32
      %sign3A_566 = arith.constant 0 : i32
      %sign3A_567 = arith.cmpi sgt, %jit3A_557, %sign3A_566 : i32
      %sign3A_568 = arith.extui %sign3A_567 : i1 to i32
      %sign3A_569 = arith.constant 0 : i32
      %sign3A_570 = arith.cmpi slt, %jit3A_557, %sign3A_569 : i32
      %sign3A_571 = arith.extui %sign3A_570 : i1 to i32
      %sign3A_572 = arith.subi %sign3A_568, %sign3A_571 : i32
      %ne3A_573 = arith.cmpi ne, %sign3A_565, %sign3A_572 : i32
      %rem3A_574 = arith.remsi %mul3A_2, %jit3A_557 : i32
      %ne3A_575 = arith.constant 0 : i32
      %ne3A_576 = arith.cmpi ne, %rem3A_574, %ne3A_575 : i32
      %and3A_577 = arith.andi %ne3A_573, %ne3A_576 : i1
      %sub3A_578 = arith.constant 1 : i32
      %sub3A_579 = arith.subi %div3A_558, %sub3A_578 : i32
      %select_n3A_580 = arith.select %and3A_577, %sub3A_579, %div3A_558 : i32
      %add3A_581 = arith.constant 1 : i32
      %add3A_582 = arith.addi %select_n3A_580, %add3A_581 : i32
      %dma_wait3A_583 = arith.constant 50 : i32
      %dma_wait3A_584 = arith.constant 0 : i32
      %dma_wait3A_585 = tpu.memref_slice %arg8[%dma_wait3A_583, %dma_wait3A_584] : memref<400x128xf32, #tpu.memory_space<vmem>> -> memref<50x128xf32, #tpu.memory_space<vmem>>
      %dma_wait3A_586 = arith.constant 0 : i32
      %dma_wait3A_587 = arith.constant 0 : i32
      %dma_wait3A_588 = tpu.memref_slice %arg5[%add3A_582, %dma_wait3A_586, %dma_wait3A_587] : memref<4096x50x128xf32, #tpu.memory_space<hbm>> -> memref<1x50x128xf32, #tpu.memory_space<hbm>>
      %dma_wait3A_589 = tpu.memref_squeeze %dma_wait3A_588 : memref<1x50x128xf32, #tpu.memory_space<hbm>> -> memref<50x128xf32, #tpu.memory_space<hbm>>
      %dma_wait3A_590 = arith.constant 0 : i32
      %dma_wait3A_591 = arith.constant 0 : i32
      %dma_wait3A_592 = tpu.memref_slice %arg5[%add3A_582, %dma_wait3A_590, %dma_wait3A_591] : memref<4096x50x128xf32, #tpu.memory_space<hbm>> -> memref<1x50x128xf32, #tpu.memory_space<hbm>>
      %dma_wait3A_593 = tpu.memref_squeeze %dma_wait3A_592 : memref<1x50x128xf32, #tpu.memory_space<hbm>> -> memref<50x128xf32, #tpu.memory_space<hbm>>
      %dma_wait3A_594 = arith.constant 50 : i32
      %dma_wait3A_595 = arith.constant 0 : i32
      %dma_wait3A_596 = tpu.memref_slice %arg8[%dma_wait3A_594, %dma_wait3A_595] : memref<400x128xf32, #tpu.memory_space<vmem>> -> memref<50x128xf32, #tpu.memory_space<vmem>>
      tpu.wait_dma2 semaphore(%arg16 : memref<!tpu.dma_semaphore, #tpu.memory_space<semaphore_mem>>) src(%dma_wait3A_596 : memref<50x128xf32, #tpu.memory_space<vmem>>) dst(%dma_wait3A_593 : memref<50x128xf32, #tpu.memory_space<hbm>>)
      %jit3A_597 = arith.constant 50 : i32
      %div3A_598 = arith.divsi %mul3A_2, %jit3A_597 : i32
      %sign3A_599 = arith.constant 0 : i32
      %sign3A_600 = arith.cmpi sgt, %mul3A_2, %sign3A_599 : i32
      %sign3A_601 = arith.extui %sign3A_600 : i1 to i32
      %sign3A_602 = arith.constant 0 : i32
      %sign3A_603 = arith.cmpi slt, %mul3A_2, %sign3A_602 : i32
      %sign3A_604 = arith.extui %sign3A_603 : i1 to i32
      %sign3A_605 = arith.subi %sign3A_601, %sign3A_604 : i32
      %sign3A_606 = arith.constant 0 : i32
      %sign3A_607 = arith.cmpi sgt, %jit3A_597, %sign3A_606 : i32
      %sign3A_608 = arith.extui %sign3A_607 : i1 to i32
      %sign3A_609 = arith.constant 0 : i32
      %sign3A_610 = arith.cmpi slt, %jit3A_597, %sign3A_609 : i32
      %sign3A_611 = arith.extui %sign3A_610 : i1 to i32
      %sign3A_612 = arith.subi %sign3A_608, %sign3A_611 : i32
      %ne3A_613 = arith.cmpi ne, %sign3A_605, %sign3A_612 : i32
      %rem3A_614 = arith.remsi %mul3A_2, %jit3A_597 : i32
      %ne3A_615 = arith.constant 0 : i32
      %ne3A_616 = arith.cmpi ne, %rem3A_614, %ne3A_615 : i32
      %and3A_617 = arith.andi %ne3A_613, %ne3A_616 : i1
      %sub3A_618 = arith.constant 1 : i32
      %sub3A_619 = arith.subi %div3A_598, %sub3A_618 : i32
      %select_n3A_620 = arith.select %and3A_617, %sub3A_619, %div3A_598 : i32
      %add3A_621 = arith.constant 2 : i32
      %add3A_622 = arith.addi %select_n3A_620, %add3A_621 : i32
      %dma_wait3A_623 = arith.constant 100 : i32
      %dma_wait3A_624 = arith.constant 0 : i32
      %dma_wait3A_625 = tpu.memref_slice %arg8[%dma_wait3A_623, %dma_wait3A_624] : memref<400x128xf32, #tpu.memory_space<vmem>> -> memref<50x128xf32, #tpu.memory_space<vmem>>
      %dma_wait3A_626 = arith.constant 0 : i32
      %dma_wait3A_627 = arith.constant 0 : i32
      %dma_wait3A_628 = tpu.memref_slice %arg5[%add3A_622, %dma_wait3A_626, %dma_wait3A_627] : memref<4096x50x128xf32, #tpu.memory_space<hbm>> -> memref<1x50x128xf32, #tpu.memory_space<hbm>>
      %dma_wait3A_629 = tpu.memref_squeeze %dma_wait3A_628 : memref<1x50x128xf32, #tpu.memory_space<hbm>> -> memref<50x128xf32, #tpu.memory_space<hbm>>
      %dma_wait3A_630 = arith.constant 0 : i32
      %dma_wait3A_631 = arith.constant 0 : i32
      %dma_wait3A_632 = tpu.memref_slice %arg5[%add3A_622, %dma_wait3A_630, %dma_wait3A_631] : memref<4096x50x128xf32, #tpu.memory_space<hbm>> -> memref<1x50x128xf32, #tpu.memory_space<hbm>>
      %dma_wait3A_633 = tpu.memref_squeeze %dma_wait3A_632 : memref<1x50x128xf32, #tpu.memory_space<hbm>> -> memref<50x128xf32, #tpu.memory_space<hbm>>
      %dma_wait3A_634 = arith.constant 100 : i32
      %dma_wait3A_635 = arith.constant 0 : i32
      %dma_wait3A_636 = tpu.memref_slice %arg8[%dma_wait3A_634, %dma_wait3A_635] : memref<400x128xf32, #tpu.memory_space<vmem>> -> memref<50x128xf32, #tpu.memory_space<vmem>>
      tpu.wait_dma2 semaphore(%arg16 : memref<!tpu.dma_semaphore, #tpu.memory_space<semaphore_mem>>) src(%dma_wait3A_636 : memref<50x128xf32, #tpu.memory_space<vmem>>) dst(%dma_wait3A_633 : memref<50x128xf32, #tpu.memory_space<hbm>>)
      %jit3A_637 = arith.constant 50 : i32
      %div3A_638 = arith.divsi %mul3A_2, %jit3A_637 : i32
      %sign3A_639 = arith.constant 0 : i32
      %sign3A_640 = arith.cmpi sgt, %mul3A_2, %sign3A_639 : i32
      %sign3A_641 = arith.extui %sign3A_640 : i1 to i32
      %sign3A_642 = arith.constant 0 : i32
      %sign3A_643 = arith.cmpi slt, %mul3A_2, %sign3A_642 : i32
      %sign3A_644 = arith.extui %sign3A_643 : i1 to i32
      %sign3A_645 = arith.subi %sign3A_641, %sign3A_644 : i32
      %sign3A_646 = arith.constant 0 : i32
      %sign3A_647 = arith.cmpi sgt, %jit3A_637, %sign3A_646 : i32
      %sign3A_648 = arith.extui %sign3A_647 : i1 to i32
      %sign3A_649 = arith.constant 0 : i32
      %sign3A_650 = arith.cmpi slt, %jit3A_637, %sign3A_649 : i32
      %sign3A_651 = arith.extui %sign3A_650 : i1 to i32
      %sign3A_652 = arith.subi %sign3A_648, %sign3A_651 : i32
      %ne3A_653 = arith.cmpi ne, %sign3A_645, %sign3A_652 : i32
      %rem3A_654 = arith.remsi %mul3A_2, %jit3A_637 : i32
      %ne3A_655 = arith.constant 0 : i32
      %ne3A_656 = arith.cmpi ne, %rem3A_654, %ne3A_655 : i32
      %and3A_657 = arith.andi %ne3A_653, %ne3A_656 : i1
      %sub3A_658 = arith.constant 1 : i32
      %sub3A_659 = arith.subi %div3A_638, %sub3A_658 : i32
      %select_n3A_660 = arith.select %and3A_657, %sub3A_659, %div3A_638 : i32
      %add3A_661 = arith.constant 3 : i32
      %add3A_662 = arith.addi %select_n3A_660, %add3A_661 : i32
      %dma_wait3A_663 = arith.constant 150 : i32
      %dma_wait3A_664 = arith.constant 0 : i32
      %dma_wait3A_665 = tpu.memref_slice %arg8[%dma_wait3A_663, %dma_wait3A_664] : memref<400x128xf32, #tpu.memory_space<vmem>> -> memref<50x128xf32, #tpu.memory_space<vmem>>
      %dma_wait3A_666 = arith.constant 0 : i32
      %dma_wait3A_667 = arith.constant 0 : i32
      %dma_wait3A_668 = tpu.memref_slice %arg5[%add3A_662, %dma_wait3A_666, %dma_wait3A_667] : memref<4096x50x128xf32, #tpu.memory_space<hbm>> -> memref<1x50x128xf32, #tpu.memory_space<hbm>>
      %dma_wait3A_669 = tpu.memref_squeeze %dma_wait3A_668 : memref<1x50x128xf32, #tpu.memory_space<hbm>> -> memref<50x128xf32, #tpu.memory_space<hbm>>
      %dma_wait3A_670 = arith.constant 0 : i32
      %dma_wait3A_671 = arith.constant 0 : i32
      %dma_wait3A_672 = tpu.memref_slice %arg5[%add3A_662, %dma_wait3A_670, %dma_wait3A_671] : memref<4096x50x128xf32, #tpu.memory_space<hbm>> -> memref<1x50x128xf32, #tpu.memory_space<hbm>>
      %dma_wait3A_673 = tpu.memref_squeeze %dma_wait3A_672 : memref<1x50x128xf32, #tpu.memory_space<hbm>> -> memref<50x128xf32, #tpu.memory_space<hbm>>
      %dma_wait3A_674 = arith.constant 150 : i32
      %dma_wait3A_675 = arith.constant 0 : i32
      %dma_wait3A_676 = tpu.memref_slice %arg8[%dma_wait3A_674, %dma_wait3A_675] : memref<400x128xf32, #tpu.memory_space<vmem>> -> memref<50x128xf32, #tpu.memory_space<vmem>>
      tpu.wait_dma2 semaphore(%arg16 : memref<!tpu.dma_semaphore, #tpu.memory_space<semaphore_mem>>) src(%dma_wait3A_676 : memref<50x128xf32, #tpu.memory_space<vmem>>) dst(%dma_wait3A_673 : memref<50x128xf32, #tpu.memory_space<hbm>>)
      %jit3A_677 = arith.constant 50 : i32
      %div3A_678 = arith.divsi %mul3A_2, %jit3A_677 : i32
      %sign3A_679 = arith.constant 0 : i32
      %sign3A_680 = arith.cmpi sgt, %mul3A_2, %sign3A_679 : i32
      %sign3A_681 = arith.extui %sign3A_680 : i1 to i32
      %sign3A_682 = arith.constant 0 : i32
      %sign3A_683 = arith.cmpi slt, %mul3A_2, %sign3A_682 : i32
      %sign3A_684 = arith.extui %sign3A_683 : i1 to i32
      %sign3A_685 = arith.subi %sign3A_681, %sign3A_684 : i32
      %sign3A_686 = arith.constant 0 : i32
      %sign3A_687 = arith.cmpi sgt, %jit3A_677, %sign3A_686 : i32
      %sign3A_688 = arith.extui %sign3A_687 : i1 to i32
      %sign3A_689 = arith.constant 0 : i32
      %sign3A_690 = arith.cmpi slt, %jit3A_677, %sign3A_689 : i32
      %sign3A_691 = arith.extui %sign3A_690 : i1 to i32
      %sign3A_692 = arith.subi %sign3A_688, %sign3A_691 : i32
      %ne3A_693 = arith.cmpi ne, %sign3A_685, %sign3A_692 : i32
      %rem3A_694 = arith.remsi %mul3A_2, %jit3A_677 : i32
      %ne3A_695 = arith.constant 0 : i32
      %ne3A_696 = arith.cmpi ne, %rem3A_694, %ne3A_695 : i32
      %and3A_697 = arith.andi %ne3A_693, %ne3A_696 : i1
      %sub3A_698 = arith.constant 1 : i32
      %sub3A_699 = arith.subi %div3A_678, %sub3A_698 : i32
      %select_n3A_700 = arith.select %and3A_697, %sub3A_699, %div3A_678 : i32
      %add3A_701 = arith.constant 4 : i32
      %add3A_702 = arith.addi %select_n3A_700, %add3A_701 : i32
      %dma_wait3A_703 = arith.constant 200 : i32
      %dma_wait3A_704 = arith.constant 0 : i32
      %dma_wait3A_705 = tpu.memref_slice %arg8[%dma_wait3A_703, %dma_wait3A_704] : memref<400x128xf32, #tpu.memory_space<vmem>> -> memref<50x128xf32, #tpu.memory_space<vmem>>
      %dma_wait3A_706 = arith.constant 0 : i32
      %dma_wait3A_707 = arith.constant 0 : i32
      %dma_wait3A_708 = tpu.memref_slice %arg5[%add3A_702, %dma_wait3A_706, %dma_wait3A_707] : memref<4096x50x128xf32, #tpu.memory_space<hbm>> -> memref<1x50x128xf32, #tpu.memory_space<hbm>>
      %dma_wait3A_709 = tpu.memref_squeeze %dma_wait3A_708 : memref<1x50x128xf32, #tpu.memory_space<hbm>> -> memref<50x128xf32, #tpu.memory_space<hbm>>
      %dma_wait3A_710 = arith.constant 0 : i32
      %dma_wait3A_711 = arith.constant 0 : i32
      %dma_wait3A_712 = tpu.memref_slice %arg5[%add3A_702, %dma_wait3A_710, %dma_wait3A_711] : memref<4096x50x128xf32, #tpu.memory_space<hbm>> -> memref<1x50x128xf32, #tpu.memory_space<hbm>>
      %dma_wait3A_713 = tpu.memref_squeeze %dma_wait3A_712 : memref<1x50x128xf32, #tpu.memory_space<hbm>> -> memref<50x128xf32, #tpu.memory_space<hbm>>
      %dma_wait3A_714 = arith.constant 200 : i32
      %dma_wait3A_715 = arith.constant 0 : i32
      %dma_wait3A_716 = tpu.memref_slice %arg8[%dma_wait3A_714, %dma_wait3A_715] : memref<400x128xf32, #tpu.memory_space<vmem>> -> memref<50x128xf32, #tpu.memory_space<vmem>>
      tpu.wait_dma2 semaphore(%arg16 : memref<!tpu.dma_semaphore, #tpu.memory_space<semaphore_mem>>) src(%dma_wait3A_716 : memref<50x128xf32, #tpu.memory_space<vmem>>) dst(%dma_wait3A_713 : memref<50x128xf32, #tpu.memory_space<hbm>>)
      %jit3A_717 = arith.constant 50 : i32
      %div3A_718 = arith.divsi %mul3A_2, %jit3A_717 : i32
      %sign3A_719 = arith.constant 0 : i32
      %sign3A_720 = arith.cmpi sgt, %mul3A_2, %sign3A_719 : i32
      %sign3A_721 = arith.extui %sign3A_720 : i1 to i32
      %sign3A_722 = arith.constant 0 : i32
      %sign3A_723 = arith.cmpi slt, %mul3A_2, %sign3A_722 : i32
      %sign3A_724 = arith.extui %sign3A_723 : i1 to i32
      %sign3A_725 = arith.subi %sign3A_721, %sign3A_724 : i32
      %sign3A_726 = arith.constant 0 : i32
      %sign3A_727 = arith.cmpi sgt, %jit3A_717, %sign3A_726 : i32
      %sign3A_728 = arith.extui %sign3A_727 : i1 to i32
      %sign3A_729 = arith.constant 0 : i32
      %sign3A_730 = arith.cmpi slt, %jit3A_717, %sign3A_729 : i32
      %sign3A_731 = arith.extui %sign3A_730 : i1 to i32
      %sign3A_732 = arith.subi %sign3A_728, %sign3A_731 : i32
      %ne3A_733 = arith.cmpi ne, %sign3A_725, %sign3A_732 : i32
      %rem3A_734 = arith.remsi %mul3A_2, %jit3A_717 : i32
      %ne3A_735 = arith.constant 0 : i32
      %ne3A_736 = arith.cmpi ne, %rem3A_734, %ne3A_735 : i32
      %and3A_737 = arith.andi %ne3A_733, %ne3A_736 : i1
      %sub3A_738 = arith.constant 1 : i32
      %sub3A_739 = arith.subi %div3A_718, %sub3A_738 : i32
      %select_n3A_740 = arith.select %and3A_737, %sub3A_739, %div3A_718 : i32
      %add3A_741 = arith.constant 5 : i32
      %add3A_742 = arith.addi %select_n3A_740, %add3A_741 : i32
      %dma_wait3A_743 = arith.constant 250 : i32
      %dma_wait3A_744 = arith.constant 0 : i32
      %dma_wait3A_745 = tpu.memref_slice %arg8[%dma_wait3A_743, %dma_wait3A_744] : memref<400x128xf32, #tpu.memory_space<vmem>> -> memref<50x128xf32, #tpu.memory_space<vmem>>
      %dma_wait3A_746 = arith.constant 0 : i32
      %dma_wait3A_747 = arith.constant 0 : i32
      %dma_wait3A_748 = tpu.memref_slice %arg5[%add3A_742, %dma_wait3A_746, %dma_wait3A_747] : memref<4096x50x128xf32, #tpu.memory_space<hbm>> -> memref<1x50x128xf32, #tpu.memory_space<hbm>>
      %dma_wait3A_749 = tpu.memref_squeeze %dma_wait3A_748 : memref<1x50x128xf32, #tpu.memory_space<hbm>> -> memref<50x128xf32, #tpu.memory_space<hbm>>
      %dma_wait3A_750 = arith.constant 0 : i32
      %dma_wait3A_751 = arith.constant 0 : i32
      %dma_wait3A_752 = tpu.memref_slice %arg5[%add3A_742, %dma_wait3A_750, %dma_wait3A_751] : memref<4096x50x128xf32, #tpu.memory_space<hbm>> -> memref<1x50x128xf32, #tpu.memory_space<hbm>>
      %dma_wait3A_753 = tpu.memref_squeeze %dma_wait3A_752 : memref<1x50x128xf32, #tpu.memory_space<hbm>> -> memref<50x128xf32, #tpu.memory_space<hbm>>
      %dma_wait3A_754 = arith.constant 250 : i32
      %dma_wait3A_755 = arith.constant 0 : i32
      %dma_wait3A_756 = tpu.memref_slice %arg8[%dma_wait3A_754, %dma_wait3A_755] : memref<400x128xf32, #tpu.memory_space<vmem>> -> memref<50x128xf32, #tpu.memory_space<vmem>>
      tpu.wait_dma2 semaphore(%arg16 : memref<!tpu.dma_semaphore, #tpu.memory_space<semaphore_mem>>) src(%dma_wait3A_756 : memref<50x128xf32, #tpu.memory_space<vmem>>) dst(%dma_wait3A_753 : memref<50x128xf32, #tpu.memory_space<hbm>>)
      %jit3A_757 = arith.constant 50 : i32
      %div3A_758 = arith.divsi %mul3A_2, %jit3A_757 : i32
      %sign3A_759 = arith.constant 0 : i32
      %sign3A_760 = arith.cmpi sgt, %mul3A_2, %sign3A_759 : i32
      %sign3A_761 = arith.extui %sign3A_760 : i1 to i32
      %sign3A_762 = arith.constant 0 : i32
      %sign3A_763 = arith.cmpi slt, %mul3A_2, %sign3A_762 : i32
      %sign3A_764 = arith.extui %sign3A_763 : i1 to i32
      %sign3A_765 = arith.subi %sign3A_761, %sign3A_764 : i32
      %sign3A_766 = arith.constant 0 : i32
      %sign3A_767 = arith.cmpi sgt, %jit3A_757, %sign3A_766 : i32
      %sign3A_768 = arith.extui %sign3A_767 : i1 to i32
      %sign3A_769 = arith.constant 0 : i32
      %sign3A_770 = arith.cmpi slt, %jit3A_757, %sign3A_769 : i32
      %sign3A_771 = arith.extui %sign3A_770 : i1 to i32
      %sign3A_772 = arith.subi %sign3A_768, %sign3A_771 : i32
      %ne3A_773 = arith.cmpi ne, %sign3A_765, %sign3A_772 : i32
      %rem3A_774 = arith.remsi %mul3A_2, %jit3A_757 : i32
      %ne3A_775 = arith.constant 0 : i32
      %ne3A_776 = arith.cmpi ne, %rem3A_774, %ne3A_775 : i32
      %and3A_777 = arith.andi %ne3A_773, %ne3A_776 : i1
      %sub3A_778 = arith.constant 1 : i32
      %sub3A_779 = arith.subi %div3A_758, %sub3A_778 : i32
      %select_n3A_780 = arith.select %and3A_777, %sub3A_779, %div3A_758 : i32
      %add3A_781 = arith.constant 6 : i32
      %add3A_782 = arith.addi %select_n3A_780, %add3A_781 : i32
      %dma_wait3A_783 = arith.constant 300 : i32
      %dma_wait3A_784 = arith.constant 0 : i32
      %dma_wait3A_785 = tpu.memref_slice %arg8[%dma_wait3A_783, %dma_wait3A_784] : memref<400x128xf32, #tpu.memory_space<vmem>> -> memref<50x128xf32, #tpu.memory_space<vmem>>
      %dma_wait3A_786 = arith.constant 0 : i32
      %dma_wait3A_787 = arith.constant 0 : i32
      %dma_wait3A_788 = tpu.memref_slice %arg5[%add3A_782, %dma_wait3A_786, %dma_wait3A_787] : memref<4096x50x128xf32, #tpu.memory_space<hbm>> -> memref<1x50x128xf32, #tpu.memory_space<hbm>>
      %dma_wait3A_789 = tpu.memref_squeeze %dma_wait3A_788 : memref<1x50x128xf32, #tpu.memory_space<hbm>> -> memref<50x128xf32, #tpu.memory_space<hbm>>
      %dma_wait3A_790 = arith.constant 0 : i32
      %dma_wait3A_791 = arith.constant 0 : i32
      %dma_wait3A_792 = tpu.memref_slice %arg5[%add3A_782, %dma_wait3A_790, %dma_wait3A_791] : memref<4096x50x128xf32, #tpu.memory_space<hbm>> -> memref<1x50x128xf32, #tpu.memory_space<hbm>>
      %dma_wait3A_793 = tpu.memref_squeeze %dma_wait3A_792 : memref<1x50x128xf32, #tpu.memory_space<hbm>> -> memref<50x128xf32, #tpu.memory_space<hbm>>
      %dma_wait3A_794 = arith.constant 300 : i32
      %dma_wait3A_795 = arith.constant 0 : i32
      %dma_wait3A_796 = tpu.memref_slice %arg8[%dma_wait3A_794, %dma_wait3A_795] : memref<400x128xf32, #tpu.memory_space<vmem>> -> memref<50x128xf32, #tpu.memory_space<vmem>>
      tpu.wait_dma2 semaphore(%arg16 : memref<!tpu.dma_semaphore, #tpu.memory_space<semaphore_mem>>) src(%dma_wait3A_796 : memref<50x128xf32, #tpu.memory_space<vmem>>) dst(%dma_wait3A_793 : memref<50x128xf32, #tpu.memory_space<hbm>>)
      %jit3A_797 = arith.constant 50 : i32
      %div3A_798 = arith.divsi %mul3A_2, %jit3A_797 : i32
      %sign3A_799 = arith.constant 0 : i32
      %sign3A_800 = arith.cmpi sgt, %mul3A_2, %sign3A_799 : i32
      %sign3A_801 = arith.extui %sign3A_800 : i1 to i32
      %sign3A_802 = arith.constant 0 : i32
      %sign3A_803 = arith.cmpi slt, %mul3A_2, %sign3A_802 : i32
      %sign3A_804 = arith.extui %sign3A_803 : i1 to i32
      %sign3A_805 = arith.subi %sign3A_801, %sign3A_804 : i32
      %sign3A_806 = arith.constant 0 : i32
      %sign3A_807 = arith.cmpi sgt, %jit3A_797, %sign3A_806 : i32
      %sign3A_808 = arith.extui %sign3A_807 : i1 to i32
      %sign3A_809 = arith.constant 0 : i32
      %sign3A_810 = arith.cmpi slt, %jit3A_797, %sign3A_809 : i32
      %sign3A_811 = arith.extui %sign3A_810 : i1 to i32
      %sign3A_812 = arith.subi %sign3A_808, %sign3A_811 : i32
      %ne3A_813 = arith.cmpi ne, %sign3A_805, %sign3A_812 : i32
      %rem3A_814 = arith.remsi %mul3A_2, %jit3A_797 : i32
      %ne3A_815 = arith.constant 0 : i32
      %ne3A_816 = arith.cmpi ne, %rem3A_814, %ne3A_815 : i32
      %and3A_817 = arith.andi %ne3A_813, %ne3A_816 : i1
      %sub3A_818 = arith.constant 1 : i32
      %sub3A_819 = arith.subi %div3A_798, %sub3A_818 : i32
      %select_n3A_820 = arith.select %and3A_817, %sub3A_819, %div3A_798 : i32
      %add3A_821 = arith.constant 7 : i32
      %add3A_822 = arith.addi %select_n3A_820, %add3A_821 : i32
      %dma_wait3A_823 = arith.constant 350 : i32
      %dma_wait3A_824 = arith.constant 0 : i32
      %dma_wait3A_825 = tpu.memref_slice %arg8[%dma_wait3A_823, %dma_wait3A_824] : memref<400x128xf32, #tpu.memory_space<vmem>> -> memref<50x128xf32, #tpu.memory_space<vmem>>
      %dma_wait3A_826 = arith.constant 0 : i32
      %dma_wait3A_827 = arith.constant 0 : i32
      %dma_wait3A_828 = tpu.memref_slice %arg5[%add3A_822, %dma_wait3A_826, %dma_wait3A_827] : memref<4096x50x128xf32, #tpu.memory_space<hbm>> -> memref<1x50x128xf32, #tpu.memory_space<hbm>>
      %dma_wait3A_829 = tpu.memref_squeeze %dma_wait3A_828 : memref<1x50x128xf32, #tpu.memory_space<hbm>> -> memref<50x128xf32, #tpu.memory_space<hbm>>
      %dma_wait3A_830 = arith.constant 0 : i32
      %dma_wait3A_831 = arith.constant 0 : i32
      %dma_wait3A_832 = tpu.memref_slice %arg5[%add3A_822, %dma_wait3A_830, %dma_wait3A_831] : memref<4096x50x128xf32, #tpu.memory_space<hbm>> -> memref<1x50x128xf32, #tpu.memory_space<hbm>>
      %dma_wait3A_833 = tpu.memref_squeeze %dma_wait3A_832 : memref<1x50x128xf32, #tpu.memory_space<hbm>> -> memref<50x128xf32, #tpu.memory_space<hbm>>
      %dma_wait3A_834 = arith.constant 350 : i32
      %dma_wait3A_835 = arith.constant 0 : i32
      %dma_wait3A_836 = tpu.memref_slice %arg8[%dma_wait3A_834, %dma_wait3A_835] : memref<400x128xf32, #tpu.memory_space<vmem>> -> memref<50x128xf32, #tpu.memory_space<vmem>>
      tpu.wait_dma2 semaphore(%arg16 : memref<!tpu.dma_semaphore, #tpu.memory_space<semaphore_mem>>) src(%dma_wait3A_836 : memref<50x128xf32, #tpu.memory_space<vmem>>) dst(%dma_wait3A_833 : memref<50x128xf32, #tpu.memory_space<hbm>>)
      %lt3A = arith.constant 7 : i32
      %lt3A_837 = arith.cmpi slt, %scan3A_325, %lt3A : i32
      %convert_element_type3A_838 = arith.extui %lt3A_837 : i1 to i32
      %cond3A_839 = arith.constant 0 : i32
      %cond3A_840 = arith.cmpi ne, %convert_element_type3A_838, %cond3A_839 : i32
      scf.if %cond3A_840 {
        %add3A_998 = arith.constant 2 : i32
        %add3A_999 = arith.addi %mul3A_327, %add3A_998 : i32
        %mul3A_1000 = arith.constant 400 : i32
        %mul3A_1001 = arith.muli %add3A_999, %mul3A_1000 : i32
        %add3A_1002 = arith.addi %mul3A_2, %mul3A_1001 : i32
        "tpu.region"() ({
          %run_scoped3A = tpu.sem_alloc : memref<!tpu.dma_semaphore, #tpu.memory_space<semaphore_mem>>
          %dma_start3A_1008 = tpu.memref_slice %arg2[%add3A_1002] : memref<204800xi32, #tpu.memory_space<hbm>> -> memref<400xi32, #tpu.memory_space<hbm>>
          %dma_start3A_1009 = tpu.memref_slice %arg2[%add3A_1002] : memref<204800xi32, #tpu.memory_space<hbm>> -> memref<400xi32, #tpu.memory_space<hbm>>
          tpu.enqueue_dma source(%dma_start3A_1009 : memref<400xi32, #tpu.memory_space<hbm>>) target(%arg6 : memref<400xi32, #tpu.memory_space<vmem>>) target_semaphore(%run_scoped3A : memref<!tpu.dma_semaphore, #tpu.memory_space<semaphore_mem>>)
          %dma_wait3A_1010 = tpu.memref_slice %arg2[%add3A_1002] : memref<204800xi32, #tpu.memory_space<hbm>> -> memref<400xi32, #tpu.memory_space<hbm>>
          %dma_wait3A_1011 = tpu.memref_slice %arg2[%add3A_1002] : memref<204800xi32, #tpu.memory_space<hbm>> -> memref<400xi32, #tpu.memory_space<hbm>>
          tpu.wait_dma2 semaphore(%run_scoped3A : memref<!tpu.dma_semaphore, #tpu.memory_space<semaphore_mem>>) src(%dma_wait3A_1011 : memref<400xi32, #tpu.memory_space<hbm>>) dst(%arg6 : memref<400xi32, #tpu.memory_space<vmem>>)
          tpu.yield
        }) : () -> ()
        %dma_start3A_1003 = arith.constant 0 : i32
        %dma_start3A_1004 = arith.constant 0 : i32
        %dma_start3A_1005 = tpu.memref_slice %arg3[%dma_start3A_1003, %dma_start3A_1004] : memref<100000x128xf32, #tpu.memory_space<hbm>> -> memref<100000x128xf32, #tpu.memory_space<hbm>>
        tpu.enqueue_indirect_dma source(%dma_start3A_1005 : memref<100000x128xf32, #tpu.memory_space<hbm>>) target(%arg8 : memref<400x128xf32, #tpu.memory_space<vmem>>) offsets(%arg6 : memref<400xi32, #tpu.memory_space<vmem>>) semaphore(%arg12 : memref<!tpu.dma_semaphore, #tpu.memory_space<semaphore_mem>>)
        %dma_start3A_1006 = arith.constant 0 : i32
        %dma_start3A_1007 = tpu.memref_slice %arg4[%dma_start3A_1006] : memref<100000xf32, #tpu.memory_space<hbm>> -> memref<100000xf32, #tpu.memory_space<hbm>>
        tpu.enqueue_indirect_dma source(%dma_start3A_1007 : memref<100000xf32, #tpu.memory_space<hbm>>) target(%arg10 : memref<400xf32, #tpu.memory_space<vmem>>) offsets(%arg6 : memref<400xi32, #tpu.memory_space<vmem>>) semaphore(%arg14 : memref<!tpu.dma_semaphore, #tpu.memory_space<semaphore_mem>>)
      } else {
      }
      %add3A_841 = arith.constant 1 : i32
      %add3A_842 = arith.addi %mul3A_327, %add3A_841 : i32
      %mul3A_843 = arith.constant 400 : i32
      %mul3A_844 = arith.muli %add3A_842, %mul3A_843 : i32
      %add3A_845 = arith.addi %mul3A_2, %mul3A_844 : i32
      %jit3A_846 = arith.constant 50 : i32
      %div3A_847 = arith.divsi %add3A_845, %jit3A_846 : i32
      %sign3A_848 = arith.constant 0 : i32
      %sign3A_849 = arith.cmpi sgt, %add3A_845, %sign3A_848 : i32
      %sign3A_850 = arith.extui %sign3A_849 : i1 to i32
      %sign3A_851 = arith.constant 0 : i32
      %sign3A_852 = arith.cmpi slt, %add3A_845, %sign3A_851 : i32
      %sign3A_853 = arith.extui %sign3A_852 : i1 to i32
      %sign3A_854 = arith.subi %sign3A_850, %sign3A_853 : i32
      %sign3A_855 = arith.constant 0 : i32
      %sign3A_856 = arith.cmpi sgt, %jit3A_846, %sign3A_855 : i32
      %sign3A_857 = arith.extui %sign3A_856 : i1 to i32
      %sign3A_858 = arith.constant 0 : i32
      %sign3A_859 = arith.cmpi slt, %jit3A_846, %sign3A_858 : i32
      %sign3A_860 = arith.extui %sign3A_859 : i1 to i32
      %sign3A_861 = arith.subi %sign3A_857, %sign3A_860 : i32
      %ne3A_862 = arith.cmpi ne, %sign3A_854, %sign3A_861 : i32
      %rem3A_863 = arith.remsi %add3A_845, %jit3A_846 : i32
      %ne3A_864 = arith.constant 0 : i32
      %ne3A_865 = arith.cmpi ne, %rem3A_863, %ne3A_864 : i32
      %and3A_866 = arith.andi %ne3A_862, %ne3A_865 : i1
      %sub3A_867 = arith.constant 1 : i32
      %sub3A_868 = arith.subi %div3A_847, %sub3A_867 : i32
      %select_n3A_869 = arith.select %and3A_866, %sub3A_868, %div3A_847 : i32
      %add3A_870 = arith.constant 0 : i32
      %add3A_871 = arith.addi %select_n3A_869, %add3A_870 : i32
      %dma_start3A_872 = arith.constant 0 : i32
      %dma_start3A_873 = arith.constant 0 : i32
      %dma_start3A_874 = tpu.memref_slice %arg9[%dma_start3A_872, %dma_start3A_873] : memref<400x128xf32, #tpu.memory_space<vmem>> -> memref<50x128xf32, #tpu.memory_space<vmem>>
      %dma_start3A_875 = arith.constant 0 : i32
      %dma_start3A_876 = arith.constant 0 : i32
      %dma_start3A_877 = tpu.memref_slice %arg5[%add3A_871, %dma_start3A_875, %dma_start3A_876] : memref<4096x50x128xf32, #tpu.memory_space<hbm>> -> memref<1x50x128xf32, #tpu.memory_space<hbm>>
      %dma_start3A_878 = tpu.memref_squeeze %dma_start3A_877 : memref<1x50x128xf32, #tpu.memory_space<hbm>> -> memref<50x128xf32, #tpu.memory_space<hbm>>
      %dma_start3A_879 = arith.constant 0 : i32
      %dma_start3A_880 = arith.constant 0 : i32
      %dma_start3A_881 = tpu.memref_slice %arg5[%add3A_871, %dma_start3A_879, %dma_start3A_880] : memref<4096x50x128xf32, #tpu.memory_space<hbm>> -> memref<1x50x128xf32, #tpu.memory_space<hbm>>
      %dma_start3A_882 = tpu.memref_squeeze %dma_start3A_881 : memref<1x50x128xf32, #tpu.memory_space<hbm>> -> memref<50x128xf32, #tpu.memory_space<hbm>>
      %dma_start3A_883 = arith.constant 0 : i32
      %dma_start3A_884 = arith.constant 0 : i32
      %dma_start3A_885 = tpu.memref_slice %arg9[%dma_start3A_883, %dma_start3A_884] : memref<400x128xf32, #tpu.memory_space<vmem>> -> memref<50x128xf32, #tpu.memory_space<vmem>>
      tpu.enqueue_dma source(%dma_start3A_885 : memref<50x128xf32, #tpu.memory_space<vmem>>) target(%dma_start3A_882 : memref<50x128xf32, #tpu.memory_space<hbm>>) target_semaphore(%arg17 : memref<!tpu.dma_semaphore, #tpu.memory_space<semaphore_mem>>)
      %add3A_886 = arith.constant 1 : i32
      %add3A_887 = arith.addi %select_n3A_869, %add3A_886 : i32
      %dma_start3A_888 = arith.constant 50 : i32
      %dma_start3A_889 = arith.constant 0 : i32
      %dma_start3A_890 = tpu.memref_slice %arg9[%dma_start3A_888, %dma_start3A_889] : memref<400x128xf32, #tpu.memory_space<vmem>> -> memref<50x128xf32, #tpu.memory_space<vmem>>
      %dma_start3A_891 = arith.constant 0 : i32
      %dma_start3A_892 = arith.constant 0 : i32
      %dma_start3A_893 = tpu.memref_slice %arg5[%add3A_887, %dma_start3A_891, %dma_start3A_892] : memref<4096x50x128xf32, #tpu.memory_space<hbm>> -> memref<1x50x128xf32, #tpu.memory_space<hbm>>
      %dma_start3A_894 = tpu.memref_squeeze %dma_start3A_893 : memref<1x50x128xf32, #tpu.memory_space<hbm>> -> memref<50x128xf32, #tpu.memory_space<hbm>>
      %dma_start3A_895 = arith.constant 0 : i32
      %dma_start3A_896 = arith.constant 0 : i32
      %dma_start3A_897 = tpu.memref_slice %arg5[%add3A_887, %dma_start3A_895, %dma_start3A_896] : memref<4096x50x128xf32, #tpu.memory_space<hbm>> -> memref<1x50x128xf32, #tpu.memory_space<hbm>>
      %dma_start3A_898 = tpu.memref_squeeze %dma_start3A_897 : memref<1x50x128xf32, #tpu.memory_space<hbm>> -> memref<50x128xf32, #tpu.memory_space<hbm>>
      %dma_start3A_899 = arith.constant 50 : i32
      %dma_start3A_900 = arith.constant 0 : i32
      %dma_start3A_901 = tpu.memref_slice %arg9[%dma_start3A_899, %dma_start3A_900] : memref<400x128xf32, #tpu.memory_space<vmem>> -> memref<50x128xf32, #tpu.memory_space<vmem>>
      tpu.enqueue_dma source(%dma_start3A_901 : memref<50x128xf32, #tpu.memory_space<vmem>>) target(%dma_start3A_898 : memref<50x128xf32, #tpu.memory_space<hbm>>) target_semaphore(%arg17 : memref<!tpu.dma_semaphore, #tpu.memory_space<semaphore_mem>>)
      %add3A_902 = arith.constant 2 : i32
      %add3A_903 = arith.addi %select_n3A_869, %add3A_902 : i32
      %dma_start3A_904 = arith.constant 100 : i32
      %dma_start3A_905 = arith.constant 0 : i32
      %dma_start3A_906 = tpu.memref_slice %arg9[%dma_start3A_904, %dma_start3A_905] : memref<400x128xf32, #tpu.memory_space<vmem>> -> memref<50x128xf32, #tpu.memory_space<vmem>>
      %dma_start3A_907 = arith.constant 0 : i32
      %dma_start3A_908 = arith.constant 0 : i32
      %dma_start3A_909 = tpu.memref_slice %arg5[%add3A_903, %dma_start3A_907, %dma_start3A_908] : memref<4096x50x128xf32, #tpu.memory_space<hbm>> -> memref<1x50x128xf32, #tpu.memory_space<hbm>>
      %dma_start3A_910 = tpu.memref_squeeze %dma_start3A_909 : memref<1x50x128xf32, #tpu.memory_space<hbm>> -> memref<50x128xf32, #tpu.memory_space<hbm>>
      %dma_start3A_911 = arith.constant 0 : i32
      %dma_start3A_912 = arith.constant 0 : i32
      %dma_start3A_913 = tpu.memref_slice %arg5[%add3A_903, %dma_start3A_911, %dma_start3A_912] : memref<4096x50x128xf32, #tpu.memory_space<hbm>> -> memref<1x50x128xf32, #tpu.memory_space<hbm>>
      %dma_start3A_914 = tpu.memref_squeeze %dma_start3A_913 : memref<1x50x128xf32, #tpu.memory_space<hbm>> -> memref<50x128xf32, #tpu.memory_space<hbm>>
      %dma_start3A_915 = arith.constant 100 : i32
      %dma_start3A_916 = arith.constant 0 : i32
      %dma_start3A_917 = tpu.memref_slice %arg9[%dma_start3A_915, %dma_start3A_916] : memref<400x128xf32, #tpu.memory_space<vmem>> -> memref<50x128xf32, #tpu.memory_space<vmem>>
      tpu.enqueue_dma source(%dma_start3A_917 : memref<50x128xf32, #tpu.memory_space<vmem>>) target(%dma_start3A_914 : memref<50x128xf32, #tpu.memory_space<hbm>>) target_semaphore(%arg17 : memref<!tpu.dma_semaphore, #tpu.memory_space<semaphore_mem>>)
      %add3A_918 = arith.constant 3 : i32
      %add3A_919 = arith.addi %select_n3A_869, %add3A_918 : i32
      %dma_start3A_920 = arith.constant 150 : i32
      %dma_start3A_921 = arith.constant 0 : i32
      %dma_start3A_922 = tpu.memref_slice %arg9[%dma_start3A_920, %dma_start3A_921] : memref<400x128xf32, #tpu.memory_space<vmem>> -> memref<50x128xf32, #tpu.memory_space<vmem>>
      %dma_start3A_923 = arith.constant 0 : i32
      %dma_start3A_924 = arith.constant 0 : i32
      %dma_start3A_925 = tpu.memref_slice %arg5[%add3A_919, %dma_start3A_923, %dma_start3A_924] : memref<4096x50x128xf32, #tpu.memory_space<hbm>> -> memref<1x50x128xf32, #tpu.memory_space<hbm>>
      %dma_start3A_926 = tpu.memref_squeeze %dma_start3A_925 : memref<1x50x128xf32, #tpu.memory_space<hbm>> -> memref<50x128xf32, #tpu.memory_space<hbm>>
      %dma_start3A_927 = arith.constant 0 : i32
      %dma_start3A_928 = arith.constant 0 : i32
      %dma_start3A_929 = tpu.memref_slice %arg5[%add3A_919, %dma_start3A_927, %dma_start3A_928] : memref<4096x50x128xf32, #tpu.memory_space<hbm>> -> memref<1x50x128xf32, #tpu.memory_space<hbm>>
      %dma_start3A_930 = tpu.memref_squeeze %dma_start3A_929 : memref<1x50x128xf32, #tpu.memory_space<hbm>> -> memref<50x128xf32, #tpu.memory_space<hbm>>
      %dma_start3A_931 = arith.constant 150 : i32
      %dma_start3A_932 = arith.constant 0 : i32
      %dma_start3A_933 = tpu.memref_slice %arg9[%dma_start3A_931, %dma_start3A_932] : memref<400x128xf32, #tpu.memory_space<vmem>> -> memref<50x128xf32, #tpu.memory_space<vmem>>
      tpu.enqueue_dma source(%dma_start3A_933 : memref<50x128xf32, #tpu.memory_space<vmem>>) target(%dma_start3A_930 : memref<50x128xf32, #tpu.memory_space<hbm>>) target_semaphore(%arg17 : memref<!tpu.dma_semaphore, #tpu.memory_space<semaphore_mem>>)
      %add3A_934 = arith.constant 4 : i32
      %add3A_935 = arith.addi %select_n3A_869, %add3A_934 : i32
      %dma_start3A_936 = arith.constant 200 : i32
      %dma_start3A_937 = arith.constant 0 : i32
      %dma_start3A_938 = tpu.memref_slice %arg9[%dma_start3A_936, %dma_start3A_937] : memref<400x128xf32, #tpu.memory_space<vmem>> -> memref<50x128xf32, #tpu.memory_space<vmem>>
      %dma_start3A_939 = arith.constant 0 : i32
      %dma_start3A_940 = arith.constant 0 : i32
      %dma_start3A_941 = tpu.memref_slice %arg5[%add3A_935, %dma_start3A_939, %dma_start3A_940] : memref<4096x50x128xf32, #tpu.memory_space<hbm>> -> memref<1x50x128xf32, #tpu.memory_space<hbm>>
      %dma_start3A_942 = tpu.memref_squeeze %dma_start3A_941 : memref<1x50x128xf32, #tpu.memory_space<hbm>> -> memref<50x128xf32, #tpu.memory_space<hbm>>
      %dma_start3A_943 = arith.constant 0 : i32
      %dma_start3A_944 = arith.constant 0 : i32
      %dma_start3A_945 = tpu.memref_slice %arg5[%add3A_935, %dma_start3A_943, %dma_start3A_944] : memref<4096x50x128xf32, #tpu.memory_space<hbm>> -> memref<1x50x128xf32, #tpu.memory_space<hbm>>
      %dma_start3A_946 = tpu.memref_squeeze %dma_start3A_945 : memref<1x50x128xf32, #tpu.memory_space<hbm>> -> memref<50x128xf32, #tpu.memory_space<hbm>>
      %dma_start3A_947 = arith.constant 200 : i32
      %dma_start3A_948 = arith.constant 0 : i32
      %dma_start3A_949 = tpu.memref_slice %arg9[%dma_start3A_947, %dma_start3A_948] : memref<400x128xf32, #tpu.memory_space<vmem>> -> memref<50x128xf32, #tpu.memory_space<vmem>>
      tpu.enqueue_dma source(%dma_start3A_949 : memref<50x128xf32, #tpu.memory_space<vmem>>) target(%dma_start3A_946 : memref<50x128xf32, #tpu.memory_space<hbm>>) target_semaphore(%arg17 : memref<!tpu.dma_semaphore, #tpu.memory_space<semaphore_mem>>)
      %add3A_950 = arith.constant 5 : i32
      %add3A_951 = arith.addi %select_n3A_869, %add3A_950 : i32
      %dma_start3A_952 = arith.constant 250 : i32
      %dma_start3A_953 = arith.constant 0 : i32
      %dma_start3A_954 = tpu.memref_slice %arg9[%dma_start3A_952, %dma_start3A_953] : memref<400x128xf32, #tpu.memory_space<vmem>> -> memref<50x128xf32, #tpu.memory_space<vmem>>
      %dma_start3A_955 = arith.constant 0 : i32
      %dma_start3A_956 = arith.constant 0 : i32
      %dma_start3A_957 = tpu.memref_slice %arg5[%add3A_951, %dma_start3A_955, %dma_start3A_956] : memref<4096x50x128xf32, #tpu.memory_space<hbm>> -> memref<1x50x128xf32, #tpu.memory_space<hbm>>
      %dma_start3A_958 = tpu.memref_squeeze %dma_start3A_957 : memref<1x50x128xf32, #tpu.memory_space<hbm>> -> memref<50x128xf32, #tpu.memory_space<hbm>>
      %dma_start3A_959 = arith.constant 0 : i32
      %dma_start3A_960 = arith.constant 0 : i32
      %dma_start3A_961 = tpu.memref_slice %arg5[%add3A_951, %dma_start3A_959, %dma_start3A_960] : memref<4096x50x128xf32, #tpu.memory_space<hbm>> -> memref<1x50x128xf32, #tpu.memory_space<hbm>>
      %dma_start3A_962 = tpu.memref_squeeze %dma_start3A_961 : memref<1x50x128xf32, #tpu.memory_space<hbm>> -> memref<50x128xf32, #tpu.memory_space<hbm>>
      %dma_start3A_963 = arith.constant 250 : i32
      %dma_start3A_964 = arith.constant 0 : i32
      %dma_start3A_965 = tpu.memref_slice %arg9[%dma_start3A_963, %dma_start3A_964] : memref<400x128xf32, #tpu.memory_space<vmem>> -> memref<50x128xf32, #tpu.memory_space<vmem>>
      tpu.enqueue_dma source(%dma_start3A_965 : memref<50x128xf32, #tpu.memory_space<vmem>>) target(%dma_start3A_962 : memref<50x128xf32, #tpu.memory_space<hbm>>) target_semaphore(%arg17 : memref<!tpu.dma_semaphore, #tpu.memory_space<semaphore_mem>>)
      %add3A_966 = arith.constant 6 : i32
      %add3A_967 = arith.addi %select_n3A_869, %add3A_966 : i32
      %dma_start3A_968 = arith.constant 300 : i32
      %dma_start3A_969 = arith.constant 0 : i32
      %dma_start3A_970 = tpu.memref_slice %arg9[%dma_start3A_968, %dma_start3A_969] : memref<400x128xf32, #tpu.memory_space<vmem>> -> memref<50x128xf32, #tpu.memory_space<vmem>>
      %dma_start3A_971 = arith.constant 0 : i32
      %dma_start3A_972 = arith.constant 0 : i32
      %dma_start3A_973 = tpu.memref_slice %arg5[%add3A_967, %dma_start3A_971, %dma_start3A_972] : memref<4096x50x128xf32, #tpu.memory_space<hbm>> -> memref<1x50x128xf32, #tpu.memory_space<hbm>>
      %dma_start3A_974 = tpu.memref_squeeze %dma_start3A_973 : memref<1x50x128xf32, #tpu.memory_space<hbm>> -> memref<50x128xf32, #tpu.memory_space<hbm>>
      %dma_start3A_975 = arith.constant 0 : i32
      %dma_start3A_976 = arith.constant 0 : i32
      %dma_start3A_977 = tpu.memref_slice %arg5[%add3A_967, %dma_start3A_975, %dma_start3A_976] : memref<4096x50x128xf32, #tpu.memory_space<hbm>> -> memref<1x50x128xf32, #tpu.memory_space<hbm>>
      %dma_start3A_978 = tpu.memref_squeeze %dma_start3A_977 : memref<1x50x128xf32, #tpu.memory_space<hbm>> -> memref<50x128xf32, #tpu.memory_space<hbm>>
      %dma_start3A_979 = arith.constant 300 : i32
      %dma_start3A_980 = arith.constant 0 : i32
      %dma_start3A_981 = tpu.memref_slice %arg9[%dma_start3A_979, %dma_start3A_980] : memref<400x128xf32, #tpu.memory_space<vmem>> -> memref<50x128xf32, #tpu.memory_space<vmem>>
      tpu.enqueue_dma source(%dma_start3A_981 : memref<50x128xf32, #tpu.memory_space<vmem>>) target(%dma_start3A_978 : memref<50x128xf32, #tpu.memory_space<hbm>>) target_semaphore(%arg17 : memref<!tpu.dma_semaphore, #tpu.memory_space<semaphore_mem>>)
      %add3A_982 = arith.constant 7 : i32
      %add3A_983 = arith.addi %select_n3A_869, %add3A_982 : i32
      %dma_start3A_984 = arith.constant 350 : i32
      %dma_start3A_985 = arith.constant 0 : i32
      %dma_start3A_986 = tpu.memref_slice %arg9[%dma_start3A_984, %dma_start3A_985] : memref<400x128xf32, #tpu.memory_space<vmem>> -> memref<50x128xf32, #tpu.memory_space<vmem>>
      %dma_start3A_987 = arith.constant 0 : i32
      %dma_start3A_988 = arith.constant 0 : i32
      %dma_start3A_989 = tpu.memref_slice %arg5[%add3A_983, %dma_start3A_987, %dma_start3A_988] : memref<4096x50x128xf32, #tpu.memory_space<hbm>> -> memref<1x50x128xf32, #tpu.memory_space<hbm>>
      %dma_start3A_990 = tpu.memref_squeeze %dma_start3A_989 : memref<1x50x128xf32, #tpu.memory_space<hbm>> -> memref<50x128xf32, #tpu.memory_space<hbm>>
      %dma_start3A_991 = arith.constant 0 : i32
      %dma_start3A_992 = arith.constant 0 : i32
      %dma_start3A_993 = tpu.memref_slice %arg5[%add3A_983, %dma_start3A_991, %dma_start3A_992] : memref<4096x50x128xf32, #tpu.memory_space<hbm>> -> memref<1x50x128xf32, #tpu.memory_space<hbm>>
      %dma_start3A_994 = tpu.memref_squeeze %dma_start3A_993 : memref<1x50x128xf32, #tpu.memory_space<hbm>> -> memref<50x128xf32, #tpu.memory_space<hbm>>
      %dma_start3A_995 = arith.constant 350 : i32
      %dma_start3A_996 = arith.constant 0 : i32
      %dma_start3A_997 = tpu.memref_slice %arg9[%dma_start3A_995, %dma_start3A_996] : memref<400x128xf32, #tpu.memory_space<vmem>> -> memref<50x128xf32, #tpu.memory_space<vmem>>
      tpu.enqueue_dma source(%dma_start3A_997 : memref<50x128xf32, #tpu.memory_space<vmem>>) target(%dma_start3A_994 : memref<50x128xf32, #tpu.memory_space<hbm>>) target_semaphore(%arg17 : memref<!tpu.dma_semaphore, #tpu.memory_space<semaphore_mem>>)
    }
    %scan3A_13 = arith.constant 8 : i32
    %jit3A = arith.constant 50 : i32
    %div3A = arith.divsi %mul3A_2, %jit3A : i32
    %sign3A = arith.constant 0 : i32
    %sign3A_14 = arith.cmpi sgt, %mul3A_2, %sign3A : i32
    %sign3A_15 = arith.extui %sign3A_14 : i1 to i32
    %sign3A_16 = arith.constant 0 : i32
    %sign3A_17 = arith.cmpi slt, %mul3A_2, %sign3A_16 : i32
    %sign3A_18 = arith.extui %sign3A_17 : i1 to i32
    %sign3A_19 = arith.subi %sign3A_15, %sign3A_18 : i32
    %sign3A_20 = arith.constant 0 : i32
    %sign3A_21 = arith.cmpi sgt, %jit3A, %sign3A_20 : i32
    %sign3A_22 = arith.extui %sign3A_21 : i1 to i32
    %sign3A_23 = arith.constant 0 : i32
    %sign3A_24 = arith.cmpi slt, %jit3A, %sign3A_23 : i32
    %sign3A_25 = arith.extui %sign3A_24 : i1 to i32
    %sign3A_26 = arith.subi %sign3A_22, %sign3A_25 : i32
    %ne3A = arith.cmpi ne, %sign3A_19, %sign3A_26 : i32
    %rem3A = arith.remsi %mul3A_2, %jit3A : i32
    %ne3A_27 = arith.constant 0 : i32
    %ne3A_28 = arith.cmpi ne, %rem3A, %ne3A_27 : i32
    %and3A = arith.andi %ne3A, %ne3A_28 : i1
    %sub3A = arith.constant 1 : i32
    %sub3A_29 = arith.subi %div3A, %sub3A : i32
    %select_n3A = arith.select %and3A, %sub3A_29, %div3A : i32
    %add3A_30 = arith.constant 0 : i32
    %add3A_31 = arith.addi %select_n3A, %add3A_30 : i32
    %dma_wait3A = arith.constant 0 : i32
    %dma_wait3A_32 = arith.constant 0 : i32
    %dma_wait3A_33 = tpu.memref_slice %arg9[%dma_wait3A, %dma_wait3A_32] : memref<400x128xf32, #tpu.memory_space<vmem>> -> memref<50x128xf32, #tpu.memory_space<vmem>>
    %dma_wait3A_34 = arith.constant 0 : i32
    %dma_wait3A_35 = arith.constant 0 : i32
    %dma_wait3A_36 = tpu.memref_slice %arg5[%add3A_31, %dma_wait3A_34, %dma_wait3A_35] : memref<4096x50x128xf32, #tpu.memory_space<hbm>> -> memref<1x50x128xf32, #tpu.memory_space<hbm>>
    %dma_wait3A_37 = tpu.memref_squeeze %dma_wait3A_36 : memref<1x50x128xf32, #tpu.memory_space<hbm>> -> memref<50x128xf32, #tpu.memory_space<hbm>>
    %dma_wait3A_38 = arith.constant 0 : i32
    %dma_wait3A_39 = arith.constant 0 : i32
    %dma_wait3A_40 = tpu.memref_slice %arg5[%add3A_31, %dma_wait3A_38, %dma_wait3A_39] : memref<4096x50x128xf32, #tpu.memory_space<hbm>> -> memref<1x50x128xf32, #tpu.memory_space<hbm>>
    %dma_wait3A_41 = tpu.memref_squeeze %dma_wait3A_40 : memref<1x50x128xf32, #tpu.memory_space<hbm>> -> memref<50x128xf32, #tpu.memory_space<hbm>>
    %dma_wait3A_42 = arith.constant 0 : i32
    %dma_wait3A_43 = arith.constant 0 : i32
    %dma_wait3A_44 = tpu.memref_slice %arg9[%dma_wait3A_42, %dma_wait3A_43] : memref<400x128xf32, #tpu.memory_space<vmem>> -> memref<50x128xf32, #tpu.memory_space<vmem>>
    tpu.wait_dma2 semaphore(%arg17 : memref<!tpu.dma_semaphore, #tpu.memory_space<semaphore_mem>>) src(%dma_wait3A_44 : memref<50x128xf32, #tpu.memory_space<vmem>>) dst(%dma_wait3A_41 : memref<50x128xf32, #tpu.memory_space<hbm>>)
    %jit3A_45 = arith.constant 50 : i32
    %div3A_46 = arith.divsi %mul3A_2, %jit3A_45 : i32
    %sign3A_47 = arith.constant 0 : i32
    %sign3A_48 = arith.cmpi sgt, %mul3A_2, %sign3A_47 : i32
    %sign3A_49 = arith.extui %sign3A_48 : i1 to i32
    %sign3A_50 = arith.constant 0 : i32
    %sign3A_51 = arith.cmpi slt, %mul3A_2, %sign3A_50 : i32
    %sign3A_52 = arith.extui %sign3A_51 : i1 to i32
    %sign3A_53 = arith.subi %sign3A_49, %sign3A_52 : i32
    %sign3A_54 = arith.constant 0 : i32
    %sign3A_55 = arith.cmpi sgt, %jit3A_45, %sign3A_54 : i32
    %sign3A_56 = arith.extui %sign3A_55 : i1 to i32
    %sign3A_57 = arith.constant 0 : i32
    %sign3A_58 = arith.cmpi slt, %jit3A_45, %sign3A_57 : i32
    %sign3A_59 = arith.extui %sign3A_58 : i1 to i32
    %sign3A_60 = arith.subi %sign3A_56, %sign3A_59 : i32
    %ne3A_61 = arith.cmpi ne, %sign3A_53, %sign3A_60 : i32
    %rem3A_62 = arith.remsi %mul3A_2, %jit3A_45 : i32
    %ne3A_63 = arith.constant 0 : i32
    %ne3A_64 = arith.cmpi ne, %rem3A_62, %ne3A_63 : i32
    %and3A_65 = arith.andi %ne3A_61, %ne3A_64 : i1
    %sub3A_66 = arith.constant 1 : i32
    %sub3A_67 = arith.subi %div3A_46, %sub3A_66 : i32
    %select_n3A_68 = arith.select %and3A_65, %sub3A_67, %div3A_46 : i32
    %add3A_69 = arith.constant 1 : i32
    %add3A_70 = arith.addi %select_n3A_68, %add3A_69 : i32
    %dma_wait3A_71 = arith.constant 50 : i32
    %dma_wait3A_72 = arith.constant 0 : i32
    %dma_wait3A_73 = tpu.memref_slice %arg9[%dma_wait3A_71, %dma_wait3A_72] : memref<400x128xf32, #tpu.memory_space<vmem>> -> memref<50x128xf32, #tpu.memory_space<vmem>>
    %dma_wait3A_74 = arith.constant 0 : i32
    %dma_wait3A_75 = arith.constant 0 : i32
    %dma_wait3A_76 = tpu.memref_slice %arg5[%add3A_70, %dma_wait3A_74, %dma_wait3A_75] : memref<4096x50x128xf32, #tpu.memory_space<hbm>> -> memref<1x50x128xf32, #tpu.memory_space<hbm>>
    %dma_wait3A_77 = tpu.memref_squeeze %dma_wait3A_76 : memref<1x50x128xf32, #tpu.memory_space<hbm>> -> memref<50x128xf32, #tpu.memory_space<hbm>>
    %dma_wait3A_78 = arith.constant 0 : i32
    %dma_wait3A_79 = arith.constant 0 : i32
    %dma_wait3A_80 = tpu.memref_slice %arg5[%add3A_70, %dma_wait3A_78, %dma_wait3A_79] : memref<4096x50x128xf32, #tpu.memory_space<hbm>> -> memref<1x50x128xf32, #tpu.memory_space<hbm>>
    %dma_wait3A_81 = tpu.memref_squeeze %dma_wait3A_80 : memref<1x50x128xf32, #tpu.memory_space<hbm>> -> memref<50x128xf32, #tpu.memory_space<hbm>>
    %dma_wait3A_82 = arith.constant 50 : i32
    %dma_wait3A_83 = arith.constant 0 : i32
    %dma_wait3A_84 = tpu.memref_slice %arg9[%dma_wait3A_82, %dma_wait3A_83] : memref<400x128xf32, #tpu.memory_space<vmem>> -> memref<50x128xf32, #tpu.memory_space<vmem>>
    tpu.wait_dma2 semaphore(%arg17 : memref<!tpu.dma_semaphore, #tpu.memory_space<semaphore_mem>>) src(%dma_wait3A_84 : memref<50x128xf32, #tpu.memory_space<vmem>>) dst(%dma_wait3A_81 : memref<50x128xf32, #tpu.memory_space<hbm>>)
    %jit3A_85 = arith.constant 50 : i32
    %div3A_86 = arith.divsi %mul3A_2, %jit3A_85 : i32
    %sign3A_87 = arith.constant 0 : i32
    %sign3A_88 = arith.cmpi sgt, %mul3A_2, %sign3A_87 : i32
    %sign3A_89 = arith.extui %sign3A_88 : i1 to i32
    %sign3A_90 = arith.constant 0 : i32
    %sign3A_91 = arith.cmpi slt, %mul3A_2, %sign3A_90 : i32
    %sign3A_92 = arith.extui %sign3A_91 : i1 to i32
    %sign3A_93 = arith.subi %sign3A_89, %sign3A_92 : i32
    %sign3A_94 = arith.constant 0 : i32
    %sign3A_95 = arith.cmpi sgt, %jit3A_85, %sign3A_94 : i32
    %sign3A_96 = arith.extui %sign3A_95 : i1 to i32
    %sign3A_97 = arith.constant 0 : i32
    %sign3A_98 = arith.cmpi slt, %jit3A_85, %sign3A_97 : i32
    %sign3A_99 = arith.extui %sign3A_98 : i1 to i32
    %sign3A_100 = arith.subi %sign3A_96, %sign3A_99 : i32
    %ne3A_101 = arith.cmpi ne, %sign3A_93, %sign3A_100 : i32
    %rem3A_102 = arith.remsi %mul3A_2, %jit3A_85 : i32
    %ne3A_103 = arith.constant 0 : i32
    %ne3A_104 = arith.cmpi ne, %rem3A_102, %ne3A_103 : i32
    %and3A_105 = arith.andi %ne3A_101, %ne3A_104 : i1
    %sub3A_106 = arith.constant 1 : i32
    %sub3A_107 = arith.subi %div3A_86, %sub3A_106 : i32
    %select_n3A_108 = arith.select %and3A_105, %sub3A_107, %div3A_86 : i32
    %add3A_109 = arith.constant 2 : i32
    %add3A_110 = arith.addi %select_n3A_108, %add3A_109 : i32
    %dma_wait3A_111 = arith.constant 100 : i32
    %dma_wait3A_112 = arith.constant 0 : i32
    %dma_wait3A_113 = tpu.memref_slice %arg9[%dma_wait3A_111, %dma_wait3A_112] : memref<400x128xf32, #tpu.memory_space<vmem>> -> memref<50x128xf32, #tpu.memory_space<vmem>>
    %dma_wait3A_114 = arith.constant 0 : i32
    %dma_wait3A_115 = arith.constant 0 : i32
    %dma_wait3A_116 = tpu.memref_slice %arg5[%add3A_110, %dma_wait3A_114, %dma_wait3A_115] : memref<4096x50x128xf32, #tpu.memory_space<hbm>> -> memref<1x50x128xf32, #tpu.memory_space<hbm>>
    %dma_wait3A_117 = tpu.memref_squeeze %dma_wait3A_116 : memref<1x50x128xf32, #tpu.memory_space<hbm>> -> memref<50x128xf32, #tpu.memory_space<hbm>>
    %dma_wait3A_118 = arith.constant 0 : i32
    %dma_wait3A_119 = arith.constant 0 : i32
    %dma_wait3A_120 = tpu.memref_slice %arg5[%add3A_110, %dma_wait3A_118, %dma_wait3A_119] : memref<4096x50x128xf32, #tpu.memory_space<hbm>> -> memref<1x50x128xf32, #tpu.memory_space<hbm>>
    %dma_wait3A_121 = tpu.memref_squeeze %dma_wait3A_120 : memref<1x50x128xf32, #tpu.memory_space<hbm>> -> memref<50x128xf32, #tpu.memory_space<hbm>>
    %dma_wait3A_122 = arith.constant 100 : i32
    %dma_wait3A_123 = arith.constant 0 : i32
    %dma_wait3A_124 = tpu.memref_slice %arg9[%dma_wait3A_122, %dma_wait3A_123] : memref<400x128xf32, #tpu.memory_space<vmem>> -> memref<50x128xf32, #tpu.memory_space<vmem>>
    tpu.wait_dma2 semaphore(%arg17 : memref<!tpu.dma_semaphore, #tpu.memory_space<semaphore_mem>>) src(%dma_wait3A_124 : memref<50x128xf32, #tpu.memory_space<vmem>>) dst(%dma_wait3A_121 : memref<50x128xf32, #tpu.memory_space<hbm>>)
    %jit3A_125 = arith.constant 50 : i32
    %div3A_126 = arith.divsi %mul3A_2, %jit3A_125 : i32
    %sign3A_127 = arith.constant 0 : i32
    %sign3A_128 = arith.cmpi sgt, %mul3A_2, %sign3A_127 : i32
    %sign3A_129 = arith.extui %sign3A_128 : i1 to i32
    %sign3A_130 = arith.constant 0 : i32
    %sign3A_131 = arith.cmpi slt, %mul3A_2, %sign3A_130 : i32
    %sign3A_132 = arith.extui %sign3A_131 : i1 to i32
    %sign3A_133 = arith.subi %sign3A_129, %sign3A_132 : i32
    %sign3A_134 = arith.constant 0 : i32
    %sign3A_135 = arith.cmpi sgt, %jit3A_125, %sign3A_134 : i32
    %sign3A_136 = arith.extui %sign3A_135 : i1 to i32
    %sign3A_137 = arith.constant 0 : i32
    %sign3A_138 = arith.cmpi slt, %jit3A_125, %sign3A_137 : i32
    %sign3A_139 = arith.extui %sign3A_138 : i1 to i32
    %sign3A_140 = arith.subi %sign3A_136, %sign3A_139 : i32
    %ne3A_141 = arith.cmpi ne, %sign3A_133, %sign3A_140 : i32
    %rem3A_142 = arith.remsi %mul3A_2, %jit3A_125 : i32
    %ne3A_143 = arith.constant 0 : i32
    %ne3A_144 = arith.cmpi ne, %rem3A_142, %ne3A_143 : i32
    %and3A_145 = arith.andi %ne3A_141, %ne3A_144 : i1
    %sub3A_146 = arith.constant 1 : i32
    %sub3A_147 = arith.subi %div3A_126, %sub3A_146 : i32
    %select_n3A_148 = arith.select %and3A_145, %sub3A_147, %div3A_126 : i32
    %add3A_149 = arith.constant 3 : i32
    %add3A_150 = arith.addi %select_n3A_148, %add3A_149 : i32
    %dma_wait3A_151 = arith.constant 150 : i32
    %dma_wait3A_152 = arith.constant 0 : i32
    %dma_wait3A_153 = tpu.memref_slice %arg9[%dma_wait3A_151, %dma_wait3A_152] : memref<400x128xf32, #tpu.memory_space<vmem>> -> memref<50x128xf32, #tpu.memory_space<vmem>>
    %dma_wait3A_154 = arith.constant 0 : i32
    %dma_wait3A_155 = arith.constant 0 : i32
    %dma_wait3A_156 = tpu.memref_slice %arg5[%add3A_150, %dma_wait3A_154, %dma_wait3A_155] : memref<4096x50x128xf32, #tpu.memory_space<hbm>> -> memref<1x50x128xf32, #tpu.memory_space<hbm>>
    %dma_wait3A_157 = tpu.memref_squeeze %dma_wait3A_156 : memref<1x50x128xf32, #tpu.memory_space<hbm>> -> memref<50x128xf32, #tpu.memory_space<hbm>>
    %dma_wait3A_158 = arith.constant 0 : i32
    %dma_wait3A_159 = arith.constant 0 : i32
    %dma_wait3A_160 = tpu.memref_slice %arg5[%add3A_150, %dma_wait3A_158, %dma_wait3A_159] : memref<4096x50x128xf32, #tpu.memory_space<hbm>> -> memref<1x50x128xf32, #tpu.memory_space<hbm>>
    %dma_wait3A_161 = tpu.memref_squeeze %dma_wait3A_160 : memref<1x50x128xf32, #tpu.memory_space<hbm>> -> memref<50x128xf32, #tpu.memory_space<hbm>>
    %dma_wait3A_162 = arith.constant 150 : i32
    %dma_wait3A_163 = arith.constant 0 : i32
    %dma_wait3A_164 = tpu.memref_slice %arg9[%dma_wait3A_162, %dma_wait3A_163] : memref<400x128xf32, #tpu.memory_space<vmem>> -> memref<50x128xf32, #tpu.memory_space<vmem>>
    tpu.wait_dma2 semaphore(%arg17 : memref<!tpu.dma_semaphore, #tpu.memory_space<semaphore_mem>>) src(%dma_wait3A_164 : memref<50x128xf32, #tpu.memory_space<vmem>>) dst(%dma_wait3A_161 : memref<50x128xf32, #tpu.memory_space<hbm>>)
    %jit3A_165 = arith.constant 50 : i32
    %div3A_166 = arith.divsi %mul3A_2, %jit3A_165 : i32
    %sign3A_167 = arith.constant 0 : i32
    %sign3A_168 = arith.cmpi sgt, %mul3A_2, %sign3A_167 : i32
    %sign3A_169 = arith.extui %sign3A_168 : i1 to i32
    %sign3A_170 = arith.constant 0 : i32
    %sign3A_171 = arith.cmpi slt, %mul3A_2, %sign3A_170 : i32
    %sign3A_172 = arith.extui %sign3A_171 : i1 to i32
    %sign3A_173 = arith.subi %sign3A_169, %sign3A_172 : i32
    %sign3A_174 = arith.constant 0 : i32
    %sign3A_175 = arith.cmpi sgt, %jit3A_165, %sign3A_174 : i32
    %sign3A_176 = arith.extui %sign3A_175 : i1 to i32
    %sign3A_177 = arith.constant 0 : i32
    %sign3A_178 = arith.cmpi slt, %jit3A_165, %sign3A_177 : i32
    %sign3A_179 = arith.extui %sign3A_178 : i1 to i32
    %sign3A_180 = arith.subi %sign3A_176, %sign3A_179 : i32
    %ne3A_181 = arith.cmpi ne, %sign3A_173, %sign3A_180 : i32
    %rem3A_182 = arith.remsi %mul3A_2, %jit3A_165 : i32
    %ne3A_183 = arith.constant 0 : i32
    %ne3A_184 = arith.cmpi ne, %rem3A_182, %ne3A_183 : i32
    %and3A_185 = arith.andi %ne3A_181, %ne3A_184 : i1
    %sub3A_186 = arith.constant 1 : i32
    %sub3A_187 = arith.subi %div3A_166, %sub3A_186 : i32
    %select_n3A_188 = arith.select %and3A_185, %sub3A_187, %div3A_166 : i32
    %add3A_189 = arith.constant 4 : i32
    %add3A_190 = arith.addi %select_n3A_188, %add3A_189 : i32
    %dma_wait3A_191 = arith.constant 200 : i32
    %dma_wait3A_192 = arith.constant 0 : i32
    %dma_wait3A_193 = tpu.memref_slice %arg9[%dma_wait3A_191, %dma_wait3A_192] : memref<400x128xf32, #tpu.memory_space<vmem>> -> memref<50x128xf32, #tpu.memory_space<vmem>>
    %dma_wait3A_194 = arith.constant 0 : i32
    %dma_wait3A_195 = arith.constant 0 : i32
    %dma_wait3A_196 = tpu.memref_slice %arg5[%add3A_190, %dma_wait3A_194, %dma_wait3A_195] : memref<4096x50x128xf32, #tpu.memory_space<hbm>> -> memref<1x50x128xf32, #tpu.memory_space<hbm>>
    %dma_wait3A_197 = tpu.memref_squeeze %dma_wait3A_196 : memref<1x50x128xf32, #tpu.memory_space<hbm>> -> memref<50x128xf32, #tpu.memory_space<hbm>>
    %dma_wait3A_198 = arith.constant 0 : i32
    %dma_wait3A_199 = arith.constant 0 : i32
    %dma_wait3A_200 = tpu.memref_slice %arg5[%add3A_190, %dma_wait3A_198, %dma_wait3A_199] : memref<4096x50x128xf32, #tpu.memory_space<hbm>> -> memref<1x50x128xf32, #tpu.memory_space<hbm>>
    %dma_wait3A_201 = tpu.memref_squeeze %dma_wait3A_200 : memref<1x50x128xf32, #tpu.memory_space<hbm>> -> memref<50x128xf32, #tpu.memory_space<hbm>>
    %dma_wait3A_202 = arith.constant 200 : i32
    %dma_wait3A_203 = arith.constant 0 : i32
    %dma_wait3A_204 = tpu.memref_slice %arg9[%dma_wait3A_202, %dma_wait3A_203] : memref<400x128xf32, #tpu.memory_space<vmem>> -> memref<50x128xf32, #tpu.memory_space<vmem>>
    tpu.wait_dma2 semaphore(%arg17 : memref<!tpu.dma_semaphore, #tpu.memory_space<semaphore_mem>>) src(%dma_wait3A_204 : memref<50x128xf32, #tpu.memory_space<vmem>>) dst(%dma_wait3A_201 : memref<50x128xf32, #tpu.memory_space<hbm>>)
    %jit3A_205 = arith.constant 50 : i32
    %div3A_206 = arith.divsi %mul3A_2, %jit3A_205 : i32
    %sign3A_207 = arith.constant 0 : i32
    %sign3A_208 = arith.cmpi sgt, %mul3A_2, %sign3A_207 : i32
    %sign3A_209 = arith.extui %sign3A_208 : i1 to i32
    %sign3A_210 = arith.constant 0 : i32
    %sign3A_211 = arith.cmpi slt, %mul3A_2, %sign3A_210 : i32
    %sign3A_212 = arith.extui %sign3A_211 : i1 to i32
    %sign3A_213 = arith.subi %sign3A_209, %sign3A_212 : i32
    %sign3A_214 = arith.constant 0 : i32
    %sign3A_215 = arith.cmpi sgt, %jit3A_205, %sign3A_214 : i32
    %sign3A_216 = arith.extui %sign3A_215 : i1 to i32
    %sign3A_217 = arith.constant 0 : i32
    %sign3A_218 = arith.cmpi slt, %jit3A_205, %sign3A_217 : i32
    %sign3A_219 = arith.extui %sign3A_218 : i1 to i32
    %sign3A_220 = arith.subi %sign3A_216, %sign3A_219 : i32
    %ne3A_221 = arith.cmpi ne, %sign3A_213, %sign3A_220 : i32
    %rem3A_222 = arith.remsi %mul3A_2, %jit3A_205 : i32
    %ne3A_223 = arith.constant 0 : i32
    %ne3A_224 = arith.cmpi ne, %rem3A_222, %ne3A_223 : i32
    %and3A_225 = arith.andi %ne3A_221, %ne3A_224 : i1
    %sub3A_226 = arith.constant 1 : i32
    %sub3A_227 = arith.subi %div3A_206, %sub3A_226 : i32
    %select_n3A_228 = arith.select %and3A_225, %sub3A_227, %div3A_206 : i32
    %add3A_229 = arith.constant 5 : i32
    %add3A_230 = arith.addi %select_n3A_228, %add3A_229 : i32
    %dma_wait3A_231 = arith.constant 250 : i32
    %dma_wait3A_232 = arith.constant 0 : i32
    %dma_wait3A_233 = tpu.memref_slice %arg9[%dma_wait3A_231, %dma_wait3A_232] : memref<400x128xf32, #tpu.memory_space<vmem>> -> memref<50x128xf32, #tpu.memory_space<vmem>>
    %dma_wait3A_234 = arith.constant 0 : i32
    %dma_wait3A_235 = arith.constant 0 : i32
    %dma_wait3A_236 = tpu.memref_slice %arg5[%add3A_230, %dma_wait3A_234, %dma_wait3A_235] : memref<4096x50x128xf32, #tpu.memory_space<hbm>> -> memref<1x50x128xf32, #tpu.memory_space<hbm>>
    %dma_wait3A_237 = tpu.memref_squeeze %dma_wait3A_236 : memref<1x50x128xf32, #tpu.memory_space<hbm>> -> memref<50x128xf32, #tpu.memory_space<hbm>>
    %dma_wait3A_238 = arith.constant 0 : i32
    %dma_wait3A_239 = arith.constant 0 : i32
    %dma_wait3A_240 = tpu.memref_slice %arg5[%add3A_230, %dma_wait3A_238, %dma_wait3A_239] : memref<4096x50x128xf32, #tpu.memory_space<hbm>> -> memref<1x50x128xf32, #tpu.memory_space<hbm>>
    %dma_wait3A_241 = tpu.memref_squeeze %dma_wait3A_240 : memref<1x50x128xf32, #tpu.memory_space<hbm>> -> memref<50x128xf32, #tpu.memory_space<hbm>>
    %dma_wait3A_242 = arith.constant 250 : i32
    %dma_wait3A_243 = arith.constant 0 : i32
    %dma_wait3A_244 = tpu.memref_slice %arg9[%dma_wait3A_242, %dma_wait3A_243] : memref<400x128xf32, #tpu.memory_space<vmem>> -> memref<50x128xf32, #tpu.memory_space<vmem>>
    tpu.wait_dma2 semaphore(%arg17 : memref<!tpu.dma_semaphore, #tpu.memory_space<semaphore_mem>>) src(%dma_wait3A_244 : memref<50x128xf32, #tpu.memory_space<vmem>>) dst(%dma_wait3A_241 : memref<50x128xf32, #tpu.memory_space<hbm>>)
    %jit3A_245 = arith.constant 50 : i32
    %div3A_246 = arith.divsi %mul3A_2, %jit3A_245 : i32
    %sign3A_247 = arith.constant 0 : i32
    %sign3A_248 = arith.cmpi sgt, %mul3A_2, %sign3A_247 : i32
    %sign3A_249 = arith.extui %sign3A_248 : i1 to i32
    %sign3A_250 = arith.constant 0 : i32
    %sign3A_251 = arith.cmpi slt, %mul3A_2, %sign3A_250 : i32
    %sign3A_252 = arith.extui %sign3A_251 : i1 to i32
    %sign3A_253 = arith.subi %sign3A_249, %sign3A_252 : i32
    %sign3A_254 = arith.constant 0 : i32
    %sign3A_255 = arith.cmpi sgt, %jit3A_245, %sign3A_254 : i32
    %sign3A_256 = arith.extui %sign3A_255 : i1 to i32
    %sign3A_257 = arith.constant 0 : i32
    %sign3A_258 = arith.cmpi slt, %jit3A_245, %sign3A_257 : i32
    %sign3A_259 = arith.extui %sign3A_258 : i1 to i32
    %sign3A_260 = arith.subi %sign3A_256, %sign3A_259 : i32
    %ne3A_261 = arith.cmpi ne, %sign3A_253, %sign3A_260 : i32
    %rem3A_262 = arith.remsi %mul3A_2, %jit3A_245 : i32
    %ne3A_263 = arith.constant 0 : i32
    %ne3A_264 = arith.cmpi ne, %rem3A_262, %ne3A_263 : i32
    %and3A_265 = arith.andi %ne3A_261, %ne3A_264 : i1
    %sub3A_266 = arith.constant 1 : i32
    %sub3A_267 = arith.subi %div3A_246, %sub3A_266 : i32
    %select_n3A_268 = arith.select %and3A_265, %sub3A_267, %div3A_246 : i32
    %add3A_269 = arith.constant 6 : i32
    %add3A_270 = arith.addi %select_n3A_268, %add3A_269 : i32
    %dma_wait3A_271 = arith.constant 300 : i32
    %dma_wait3A_272 = arith.constant 0 : i32
    %dma_wait3A_273 = tpu.memref_slice %arg9[%dma_wait3A_271, %dma_wait3A_272] : memref<400x128xf32, #tpu.memory_space<vmem>> -> memref<50x128xf32, #tpu.memory_space<vmem>>
    %dma_wait3A_274 = arith.constant 0 : i32
    %dma_wait3A_275 = arith.constant 0 : i32
    %dma_wait3A_276 = tpu.memref_slice %arg5[%add3A_270, %dma_wait3A_274, %dma_wait3A_275] : memref<4096x50x128xf32, #tpu.memory_space<hbm>> -> memref<1x50x128xf32, #tpu.memory_space<hbm>>
    %dma_wait3A_277 = tpu.memref_squeeze %dma_wait3A_276 : memref<1x50x128xf32, #tpu.memory_space<hbm>> -> memref<50x128xf32, #tpu.memory_space<hbm>>
    %dma_wait3A_278 = arith.constant 0 : i32
    %dma_wait3A_279 = arith.constant 0 : i32
    %dma_wait3A_280 = tpu.memref_slice %arg5[%add3A_270, %dma_wait3A_278, %dma_wait3A_279] : memref<4096x50x128xf32, #tpu.memory_space<hbm>> -> memref<1x50x128xf32, #tpu.memory_space<hbm>>
    %dma_wait3A_281 = tpu.memref_squeeze %dma_wait3A_280 : memref<1x50x128xf32, #tpu.memory_space<hbm>> -> memref<50x128xf32, #tpu.memory_space<hbm>>
    %dma_wait3A_282 = arith.constant 300 : i32
    %dma_wait3A_283 = arith.constant 0 : i32
    %dma_wait3A_284 = tpu.memref_slice %arg9[%dma_wait3A_282, %dma_wait3A_283] : memref<400x128xf32, #tpu.memory_space<vmem>> -> memref<50x128xf32, #tpu.memory_space<vmem>>
    tpu.wait_dma2 semaphore(%arg17 : memref<!tpu.dma_semaphore, #tpu.memory_space<semaphore_mem>>) src(%dma_wait3A_284 : memref<50x128xf32, #tpu.memory_space<vmem>>) dst(%dma_wait3A_281 : memref<50x128xf32, #tpu.memory_space<hbm>>)
    %jit3A_285 = arith.constant 50 : i32
    %div3A_286 = arith.divsi %mul3A_2, %jit3A_285 : i32
    %sign3A_287 = arith.constant 0 : i32
    %sign3A_288 = arith.cmpi sgt, %mul3A_2, %sign3A_287 : i32
    %sign3A_289 = arith.extui %sign3A_288 : i1 to i32
    %sign3A_290 = arith.constant 0 : i32
    %sign3A_291 = arith.cmpi slt, %mul3A_2, %sign3A_290 : i32
    %sign3A_292 = arith.extui %sign3A_291 : i1 to i32
    %sign3A_293 = arith.subi %sign3A_289, %sign3A_292 : i32
    %sign3A_294 = arith.constant 0 : i32
    %sign3A_295 = arith.cmpi sgt, %jit3A_285, %sign3A_294 : i32
    %sign3A_296 = arith.extui %sign3A_295 : i1 to i32
    %sign3A_297 = arith.constant 0 : i32
    %sign3A_298 = arith.cmpi slt, %jit3A_285, %sign3A_297 : i32
    %sign3A_299 = arith.extui %sign3A_298 : i1 to i32
    %sign3A_300 = arith.subi %sign3A_296, %sign3A_299 : i32
    %ne3A_301 = arith.cmpi ne, %sign3A_293, %sign3A_300 : i32
    %rem3A_302 = arith.remsi %mul3A_2, %jit3A_285 : i32
    %ne3A_303 = arith.constant 0 : i32
    %ne3A_304 = arith.cmpi ne, %rem3A_302, %ne3A_303 : i32
    %and3A_305 = arith.andi %ne3A_301, %ne3A_304 : i1
    %sub3A_306 = arith.constant 1 : i32
    %sub3A_307 = arith.subi %div3A_286, %sub3A_306 : i32
    %select_n3A_308 = arith.select %and3A_305, %sub3A_307, %div3A_286 : i32
    %add3A_309 = arith.constant 7 : i32
    %add3A_310 = arith.addi %select_n3A_308, %add3A_309 : i32
    %dma_wait3A_311 = arith.constant 350 : i32
    %dma_wait3A_312 = arith.constant 0 : i32
    %dma_wait3A_313 = tpu.memref_slice %arg9[%dma_wait3A_311, %dma_wait3A_312] : memref<400x128xf32, #tpu.memory_space<vmem>> -> memref<50x128xf32, #tpu.memory_space<vmem>>
    %dma_wait3A_314 = arith.constant 0 : i32
    %dma_wait3A_315 = arith.constant 0 : i32
    %dma_wait3A_316 = tpu.memref_slice %arg5[%add3A_310, %dma_wait3A_314, %dma_wait3A_315] : memref<4096x50x128xf32, #tpu.memory_space<hbm>> -> memref<1x50x128xf32, #tpu.memory_space<hbm>>
    %dma_wait3A_317 = tpu.memref_squeeze %dma_wait3A_316 : memref<1x50x128xf32, #tpu.memory_space<hbm>> -> memref<50x128xf32, #tpu.memory_space<hbm>>
    %dma_wait3A_318 = arith.constant 0 : i32
    %dma_wait3A_319 = arith.constant 0 : i32
    %dma_wait3A_320 = tpu.memref_slice %arg5[%add3A_310, %dma_wait3A_318, %dma_wait3A_319] : memref<4096x50x128xf32, #tpu.memory_space<hbm>> -> memref<1x50x128xf32, #tpu.memory_space<hbm>>
    %dma_wait3A_321 = tpu.memref_squeeze %dma_wait3A_320 : memref<1x50x128xf32, #tpu.memory_space<hbm>> -> memref<50x128xf32, #tpu.memory_space<hbm>>
    %dma_wait3A_322 = arith.constant 350 : i32
    %dma_wait3A_323 = arith.constant 0 : i32
    %dma_wait3A_324 = tpu.memref_slice %arg9[%dma_wait3A_322, %dma_wait3A_323] : memref<400x128xf32, #tpu.memory_space<vmem>> -> memref<50x128xf32, #tpu.memory_space<vmem>>
    tpu.wait_dma2 semaphore(%arg17 : memref<!tpu.dma_semaphore, #tpu.memory_space<semaphore_mem>>) src(%dma_wait3A_324 : memref<50x128xf32, #tpu.memory_space<vmem>>) dst(%dma_wait3A_321 : memref<50x128xf32, #tpu.memory_space<hbm>>)
    return
  }
}

</mosaic_0001>

<sc_bundles>
// kernel: kernel.3.cloned.1.call-start
scs
__scs_entry_jumppad:
0x0: {  	(pc) =	sbr.rel $0x88, $3  }
0x1: {  	(tag) =	ssettag $0x0;
	lr =	simm.s32 $0x1  }
0x2: {  	[smem:$0x3F9E] =	sst lr;
	_ =	strace $0xD0000000  }
0x3: {  	_ = 	snop  }
0x4: {  	_ = 	snop  }
0x5: {  	_ = 	snop  }
0x6: {  	_ = 	snop  }
0x7: {  	_ = 	snop  }
__scs_overlays_trampoline_lowered:
0x8: {  	[smem:$0x3FAD] =	sst s0  }
0x9: {  	[smem:$0x3FAE] =	sst s1  }
0xa: {  	[smem:$0x3FAF] =	sst s2  }
0xb: {  	[smem:$0x3FB0] =	sst s3  }
0xc: {  	[smem:$0x3FB1] =	sst s4  }
0xd: {  	[smem:$0x3FB2] =	sst s5  }
0xe: {  	[smem:$0x3FB3] =	sst s6  }
0xf: {  	[smem:$0x3FB4] =	sst s7  }
0x10: {  	[smem:$0x3FB5] =	sst s8  }
0x11: {  	[smem:$0x3FB6] =	sst s9;
	s0 =	simm.s32 @!p0 $0x0  }
0x12: {  	s1 =	sld [smem:$0x3F9C];
	s0 =	simm.s32 @p0 $0x1  }
0x13: {  	[smem:$0x3FB7] =	sst s0;
	s0 =	simm.s32 @!p1 $0x0  }
0x14: {  	s2 =	sld [smem:$0x3F9B];
	s0 =	simm.s32 @p1 $0x1  }
0x15: {  	[smem:$0x3FB8] =	sst s0;
	s0 =	simm.s32 @!p2 $0x0  }
0x16: {  	s3 =	sld [smem:$0x3FDB];
	s0 =	simm.s32 @p2 $0x1  }
0x17: {  	s4 =	simm.s32 $0x1BF5;
	[smem:$0x3FBA] =	sst s0  }
0x18: {  	s0 =	sld [smem:$0x3F9D];
	_ =	swait.ge [sflag:s4], $0x0  }
0x19: {  	s7 =	sld [smem:$0x3F9E]  }
0x1a: {  	s8 =	sadd.s32 $0xFFFFE003, lr  }
0x1b: {  	s9 =	sadd.s32 $0xFFFFFEF7, lr;
	s5 =	simm.s32 $0xFFFFFFFF;
	p2 =	slt.u32 s8, $0xFFFFF086  }
0x1c: {  	p1 =	slt.u32 s9, $0xF7A;
	s5 =	simm.s32 @!p2 $0x0  }
0x1d: {  	s5 =	simm.s32 @p1 $0x1;
	p0 =	seq.s32 s7, s2  }
0x1e: {  	s7 =	smul.u32 @!p0 $0xF7A, s2;
	p2 =	seq.s32 @!p0 s5, $0x0  }
0x1f: {  	s9 =	smul.u32 $0xF7A, s1;
	s8 =	simm.s32 @!p0 $0x1BF5;
	p2 =	por !p2, p0  }
0x20: {  	[sflag:s8] =	ssyncset.s32 @!p0 $0xFFFFF086;
	s6 =	sadd.s32 @!p0 s3, s7;
	s7 =	simm.s32 @!p0 $0x108  }
0x21: {  	s3 =	sadd.s32 s3, s9;
	s6 =	sadd.s32 @!p0 $0x88, s6;
	s7 =	simm.s32 @p2 $0x1082  }
0x22: {  	[simem:s7], [sflag:s8] =	dma.local @!p0 [hbm:s6], $0xF7A  }
0x23: {  	s9 =	sor.u32 $0xD0000000, s2;
	s6 =	simm.s32 $0x108;
	_ =	swait.ge @!p0 [sflag:s8], $0x0  }
0x24: {  	s3 =	sadd.s32 $0x88, s3;
	s6 =	simm.s32 @!p1 $0x1082;
	[sflag:s4] =	ssyncset.s32 $0xFFFFF086  }
0x25: {  	[simem:s6], [sflag:s4] =	dma.local [hbm:s3], $0xF7A  }
0x26: {  	[smem:$0x3F9E] =	sst s1;
	(tag) =	ssettag s2;
	_ =	strace s9  }
0x27: {  	s1 =	sld [smem:$0x3FAE]  }
0x28: {  	s2 =	sld [smem:$0x3FAF]  }
0x29: {  	s4 =	sld [smem:$0x3FB1]  }
0x2a: {  	p0 =	seq.s32 s5, $0x0;
	s5 =	sld [smem:$0x3FB2]  }
0x2b: {  	s6 =	sld [smem:$0x3FB3]  }
0x2c: {  	s7 =	sld [smem:$0x3FB4]  }
0x2d: {  	s3 =	simm.s32 $0x108;
	s8 =	sld [smem:$0x3FB5]  }
0x2e: {  	s3 =	simm.s32 @!p0 $0x1082;
	s9 =	sld [smem:$0x3FB6]  }
0x2f: {  	lr =	sadd.s32 s0, s3;
	s0 =	sld [smem:$0x3FAD]  }
0x30: {  	s3 =	sld [smem:$0x3FB0]  }
0x31: {  	[smem:$0x3FB9] =	sst s10  }
0x32: {  	s10 =	sld [smem:$0x3FB7];
	_ =	sdelay $0x3  }
0x33: {  	p0 =	seq.s32 s10, $0x1;
	s10 =	sld [smem:$0x3FB9];
	_ =	sdelay $0x3  }
0x34: {  	[smem:$0x3FB9] =	sst s10  }
0x35: {  	s10 =	sld [smem:$0x3FB8];
	_ =	sdelay $0x3  }
0x36: {  	p1 =	seq.s32 s10, $0x1;
	s10 =	sld [smem:$0x3FB9];
	_ =	sdelay $0x3  }
0x37: {  	[smem:$0x3FB9] =	sst s10  }
0x38: {  	s10 =	sld [smem:$0x3FBA]  }
0x39: {  	_ = 	snop;
	(pc) =	sbr.ind lr, $3  }
0x3a: {  	_ = 	snop  }
0x3b: {  	_ = 	snop  }
0x3c: {  	p2 =	seq.s32 s10, $0x1;
	s10 =	sld [smem:$0x3FB9]  }
0x3d: {  	_ =	shalt  }
0x3e: {  	_ =	shalt  }
0x3f: {  	_ =	shalt  }
0x40: {  	_ =	shalt  }
0x41: {  	_ =	shalt  }
0x42: {  	_ =	shalt  }
0x43: {  	_ =	shalt  }
0x44: {  	_ =	shalt  }
0x45: {  	_ =	shalt  }
0x46: {  	_ =	shalt  }
0x47: {  	_ =	shalt  }
0x48: {  	_ =	shalt  }
0x49: {  	_ =	shalt  }
0x4a: {  	_ =	shalt  }
0x4b: {  	_ =	shalt  }
0x4c: {  	_ =	shalt  }
0x4d: {  	_ =	shalt  }
0x4e: {  	_ =	shalt  }
0x4f: {  	_ =	shalt  }
0x50: {  	_ =	shalt  }
0x51: {  	_ =	shalt  }
0x52: {  	_ =	shalt  }
0x53: {  	_ =	shalt  }
0x54: {  	_ =	shalt  }
0x55: {  	_ =	shalt  }
0x56: {  	_ =	shalt  }
0x57: {  	_ =	shalt  }
0x58: {  	_ =	shalt  }
0x59: {  	_ =	shalt  }
0x5a: {  	_ =	shalt  }
0x5b: {  	_ =	shalt  }
0x5c: {  	_ =	shalt  }
0x5d: {  	_ =	shalt  }
0x5e: {  	_ =	shalt  }
0x5f: {  	_ =	shalt  }
0x60: {  	_ =	shalt  }
0x61: {  	_ =	shalt  }
0x62: {  	_ =	shalt  }
0x63: {  	_ =	shalt  }
0x64: {  	_ =	shalt  }
0x65: {  	_ =	shalt  }
0x66: {  	_ =	shalt  }
0x67: {  	_ =	shalt  }
0x68: {  	_ =	shalt  }
0x69: {  	_ =	shalt  }
0x6a: {  	_ =	shalt  }
0x6b: {  	_ =	shalt  }
0x6c: {  	_ =	shalt  }
0x6d: {  	_ =	shalt  }
0x6e: {  	_ =	shalt  }
0x6f: {  	_ =	shalt  }
0x70: {  	_ =	shalt  }
0x71: {  	_ =	shalt  }
0x72: {  	_ =	shalt  }
0x73: {  	_ =	shalt  }
0x74: {  	_ =	shalt  }
0x75: {  	_ =	shalt  }
0x76: {  	_ =	shalt  }
0x77: {  	_ =	shalt  }
0x78: {  	_ =	shalt  }
0x79: {  	_ =	shalt  }
0x7a: {  	_ =	shalt  }
0x7b: {  	_ =	shalt  }
0x7c: {  	_ =	shalt  }
0x7d: {  	_ =	shalt  }
0x7e: {  	_ =	shalt  }
0x7f: {  	_ =	shalt  }
0x80: {  	_ =	shalt  }
0x81: {  	_ =	shalt  }
0x82: {  	_ =	shalt  }
0x83: {  	_ =	shalt  }
0x84: {  	_ =	shalt  }
0x85: {  	_ =	shalt  }
0x86: {  	_ =	shalt  }
0x87: {  	_ =	shalt  }
.Lfunc_end0:
.L_simem_size_0:
called_computation_lowered:
.L_overlay_start_0:
0x88: {  	s2 =	sld [smem:$0x3FD9]  }
0x89: {  	s3 =	sld [smem:$0x3FFE];
	_ =	sdelay $0x1  }
0x8a: {  	s1 =	srdreg.scid  }
0x8b: {  	s0 =	sand.u32 $0x1, s1  }
0x8c: {  	s17 =	sshll.u32 s0, $0xA;
	s2 =	sadd.s32 s3, s2  }
0x8d: {  	s2 =	sadd.s32 s2, s17  }
0x8e: {  	[smem:$0x3FC5] =	sst s2  }
0x8f: {  	_ = 	snop  }
0x90: {  	s2 =	sld [smem:$0x3FC8]  }
0x91: {  	s18 =	sld [smem:$0x3FD0];
	(tm) =	ssettm $0x1  }
0x92: {  	s4 =	sld [smem:$0x3FFB];
	_ =	sdelay $0x3  }
0x93: {  	_ =	strace s4  }
0x94: {  	s4 =	sld [smem:$0x3FFC];
	_ =	sdelay $0x3  }
0x95: {  	_ =	strace s4  }
0x96: {  	s4 =	sld [smem:$0x3FFD];
	_ =	sdelay $0x3  }
0x97: {  	_ =	strace s4  }
0x98: {  	_ =	strace $0x8FFFFFFF  }
0x99: {  	s19 =	sld [smem:$0x3FDB];
	_ =	sdelay $0x1  }
0x9a: {  	s5 =	simm.s32 $_scs_section_size  }
0x9b: {  	s6 =	simm.s32 $_size__tile_overlayer_lowered;
	s7 =	simm.s32 $_tile_overlayer_lowered  }
0x9c: {  	s22 =	simm.s32 $0x1BFF;
	s21 =	sshll.u32 s7, $0x1;
	s4 =	sadd.s32 s5, s19  }
0x9d: {  	s8 =	simm.s32 $0x0;
	s20 =	sshll.u32 s6, $0x1;
	s6 =	sadd.s32 s21, s4  }
0x9e: {  	[timem:s8], [sflag:s22] =	dma.local [hbm:s6], s20  }
0x9f: {  	_ =	swait.ge [sflag:s22], s20  }
0xa0: {  	s5 =	ssub.s32 $0x0, s20;
	[sflag:s22] =	ssyncset.done $0x0  }
0xa1: {  	[sflag:s22] =	ssyncadd.s32 s5;
	_ =	sdelay $0x1  }
0xa2: {  	s23 =	simm.s32 $0x1B8B  }
0xa3: {  	_ =	swait.ge [sflag:s23], $0x1  }
0xa4: {  	[sflag:s23] =	ssyncset.done $0x0  }
0xa5: {  	s25 =	simm.s32 $0x1B8E;
	s24 =	sld [smem:$0x3FFE];
	[sflag:s23] =	ssyncadd.s32 $0xFFFFFFFF  }
0xa6: {  	s26 =	simm.s32 $execute0_lowered;
	[smem:$0x3FD2] =	sst s25  }
0xa7: {  	s6 =	sshll.u32 s26, $0x1;
	_ =	strace $0x80000046;
	[dreg:$0x1] =	wrdreg $0xFFFFFFFF  }
0xa8: {  	s28 =	simm.s32 $_size_execute0_lowered;
	s4 =	sadd.s32 s4, s6;
	[dreg:$0x0] =	wrdreg $0x0  }
0xa9: {  	s6 =	sshll.u32 s28, $0x1;
	[dreg:$0x2] =	wrdreg s4  }
0xaa: {  	[dreg:$0x3] =	wrdreg s6  }
0xab: {  	[dreg:$0x4] =	wrdreg $0xC0  }
0xac: {  	_ =	task [dreg:s8], $0x5FFFF  }
0xad: {  	[dreg:$0x1] =	wrdreg $0xFFFFFFFF  }
0xae: {  	[dreg:$0x0] =	wrdreg $0x60  }
0xaf: {  	[dreg:$0x2] =	wrdreg s18  }
0xb0: {  	[dreg:$0x3] =	wrdreg s2  }
0xb1: {  	[dreg:$0x4] =	wrdreg s24  }
0xb2: {  	[dreg:$0x5] =	wrdreg $0x9  }
0xb3: {  	_ =	task.clear_ibuf [dreg:s8], $0x6FFFF;
	_ =	strace $0x90000046  }
0xb4: {  	s29 =	simm.s32 $0x9;
	_ =	strace $0x80000048  }
0xb5: {  	_ =	swait.ge [sflag:s29], $0x1  }
0xb6: {  	[sflag:s29] =	ssyncadd.s32 $0xFFFFFFFF  }
0xb7: {  	_ =	strace $0x90000048  }
0xb8: {  	_ =	sfence  }
0xb9: {  	s30 =	sld [smem:$0x0];
	_ =	sdelay $0x2  }
0xba: {  	s31 =	sshll.u32 s1, $0xD;
	s1 =	sshrl.u32 s1, $0x2  }
0xbb: {  	s3 =	sand.u32 $0x4000, s31;
	s1 =	sadd.s32 s1, s30  }
0xbc: {  	s0 =	sor.u32 s3, s0;
	s1 =	sshll.u32 s1, $0x11  }
0xbd: {  	s0 =	sor.u32 s1, s0  }
0xbe: {  	s0 =	sadd.s32 $0x8F2B, s0  }
0xbf: {  	[sflag:s0] =	ssyncadd.remote.s32 $0x1  }
0xc0: {  	_ =	sfence.sel $0xFFFF  }
0xc1: {  	[dreg:$0x0] =	wrdreg $0xFFFFFFFF;
	(pc) =	sbr.abs _section_cstart, $3  }
0xc2: {  	[dreg:$0x1] =	wrdreg $0xFFFFFFFF  }
0xc3: {  	_ =	task.clear_ibuf [dreg:s8], $0x2FFFF;
	_ =	strace $0x9FFFFFFF  }
0xc4: {  	(tm) =	ssettm $0x7FFFFFFF  }
0xc5: {  	_ =	shalt  }
tec
execute0_lowered:
.L_overlay_start_1:
0x0: {  	(tag) =	ssettag $0x1  }
0x1: {  	s1 =	rddreg [dreg:$0x0]  }
0x2: {  	s3 =	rddreg [dreg:$0x1]  }
0x3: {  	s0 =	srdreg.scid;
	s2 =	stileid.u32  }
0x4: {  	s4 =	rddreg [dreg:$0x2];
	s5 =	simm.s32 $0x0;
	s12 =	simm.s32 $0x7  }
0x5: {  	s13 =	simm.s32 $0x190;
	s14 =	simm.s32 $0x400;
	s16 =	simm.s32 $0x1  }
0x6: {  	s17 =	simm.s32 $0x3;
	s18 =	simm.s32 $0x200;
	s19 =	simm.s32 $0xCC00  }
0x7: {  	s29 =	simm.s32 $0x2;
	s30 =	simm.s32 $0x4;
	s31 =	simm.s32 $0x5  }
0x8: {  	s15 =	simm.s32 $0x11700;
	s11 =	simm.s32 $0x14900;
	s20 =	simm.s32 $0x16200  }
0x9: {  	s21 =	simm.s32 $0x17B00;
	s0 =	sand.u32 $0x1, s0;
	s2 =	sshll.u32 s2, $0x1  }
0xa: {  	s23 =	simm.s32 $0x0;
	s2 =	sor.u32 s0, s2;
	s0 =	ssub.s32 $0x2, s0  }
0xb: {  	[smem:$0x7FF] =	sst s5;
	s6 =	smul.u32 $0x1900, s2;
	s26 =	sshrl.u32 s0, $0x1  }
0xc: {  	s7 =	sadd.s32 $0x3200, s4;
	_ =	strace $0x80000047;
	s0 =	ssub.s32 s0, s26  }
0xd: {  	s8 =	sshrl.u32 s6, $0x3;
	s9 =	sadd.s32 $0x190, s6;
	s0 =	smax.u32 s0, $0x1  }
0xe: {  	s10 =	sadd.s32 $0x320, s6;
	s28 =	sadd.s32 s1, s8;
	[dreg:$0x5] =	wrdreg s0  }
0xf: {  	s0 =	simm.s32 $0xFE00;
	s8 =	simm.s32 $0x13000;
	[dreg:$0x4] =	wrdreg s28  }
.LBB2_1:
0x10: {  	[dreg:$0x6] =	wrdreg s23  }
0x11: {  	s22 =	rddreg [dreg:$0x4]  }
0x12: {  	[tilespmem:s5], [sflag:$0x7] =	stream.linear.gather [hbm4b:s22+s5], $0x190, $0x38;
	[tilespmem:$0x19800] =	vst v63  }
0x13: {  	_ =	swait.ge [sflag:s12], $0x190  }
0x14: {  	[sflag:s12] =	ssyncset.done $0x0  }
0x15: {  	[sflag:s12] =	ssyncadd.s32 $0xFFFFFE70  }
0x16: {  	[tilespmem:s14], [sflag:$0x1] =	stream.indirect.gather [hbm4b:s3+s13], $0x80, s5, s13, $0xb8;
	[tilespmem:$0x19800] =	vst v63  }
0x17: {  	s28 =	simm.s32 $0x19400;
	s22 =	simm.s32 $0x0  }
0x18: {  	[tilespmem:s28], [sflag:$0x3] =	stream.indirect.gather [hbm4b:s4+s13], $0x1, s5, s13, $0xb8;
	[tilespmem:$0x19800] =	vst v63  }
.LBB2_2:
0x19: {  	_ =	swait.ge [sflag:s16], $0xC800  }
0x1a: {  	[sflag:s16] =	ssyncset.done $0x0  }
0x1b: {  	[sflag:s16] =	ssyncadd.s32 $0xFFFF3800  }
0x1c: {  	_ =	swait.ge [sflag:s17], $0x190  }
0x1d: {  	s23 =	simm.s32 $0x0;
	[sflag:s17] =	ssyncset.done $0x0  }
0x1e: {  	s24 =	simm.s32 $0x0;
	s23 =	sand.u32 $0x3FFFFFF0, s23;
	[sflag:s17] =	ssyncadd.s32 $0xFFFFFE70  }
0x1f: {  	v0 =	vld [tilespmem:s23+$0x19400];
	s23 =	sand.u32 $0x3FFFF800, s24  }
0x20: {  	v6 =	vld [tilespmem:s23+$0x4C0]  }
0x21: {  	v2 =	vld [tilespmem:s23+$0x420]  }
0x22: {  	v3 =	vld [tilespmem:s23+$0x430]  }
0x23: {  	v9 =	vld [tilespmem:s23+$0x460]  }
0x24: {  	v10 =	vld [tilespmem:s23+$0x470];
	v1 =	vbroadcast v0, $0x0  }
0x25: {  	v11 =	vld [tilespmem:s23+$0x480]  }
0x26: {  	v12 =	vld [tilespmem:s23+$0x490];
	v2 =	vadd.f32 v2, v1  }
0x27: {  	v13 =	vld [tilespmem:s23+$0x4A0];
	v3 =	vadd.f32 v3, v1  }
0x28: {  	v8 =	vld [tilespmem:s23+$0x4B0];
	v28 =	vbroadcast v0, $0x1;
	v27 =	vadd.f32 v9, v1;
	[tilespmem:s23+$0x420] =	vst v2  }
0x29: {  	v7 =	vld [tilespmem:s23+$0x4D0];
	v10 =	vadd.f32 v10, v1;
	[tilespmem:s23+$0x430] =	vst v3  }
0x2a: {  	v5 =	vld [tilespmem:s23+$0x970];
	v11 =	vadd.f32 v11, v28;
	[tilespmem:s23+$0x460] =	vst v27  }
0x2b: {  	v30 =	vld [tilespmem:s23+$0x4F0];
	v12 =	vadd.f32 v12, v28;
	[tilespmem:s23+$0x470] =	vst v10  }
0x2c: {  	v31 =	vld [tilespmem:s23+$0x500];
	v13 =	vadd.f32 v13, v28;
	[tilespmem:s23+$0x480] =	vst v11  }
0x2d: {  	v32 =	vld [tilespmem:s23+$0x510];
	v8 =	vadd.f32 v8, v28;
	[tilespmem:s23+$0x490] =	vst v12  }
0x2e: {  	v29 =	vld [tilespmem:s23+$0x4E0];
	v6 =	vadd.f32 v6, v28;
	[tilespmem:s23+$0x4A0] =	vst v13  }
0x2f: {  	v33 =	vld [tilespmem:s23+$0x520];
	v14 =	vbroadcast v0, $0x2;
	v7 =	vadd.f32 v7, v28;
	[tilespmem:s23+$0x4B0] =	vst v8  }
0x30: {  	v34 =	vld [tilespmem:s23+$0x530];
	v9 =	vadd.f32 v30, v28;
	[tilespmem:s23+$0x4C0] =	vst v6  }
0x31: {  	v35 =	vld [tilespmem:s23+$0x540];
	v4 =	vbroadcast v0, $0xA;
	v37 =	vadd.f32 v31, v14;
	[tilespmem:s23+$0x4D0] =	vst v7  }
0x32: {  	v36 =	vld [tilespmem:s23+$0x550];
	v39 =	vadd.f32 v32, v14;
	[tilespmem:s23+$0x4F0] =	vst v9  }
0x33: {  	v38 =	vld [tilespmem:s23+$0x560];
	v2 =	vadd.f32 v5, v4;
	[tilespmem:s23+$0x500] =	vst v37  }
0x34: {  	v40 =	vld [tilespmem:s23+$0x570];
	v10 =	vadd.f32 v29, v28;
	[tilespmem:s23+$0x510] =	vst v39  }
0x35: {  	v41 =	vld [tilespmem:s23+$0x580];
	v8 =	vadd.f32 v33, v14;
	[tilespmem:s23+$0x970] =	vst v2  }
0x36: {  	v42 =	vld [tilespmem:s23+$0x590];
	v6 =	vadd.f32 v34, v14;
	[tilespmem:s23+$0x4E0] =	vst v10  }
0x37: {  	v43 =	vld [tilespmem:s23+$0x5A0];
	v7 =	vadd.f32 v35, v14;
	[tilespmem:s23+$0x520] =	vst v8  }
0x38: {  	v44 =	vld [tilespmem:s23+$0x5B0];
	v46 =	vbroadcast v0, $0x3;
	v9 =	vadd.f32 v38, v14;
	[tilespmem:s23+$0x530] =	vst v6  }
0x39: {  	v45 =	vld [tilespmem:s23+$0x5C0];
	v11 =	vadd.f32 v40, v14;
	[tilespmem:s23+$0x540] =	vst v7  }
0x3a: {  	v47 =	vld [tilespmem:s23+$0x5D0];
	v12 =	vadd.f32 v41, v46;
	[tilespmem:s23+$0x560] =	vst v9  }
0x3b: {  	v48 =	vld [tilespmem:s23+$0x5E0];
	v10 =	vadd.f32 v36, v14;
	[tilespmem:s23+$0x570] =	vst v11  }
0x3c: {  	v49 =	vld [tilespmem:s23+$0x5F0];
	v8 =	vadd.f32 v42, v46;
	[tilespmem:s23+$0x580] =	vst v12  }
0x3d: {  	v50 =	vld [tilespmem:s23+$0x600];
	v6 =	vadd.f32 v43, v46;
	[tilespmem:s23+$0x550] =	vst v10  }
0x3e: {  	v51 =	vld [tilespmem:s23+$0x610];
	v7 =	vadd.f32 v44, v46;
	[tilespmem:s23+$0x590] =	vst v8  }
0x3f: {  	v52 =	vld [tilespmem:s23+$0x620];
	v9 =	vadd.f32 v47, v46;
	[tilespmem:s23+$0x5A0] =	vst v6  }
0x40: {  	v53 =	vld [tilespmem:s23+$0x630];
	v11 =	vadd.f32 v48, v46;
	[tilespmem:s23+$0x5B0] =	vst v7  }
0x41: {  	v54 =	vld [tilespmem:s23+$0x640];
	v55 =	vbroadcast v0, $0x4;
	v12 =	vadd.f32 v49, v46;
	[tilespmem:s23+$0x5D0] =	vst v9  }
0x42: {  	v56 =	vld [tilespmem:s23+$0x650];
	v10 =	vadd.f32 v45, v46;
	[tilespmem:s23+$0x5E0] =	vst v11  }
0x43: {  	v57 =	vld [tilespmem:s23+$0x660];
	v8 =	vadd.f32 v50, v55;
	[tilespmem:s23+$0x5F0] =	vst v12  }
0x44: {  	v58 =	vld [tilespmem:s23+$0x670];
	v6 =	vadd.f32 v51, v55;
	[tilespmem:s23+$0x5C0] =	vst v10  }
0x45: {  	v59 =	vld [tilespmem:s23+$0x680];
	v7 =	vadd.f32 v52, v55;
	[tilespmem:s23+$0x600] =	vst v8  }
0x46: {  	v60 =	vld [tilespmem:s23+$0x690];
	v9 =	vadd.f32 v54, v55;
	[tilespmem:s23+$0x610] =	vst v6  }
0x47: {  	v61 =	vld [tilespmem:s23+$0x6A0];
	v11 =	vadd.f32 v56, v55;
	[tilespmem:s23+$0x620] =	vst v7  }
0x48: {  	v62 =	vld [tilespmem:s23+$0x6B0];
	v12 =	vadd.f32 v57, v55;
	[tilespmem:s23+$0x640] =	vst v9  }
0x49: {  	v63 =	vld [tilespmem:s23+$0x6C0];
	v16 =	vbroadcast v0, $0x5;
	v10 =	vadd.f32 v53, v55;
	[tilespmem:s23+$0x650] =	vst v11  }
0x4a: {  	v17 =	vld [tilespmem:s23+$0x6D0];
	v8 =	vadd.f32 v58, v55;
	[tilespmem:s23+$0x660] =	vst v12  }
0x4b: {  	v18 =	vld [tilespmem:s23+$0x6E0];
	v6 =	vadd.f32 v59, v16;
	[tilespmem:s23+$0x630] =	vst v10  }
0x4c: {  	v19 =	vld [tilespmem:s23+$0x6F0];
	v7 =	vadd.f32 v60, v16;
	[tilespmem:s23+$0x670] =	vst v8  }
0x4d: {  	v20 =	vld [tilespmem:s23+$0x700];
	v9 =	vadd.f32 v62, v16;
	[tilespmem:s23+$0x680] =	vst v6  }
0x4e: {  	v21 =	vld [tilespmem:s23+$0x710];
	v11 =	vadd.f32 v63, v16;
	[tilespmem:s23+$0x690] =	vst v7  }
0x4f: {  	v22 =	vld [tilespmem:s23+$0x720];
	v12 =	vadd.f32 v17, v16;
	[tilespmem:s23+$0x6B0] =	vst v9  }
0x50: {  	v23 =	vld [tilespmem:s23+$0x730];
	v10 =	vadd.f32 v61, v16;
	[tilespmem:s23+$0x6C0] =	vst v11  }
0x51: {  	v24 =	vld [tilespmem:s23+$0x740];
	v25 =	vbroadcast v0, $0x6;
	v8 =	vadd.f32 v18, v16;
	[tilespmem:s23+$0x6D0] =	vst v12  }
0x52: {  	v56 =	vld [tilespmem:s23+$0x900];
	v6 =	vadd.f32 v19, v16;
	[tilespmem:s23+$0x6A0] =	vst v10  }
0x53: {  	v26 =	vld [tilespmem:s23+$0x750];
	v7 =	vadd.f32 v20, v25;
	[tilespmem:s23+$0x6E0] =	vst v8  }
0x54: {  	v30 =	vld [tilespmem:s23+$0x790];
	v9 =	vadd.f32 v22, v25;
	[tilespmem:s23+$0x6F0] =	vst v6  }
0x55: {  	v27 =	vld [tilespmem:s23+$0x760];
	v11 =	vadd.f32 v23, v25;
	[tilespmem:s23+$0x700] =	vst v7  }
0x56: {  	v28 =	vld [tilespmem:s23+$0x770];
	v12 =	vadd.f32 v24, v25;
	[tilespmem:s23+$0x720] =	vst v9  }
0x57: {  	v31 =	vld [tilespmem:s23+$0x7A0];
	v62 =	vadd.f32 v56, v4;
	[tilespmem:s23+$0x730] =	vst v11  }
0x58: {  	v32 =	vld [tilespmem:s23+$0x7B0];
	v10 =	vadd.f32 v21, v25;
	[tilespmem:s23+$0x740] =	vst v12  }
0x59: {  	v3 =	vld [tilespmem:s23+$0x980];
	v8 =	vadd.f32 v26, v25;
	[tilespmem:s23+$0x900] =	vst v62  }
0x5a: {  	v5 =	vld [tilespmem:s23+$0x990];
	v34 =	vbroadcast v0, $0x7;
	v6 =	vadd.f32 v27, v25;
	[tilespmem:s23+$0x710] =	vst v10  }
0x5b: {  	v29 =	vld [tilespmem:s23+$0x780];
	v7 =	vadd.f32 v28, v25;
	[tilespmem:s23+$0x750] =	vst v8  }
0x5c: {  	v60 =	vld [tilespmem:s23+$0x940];
	v9 =	vadd.f32 v30, v34;
	[tilespmem:s23+$0x760] =	vst v6  }
0x5d: {  	v33 =	vld [tilespmem:s23+$0x7C0];
	v24 =	vbroadcast v0, $0xB;
	v11 =	vadd.f32 v31, v34;
	[tilespmem:s23+$0x770] =	vst v7  }
0x5e: {  	v35 =	vld [tilespmem:s23+$0x7D0];
	v12 =	vadd.f32 v32, v34;
	[tilespmem:s23+$0x790] =	vst v9  }
0x5f: {  	v38 =	vld [tilespmem:s23+$0x800];
	v3 =	vadd.f32 v3, v24;
	[tilespmem:s23+$0x7A0] =	vst v11  }
0x60: {  	v36 =	vld [tilespmem:s23+$0x7E0];
	v5 =	vadd.f32 v5, v24;
	[tilespmem:s23+$0x7B0] =	vst v12  }
0x61: {  	v2 =	vld [tilespmem:s23+$0xBD0];
	v19 =	vadd.f32 v60, v4;
	[tilespmem:s23+$0x980] =	vst v3  }
0x62: {  	v39 =	vld [tilespmem:s23+$0x810];
	v10 =	vadd.f32 v29, v34;
	[tilespmem:s23+$0x990] =	vst v5  }
0x63: {  	v40 =	vld [tilespmem:s23+$0x820];
	v8 =	vadd.f32 v33, v34;
	[tilespmem:s23+$0x940] =	vst v19  }
0x64: {  	v43 =	vbroadcast v0, $0x8;
	v61 =	vld [tilespmem:s23+$0x950];
	v6 =	vadd.f32 v35, v34;
	[tilespmem:s23+$0x780] =	vst v10  }
0x65: {  	v16 =	vld [tilespmem:s23+$0x400];
	v7 =	vadd.f32 v36, v34;
	[tilespmem:s23+$0x7C0] =	vst v8  }
0x66: {  	v37 =	vld [tilespmem:s23+$0x7F0];
	v9 =	vadd.f32 v38, v43;
	[tilespmem:s23+$0x7D0] =	vst v6  }
0x67: {  	v41 =	vld [tilespmem:s23+$0x830];
	v11 =	vadd.f32 v39, v43;
	[tilespmem:s23+$0x7E0] =	vst v7  }
0x68: {  	v42 =	vld [tilespmem:s23+$0x840];
	v12 =	vadd.f32 v40, v43;
	[tilespmem:s23+$0x800] =	vst v9  }
0x69: {  	v44 =	vld [tilespmem:s23+$0x850];
	v21 =	vadd.f32 v61, v4;
	[tilespmem:s23+$0x810] =	vst v11  }
0x6a: {  	v46 =	vld [tilespmem:s23+$0x870];
	v25 =	vadd.f32 v1, v16;
	[tilespmem:s23+$0x820] =	vst v12  }
0x6b: {  	v47 =	vld [tilespmem:s23+$0x880];
	v10 =	vadd.f32 v37, v34;
	[tilespmem:s23+$0x950] =	vst v21  }
0x6c: {  	v48 =	vld [tilespmem:s23+$0x890];
	v8 =	vadd.f32 v41, v43;
	[tilespmem:s23+$0x400] =	vst v25  }
0x6d: {  	v6 =	vadd.f32 v42, v43;
	[tilespmem:s23+$0x7F0] =	vst v10  }
0x6e: {  	v52 =	vbroadcast v0, $0x9;
	v27 =	vld [tilespmem:s23+$0x9D0];
	v7 =	vadd.f32 v44, v43;
	[tilespmem:s23+$0x830] =	vst v8  }
0x6f: {  	v30 =	vld [tilespmem:s23+$0xA00];
	v9 =	vadd.f32 v46, v43;
	[tilespmem:s23+$0x840] =	vst v6  }
0x70: {  	v28 =	vld [tilespmem:s23+$0x9E0];
	v3 =	vbroadcast v0, $0xF;
	v11 =	vadd.f32 v47, v52;
	[tilespmem:s23+$0x850] =	vst v7  }
0x71: {  	v45 =	vld [tilespmem:s23+$0x860];
	v12 =	vadd.f32 v48, v52;
	[tilespmem:s23+$0x870] =	vst v9  }
0x72: {  	v49 =	vld [tilespmem:s23+$0x8A0];
	v35 =	vbroadcast v0, $0xC;
	v2 =	vadd.f32 v2, v3;
	[tilespmem:s23+$0x880] =	vst v11  }
0x73: {  	v50 =	vld [tilespmem:s23+$0x8B0];
	v32 =	vadd.f32 v27, v24;
	[tilespmem:s23+$0x890] =	vst v12  }
0x74: {  	v51 =	vld [tilespmem:s23+$0x8C0];
	v14 =	vadd.f32 v30, v35;
	[tilespmem:s23+$0xBD0] =	vst v2  }
0x75: {  	v54 =	vld [tilespmem:s23+$0x8E0];
	v40 =	vadd.f32 v28, v24;
	[tilespmem:s23+$0x9D0] =	vst v32  }
0x76: {  	v55 =	vld [tilespmem:s23+$0x8F0];
	v10 =	vadd.f32 v45, v43;
	[tilespmem:s23+$0xA00] =	vst v14  }
0x77: {  	v18 =	vld [tilespmem:s23+$0x440];
	v8 =	vadd.f32 v49, v52;
	[tilespmem:s23+$0x9E0] =	vst v40  }
0x78: {  	v38 =	vld [tilespmem:s23+$0xA70];
	v6 =	vadd.f32 v50, v52;
	[tilespmem:s23+$0x860] =	vst v10  }
0x79: {  	v29 =	vld [tilespmem:s23+$0x9F0];
	v7 =	vadd.f32 v51, v52;
	[tilespmem:s23+$0x8A0] =	vst v8  }
0x7a: {  	v33 =	vld [tilespmem:s23+$0xA30];
	v9 =	vadd.f32 v54, v52;
	[tilespmem:s23+$0x8B0] =	vst v6  }
0x7b: {  	v53 =	vld [tilespmem:s23+$0x8D0];
	v11 =	vadd.f32 v55, v52;
	[tilespmem:s23+$0x8C0] =	vst v7  }
0x7c: {  	v57 =	vld [tilespmem:s23+$0x910];
	v2 =	vadd.f32 v18, v1;
	[tilespmem:s23+$0x8E0] =	vst v9  }
0x7d: {  	v58 =	vld [tilespmem:s23+$0x920];
	v14 =	vadd.f32 v38, v35;
	[tilespmem:s23+$0x8F0] =	vst v11  }
0x7e: {  	v59 =	vld [tilespmem:s23+$0x930];
	v5 =	vadd.f32 v29, v24;
	[tilespmem:s23+$0x440] =	vst v2  }
0x7f: {  	v63 =	vld [tilespmem:s23+$0x960];
	v62 =	vadd.f32 v33, v35;
	[tilespmem:s23+$0xA70] =	vst v14  }
0x80: {  	v17 =	vld [tilespmem:s23+$0x410];
	v10 =	vadd.f32 v53, v52;
	[tilespmem:s23+$0x9F0] =	vst v5  }
0x81: {  	v20 =	vld [tilespmem:s23+$0x450];
	v8 =	vadd.f32 v57, v4;
	[tilespmem:s23+$0xA30] =	vst v62  }
0x82: {  	v61 =	vld [tilespmem:s23+$0xBF0];
	v6 =	vadd.f32 v58, v4;
	[tilespmem:s23+$0x8D0] =	vst v10  }
0x83: {  	v46 =	vld [tilespmem:s23+$0xAE0];
	v7 =	vadd.f32 v59, v4;
	[tilespmem:s23+$0x910] =	vst v8  }
0x84: {  	v22 =	vld [tilespmem:s23+$0x9A0];
	v4 =	vadd.f32 v63, v4;
	[tilespmem:s23+$0x920] =	vst v6  }
0x85: {  	v23 =	vld [tilespmem:s23+$0x9B0];
	v11 =	vadd.f32 v17, v1;
	[tilespmem:s23+$0x930] =	vst v7  }
0x86: {  	v26 =	vld [tilespmem:s23+$0x9C0];
	v44 =	vbroadcast v0, $0xD;
	v1 =	vadd.f32 v20, v1;
	[tilespmem:s23+$0x960] =	vst v4  }
0x87: {  	v31 =	vld [tilespmem:s23+$0xA10];
	v63 =	vadd.f32 v61, v3;
	[tilespmem:s23+$0x410] =	vst v11  }
0x88: {  	v34 =	vld [tilespmem:s23+$0xA40];
	v51 =	vadd.f32 v46, v44;
	[tilespmem:s23+$0x450] =	vst v1  }
0x89: {  	v41 =	vld [tilespmem:s23+$0xAA0];
	v6 =	vadd.f32 v22, v24;
	[tilespmem:s23+$0xBF0] =	vst v63  }
0x8a: {  	v7 =	vadd.f32 v23, v24;
	v1 =	vld [tilespmem:s23+$0xA90];
	[tilespmem:s23+$0xAE0] =	vst v51  }
0x8b: {  	v49 =	vld [tilespmem:s23+$0xB20];
	v4 =	vadd.f32 v26, v24;
	[tilespmem:s23+$0x9A0] =	vst v6  }
0x8c: {  	v50 =	vld [tilespmem:s23+$0xB30];
	v8 =	vadd.f32 v31, v35;
	[tilespmem:s23+$0x9B0] =	vst v7  }
0x8d: {  	v36 =	vld [tilespmem:s23+$0xA50];
	v11 =	vadd.f32 v34, v35;
	[tilespmem:s23+$0x9C0] =	vst v4  }
0x8e: {  	v37 =	vld [tilespmem:s23+$0xA60];
	v0 =	vbroadcast v0, $0xE;
	v10 =	vadd.f32 v41, v44;
	[tilespmem:s23+$0xA10] =	vst v8  }
0x8f: {  	v39 =	vld [tilespmem:s23+$0xA80];
	[tilespmem:s23+$0xA40] =	vst v11;
	v1 =	vadd.f32 v1, v44  }
0x90: {  	v42 =	vld [tilespmem:s23+$0xAB0];
	v9 =	vadd.f32 v49, v0;
	[tilespmem:s23+$0xAA0] =	vst v10  }
0x91: {  	v5 =	vadd.f32 v50, v0;
	[tilespmem:s23+$0xA90] =	vst v1;
	v1 =	vld [tilespmem:s23+$0xB00]  }
0x92: {  	v48 =	vld [tilespmem:s23+$0xB10];
	v7 =	vadd.f32 v36, v35;
	[tilespmem:s23+$0xB20] =	vst v9  }
0x93: {  	v57 =	vld [tilespmem:s23+$0xBA0];
	v4 =	vadd.f32 v37, v35;
	[tilespmem:s23+$0xB30] =	vst v5  }
0x94: {  	v45 =	vld [tilespmem:s23+$0xAD0];
	v8 =	vadd.f32 v39, v44;
	[tilespmem:s23+$0xA50] =	vst v7  }
0x95: {  	v47 =	vld [tilespmem:s23+$0xAF0];
	v11 =	vadd.f32 v42, v44;
	[tilespmem:s23+$0xA60] =	vst v4  }
0x96: {  	v43 =	vld [tilespmem:s23+$0xAC0];
	[tilespmem:s23+$0xA80] =	vst v8;
	v1 =	vadd.f32 v1, v0  }
0x97: {  	v55 =	vld [tilespmem:s23+$0xB80];
	v10 =	vadd.f32 v48, v0;
	[tilespmem:s23+$0xAB0] =	vst v11  }
0x98: {  	v5 =	vadd.f32 v57, v3;
	[tilespmem:s23+$0xB00] =	vst v1;
	v1 =	vld [tilespmem:s23+$0xB70]  }
0x99: {  	v52 =	vld [tilespmem:s23+$0xB40];
	v4 =	vadd.f32 v45, v44;
	[tilespmem:s23+$0xB10] =	vst v10  }
0x9a: {  	v56 =	vld [tilespmem:s23+$0xB90];
	v8 =	vadd.f32 v47, v44;
	[tilespmem:s23+$0xBA0] =	vst v5  }
0x9b: {  	v54 =	vld [tilespmem:s23+$0xB60];
	v7 =	vadd.f32 v43, v44;
	[tilespmem:s23+$0xAD0] =	vst v4  }
0x9c: {  	v58 =	vld [tilespmem:s23+$0xBB0];
	v10 =	vadd.f32 v55, v3;
	[tilespmem:s23+$0xAF0] =	vst v8  }
0x9d: {  	v53 =	vld [tilespmem:s23+$0xB50];
	[tilespmem:s23+$0xAC0] =	vst v7;
	v1 =	vadd.f32 v1, v0  }
0x9e: {  	v59 =	vld [tilespmem:s23+$0xBC0];
	v4 =	vadd.f32 v52, v0;
	[tilespmem:s23+$0xB80] =	vst v10  }
0x9f: {  	v60 =	vld [tilespmem:s23+$0xBE0];
	[tilespmem:s23+$0xB70] =	vst v1;
	v1 =	vadd.f32 v56, v3  }
0xa0: {  	v8 =	vadd.f32 v54, v0;
	[tilespmem:s23+$0xB40] =	vst v4  }
0xa1: {  	v2 =	vld [tilespmem:s23+$0xA20];
	[tilespmem:s23+$0xB90] =	vst v1;
	v1 =	vadd.f32 v58, v3  }
0xa2: {  	[tilespmem:s23+$0xB60] =	vst v8;
	v0 =	vadd.f32 v53, v0  }
0xa3: {  	[tilespmem:s23+$0xBB0] =	vst v1;
	v1 =	vadd.f32 v59, v3  }
0xa4: {  	[tilespmem:s23+$0xB50] =	vst v0;
	v3 =	vadd.f32 v60, v3  }
0xa5: {  	[tilespmem:s23+$0xBC0] =	vst v1  }
0xa6: {  	s24 =	simm.s32 $0x1;
	v1 =	vadd.f32 v2, v35;
	[tilespmem:s23+$0xBE0] =	vst v3  }
.LBB2_3:
0xa7: {  	s25 =	sshll.u32 s24, $0x4  }
0xa8: {  	p0 =	sne.s32 s24, $0x18;
	[tilespmem:s23+$0xA20] =	vst v1;
	s23 =	smov.u32 s24;
	s24 =	sadd.s32 $0x1, s24  }
0xa9: {  	s25 =	sand.u32 $0x3FFFFFF0, s25  }
0xaa: {  	s23 =	sshll.u32 s23, $0xB;
	v0 =	vld [tilespmem:s25+$0x19400]  }
0xab: {  	s23 =	sand.u32 $0x3FFFF800, s23  }
0xac: {  	v7 =	vld [tilespmem:s23+$0x4C0]  }
0xad: {  	v8 =	vld [tilespmem:s23+$0x4D0]  }
0xae: {  	v9 =	vld [tilespmem:s23+$0x4B0]  }
0xaf: {  	v1 =	vbroadcast v0, $0x0;
	v2 =	vld [tilespmem:s23+$0x420];
	v6 =	vbroadcast v0, $0x4  }
0xb0: {  	v4 =	vld [tilespmem:s23+$0x430]  }
0xb1: {  	v5 =	vld [tilespmem:s23+$0x970]  }
0xb2: {  	v10 =	vld [tilespmem:s23+$0x460]  }
0xb3: {  	v11 =	vld [tilespmem:s23+$0x470]  }
0xb4: {  	v3 =	vbroadcast v0, $0xA;
	v2 =	vadd.f32 v2, v1;
	v12 =	vld [tilespmem:s23+$0x480]  }
0xb5: {  	v4 =	vadd.f32 v4, v1;
	v13 =	vld [tilespmem:s23+$0x490]  }
0xb6: {  	[tilespmem:s23+$0x420] =	vst v2;
	v14 =	vld [tilespmem:s23+$0x4A0];
	v2 =	vadd.f32 v5, v3  }
0xb7: {  	[tilespmem:s23+$0x430] =	vst v4;
	v5 =	vadd.f32 v10, v1;
	v10 =	vbroadcast v0, $0x1;
	v4 =	vld [tilespmem:s23+$0x980]  }
0xb8: {  	v11 =	vadd.f32 v11, v1;
	[tilespmem:s23+$0x970] =	vst v2;
	v2 =	vld [tilespmem:s23+$0xBD0]  }
0xb9: {  	[tilespmem:s23+$0x460] =	vst v5;
	v12 =	vadd.f32 v12, v10;
	v5 =	vld [tilespmem:s23+$0x990]  }
0xba: {  	[tilespmem:s23+$0x470] =	vst v11;
	v11 =	vadd.f32 v13, v10;
	v13 =	vld [tilespmem:s23+$0x4E0]  }
0xbb: {  	[tilespmem:s23+$0x480] =	vst v12;
	v12 =	vadd.f32 v14, v10;
	v14 =	vld [tilespmem:s23+$0x4F0]  }
0xbc: {  	v9 =	vadd.f32 v9, v10;
	[tilespmem:s23+$0x490] =	vst v11;
	v11 =	vld [tilespmem:s23+$0x500]  }
0xbd: {  	v7 =	vadd.f32 v7, v10;
	[tilespmem:s23+$0x4A0] =	vst v12;
	v12 =	vld [tilespmem:s23+$0x510]  }
0xbe: {  	v8 =	vadd.f32 v8, v10;
	[tilespmem:s23+$0x4B0] =	vst v9;
	v9 =	vld [tilespmem:s23+$0x520]  }
0xbf: {  	[tilespmem:s23+$0x4C0] =	vst v7;
	v7 =	vadd.f32 v13, v10;
	v13 =	vbroadcast v0, $0x2;
	v15 =	vld [tilespmem:s23+$0x530]  }
0xc0: {  	[tilespmem:s23+$0x4D0] =	vst v8;
	v8 =	vadd.f32 v14, v10;
	v10 =	vld [tilespmem:s23+$0x540]  }
0xc1: {  	[tilespmem:s23+$0x4E0] =	vst v7;
	v7 =	vadd.f32 v11, v13;
	v11 =	vld [tilespmem:s23+$0x550]  }
0xc2: {  	[tilespmem:s23+$0x4F0] =	vst v8;
	v8 =	vadd.f32 v12, v13;
	v12 =	vld [tilespmem:s23+$0x560]  }
0xc3: {  	[tilespmem:s23+$0x500] =	vst v7;
	v7 =	vadd.f32 v9, v13;
	v9 =	vld [tilespmem:s23+$0x570]  }
0xc4: {  	[tilespmem:s23+$0x510] =	vst v8;
	v8 =	vadd.f32 v15, v13;
	v14 =	vld [tilespmem:s23+$0x580]  }
0xc5: {  	[tilespmem:s23+$0x520] =	vst v7;
	v7 =	vadd.f32 v10, v13;
	v10 =	vld [tilespmem:s23+$0x590]  }
0xc6: {  	[tilespmem:s23+$0x530] =	vst v8;
	v8 =	vadd.f32 v11, v13;
	v11 =	vld [tilespmem:s23+$0x5A0]  }
0xc7: {  	[tilespmem:s23+$0x540] =	vst v7;
	v7 =	vadd.f32 v12, v13;
	v12 =	vbroadcast v0, $0x3;
	v15 =	vld [tilespmem:s23+$0x5B0]  }
0xc8: {  	[tilespmem:s23+$0x550] =	vst v8;
	v8 =	vadd.f32 v9, v13;
	v9 =	vld [tilespmem:s23+$0x5C0]  }
0xc9: {  	[tilespmem:s23+$0x560] =	vst v7;
	v7 =	vadd.f32 v14, v12;
	v13 =	vld [tilespmem:s23+$0x5D0]  }
0xca: {  	[tilespmem:s23+$0x570] =	vst v8;
	v8 =	vadd.f32 v10, v12;
	v10 =	vld [tilespmem:s23+$0x5E0]  }
0xcb: {  	[tilespmem:s23+$0x580] =	vst v7;
	v7 =	vadd.f32 v11, v12;
	v11 =	vld [tilespmem:s23+$0x5F0]  }
0xcc: {  	[tilespmem:s23+$0x590] =	vst v8;
	v8 =	vadd.f32 v15, v12;
	v14 =	vld [tilespmem:s23+$0x600]  }
0xcd: {  	[tilespmem:s23+$0x5A0] =	vst v7;
	v7 =	vadd.f32 v9, v12;
	v9 =	vld [tilespmem:s23+$0x610]  }
0xce: {  	[tilespmem:s23+$0x5B0] =	vst v8;
	v8 =	vadd.f32 v13, v12;
	v13 =	vld [tilespmem:s23+$0x620]  }
0xcf: {  	[tilespmem:s23+$0x5C0] =	vst v7;
	v7 =	vadd.f32 v10, v12;
	v10 =	vld [tilespmem:s23+$0x630]  }
0xd0: {  	[tilespmem:s23+$0x5D0] =	vst v8;
	v8 =	vadd.f32 v11, v12;
	v11 =	vld [tilespmem:s23+$0x640]  }
0xd1: {  	[tilespmem:s23+$0x5E0] =	vst v7;
	v7 =	vadd.f32 v14, v6;
	v12 =	vld [tilespmem:s23+$0x650]  }
0xd2: {  	[tilespmem:s23+$0x5F0] =	vst v8;
	v8 =	vadd.f32 v9, v6;
	v9 =	vld [tilespmem:s23+$0x660]  }
0xd3: {  	[tilespmem:s23+$0x600] =	vst v7;
	v7 =	vadd.f32 v13, v6;
	v13 =	vld [tilespmem:s23+$0x670]  }
0xd4: {  	[tilespmem:s23+$0x610] =	vst v8;
	v8 =	vadd.f32 v10, v6;
	v10 =	vld [tilespmem:s23+$0x680]  }
0xd5: {  	[tilespmem:s23+$0x620] =	vst v7;
	v7 =	vadd.f32 v11, v6;
	v11 =	vld [tilespmem:s23+$0x690]  }
0xd6: {  	[tilespmem:s23+$0x630] =	vst v8;
	v8 =	vadd.f32 v12, v6;
	v12 =	vld [tilespmem:s23+$0x6A0]  }
0xd7: {  	[tilespmem:s23+$0x640] =	vst v7;
	v7 =	vadd.f32 v9, v6;
	v9 =	vbroadcast v0, $0x5;
	v14 =	vld [tilespmem:s23+$0x6B0]  }
0xd8: {  	[tilespmem:s23+$0x650] =	vst v8;
	v6 =	vadd.f32 v13, v6;
	v8 =	vld [tilespmem:s23+$0x6C0]  }
0xd9: {  	[tilespmem:s23+$0x660] =	vst v7;
	v7 =	vadd.f32 v10, v9;
	v10 =	vld [tilespmem:s23+$0x6D0]  }
0xda: {  	[tilespmem:s23+$0x670] =	vst v6;
	v6 =	vadd.f32 v11, v9;
	v11 =	vld [tilespmem:s23+$0x6E0]  }
0xdb: {  	[tilespmem:s23+$0x680] =	vst v7;
	v7 =	vadd.f32 v12, v9;
	v12 =	vld [tilespmem:s23+$0x6F0]  }
0xdc: {  	[tilespmem:s23+$0x690] =	vst v6;
	v6 =	vadd.f32 v14, v9;
	v13 =	vld [tilespmem:s23+$0x700]  }
0xdd: {  	[tilespmem:s23+$0x6A0] =	vst v7;
	v7 =	vadd.f32 v8, v9;
	v8 =	vld [tilespmem:s23+$0x710]  }
0xde: {  	[tilespmem:s23+$0x6B0] =	vst v6;
	v6 =	vadd.f32 v10, v9;
	v10 =	vld [tilespmem:s23+$0x720]  }
0xdf: {  	[tilespmem:s23+$0x6C0] =	vst v7;
	v7 =	vadd.f32 v11, v9;
	v11 =	vbroadcast v0, $0x6;
	v14 =	vld [tilespmem:s23+$0x730]  }
0xe0: {  	[tilespmem:s23+$0x6D0] =	vst v6;
	v6 =	vadd.f32 v12, v9;
	v9 =	vld [tilespmem:s23+$0x740]  }
0xe1: {  	[tilespmem:s23+$0x6E0] =	vst v7;
	v7 =	vadd.f32 v13, v11;
	v12 =	vld [tilespmem:s23+$0x750]  }
0xe2: {  	[tilespmem:s23+$0x6F0] =	vst v6;
	v6 =	vadd.f32 v8, v11;
	v8 =	vld [tilespmem:s23+$0x760]  }
0xe3: {  	[tilespmem:s23+$0x700] =	vst v7;
	v7 =	vadd.f32 v10, v11;
	v10 =	vld [tilespmem:s23+$0x770]  }
0xe4: {  	[tilespmem:s23+$0x710] =	vst v6;
	v6 =	vadd.f32 v14, v11;
	v13 =	vld [tilespmem:s23+$0x780]  }
0xe5: {  	[tilespmem:s23+$0x720] =	vst v7;
	v7 =	vadd.f32 v9, v11;
	v9 =	vld [tilespmem:s23+$0x790]  }
0xe6: {  	[tilespmem:s23+$0x730] =	vst v6;
	v6 =	vadd.f32 v12, v11;
	v12 =	vld [tilespmem:s23+$0x7A0]  }
0xe7: {  	[tilespmem:s23+$0x740] =	vst v7;
	v7 =	vadd.f32 v8, v11;
	v8 =	vbroadcast v0, $0x7;
	v14 =	vld [tilespmem:s23+$0x7B0]  }
0xe8: {  	[tilespmem:s23+$0x750] =	vst v6;
	v6 =	vadd.f32 v10, v11;
	v10 =	vld [tilespmem:s23+$0x7C0]  }
0xe9: {  	[tilespmem:s23+$0x760] =	vst v7;
	v7 =	vadd.f32 v13, v8;
	v11 =	vld [tilespmem:s23+$0x7D0]  }
0xea: {  	[tilespmem:s23+$0x770] =	vst v6;
	v6 =	vadd.f32 v9, v8;
	v9 =	vld [tilespmem:s23+$0x7E0]  }
0xeb: {  	[tilespmem:s23+$0x780] =	vst v7;
	v7 =	vadd.f32 v12, v8;
	v12 =	vld [tilespmem:s23+$0x7F0]  }
0xec: {  	[tilespmem:s23+$0x790] =	vst v6;
	v6 =	vadd.f32 v14, v8;
	v13 =	vld [tilespmem:s23+$0x800]  }
0xed: {  	[tilespmem:s23+$0x7A0] =	vst v7;
	v7 =	vadd.f32 v10, v8;
	v10 =	vld [tilespmem:s23+$0x810]  }
0xee: {  	[tilespmem:s23+$0x7B0] =	vst v6;
	v6 =	vadd.f32 v11, v8;
	v11 =	vld [tilespmem:s23+$0x820]  }
0xef: {  	[tilespmem:s23+$0x7C0] =	vst v7;
	v7 =	vadd.f32 v9, v8;
	v9 =	vbroadcast v0, $0x8;
	v14 =	vld [tilespmem:s23+$0x830]  }
0xf0: {  	[tilespmem:s23+$0x7D0] =	vst v6;
	v6 =	vadd.f32 v12, v8;
	v8 =	vld [tilespmem:s23+$0x840]  }
0xf1: {  	[tilespmem:s23+$0x7E0] =	vst v7;
	v7 =	vadd.f32 v13, v9;
	v12 =	vld [tilespmem:s23+$0x850]  }
0xf2: {  	[tilespmem:s23+$0x7F0] =	vst v6;
	v6 =	vadd.f32 v10, v9;
	v10 =	vld [tilespmem:s23+$0x860]  }
0xf3: {  	[tilespmem:s23+$0x800] =	vst v7;
	v7 =	vadd.f32 v11, v9;
	v11 =	vld [tilespmem:s23+$0x870]  }
0xf4: {  	[tilespmem:s23+$0x810] =	vst v6;
	v6 =	vadd.f32 v14, v9;
	v13 =	vld [tilespmem:s23+$0x880]  }
0xf5: {  	[tilespmem:s23+$0x820] =	vst v7;
	v7 =	vadd.f32 v8, v9;
	v8 =	vld [tilespmem:s23+$0x890]  }
0xf6: {  	[tilespmem:s23+$0x830] =	vst v6;
	v6 =	vadd.f32 v12, v9;
	v12 =	vld [tilespmem:s23+$0x8A0]  }
0xf7: {  	[tilespmem:s23+$0x840] =	vst v7;
	v7 =	vadd.f32 v10, v9;
	v10 =	vbroadcast v0, $0x9;
	v14 =	vld [tilespmem:s23+$0x8B0]  }
0xf8: {  	[tilespmem:s23+$0x850] =	vst v6;
	v6 =	vadd.f32 v11, v9;
	v9 =	vld [tilespmem:s23+$0x8C0]  }
0xf9: {  	[tilespmem:s23+$0x860] =	vst v7;
	v7 =	vadd.f32 v13, v10;
	v11 =	vld [tilespmem:s23+$0x8D0]  }
0xfa: {  	[tilespmem:s23+$0x870] =	vst v6;
	v6 =	vadd.f32 v8, v10;
	v8 =	vld [tilespmem:s23+$0x8E0]  }
0xfb: {  	[tilespmem:s23+$0x880] =	vst v7;
	v7 =	vadd.f32 v12, v10;
	v12 =	vld [tilespmem:s23+$0x8F0]  }
0xfc: {  	[tilespmem:s23+$0x890] =	vst v6;
	v6 =	vadd.f32 v14, v10;
	v13 =	vld [tilespmem:s23+$0x900]  }
0xfd: {  	[tilespmem:s23+$0x8A0] =	vst v7;
	v7 =	vadd.f32 v9, v10;
	v9 =	vld [tilespmem:s23+$0x910]  }
0xfe: {  	[tilespmem:s23+$0x8B0] =	vst v6;
	v6 =	vadd.f32 v11, v10;
	v11 =	vld [tilespmem:s23+$0x920]  }
0xff: {  	[tilespmem:s23+$0x8C0] =	vst v7;
	v7 =	vadd.f32 v8, v10;
	v8 =	vld [tilespmem:s23+$0x930]  }
0x100: {  	[tilespmem:s23+$0x8D0] =	vst v6;
	v6 =	vadd.f32 v12, v10;
	v10 =	vld [tilespmem:s23+$0x940]  }
0x101: {  	[tilespmem:s23+$0x8E0] =	vst v7;
	v7 =	vadd.f32 v13, v3;
	v12 =	vld [tilespmem:s23+$0x950]  }
0x102: {  	[tilespmem:s23+$0x8F0] =	vst v6;
	v6 =	vadd.f32 v9, v3;
	v9 =	vld [tilespmem:s23+$0x960]  }
0x103: {  	v13 =	vld [tilespmem:s23+$0x400];
	[tilespmem:s23+$0x900] =	vst v7;
	v7 =	vadd.f32 v11, v3  }
0x104: {  	v11 =	vld [tilespmem:s23+$0x410];
	[tilespmem:s23+$0x910] =	vst v6;
	v6 =	vadd.f32 v8, v3  }
0x105: {  	v8 =	vld [tilespmem:s23+$0x440];
	[tilespmem:s23+$0x920] =	vst v7;
	v7 =	vadd.f32 v10, v3  }
0x106: {  	v10 =	vld [tilespmem:s23+$0x450];
	[tilespmem:s23+$0x930] =	vst v6;
	v6 =	vadd.f32 v12, v3  }
0x107: {  	[tilespmem:s23+$0x940] =	vst v7;
	v3 =	vadd.f32 v9, v3;
	v7 =	vbroadcast v0, $0xB;
	v9 =	vld [tilespmem:s23+$0x9A0]  }
0x108: {  	v12 =	vadd.f32 v1, v13;
	[tilespmem:s23+$0x950] =	vst v6;
	v6 =	vld [tilespmem:s23+$0x9B0]  }
0x109: {  	v11 =	vadd.f32 v11, v1;
	[tilespmem:s23+$0x960] =	vst v3;
	v4 =	vadd.f32 v4, v7;
	v13 =	vld [tilespmem:s23+$0x9C0];
	v3 =	vbroadcast v0, $0xF  }
0x10a: {  	v5 =	vadd.f32 v5, v7;
	[tilespmem:s23+$0x400] =	vst v12;
	v8 =	vadd.f32 v8, v1;
	v12 =	vld [tilespmem:s23+$0x9D0]  }
0x10b: {  	v10 =	vadd.f32 v10, v1;
	[tilespmem:s23+$0x980] =	vst v4;
	v1 =	vld [tilespmem:s23+$0x9E0];
	v2 =	vadd.f32 v2, v3  }
0x10c: {  	[tilespmem:s23+$0x990] =	vst v5;
	v4 =	vadd.f32 v9, v7;
	v5 =	vld [tilespmem:s23+$0x9F0]  }
0x10d: {  	v6 =	vadd.f32 v6, v7;
	v9 =	vld [tilespmem:s23+$0xA00];
	[tilespmem:s23+$0xBD0] =	vst v2  }
0x10e: {  	[tilespmem:s23+$0x410] =	vst v11;
	v2 =	vadd.f32 v13, v7;
	v11 =	vld [tilespmem:s23+$0xA10]  }
0x10f: {  	[tilespmem:s23+$0x440] =	vst v8;
	v8 =	vadd.f32 v12, v7;
	v12 =	vld [tilespmem:s23+$0xA20]  }
0x110: {  	v13 =	vbroadcast v0, $0xC;
	[tilespmem:s23+$0x9A0] =	vst v4;
	v4 =	vadd.f32 v1, v7;
	v14 =	vld [tilespmem:s23+$0xA30]  }
0x111: {  	[tilespmem:s23+$0x9D0] =	vst v8;
	v5 =	vadd.f32 v5, v7;
	v7 =	vld [tilespmem:s23+$0xA40]  }
0x112: {  	[tilespmem:s23+$0x9B0] =	vst v6;
	v1 =	vadd.f32 v9, v13;
	v6 =	vld [tilespmem:s23+$0xA50]  }
0x113: {  	[tilespmem:s23+$0x9C0] =	vst v2;
	v2 =	vadd.f32 v11, v13;
	v8 =	vld [tilespmem:s23+$0xA60]  }
0x114: {  	[tilespmem:s23+$0xA00] =	vst v1;
	v1 =	vadd.f32 v12, v13;
	v9 =	vld [tilespmem:s23+$0xA70]  }
0x115: {  	[tilespmem:s23+$0xA10] =	vst v2;
	v2 =	vld [tilespmem:s23+$0xA80]  }
0x116: {  	[tilespmem:s23+$0x450] =	vst v10;
	v7 =	vadd.f32 v7, v13;
	v10 =	vld [tilespmem:s23+$0xA90]  }
0x117: {  	[tilespmem:s23+$0x9E0] =	vst v4;
	v4 =	vadd.f32 v6, v13;
	v6 =	vld [tilespmem:s23+$0xAA0]  }
0x118: {  	[tilespmem:s23+$0xA40] =	vst v7;
	v7 =	vadd.f32 v8, v13;
	v8 =	vbroadcast v0, $0xD;
	v11 =	vld [tilespmem:s23+$0xAB0]  }
0x119: {  	[tilespmem:s23+$0xA50] =	vst v4;
	v4 =	vadd.f32 v9, v13;
	v9 =	vld [tilespmem:s23+$0xAC0]  }
0x11a: {  	[tilespmem:s23+$0xA60] =	vst v7;
	v2 =	vadd.f32 v2, v8;
	v7 =	vld [tilespmem:s23+$0xAD0]  }
0x11b: {  	[tilespmem:s23+$0xA70] =	vst v4;
	v4 =	vadd.f32 v10, v8;
	v10 =	vld [tilespmem:s23+$0xAE0]  }
0x11c: {  	[tilespmem:s23+$0xA80] =	vst v2;
	v2 =	vadd.f32 v6, v8;
	v6 =	vld [tilespmem:s23+$0xAF0]  }
0x11d: {  	[tilespmem:s23+$0xA90] =	vst v4;
	v4 =	vadd.f32 v11, v8;
	v11 =	vld [tilespmem:s23+$0xB00]  }
0x11e: {  	[tilespmem:s23+$0xAA0] =	vst v2;
	v2 =	vadd.f32 v9, v8;
	v9 =	vld [tilespmem:s23+$0xB10]  }
0x11f: {  	[tilespmem:s23+$0xAB0] =	vst v4;
	v4 =	vadd.f32 v7, v8;
	v7 =	vld [tilespmem:s23+$0xB20]  }
0x120: {  	v0 =	vbroadcast v0, $0xE;
	[tilespmem:s23+$0x9F0] =	vst v5;
	v5 =	vadd.f32 v10, v8;
	v10 =	vld [tilespmem:s23+$0xB30]  }
0x121: {  	[tilespmem:s23+$0xAD0] =	vst v4;
	v4 =	vadd.f32 v6, v8;
	v6 =	vld [tilespmem:s23+$0xB40]  }
0x122: {  	[tilespmem:s23+$0xAE0] =	vst v5;
	v5 =	vadd.f32 v11, v0;
	v8 =	vld [tilespmem:s23+$0xB50]  }
0x123: {  	[tilespmem:s23+$0xAF0] =	vst v4;
	v4 =	vadd.f32 v9, v0;
	v9 =	vld [tilespmem:s23+$0xB60]  }
0x124: {  	[tilespmem:s23+$0xB00] =	vst v5;
	v5 =	vadd.f32 v7, v0;
	v7 =	vld [tilespmem:s23+$0xB70]  }
0x125: {  	[tilespmem:s23+$0xB10] =	vst v4;
	v4 =	vadd.f32 v10, v0;
	v10 =	vld [tilespmem:s23+$0xB80]  }
0x126: {  	[tilespmem:s23+$0xB20] =	vst v5;
	v5 =	vadd.f32 v6, v0;
	v6 =	vld [tilespmem:s23+$0xB90]  }
0x127: {  	[tilespmem:s23+$0xB30] =	vst v4;
	v4 =	vadd.f32 v8, v0;
	v8 =	vld [tilespmem:s23+$0xBA0]  }
0x128: {  	[tilespmem:s23+$0xB40] =	vst v5;
	v5 =	vadd.f32 v9, v0;
	v9 =	vld [tilespmem:s23+$0xBB0]  }
0x129: {  	[tilespmem:s23+$0xAC0] =	vst v2;
	v0 =	vadd.f32 v7, v0;
	v2 =	vld [tilespmem:s23+$0xBC0]  }
0x12a: {  	[tilespmem:s23+$0xB60] =	vst v5;
	v5 =	vadd.f32 v10, v3;
	v7 =	vld [tilespmem:s23+$0xBE0]  }
0x12b: {  	[tilespmem:s23+$0xB70] =	vst v0;
	v0 =	vadd.f32 v6, v3;
	v6 =	vld [tilespmem:s23+$0xBF0]  }
0x12c: {  	[tilespmem:s23+$0xB80] =	vst v5;
	v5 =	vadd.f32 v8, v3  }
0x12d: {  	[tilespmem:s23+$0xB90] =	vst v0;
	v0 =	vadd.f32 v9, v3  }
0x12e: {  	v8 =	vadd.f32 v14, v13;
	[tilespmem:s23+$0xBA0] =	vst v5  }
0x12f: {  	[tilespmem:s23+$0xBB0] =	vst v0;
	v0 =	vadd.f32 v2, v3  }
.Ltmp0:
0x130: {  	[tilespmem:s23+$0xA30] =	vst v8;
	v2 =	vadd.f32 v6, v3;
	(pc) =	sbr.rel @p0 .LBB2_3-.Ltmp0, $4  }
0x131: {  	[tilespmem:s23+$0xBC0] =	vst v0  }
0x132: {  	v0 =	vadd.f32 v7, v3;
	[tilespmem:s23+$0xBF0] =	vst v2  }
0x133: {  	[tilespmem:s23+$0xB50] =	vst v4  }
0x134: {  	[tilespmem:s23+$0xBE0] =	vst v0  }
0x135: {  	p0 =	seq.s32 s22, $0x0  }
0x136: {  	[tilespmem:s23+$0xA20] =	vst v1;
	s25 =	simm.s32 @!p0 $0x6  }
0x137: {  	_ =	swait.ge @!p0 [sflag:s25], $0x1900  }
0x138: {  	[sflag:s25] =	ssyncset.done @!p0 $0x0  }
0x139: {  	[sflag:s25] =	ssyncadd.s32 @!p0 $0xFFFFE700  }
0x13a: {  	_ =	swait.ge @!p0 [sflag:s25], $0x1900  }
0x13b: {  	[sflag:s25] =	ssyncset.done @!p0 $0x0  }
0x13c: {  	[sflag:s25] =	ssyncadd.s32 @!p0 $0xFFFFE700  }
0x13d: {  	_ =	swait.ge @!p0 [sflag:s25], $0x1900  }
0x13e: {  	[sflag:s25] =	ssyncset.done @!p0 $0x0  }
0x13f: {  	[sflag:s25] =	ssyncadd.s32 @!p0 $0xFFFFE700  }
0x140: {  	_ =	swait.ge @!p0 [sflag:s25], $0x1900  }
0x141: {  	[sflag:s25] =	ssyncset.done @!p0 $0x0  }
0x142: {  	[sflag:s25] =	ssyncadd.s32 @!p0 $0xFFFFE700  }
0x143: {  	_ =	swait.ge @!p0 [sflag:s25], $0x1900  }
0x144: {  	[sflag:s25] =	ssyncset.done @!p0 $0x0  }
0x145: {  	[sflag:s25] =	ssyncadd.s32 @!p0 $0xFFFFE700  }
0x146: {  	_ =	swait.ge @!p0 [sflag:s25], $0x1900  }
0x147: {  	[sflag:s25] =	ssyncset.done @!p0 $0x0  }
0x148: {  	[sflag:s25] =	ssyncadd.s32 @!p0 $0xFFFFE700  }
0x149: {  	s24 =	smul.u32 $0x320, s22;
	_ =	swait.ge @!p0 [sflag:s25], $0x1900  }
0x14a: {  	[sflag:s25] =	ssyncset.done @!p0 $0x0  }
0x14b: {  	s23 =	sadd.s32 s24, s9;
	[sflag:s25] =	ssyncadd.s32 @!p0 $0xFFFFE700  }
0x14c: {  	s26 =	sshrl.u32 s23, $0x3;
	_ =	swait.ge @!p0 [sflag:s25], $0x1900  }
0x14d: {  	s2 =	sadd.s32 s6, s24;
	s28 =	sadd.s32 s1, s26;
	[sflag:s25] =	ssyncset.done @!p0 $0x0  }
0x14e: {  	s26 =	simm.s32 $0x0;
	[sflag:s25] =	ssyncadd.s32 @!p0 $0xFFFFE700;
	s25 =	smulhi.u32 $0x51EB851F, s2  }
0x14f: {  	[tilespmem:s18], [sflag:$0x7] =	stream.linear.gather [hbm4b:s28+s26], $0x190, $0x38;
	[tilespmem:$0x19800] =	vst v63  }
0x150: {  	_ =	swait.ge [sflag:s12], $0x190;
	s25 =	sshrl.u32 s25, $0x4  }
0x151: {  	[sflag:s12] =	ssyncset.done $0x0;
	s28 =	smul.u32 $0x380, s25  }
0x152: {  	s25 =	smul.u32 $0x1C00, s25;
	[sflag:s12] =	ssyncadd.s32 $0xFFFFFE70  }
0x153: {  	[tilespmem:s19], [sflag:$0x2] =	stream.indirect.gather [hbm4b:s3+s13], $0x80, s18, s13, $0xb8;
	[tilespmem:$0x19800] =	vst v63  }
0x154: {  	s2 =	simm.s32 $0x19600;
	s25 =	sshrl.u32 s25, $0x3  }
0x155: {  	[tilespmem:s2], [sflag:$0x4] =	stream.indirect.gather [hbm4b:s4+s13], $0x1, s18, s13, $0xb8;
	[tilespmem:$0x19800] =	vst v63  }
0x156: {  	s28 =	sadd.s32 s7, s28;
	s25 =	sadd.s32 s7, s25  }
0x157: {  	[hbm4b:s28+s26] =	stream.linear.scatter [tilespmem:s14], [sflag:$0x5], $0x1900, $0x38;
	[tilespmem:$0x19800] =	vst v63  }
0x158: {  	s2 =	simm.s32 $0x1D00;
	s28 =	sadd.s32 $0x380, s25  }
0x159: {  	[hbm4b:s28+s26] =	stream.linear.scatter [tilespmem:s2], [sflag:$0x5], $0x1900, $0x38;
	[tilespmem:$0x19800] =	vst v63  }
0x15a: {  	s28 =	sadd.s32 $0x700, s25;
	s2 =	simm.s32 $0x3600  }
0x15b: {  	[hbm4b:s28+s26] =	stream.linear.scatter [tilespmem:s2], [sflag:$0x5], $0x1900, $0x38;
	[tilespmem:$0x19800] =	vst v63  }
0x15c: {  	s28 =	sadd.s32 $0xA80, s25;
	s2 =	simm.s32 $0x4F00  }
0x15d: {  	[hbm4b:s28+s26] =	stream.linear.scatter [tilespmem:s2], [sflag:$0x5], $0x1900, $0x38;
	[tilespmem:$0x19800] =	vst v63  }
0x15e: {  	s28 =	sadd.s32 $0xE00, s25;
	s2 =	simm.s32 $0x6800  }
0x15f: {  	[hbm4b:s28+s26] =	stream.linear.scatter [tilespmem:s2], [sflag:$0x5], $0x1900, $0x38;
	[tilespmem:$0x19800] =	vst v63  }
0x160: {  	s28 =	sadd.s32 $0x1180, s25;
	s2 =	simm.s32 $0x8100  }
0x161: {  	[hbm4b:s28+s26] =	stream.linear.scatter [tilespmem:s2], [sflag:$0x5], $0x1900, $0x38;
	[tilespmem:$0x19800] =	vst v63  }
0x162: {  	s28 =	sadd.s32 $0x1500, s25;
	s2 =	simm.s32 $0x9A00  }
0x163: {  	[hbm4b:s28+s26] =	stream.linear.scatter [tilespmem:s2], [sflag:$0x5], $0x1900, $0x38;
	[tilespmem:$0x19800] =	vst v63  }
0x164: {  	s25 =	sadd.s32 $0x1880, s25;
	s28 =	simm.s32 $0xB300  }
0x165: {  	[hbm4b:s25+s26] =	stream.linear.scatter [tilespmem:s28], [sflag:$0x5], $0x1900, $0x38;
	[tilespmem:$0x19800] =	vst v63  }
0x166: {  	_ =	swait.ge [sflag:s29], $0xC800  }
0x167: {  	[sflag:s29] =	ssyncset.done $0x0  }
0x168: {  	[sflag:s29] =	ssyncadd.s32 $0xFFFF3800  }
0x169: {  	_ =	swait.ge [sflag:s30], $0x190  }
0x16a: {  	s26 =	simm.s32 $0x0;
	[sflag:s30] =	ssyncset.done $0x0  }
0x16b: {  	s28 =	simm.s32 $0x0;
	s25 =	sand.u32 $0x3FFFFFF0, s26;
	[sflag:s30] =	ssyncadd.s32 $0xFFFFFE70  }
0x16c: {  	v0 =	vld [tilespmem:s25+$0x19600];
	s25 =	sand.u32 $0x3FFFF800, s28  }
0x16d: {  	v6 =	vld [tilespmem:s25+$0xCCC0]  }
0x16e: {  	v2 =	vld [tilespmem:s25+$0xCC20]  }
0x16f: {  	v3 =	vld [tilespmem:s25+$0xCC30]  }
0x170: {  	v9 =	vld [tilespmem:s25+$0xCC60]  }
0x171: {  	v10 =	vld [tilespmem:s25+$0xCC70];
	v1 =	vbroadcast v0, $0x0  }
0x172: {  	v11 =	vld [tilespmem:s25+$0xCC80]  }
0x173: {  	v12 =	vld [tilespmem:s25+$0xCC90];
	v2 =	vadd.f32 v2, v1  }
0x174: {  	v13 =	vld [tilespmem:s25+$0xCCA0];
	v3 =	vadd.f32 v3, v1  }
0x175: {  	v8 =	vld [tilespmem:s25+$0xCCB0];
	v28 =	vbroadcast v0, $0x1;
	v27 =	vadd.f32 v9, v1;
	[tilespmem:s25+$0xCC20] =	vst v2  }
0x176: {  	v7 =	vld [tilespmem:s25+$0xCCD0];
	v10 =	vadd.f32 v10, v1;
	[tilespmem:s25+$0xCC30] =	vst v3  }
0x177: {  	v5 =	vld [tilespmem:s25+$0xD170];
	v11 =	vadd.f32 v11, v28;
	[tilespmem:s25+$0xCC60] =	vst v27  }
0x178: {  	v30 =	vld [tilespmem:s25+$0xCCF0];
	v12 =	vadd.f32 v12, v28;
	[tilespmem:s25+$0xCC70] =	vst v10  }
0x179: {  	v31 =	vld [tilespmem:s25+$0xCD00];
	v13 =	vadd.f32 v13, v28;
	[tilespmem:s25+$0xCC80] =	vst v11  }
0x17a: {  	v32 =	vld [tilespmem:s25+$0xCD10];
	v8 =	vadd.f32 v8, v28;
	[tilespmem:s25+$0xCC90] =	vst v12  }
0x17b: {  	v29 =	vld [tilespmem:s25+$0xCCE0];
	v6 =	vadd.f32 v6, v28;
	[tilespmem:s25+$0xCCA0] =	vst v13  }
0x17c: {  	v33 =	vld [tilespmem:s25+$0xCD20];
	v14 =	vbroadcast v0, $0x2;
	v7 =	vadd.f32 v7, v28;
	[tilespmem:s25+$0xCCB0] =	vst v8  }
0x17d: {  	v34 =	vld [tilespmem:s25+$0xCD30];
	v9 =	vadd.f32 v30, v28;
	[tilespmem:s25+$0xCCC0] =	vst v6  }
0x17e: {  	v35 =	vld [tilespmem:s25+$0xCD40];
	v4 =	vbroadcast v0, $0xA;
	v37 =	vadd.f32 v31, v14;
	[tilespmem:s25+$0xCCD0] =	vst v7  }
0x17f: {  	v36 =	vld [tilespmem:s25+$0xCD50];
	v39 =	vadd.f32 v32, v14;
	[tilespmem:s25+$0xCCF0] =	vst v9  }
0x180: {  	v38 =	vld [tilespmem:s25+$0xCD60];
	v2 =	vadd.f32 v5, v4;
	[tilespmem:s25+$0xCD00] =	vst v37  }
0x181: {  	v40 =	vld [tilespmem:s25+$0xCD70];
	v10 =	vadd.f32 v29, v28;
	[tilespmem:s25+$0xCD10] =	vst v39  }
0x182: {  	v41 =	vld [tilespmem:s25+$0xCD80];
	v8 =	vadd.f32 v33, v14;
	[tilespmem:s25+$0xD170] =	vst v2  }
0x183: {  	v42 =	vld [tilespmem:s25+$0xCD90];
	v6 =	vadd.f32 v34, v14;
	[tilespmem:s25+$0xCCE0] =	vst v10  }
0x184: {  	v43 =	vld [tilespmem:s25+$0xCDA0];
	v7 =	vadd.f32 v35, v14;
	[tilespmem:s25+$0xCD20] =	vst v8  }
0x185: {  	v44 =	vld [tilespmem:s25+$0xCDB0];
	v46 =	vbroadcast v0, $0x3;
	v9 =	vadd.f32 v38, v14;
	[tilespmem:s25+$0xCD30] =	vst v6  }
0x186: {  	v45 =	vld [tilespmem:s25+$0xCDC0];
	v11 =	vadd.f32 v40, v14;
	[tilespmem:s25+$0xCD40] =	vst v7  }
0x187: {  	v47 =	vld [tilespmem:s25+$0xCDD0];
	v12 =	vadd.f32 v41, v46;
	[tilespmem:s25+$0xCD60] =	vst v9  }
0x188: {  	v48 =	vld [tilespmem:s25+$0xCDE0];
	v10 =	vadd.f32 v36, v14;
	[tilespmem:s25+$0xCD70] =	vst v11  }
0x189: {  	v49 =	vld [tilespmem:s25+$0xCDF0];
	v8 =	vadd.f32 v42, v46;
	[tilespmem:s25+$0xCD80] =	vst v12  }
0x18a: {  	v50 =	vld [tilespmem:s25+$0xCE00];
	v6 =	vadd.f32 v43, v46;
	[tilespmem:s25+$0xCD50] =	vst v10  }
0x18b: {  	v51 =	vld [tilespmem:s25+$0xCE10];
	v7 =	vadd.f32 v44, v46;
	[tilespmem:s25+$0xCD90] =	vst v8  }
0x18c: {  	v52 =	vld [tilespmem:s25+$0xCE20];
	v9 =	vadd.f32 v47, v46;
	[tilespmem:s25+$0xCDA0] =	vst v6  }
0x18d: {  	v53 =	vld [tilespmem:s25+$0xCE30];
	v11 =	vadd.f32 v48, v46;
	[tilespmem:s25+$0xCDB0] =	vst v7  }
0x18e: {  	v54 =	vld [tilespmem:s25+$0xCE40];
	v55 =	vbroadcast v0, $0x4;
	v12 =	vadd.f32 v49, v46;
	[tilespmem:s25+$0xCDD0] =	vst v9  }
0x18f: {  	v56 =	vld [tilespmem:s25+$0xCE50];
	v10 =	vadd.f32 v45, v46;
	[tilespmem:s25+$0xCDE0] =	vst v11  }
0x190: {  	v57 =	vld [tilespmem:s25+$0xCE60];
	v8 =	vadd.f32 v50, v55;
	[tilespmem:s25+$0xCDF0] =	vst v12  }
0x191: {  	v58 =	vld [tilespmem:s25+$0xCE70];
	v6 =	vadd.f32 v51, v55;
	[tilespmem:s25+$0xCDC0] =	vst v10  }
0x192: {  	v59 =	vld [tilespmem:s25+$0xCE80];
	v7 =	vadd.f32 v52, v55;
	[tilespmem:s25+$0xCE00] =	vst v8  }
0x193: {  	v60 =	vld [tilespmem:s25+$0xCE90];
	v9 =	vadd.f32 v54, v55;
	[tilespmem:s25+$0xCE10] =	vst v6  }
0x194: {  	v61 =	vld [tilespmem:s25+$0xCEA0];
	v11 =	vadd.f32 v56, v55;
	[tilespmem:s25+$0xCE20] =	vst v7  }
0x195: {  	v62 =	vld [tilespmem:s25+$0xCEB0];
	v12 =	vadd.f32 v57, v55;
	[tilespmem:s25+$0xCE40] =	vst v9  }
0x196: {  	v63 =	vld [tilespmem:s25+$0xCEC0];
	v16 =	vbroadcast v0, $0x5;
	v10 =	vadd.f32 v53, v55;
	[tilespmem:s25+$0xCE50] =	vst v11  }
0x197: {  	v17 =	vld [tilespmem:s25+$0xCED0];
	v8 =	vadd.f32 v58, v55;
	[tilespmem:s25+$0xCE60] =	vst v12  }
0x198: {  	v18 =	vld [tilespmem:s25+$0xCEE0];
	v6 =	vadd.f32 v59, v16;
	[tilespmem:s25+$0xCE30] =	vst v10  }
0x199: {  	v19 =	vld [tilespmem:s25+$0xCEF0];
	v7 =	vadd.f32 v60, v16;
	[tilespmem:s25+$0xCE70] =	vst v8  }
0x19a: {  	v20 =	vld [tilespmem:s25+$0xCF00];
	v9 =	vadd.f32 v62, v16;
	[tilespmem:s25+$0xCE80] =	vst v6  }
0x19b: {  	v21 =	vld [tilespmem:s25+$0xCF10];
	v11 =	vadd.f32 v63, v16;
	[tilespmem:s25+$0xCE90] =	vst v7  }
0x19c: {  	v22 =	vld [tilespmem:s25+$0xCF20];
	v12 =	vadd.f32 v17, v16;
	[tilespmem:s25+$0xCEB0] =	vst v9  }
0x19d: {  	v23 =	vld [tilespmem:s25+$0xCF30];
	v10 =	vadd.f32 v61, v16;
	[tilespmem:s25+$0xCEC0] =	vst v11  }
0x19e: {  	v24 =	vld [tilespmem:s25+$0xCF40];
	v25 =	vbroadcast v0, $0x6;
	v8 =	vadd.f32 v18, v16;
	[tilespmem:s25+$0xCED0] =	vst v12  }
0x19f: {  	v56 =	vld [tilespmem:s25+$0xD100];
	v6 =	vadd.f32 v19, v16;
	[tilespmem:s25+$0xCEA0] =	vst v10  }
0x1a0: {  	v26 =	vld [tilespmem:s25+$0xCF50];
	v7 =	vadd.f32 v20, v25;
	[tilespmem:s25+$0xCEE0] =	vst v8  }
0x1a1: {  	v30 =	vld [tilespmem:s25+$0xCF90];
	v9 =	vadd.f32 v22, v25;
	[tilespmem:s25+$0xCEF0] =	vst v6  }
0x1a2: {  	v27 =	vld [tilespmem:s25+$0xCF60];
	v11 =	vadd.f32 v23, v25;
	[tilespmem:s25+$0xCF00] =	vst v7  }
0x1a3: {  	v28 =	vld [tilespmem:s25+$0xCF70];
	v12 =	vadd.f32 v24, v25;
	[tilespmem:s25+$0xCF20] =	vst v9  }
0x1a4: {  	v31 =	vld [tilespmem:s25+$0xCFA0];
	v62 =	vadd.f32 v56, v4;
	[tilespmem:s25+$0xCF30] =	vst v11  }
0x1a5: {  	v32 =	vld [tilespmem:s25+$0xCFB0];
	v10 =	vadd.f32 v21, v25;
	[tilespmem:s25+$0xCF40] =	vst v12  }
0x1a6: {  	v3 =	vld [tilespmem:s25+$0xD180];
	v8 =	vadd.f32 v26, v25;
	[tilespmem:s25+$0xD100] =	vst v62  }
0x1a7: {  	v5 =	vld [tilespmem:s25+$0xD190];
	v34 =	vbroadcast v0, $0x7;
	v6 =	vadd.f32 v27, v25;
	[tilespmem:s25+$0xCF10] =	vst v10  }
0x1a8: {  	v29 =	vld [tilespmem:s25+$0xCF80];
	v7 =	vadd.f32 v28, v25;
	[tilespmem:s25+$0xCF50] =	vst v8  }
0x1a9: {  	v60 =	vld [tilespmem:s25+$0xD140];
	v9 =	vadd.f32 v30, v34;
	[tilespmem:s25+$0xCF60] =	vst v6  }
0x1aa: {  	v33 =	vld [tilespmem:s25+$0xCFC0];
	v24 =	vbroadcast v0, $0xB;
	v11 =	vadd.f32 v31, v34;
	[tilespmem:s25+$0xCF70] =	vst v7  }
0x1ab: {  	v35 =	vld [tilespmem:s25+$0xCFD0];
	v12 =	vadd.f32 v32, v34;
	[tilespmem:s25+$0xCF90] =	vst v9  }
0x1ac: {  	v38 =	vld [tilespmem:s25+$0xD000];
	v3 =	vadd.f32 v3, v24;
	[tilespmem:s25+$0xCFA0] =	vst v11  }
0x1ad: {  	v36 =	vld [tilespmem:s25+$0xCFE0];
	v5 =	vadd.f32 v5, v24;
	[tilespmem:s25+$0xCFB0] =	vst v12  }
0x1ae: {  	v2 =	vld [tilespmem:s25+$0xD3D0];
	v19 =	vadd.f32 v60, v4;
	[tilespmem:s25+$0xD180] =	vst v3  }
0x1af: {  	v39 =	vld [tilespmem:s25+$0xD010];
	v10 =	vadd.f32 v29, v34;
	[tilespmem:s25+$0xD190] =	vst v5  }
0x1b0: {  	v40 =	vld [tilespmem:s25+$0xD020];
	v8 =	vadd.f32 v33, v34;
	[tilespmem:s25+$0xD140] =	vst v19  }
0x1b1: {  	v43 =	vbroadcast v0, $0x8;
	v61 =	vld [tilespmem:s25+$0xD150];
	v6 =	vadd.f32 v35, v34;
	[tilespmem:s25+$0xCF80] =	vst v10  }
0x1b2: {  	v16 =	vld [tilespmem:s25+$0xCC00];
	v7 =	vadd.f32 v36, v34;
	[tilespmem:s25+$0xCFC0] =	vst v8  }
0x1b3: {  	v37 =	vld [tilespmem:s25+$0xCFF0];
	v9 =	vadd.f32 v38, v43;
	[tilespmem:s25+$0xCFD0] =	vst v6  }
0x1b4: {  	v41 =	vld [tilespmem:s25+$0xD030];
	v11 =	vadd.f32 v39, v43;
	[tilespmem:s25+$0xCFE0] =	vst v7  }
0x1b5: {  	v42 =	vld [tilespmem:s25+$0xD040];
	v12 =	vadd.f32 v40, v43;
	[tilespmem:s25+$0xD000] =	vst v9  }
0x1b6: {  	v44 =	vld [tilespmem:s25+$0xD050];
	v21 =	vadd.f32 v61, v4;
	[tilespmem:s25+$0xD010] =	vst v11  }
0x1b7: {  	v46 =	vld [tilespmem:s25+$0xD070];
	v25 =	vadd.f32 v1, v16;
	[tilespmem:s25+$0xD020] =	vst v12  }
0x1b8: {  	v47 =	vld [tilespmem:s25+$0xD080];
	v10 =	vadd.f32 v37, v34;
	[tilespmem:s25+$0xD150] =	vst v21  }
0x1b9: {  	v48 =	vld [tilespmem:s25+$0xD090];
	v8 =	vadd.f32 v41, v43;
	[tilespmem:s25+$0xCC00] =	vst v25  }
0x1ba: {  	v6 =	vadd.f32 v42, v43;
	[tilespmem:s25+$0xCFF0] =	vst v10  }
0x1bb: {  	v52 =	vbroadcast v0, $0x9;
	v27 =	vld [tilespmem:s25+$0xD1D0];
	v7 =	vadd.f32 v44, v43;
	[tilespmem:s25+$0xD030] =	vst v8  }
0x1bc: {  	v30 =	vld [tilespmem:s25+$0xD200];
	v9 =	vadd.f32 v46, v43;
	[tilespmem:s25+$0xD040] =	vst v6  }
0x1bd: {  	v28 =	vld [tilespmem:s25+$0xD1E0];
	v3 =	vbroadcast v0, $0xF;
	v11 =	vadd.f32 v47, v52;
	[tilespmem:s25+$0xD050] =	vst v7  }
0x1be: {  	v45 =	vld [tilespmem:s25+$0xD060];
	v12 =	vadd.f32 v48, v52;
	[tilespmem:s25+$0xD070] =	vst v9  }
0x1bf: {  	v49 =	vld [tilespmem:s25+$0xD0A0];
	v35 =	vbroadcast v0, $0xC;
	v2 =	vadd.f32 v2, v3;
	[tilespmem:s25+$0xD080] =	vst v11  }
0x1c0: {  	v50 =	vld [tilespmem:s25+$0xD0B0];
	v32 =	vadd.f32 v27, v24;
	[tilespmem:s25+$0xD090] =	vst v12  }
0x1c1: {  	v51 =	vld [tilespmem:s25+$0xD0C0];
	v14 =	vadd.f32 v30, v35;
	[tilespmem:s25+$0xD3D0] =	vst v2  }
0x1c2: {  	v54 =	vld [tilespmem:s25+$0xD0E0];
	v40 =	vadd.f32 v28, v24;
	[tilespmem:s25+$0xD1D0] =	vst v32  }
0x1c3: {  	v55 =	vld [tilespmem:s25+$0xD0F0];
	v10 =	vadd.f32 v45, v43;
	[tilespmem:s25+$0xD200] =	vst v14  }
0x1c4: {  	v18 =	vld [tilespmem:s25+$0xCC40];
	v8 =	vadd.f32 v49, v52;
	[tilespmem:s25+$0xD1E0] =	vst v40  }
0x1c5: {  	v38 =	vld [tilespmem:s25+$0xD270];
	v6 =	vadd.f32 v50, v52;
	[tilespmem:s25+$0xD060] =	vst v10  }
0x1c6: {  	v29 =	vld [tilespmem:s25+$0xD1F0];
	v7 =	vadd.f32 v51, v52;
	[tilespmem:s25+$0xD0A0] =	vst v8  }
0x1c7: {  	v33 =	vld [tilespmem:s25+$0xD230];
	v9 =	vadd.f32 v54, v52;
	[tilespmem:s25+$0xD0B0] =	vst v6  }
0x1c8: {  	v53 =	vld [tilespmem:s25+$0xD0D0];
	v11 =	vadd.f32 v55, v52;
	[tilespmem:s25+$0xD0C0] =	vst v7  }
0x1c9: {  	v57 =	vld [tilespmem:s25+$0xD110];
	v2 =	vadd.f32 v18, v1;
	[tilespmem:s25+$0xD0E0] =	vst v9  }
0x1ca: {  	v58 =	vld [tilespmem:s25+$0xD120];
	v14 =	vadd.f32 v38, v35;
	[tilespmem:s25+$0xD0F0] =	vst v11  }
0x1cb: {  	v59 =	vld [tilespmem:s25+$0xD130];
	v5 =	vadd.f32 v29, v24;
	[tilespmem:s25+$0xCC40] =	vst v2  }
0x1cc: {  	v63 =	vld [tilespmem:s25+$0xD160];
	v62 =	vadd.f32 v33, v35;
	[tilespmem:s25+$0xD270] =	vst v14  }
0x1cd: {  	v17 =	vld [tilespmem:s25+$0xCC10];
	v10 =	vadd.f32 v53, v52;
	[tilespmem:s25+$0xD1F0] =	vst v5  }
0x1ce: {  	v20 =	vld [tilespmem:s25+$0xCC50];
	v8 =	vadd.f32 v57, v4;
	[tilespmem:s25+$0xD230] =	vst v62  }
0x1cf: {  	v61 =	vld [tilespmem:s25+$0xD3F0];
	v6 =	vadd.f32 v58, v4;
	[tilespmem:s25+$0xD0D0] =	vst v10  }
0x1d0: {  	v46 =	vld [tilespmem:s25+$0xD2E0];
	v7 =	vadd.f32 v59, v4;
	[tilespmem:s25+$0xD110] =	vst v8  }
0x1d1: {  	v22 =	vld [tilespmem:s25+$0xD1A0];
	v4 =	vadd.f32 v63, v4;
	[tilespmem:s25+$0xD120] =	vst v6  }
0x1d2: {  	v23 =	vld [tilespmem:s25+$0xD1B0];
	v11 =	vadd.f32 v17, v1;
	[tilespmem:s25+$0xD130] =	vst v7  }
0x1d3: {  	v26 =	vld [tilespmem:s25+$0xD1C0];
	v44 =	vbroadcast v0, $0xD;
	v1 =	vadd.f32 v20, v1;
	[tilespmem:s25+$0xD160] =	vst v4  }
0x1d4: {  	v31 =	vld [tilespmem:s25+$0xD210];
	v63 =	vadd.f32 v61, v3;
	[tilespmem:s25+$0xCC10] =	vst v11  }
0x1d5: {  	v34 =	vld [tilespmem:s25+$0xD240];
	v51 =	vadd.f32 v46, v44;
	[tilespmem:s25+$0xCC50] =	vst v1  }
0x1d6: {  	v41 =	vld [tilespmem:s25+$0xD2A0];
	v6 =	vadd.f32 v22, v24;
	[tilespmem:s25+$0xD3F0] =	vst v63  }
0x1d7: {  	v7 =	vadd.f32 v23, v24;
	v1 =	vld [tilespmem:s25+$0xD290];
	[tilespmem:s25+$0xD2E0] =	vst v51  }
0x1d8: {  	v49 =	vld [tilespmem:s25+$0xD320];
	v4 =	vadd.f32 v26, v24;
	[tilespmem:s25+$0xD1A0] =	vst v6  }
0x1d9: {  	v50 =	vld [tilespmem:s25+$0xD330];
	v8 =	vadd.f32 v31, v35;
	[tilespmem:s25+$0xD1B0] =	vst v7  }
0x1da: {  	v36 =	vld [tilespmem:s25+$0xD250];
	v11 =	vadd.f32 v34, v35;
	[tilespmem:s25+$0xD1C0] =	vst v4  }
0x1db: {  	v37 =	vld [tilespmem:s25+$0xD260];
	v0 =	vbroadcast v0, $0xE;
	v10 =	vadd.f32 v41, v44;
	[tilespmem:s25+$0xD210] =	vst v8  }
0x1dc: {  	v39 =	vld [tilespmem:s25+$0xD280];
	[tilespmem:s25+$0xD240] =	vst v11;
	v1 =	vadd.f32 v1, v44  }
0x1dd: {  	v42 =	vld [tilespmem:s25+$0xD2B0];
	v9 =	vadd.f32 v49, v0;
	[tilespmem:s25+$0xD2A0] =	vst v10  }
0x1de: {  	v5 =	vadd.f32 v50, v0;
	[tilespmem:s25+$0xD290] =	vst v1;
	v1 =	vld [tilespmem:s25+$0xD300]  }
0x1df: {  	v48 =	vld [tilespmem:s25+$0xD310];
	v7 =	vadd.f32 v36, v35;
	[tilespmem:s25+$0xD320] =	vst v9  }
0x1e0: {  	v57 =	vld [tilespmem:s25+$0xD3A0];
	v4 =	vadd.f32 v37, v35;
	[tilespmem:s25+$0xD330] =	vst v5  }
0x1e1: {  	v45 =	vld [tilespmem:s25+$0xD2D0];
	v8 =	vadd.f32 v39, v44;
	[tilespmem:s25+$0xD250] =	vst v7  }
0x1e2: {  	v47 =	vld [tilespmem:s25+$0xD2F0];
	v11 =	vadd.f32 v42, v44;
	[tilespmem:s25+$0xD260] =	vst v4  }
0x1e3: {  	v43 =	vld [tilespmem:s25+$0xD2C0];
	[tilespmem:s25+$0xD280] =	vst v8;
	v1 =	vadd.f32 v1, v0  }
0x1e4: {  	v55 =	vld [tilespmem:s25+$0xD380];
	v10 =	vadd.f32 v48, v0;
	[tilespmem:s25+$0xD2B0] =	vst v11  }
0x1e5: {  	v5 =	vadd.f32 v57, v3;
	[tilespmem:s25+$0xD300] =	vst v1;
	v1 =	vld [tilespmem:s25+$0xD370]  }
0x1e6: {  	v52 =	vld [tilespmem:s25+$0xD340];
	v4 =	vadd.f32 v45, v44;
	[tilespmem:s25+$0xD310] =	vst v10  }
0x1e7: {  	v56 =	vld [tilespmem:s25+$0xD390];
	v8 =	vadd.f32 v47, v44;
	[tilespmem:s25+$0xD3A0] =	vst v5  }
0x1e8: {  	v54 =	vld [tilespmem:s25+$0xD360];
	v7 =	vadd.f32 v43, v44;
	[tilespmem:s25+$0xD2D0] =	vst v4  }
0x1e9: {  	v58 =	vld [tilespmem:s25+$0xD3B0];
	v10 =	vadd.f32 v55, v3;
	[tilespmem:s25+$0xD2F0] =	vst v8  }
0x1ea: {  	v53 =	vld [tilespmem:s25+$0xD350];
	[tilespmem:s25+$0xD2C0] =	vst v7;
	v1 =	vadd.f32 v1, v0  }
0x1eb: {  	v59 =	vld [tilespmem:s25+$0xD3C0];
	v4 =	vadd.f32 v52, v0;
	[tilespmem:s25+$0xD380] =	vst v10  }
0x1ec: {  	v60 =	vld [tilespmem:s25+$0xD3E0];
	[tilespmem:s25+$0xD370] =	vst v1;
	v1 =	vadd.f32 v56, v3  }
0x1ed: {  	v8 =	vadd.f32 v54, v0;
	[tilespmem:s25+$0xD340] =	vst v4  }
0x1ee: {  	v2 =	vld [tilespmem:s25+$0xD220];
	[tilespmem:s25+$0xD390] =	vst v1;
	v1 =	vadd.f32 v58, v3  }
0x1ef: {  	[tilespmem:s25+$0xD360] =	vst v8;
	v0 =	vadd.f32 v53, v0  }
0x1f0: {  	[tilespmem:s25+$0xD3B0] =	vst v1;
	v1 =	vadd.f32 v59, v3  }
0x1f1: {  	[tilespmem:s25+$0xD350] =	vst v0;
	v3 =	vadd.f32 v60, v3  }
0x1f2: {  	[tilespmem:s25+$0xD3C0] =	vst v1  }
0x1f3: {  	s26 =	simm.s32 $0x1;
	v1 =	vadd.f32 v2, v35;
	[tilespmem:s25+$0xD3E0] =	vst v3  }
.LBB2_5:
0x1f4: {  	s28 =	sshll.u32 s26, $0x4  }
0x1f5: {  	p0 =	sne.s32 s26, $0x18;
	[tilespmem:s25+$0xD220] =	vst v1;
	s25 =	smov.u32 s26;
	s26 =	sadd.s32 $0x1, s26  }
0x1f6: {  	s28 =	sand.u32 $0x3FFFFFF0, s28  }
0x1f7: {  	s25 =	sshll.u32 s25, $0xB;
	v0 =	vld [tilespmem:s28+$0x19600]  }
0x1f8: {  	s25 =	sand.u32 $0x3FFFF800, s25  }
0x1f9: {  	v7 =	vld [tilespmem:s25+$0xCCC0]  }
0x1fa: {  	v8 =	vld [tilespmem:s25+$0xCCD0]  }
0x1fb: {  	v9 =	vld [tilespmem:s25+$0xCCB0]  }
0x1fc: {  	v1 =	vbroadcast v0, $0x0;
	v2 =	vld [tilespmem:s25+$0xCC20];
	v6 =	vbroadcast v0, $0x4  }
0x1fd: {  	v4 =	vld [tilespmem:s25+$0xCC30]  }
0x1fe: {  	v5 =	vld [tilespmem:s25+$0xD170]  }
0x1ff: {  	v10 =	vld [tilespmem:s25+$0xCC60]  }
0x200: {  	v11 =	vld [tilespmem:s25+$0xCC70]  }
0x201: {  	v3 =	vbroadcast v0, $0xA;
	v2 =	vadd.f32 v2, v1;
	v12 =	vld [tilespmem:s25+$0xCC80]  }
0x202: {  	v4 =	vadd.f32 v4, v1;
	v13 =	vld [tilespmem:s25+$0xCC90]  }
0x203: {  	[tilespmem:s25+$0xCC20] =	vst v2;
	v14 =	vld [tilespmem:s25+$0xCCA0];
	v2 =	vadd.f32 v5, v3  }
0x204: {  	[tilespmem:s25+$0xCC30] =	vst v4;
	v5 =	vadd.f32 v10, v1;
	v10 =	vbroadcast v0, $0x1;
	v4 =	vld [tilespmem:s25+$0xD180]  }
0x205: {  	v11 =	vadd.f32 v11, v1;
	[tilespmem:s25+$0xD170] =	vst v2;
	v2 =	vld [tilespmem:s25+$0xD3D0]  }
0x206: {  	[tilespmem:s25+$0xCC60] =	vst v5;
	v12 =	vadd.f32 v12, v10;
	v5 =	vld [tilespmem:s25+$0xD190]  }
0x207: {  	[tilespmem:s25+$0xCC70] =	vst v11;
	v11 =	vadd.f32 v13, v10;
	v13 =	vld [tilespmem:s25+$0xCCE0]  }
0x208: {  	[tilespmem:s25+$0xCC80] =	vst v12;
	v12 =	vadd.f32 v14, v10;
	v14 =	vld [tilespmem:s25+$0xCCF0]  }
0x209: {  	v9 =	vadd.f32 v9, v10;
	[tilespmem:s25+$0xCC90] =	vst v11;
	v11 =	vld [tilespmem:s25+$0xCD00]  }
0x20a: {  	v7 =	vadd.f32 v7, v10;
	[tilespmem:s25+$0xCCA0] =	vst v12;
	v12 =	vld [tilespmem:s25+$0xCD10]  }
0x20b: {  	v8 =	vadd.f32 v8, v10;
	[tilespmem:s25+$0xCCB0] =	vst v9;
	v9 =	vld [tilespmem:s25+$0xCD20]  }
0x20c: {  	[tilespmem:s25+$0xCCC0] =	vst v7;
	v7 =	vadd.f32 v13, v10;
	v13 =	vbroadcast v0, $0x2;
	v15 =	vld [tilespmem:s25+$0xCD30]  }
0x20d: {  	[tilespmem:s25+$0xCCD0] =	vst v8;
	v8 =	vadd.f32 v14, v10;
	v10 =	vld [tilespmem:s25+$0xCD40]  }
0x20e: {  	[tilespmem:s25+$0xCCE0] =	vst v7;
	v7 =	vadd.f32 v11, v13;
	v11 =	vld [tilespmem:s25+$0xCD50]  }
0x20f: {  	[tilespmem:s25+$0xCCF0] =	vst v8;
	v8 =	vadd.f32 v12, v13;
	v12 =	vld [tilespmem:s25+$0xCD60]  }
0x210: {  	[tilespmem:s25+$0xCD00] =	vst v7;
	v7 =	vadd.f32 v9, v13;
	v9 =	vld [tilespmem:s25+$0xCD70]  }
0x211: {  	[tilespmem:s25+$0xCD10] =	vst v8;
	v8 =	vadd.f32 v15, v13;
	v14 =	vld [tilespmem:s25+$0xCD80]  }
0x212: {  	[tilespmem:s25+$0xCD20] =	vst v7;
	v7 =	vadd.f32 v10, v13;
	v10 =	vld [tilespmem:s25+$0xCD90]  }
0x213: {  	[tilespmem:s25+$0xCD30] =	vst v8;
	v8 =	vadd.f32 v11, v13;
	v11 =	vld [tilespmem:s25+$0xCDA0]  }
0x214: {  	[tilespmem:s25+$0xCD40] =	vst v7;
	v7 =	vadd.f32 v12, v13;
	v12 =	vbroadcast v0, $0x3;
	v15 =	vld [tilespmem:s25+$0xCDB0]  }
0x215: {  	[tilespmem:s25+$0xCD50] =	vst v8;
	v8 =	vadd.f32 v9, v13;
	v9 =	vld [tilespmem:s25+$0xCDC0]  }
0x216: {  	[tilespmem:s25+$0xCD60] =	vst v7;
	v7 =	vadd.f32 v14, v12;
	v13 =	vld [tilespmem:s25+$0xCDD0]  }
0x217: {  	[tilespmem:s25+$0xCD70] =	vst v8;
	v8 =	vadd.f32 v10, v12;
	v10 =	vld [tilespmem:s25+$0xCDE0]  }
0x218: {  	[tilespmem:s25+$0xCD80] =	vst v7;
	v7 =	vadd.f32 v11, v12;
	v11 =	vld [tilespmem:s25+$0xCDF0]  }
0x219: {  	[tilespmem:s25+$0xCD90] =	vst v8;
	v8 =	vadd.f32 v15, v12;
	v14 =	vld [tilespmem:s25+$0xCE00]  }
0x21a: {  	[tilespmem:s25+$0xCDA0] =	vst v7;
	v7 =	vadd.f32 v9, v12;
	v9 =	vld [tilespmem:s25+$0xCE10]  }
0x21b: {  	[tilespmem:s25+$0xCDB0] =	vst v8;
	v8 =	vadd.f32 v13, v12;
	v13 =	vld [tilespmem:s25+$0xCE20]  }
0x21c: {  	[tilespmem:s25+$0xCDC0] =	vst v7;
	v7 =	vadd.f32 v10, v12;
	v10 =	vld [tilespmem:s25+$0xCE30]  }
0x21d: {  	[tilespmem:s25+$0xCDD0] =	vst v8;
	v8 =	vadd.f32 v11, v12;
	v11 =	vld [tilespmem:s25+$0xCE40]  }
0x21e: {  	[tilespmem:s25+$0xCDE0] =	vst v7;
	v7 =	vadd.f32 v14, v6;
	v12 =	vld [tilespmem:s25+$0xCE50]  }
0x21f: {  	[tilespmem:s25+$0xCDF0] =	vst v8;
	v8 =	vadd.f32 v9, v6;
	v9 =	vld [tilespmem:s25+$0xCE60]  }
0x220: {  	[tilespmem:s25+$0xCE00] =	vst v7;
	v7 =	vadd.f32 v13, v6;
	v13 =	vld [tilespmem:s25+$0xCE70]  }
0x221: {  	[tilespmem:s25+$0xCE10] =	vst v8;
	v8 =	vadd.f32 v10, v6;
	v10 =	vld [tilespmem:s25+$0xCE80]  }
0x222: {  	[tilespmem:s25+$0xCE20] =	vst v7;
	v7 =	vadd.f32 v11, v6;
	v11 =	vld [tilespmem:s25+$0xCE90]  }
0x223: {  	[tilespmem:s25+$0xCE30] =	vst v8;
	v8 =	vadd.f32 v12, v6;
	v12 =	vld [tilespmem:s25+$0xCEA0]  }
0x224: {  	[tilespmem:s25+$0xCE40] =	vst v7;
	v7 =	vadd.f32 v9, v6;
	v9 =	vbroadcast v0, $0x5;
	v14 =	vld [tilespmem:s25+$0xCEB0]  }
0x225: {  	[tilespmem:s25+$0xCE50] =	vst v8;
	v6 =	vadd.f32 v13, v6;
	v8 =	vld [tilespmem:s25+$0xCEC0]  }
0x226: {  	[tilespmem:s25+$0xCE60] =	vst v7;
	v7 =	vadd.f32 v10, v9;
	v10 =	vld [tilespmem:s25+$0xCED0]  }
0x227: {  	[tilespmem:s25+$0xCE70] =	vst v6;
	v6 =	vadd.f32 v11, v9;
	v11 =	vld [tilespmem:s25+$0xCEE0]  }
0x228: {  	[tilespmem:s25+$0xCE80] =	vst v7;
	v7 =	vadd.f32 v12, v9;
	v12 =	vld [tilespmem:s25+$0xCEF0]  }
0x229: {  	[tilespmem:s25+$0xCE90] =	vst v6;
	v6 =	vadd.f32 v14, v9;
	v13 =	vld [tilespmem:s25+$0xCF00]  }
0x22a: {  	[tilespmem:s25+$0xCEA0] =	vst v7;
	v7 =	vadd.f32 v8, v9;
	v8 =	vld [tilespmem:s25+$0xCF10]  }
0x22b: {  	[tilespmem:s25+$0xCEB0] =	vst v6;
	v6 =	vadd.f32 v10, v9;
	v10 =	vld [tilespmem:s25+$0xCF20]  }
0x22c: {  	[tilespmem:s25+$0xCEC0] =	vst v7;
	v7 =	vadd.f32 v11, v9;
	v11 =	vbroadcast v0, $0x6;
	v14 =	vld [tilespmem:s25+$0xCF30]  }
0x22d: {  	[tilespmem:s25+$0xCED0] =	vst v6;
	v6 =	vadd.f32 v12, v9;
	v9 =	vld [tilespmem:s25+$0xCF40]  }
0x22e: {  	[tilespmem:s25+$0xCEE0] =	vst v7;
	v7 =	vadd.f32 v13, v11;
	v12 =	vld [tilespmem:s25+$0xCF50]  }
0x22f: {  	[tilespmem:s25+$0xCEF0] =	vst v6;
	v6 =	vadd.f32 v8, v11;
	v8 =	vld [tilespmem:s25+$0xCF60]  }
0x230: {  	[tilespmem:s25+$0xCF00] =	vst v7;
	v7 =	vadd.f32 v10, v11;
	v10 =	vld [tilespmem:s25+$0xCF70]  }
0x231: {  	[tilespmem:s25+$0xCF10] =	vst v6;
	v6 =	vadd.f32 v14, v11;
	v13 =	vld [tilespmem:s25+$0xCF80]  }
0x232: {  	[tilespmem:s25+$0xCF20] =	vst v7;
	v7 =	vadd.f32 v9, v11;
	v9 =	vld [tilespmem:s25+$0xCF90]  }
0x233: {  	[tilespmem:s25+$0xCF30] =	vst v6;
	v6 =	vadd.f32 v12, v11;
	v12 =	vld [tilespmem:s25+$0xCFA0]  }
0x234: {  	[tilespmem:s25+$0xCF40] =	vst v7;
	v7 =	vadd.f32 v8, v11;
	v8 =	vbroadcast v0, $0x7;
	v14 =	vld [tilespmem:s25+$0xCFB0]  }
0x235: {  	[tilespmem:s25+$0xCF50] =	vst v6;
	v6 =	vadd.f32 v10, v11;
	v10 =	vld [tilespmem:s25+$0xCFC0]  }
0x236: {  	[tilespmem:s25+$0xCF60] =	vst v7;
	v7 =	vadd.f32 v13, v8;
	v11 =	vld [tilespmem:s25+$0xCFD0]  }
0x237: {  	[tilespmem:s25+$0xCF70] =	vst v6;
	v6 =	vadd.f32 v9, v8;
	v9 =	vld [tilespmem:s25+$0xCFE0]  }
0x238: {  	[tilespmem:s25+$0xCF80] =	vst v7;
	v7 =	vadd.f32 v12, v8;
	v12 =	vld [tilespmem:s25+$0xCFF0]  }
0x239: {  	[tilespmem:s25+$0xCF90] =	vst v6;
	v6 =	vadd.f32 v14, v8;
	v13 =	vld [tilespmem:s25+$0xD000]  }
0x23a: {  	[tilespmem:s25+$0xCFA0] =	vst v7;
	v7 =	vadd.f32 v10, v8;
	v10 =	vld [tilespmem:s25+$0xD010]  }
0x23b: {  	[tilespmem:s25+$0xCFB0] =	vst v6;
	v6 =	vadd.f32 v11, v8;
	v11 =	vld [tilespmem:s25+$0xD020]  }
0x23c: {  	[tilespmem:s25+$0xCFC0] =	vst v7;
	v7 =	vadd.f32 v9, v8;
	v9 =	vbroadcast v0, $0x8;
	v14 =	vld [tilespmem:s25+$0xD030]  }
0x23d: {  	[tilespmem:s25+$0xCFD0] =	vst v6;
	v6 =	vadd.f32 v12, v8;
	v8 =	vld [tilespmem:s25+$0xD040]  }
0x23e: {  	[tilespmem:s25+$0xCFE0] =	vst v7;
	v7 =	vadd.f32 v13, v9;
	v12 =	vld [tilespmem:s25+$0xD050]  }
0x23f: {  	[tilespmem:s25+$0xCFF0] =	vst v6;
	v6 =	vadd.f32 v10, v9;
	v10 =	vld [tilespmem:s25+$0xD060]  }
0x240: {  	[tilespmem:s25+$0xD000] =	vst v7;
	v7 =	vadd.f32 v11, v9;
	v11 =	vld [tilespmem:s25+$0xD070]  }
0x241: {  	[tilespmem:s25+$0xD010] =	vst v6;
	v6 =	vadd.f32 v14, v9;
	v13 =	vld [tilespmem:s25+$0xD080]  }
0x242: {  	[tilespmem:s25+$0xD020] =	vst v7;
	v7 =	vadd.f32 v8, v9;
	v8 =	vld [tilespmem:s25+$0xD090]  }
0x243: {  	[tilespmem:s25+$0xD030] =	vst v6;
	v6 =	vadd.f32 v12, v9;
	v12 =	vld [tilespmem:s25+$0xD0A0]  }
0x244: {  	[tilespmem:s25+$0xD040] =	vst v7;
	v7 =	vadd.f32 v10, v9;
	v10 =	vbroadcast v0, $0x9;
	v14 =	vld [tilespmem:s25+$0xD0B0]  }
0x245: {  	[tilespmem:s25+$0xD050] =	vst v6;
	v6 =	vadd.f32 v11, v9;
	v9 =	vld [tilespmem:s25+$0xD0C0]  }
0x246: {  	[tilespmem:s25+$0xD060] =	vst v7;
	v7 =	vadd.f32 v13, v10;
	v11 =	vld [tilespmem:s25+$0xD0D0]  }
0x247: {  	[tilespmem:s25+$0xD070] =	vst v6;
	v6 =	vadd.f32 v8, v10;
	v8 =	vld [tilespmem:s25+$0xD0E0]  }
0x248: {  	[tilespmem:s25+$0xD080] =	vst v7;
	v7 =	vadd.f32 v12, v10;
	v12 =	vld [tilespmem:s25+$0xD0F0]  }
0x249: {  	[tilespmem:s25+$0xD090] =	vst v6;
	v6 =	vadd.f32 v14, v10;
	v13 =	vld [tilespmem:s25+$0xD100]  }
0x24a: {  	[tilespmem:s25+$0xD0A0] =	vst v7;
	v7 =	vadd.f32 v9, v10;
	v9 =	vld [tilespmem:s25+$0xD110]  }
0x24b: {  	[tilespmem:s25+$0xD0B0] =	vst v6;
	v6 =	vadd.f32 v11, v10;
	v11 =	vld [tilespmem:s25+$0xD120]  }
0x24c: {  	[tilespmem:s25+$0xD0C0] =	vst v7;
	v7 =	vadd.f32 v8, v10;
	v8 =	vld [tilespmem:s25+$0xD130]  }
0x24d: {  	[tilespmem:s25+$0xD0D0] =	vst v6;
	v6 =	vadd.f32 v12, v10;
	v10 =	vld [tilespmem:s25+$0xD140]  }
0x24e: {  	[tilespmem:s25+$0xD0E0] =	vst v7;
	v7 =	vadd.f32 v13, v3;
	v12 =	vld [tilespmem:s25+$0xD150]  }
0x24f: {  	[tilespmem:s25+$0xD0F0] =	vst v6;
	v6 =	vadd.f32 v9, v3;
	v9 =	vld [tilespmem:s25+$0xD160]  }
0x250: {  	v13 =	vld [tilespmem:s25+$0xCC00];
	[tilespmem:s25+$0xD100] =	vst v7;
	v7 =	vadd.f32 v11, v3  }
0x251: {  	v11 =	vld [tilespmem:s25+$0xCC10];
	[tilespmem:s25+$0xD110] =	vst v6;
	v6 =	vadd.f32 v8, v3  }
0x252: {  	v8 =	vld [tilespmem:s25+$0xCC40];
	[tilespmem:s25+$0xD120] =	vst v7;
	v7 =	vadd.f32 v10, v3  }
0x253: {  	v10 =	vld [tilespmem:s25+$0xCC50];
	[tilespmem:s25+$0xD130] =	vst v6;
	v6 =	vadd.f32 v12, v3  }
0x254: {  	[tilespmem:s25+$0xD140] =	vst v7;
	v3 =	vadd.f32 v9, v3;
	v7 =	vbroadcast v0, $0xB;
	v9 =	vld [tilespmem:s25+$0xD1A0]  }
0x255: {  	v12 =	vadd.f32 v1, v13;
	[tilespmem:s25+$0xD150] =	vst v6;
	v6 =	vld [tilespmem:s25+$0xD1B0]  }
0x256: {  	v11 =	vadd.f32 v11, v1;
	[tilespmem:s25+$0xD160] =	vst v3;
	v4 =	vadd.f32 v4, v7;
	v13 =	vld [tilespmem:s25+$0xD1C0];
	v3 =	vbroadcast v0, $0xF  }
0x257: {  	v5 =	vadd.f32 v5, v7;
	[tilespmem:s25+$0xCC00] =	vst v12;
	v8 =	vadd.f32 v8, v1;
	v12 =	vld [tilespmem:s25+$0xD1D0]  }
0x258: {  	v10 =	vadd.f32 v10, v1;
	[tilespmem:s25+$0xD180] =	vst v4;
	v1 =	vld [tilespmem:s25+$0xD1E0];
	v2 =	vadd.f32 v2, v3  }
0x259: {  	[tilespmem:s25+$0xD190] =	vst v5;
	v4 =	vadd.f32 v9, v7;
	v5 =	vld [tilespmem:s25+$0xD1F0]  }
0x25a: {  	v6 =	vadd.f32 v6, v7;
	v9 =	vld [tilespmem:s25+$0xD200];
	[tilespmem:s25+$0xD3D0] =	vst v2  }
0x25b: {  	[tilespmem:s25+$0xCC10] =	vst v11;
	v2 =	vadd.f32 v13, v7;
	v11 =	vld [tilespmem:s25+$0xD210]  }
0x25c: {  	[tilespmem:s25+$0xCC40] =	vst v8;
	v8 =	vadd.f32 v12, v7;
	v12 =	vld [tilespmem:s25+$0xD220]  }
0x25d: {  	v13 =	vbroadcast v0, $0xC;
	[tilespmem:s25+$0xD1A0] =	vst v4;
	v4 =	vadd.f32 v1, v7;
	v14 =	vld [tilespmem:s25+$0xD230]  }
0x25e: {  	[tilespmem:s25+$0xD1D0] =	vst v8;
	v5 =	vadd.f32 v5, v7;
	v7 =	vld [tilespmem:s25+$0xD240]  }
0x25f: {  	[tilespmem:s25+$0xD1B0] =	vst v6;
	v1 =	vadd.f32 v9, v13;
	v6 =	vld [tilespmem:s25+$0xD250]  }
0x260: {  	[tilespmem:s25+$0xD1C0] =	vst v2;
	v2 =	vadd.f32 v11, v13;
	v8 =	vld [tilespmem:s25+$0xD260]  }
0x261: {  	[tilespmem:s25+$0xD200] =	vst v1;
	v1 =	vadd.f32 v12, v13;
	v9 =	vld [tilespmem:s25+$0xD270]  }
0x262: {  	[tilespmem:s25+$0xD210] =	vst v2;
	v2 =	vld [tilespmem:s25+$0xD280]  }
0x263: {  	[tilespmem:s25+$0xCC50] =	vst v10;
	v7 =	vadd.f32 v7, v13;
	v10 =	vld [tilespmem:s25+$0xD290]  }
0x264: {  	[tilespmem:s25+$0xD1E0] =	vst v4;
	v4 =	vadd.f32 v6, v13;
	v6 =	vld [tilespmem:s25+$0xD2A0]  }
0x265: {  	[tilespmem:s25+$0xD240] =	vst v7;
	v7 =	vadd.f32 v8, v13;
	v8 =	vbroadcast v0, $0xD;
	v11 =	vld [tilespmem:s25+$0xD2B0]  }
0x266: {  	[tilespmem:s25+$0xD250] =	vst v4;
	v4 =	vadd.f32 v9, v13;
	v9 =	vld [tilespmem:s25+$0xD2C0]  }
0x267: {  	[tilespmem:s25+$0xD260] =	vst v7;
	v2 =	vadd.f32 v2, v8;
	v7 =	vld [tilespmem:s25+$0xD2D0]  }
0x268: {  	[tilespmem:s25+$0xD270] =	vst v4;
	v4 =	vadd.f32 v10, v8;
	v10 =	vld [tilespmem:s25+$0xD2E0]  }
0x269: {  	[tilespmem:s25+$0xD280] =	vst v2;
	v2 =	vadd.f32 v6, v8;
	v6 =	vld [tilespmem:s25+$0xD2F0]  }
0x26a: {  	[tilespmem:s25+$0xD290] =	vst v4;
	v4 =	vadd.f32 v11, v8;
	v11 =	vld [tilespmem:s25+$0xD300]  }
0x26b: {  	[tilespmem:s25+$0xD2A0] =	vst v2;
	v2 =	vadd.f32 v9, v8;
	v9 =	vld [tilespmem:s25+$0xD310]  }
0x26c: {  	[tilespmem:s25+$0xD2B0] =	vst v4;
	v4 =	vadd.f32 v7, v8;
	v7 =	vld [tilespmem:s25+$0xD320]  }
0x26d: {  	v0 =	vbroadcast v0, $0xE;
	[tilespmem:s25+$0xD1F0] =	vst v5;
	v5 =	vadd.f32 v10, v8;
	v10 =	vld [tilespmem:s25+$0xD330]  }
0x26e: {  	[tilespmem:s25+$0xD2D0] =	vst v4;
	v4 =	vadd.f32 v6, v8;
	v6 =	vld [tilespmem:s25+$0xD340]  }
0x26f: {  	[tilespmem:s25+$0xD2E0] =	vst v5;
	v5 =	vadd.f32 v11, v0;
	v8 =	vld [tilespmem:s25+$0xD350]  }
0x270: {  	[tilespmem:s25+$0xD2F0] =	vst v4;
	v4 =	vadd.f32 v9, v0;
	v9 =	vld [tilespmem:s25+$0xD360]  }
0x271: {  	[tilespmem:s25+$0xD300] =	vst v5;
	v5 =	vadd.f32 v7, v0;
	v7 =	vld [tilespmem:s25+$0xD370]  }
0x272: {  	[tilespmem:s25+$0xD310] =	vst v4;
	v4 =	vadd.f32 v10, v0;
	v10 =	vld [tilespmem:s25+$0xD380]  }
0x273: {  	[tilespmem:s25+$0xD320] =	vst v5;
	v5 =	vadd.f32 v6, v0;
	v6 =	vld [tilespmem:s25+$0xD390]  }
0x274: {  	[tilespmem:s25+$0xD330] =	vst v4;
	v4 =	vadd.f32 v8, v0;
	v8 =	vld [tilespmem:s25+$0xD3A0]  }
0x275: {  	[tilespmem:s25+$0xD340] =	vst v5;
	v5 =	vadd.f32 v9, v0;
	v9 =	vld [tilespmem:s25+$0xD3B0]  }
0x276: {  	[tilespmem:s25+$0xD2C0] =	vst v2;
	v0 =	vadd.f32 v7, v0;
	v2 =	vld [tilespmem:s25+$0xD3C0]  }
0x277: {  	[tilespmem:s25+$0xD360] =	vst v5;
	v5 =	vadd.f32 v10, v3;
	v7 =	vld [tilespmem:s25+$0xD3E0]  }
0x278: {  	[tilespmem:s25+$0xD370] =	vst v0;
	v0 =	vadd.f32 v6, v3;
	v6 =	vld [tilespmem:s25+$0xD3F0]  }
0x279: {  	[tilespmem:s25+$0xD380] =	vst v5;
	v5 =	vadd.f32 v8, v3  }
0x27a: {  	[tilespmem:s25+$0xD390] =	vst v0;
	v0 =	vadd.f32 v9, v3  }
0x27b: {  	v8 =	vadd.f32 v14, v13;
	[tilespmem:s25+$0xD3A0] =	vst v5  }
0x27c: {  	[tilespmem:s25+$0xD3B0] =	vst v0;
	v0 =	vadd.f32 v2, v3  }
.Ltmp1:
0x27d: {  	[tilespmem:s25+$0xD230] =	vst v8;
	v2 =	vadd.f32 v6, v3;
	(pc) =	sbr.rel @p0 .LBB2_5-.Ltmp1, $4  }
0x27e: {  	[tilespmem:s25+$0xD3C0] =	vst v0  }
0x27f: {  	v0 =	vadd.f32 v7, v3;
	[tilespmem:s25+$0xD3F0] =	vst v2  }
0x280: {  	[tilespmem:s25+$0xD350] =	vst v4  }
0x281: {  	[tilespmem:s25+$0xD3E0] =	vst v0  }
0x282: {  	[tilespmem:s25+$0xD220] =	vst v1  }
0x283: {  	_ =	swait.ge [sflag:s31], $0x1900  }
0x284: {  	[sflag:s31] =	ssyncset.done $0x0  }
0x285: {  	[sflag:s31] =	ssyncadd.s32 $0xFFFFE700  }
0x286: {  	_ =	swait.ge [sflag:s31], $0x1900  }
0x287: {  	[sflag:s31] =	ssyncset.done $0x0  }
0x288: {  	[sflag:s31] =	ssyncadd.s32 $0xFFFFE700  }
0x289: {  	_ =	swait.ge [sflag:s31], $0x1900  }
0x28a: {  	[sflag:s31] =	ssyncset.done $0x0  }
0x28b: {  	[sflag:s31] =	ssyncadd.s32 $0xFFFFE700  }
0x28c: {  	_ =	swait.ge [sflag:s31], $0x1900  }
0x28d: {  	[sflag:s31] =	ssyncset.done $0x0  }
0x28e: {  	[sflag:s31] =	ssyncadd.s32 $0xFFFFE700  }
0x28f: {  	_ =	swait.ge [sflag:s31], $0x1900  }
0x290: {  	[sflag:s31] =	ssyncset.done $0x0  }
0x291: {  	[sflag:s31] =	ssyncadd.s32 $0xFFFFE700  }
0x292: {  	_ =	swait.ge [sflag:s31], $0x1900  }
0x293: {  	[sflag:s31] =	ssyncset.done $0x0  }
0x294: {  	[sflag:s31] =	ssyncadd.s32 $0xFFFFE700  }
0x295: {  	_ =	swait.ge [sflag:s31], $0x1900  }
0x296: {  	[sflag:s31] =	ssyncset.done $0x0  }
0x297: {  	p0 =	seq.s32 s22, $0x7;
	[sflag:s31] =	ssyncadd.s32 $0xFFFFE700  }
0x298: {  	s24 =	sadd.s32 @!p0 s24, s10;
	_ =	swait.ge [sflag:s31], $0x1900  }
0x299: {  	s23 =	smulhi.u32 $0x51EB851F, s23;
	s24 =	sshrl.u32 @!p0 s24, $0x3;
	[sflag:s31] =	ssyncset.done $0x0  }
0x29a: {  	s25 =	simm.s32 @!p0 $0x0;
	s24 =	sadd.s32 @!p0 s1, s24;
	[sflag:s31] =	ssyncadd.s32 $0xFFFFE700  }
0x29b: {  	[tilespmem:s25], [sflag:$0x7] =	stream.linear.gather @!p0 [hbm4b:s24+s25], $0x190, $0x38;
	[tilespmem:$0x19800] =	vst v63  }
0x29c: {  	s24 =	simm.s32 @!p0 $0x7  }
0x29d: {  	s23 =	sshrl.u32 s23, $0x4;
	_ =	swait.ge @!p0 [sflag:s24], $0x190  }
0x29e: {  	s26 =	simm.s32 @!p0 $0x400;
	s28 =	smul.u32 $0x380, s23;
	[sflag:s24] =	ssyncset.done @!p0 $0x0  }
0x29f: {  	s23 =	smul.u32 $0x1C00, s23;
	[sflag:s24] =	ssyncadd.s32 @!p0 $0xFFFFFE70;
	s24 =	simm.s32 @!p0 $0x190  }
0x2a0: {  	[tilespmem:s26], [sflag:$0x1] =	stream.indirect.gather @!p0 [hbm4b:s3+s24], $0x80, s25, s24, $0xb8;
	[tilespmem:$0x19800] =	vst v63  }
0x2a1: {  	s23 =	sshrl.u32 s23, $0x3;
	s26 =	simm.s32 @!p0 $0x19400  }
0x2a2: {  	[tilespmem:s26], [sflag:$0x3] =	stream.indirect.gather @!p0 [hbm4b:s4+s24], $0x1, s25, s24, $0xb8;
	[tilespmem:$0x19800] =	vst v63  }
0x2a3: {  	s23 =	sadd.s32 s7, s23;
	s25 =	sadd.s32 s7, s28  }
0x2a4: {  	[hbm4b:s25+s5] =	stream.linear.scatter [tilespmem:s19], [sflag:$0x6], $0x1900, $0x38;
	[tilespmem:$0x19800] =	vst v63  }
0x2a5: {  	s2 =	simm.s32 $0xE500;
	s26 =	sadd.s32 $0x380, s23  }
0x2a6: {  	[hbm4b:s26+s5] =	stream.linear.scatter [tilespmem:s2], [sflag:$0x6], $0x1900, $0x38;
	[tilespmem:$0x19800] =	vst v63  }
0x2a7: {  	s28 =	sadd.s32 $0x700, s23  }
0x2a8: {  	[hbm4b:s28+s5] =	stream.linear.scatter [tilespmem:s0], [sflag:$0x6], $0x1900, $0x38;
	[tilespmem:$0x19800] =	vst v63  }
0x2a9: {  	s2 =	sadd.s32 $0xA80, s23  }
0x2aa: {  	[hbm4b:s2+s5] =	stream.linear.scatter [tilespmem:s15], [sflag:$0x6], $0x1900, $0x38;
	[tilespmem:$0x19800] =	vst v63  }
0x2ab: {  	s22 =	sadd.s32 $0x1, s22;
	s25 =	sadd.s32 $0xE00, s23  }
0x2ac: {  	[hbm4b:s25+s5] =	stream.linear.scatter [tilespmem:s8], [sflag:$0x6], $0x1900, $0x38;
	[tilespmem:$0x19800] =	vst v63  }
0x2ad: {  	p0 =	sne.s32 s22, $0x8;
	s26 =	sadd.s32 $0x1180, s23  }
0x2ae: {  	[hbm4b:s26+s5] =	stream.linear.scatter [tilespmem:s11], [sflag:$0x6], $0x1900, $0x38;
	[tilespmem:$0x19800] =	vst v63  }
.Ltmp2:
0x2af: {  	_ = 	snop;
	(pc) =	sbr.rel @p0 .LBB2_2-.Ltmp2, $4  }
0x2b0: {  	s28 =	sadd.s32 $0x1500, s23  }
0x2b1: {  	[hbm4b:s28+s5] =	stream.linear.scatter [tilespmem:s20], [sflag:$0x6], $0x1900, $0x38;
	[tilespmem:$0x19800] =	vst v63  }
0x2b2: {  	s23 =	sadd.s32 $0x1880, s23  }
0x2b3: {  	[hbm4b:s23+s5] =	stream.linear.scatter [tilespmem:s21], [sflag:$0x6], $0x1900, $0x38;
	[tilespmem:$0x19800] =	vst v63  }
0x2b4: {  	s2 =	simm.s32 $0x6  }
0x2b5: {  	_ =	swait.ge [sflag:s2], $0x1900  }
0x2b6: {  	[sflag:s2] =	ssyncset.done $0x0  }
0x2b7: {  	[sflag:s2] =	ssyncadd.s32 $0xFFFFE700  }
0x2b8: {  	_ =	swait.ge [sflag:s2], $0x1900  }
0x2b9: {  	[sflag:s2] =	ssyncset.done $0x0  }
0x2ba: {  	[sflag:s2] =	ssyncadd.s32 $0xFFFFE700  }
0x2bb: {  	_ =	swait.ge [sflag:s2], $0x1900  }
0x2bc: {  	[sflag:s2] =	ssyncset.done $0x0  }
0x2bd: {  	[sflag:s2] =	ssyncadd.s32 $0xFFFFE700  }
0x2be: {  	_ =	swait.ge [sflag:s2], $0x1900  }
0x2bf: {  	[sflag:s2] =	ssyncset.done $0x0  }
0x2c0: {  	[sflag:s2] =	ssyncadd.s32 $0xFFFFE700  }
0x2c1: {  	_ =	swait.ge [sflag:s2], $0x1900  }
0x2c2: {  	[sflag:s2] =	ssyncset.done $0x0  }
0x2c3: {  	[sflag:s2] =	ssyncadd.s32 $0xFFFFE700  }
0x2c4: {  	_ =	swait.ge [sflag:s2], $0x1900  }
0x2c5: {  	[sflag:s2] =	ssyncset.done $0x0  }
0x2c6: {  	[sflag:s2] =	ssyncadd.s32 $0xFFFFE700  }
0x2c7: {  	_ =	swait.ge [sflag:s2], $0x1900  }
0x2c8: {  	[sflag:s2] =	ssyncset.done $0x0  }
0x2c9: {  	[sflag:s2] =	ssyncadd.s32 $0xFFFFE700  }
0x2ca: {  	_ =	swait.ge [sflag:s2], $0x1900  }
0x2cb: {  	s23 =	rddreg [dreg:$0x6]  }
0x2cc: {  	s22 =	rddreg [dreg:$0x5];
	s23 =	sadd.s32 $0x1, s23  }
0x2cd: {  	p0 =	sne.s32 s23, s22  }
.Ltmp3:
0x2ce: {  	_ = 	snop;
	(pc) =	sbr.rel @p0 .LBB2_1-.Ltmp3, $3  }
0x2cf: {  	_ =	sdelay $0x1  }
0x2d0: {  	[sflag:s2] =	ssyncset.done $0x0  }
0x2d1: {  	[sflag:s2] =	ssyncadd.s32 $0xFFFFE700  }
0x2d2: {  	_ =	sfence.sel $0x180000  }
0x2d3: {  	[bflag:$0x0] =	sbarrier.arrive $0xFFFF  }
0x2d4: {  	_ =	strace $0x90000047  }
0x2d5: {  	s0 =	stileid.u32;
	[bflag:$0x2] =	sbarrier.arrive $0xFFFF  }
0x2d6: {  	p0 =	sne.s32 s0, $0x0;
	s0 =	rddreg [dreg:$0x3]  }
0x2d7: {  	s0 =	sadd.s32 @!p0 $0x100000, s0  }
0x2d8: {  	[sflag:s0] =	ssyncadd.tile.s32 @!p0 $0x1;
	_ =	shalt  }
.Lfunc_end2:
_tile_overlayer_lowered:
.L_overlay_start_2:
0x2d9: {  	(tag) =	ssettag $0x2  }
0x2da: {  	s0 =	rddreg [dreg:$0x0];
	s2 =	stileid.u32  }
0x2db: {  	s1 =	rddreg [dreg:$0x1];
	p0 =	sne.s32 s2, $0x0  }
0x2dc: {  	s3 =	rddreg [dreg:$0x2];
	[bflag:$0x3] =	sbarrier.arrive $0xFFFF;
	s2 =	simm.s32 @!p0 $0x1C07  }
0x2dd: {  	[timem:s3], [sflag:s2] =	dma.local @!p0 [hbm:s0], s1  }
0x2de: {  	s0 =	simm.s32 @!p0 $0x7  }
0x2df: {  	_ =	swait.ge @!p0 [sflag:s0], s1  }
0x2e0: {  	s1 =	ssub.s32 @!p0 $0x0, s1;
	[sflag:s0] =	ssyncset.done @!p0 $0x0  }
0x2e1: {  	[sflag:s0] =	ssyncadd.s32 @!p0 s1  }
0x2e2: {  	[bflag:$0x3] =	sbarrier.arrive $0xFFFF  }
0x2e3: {  	_ =	shalt  }

</sc_bundles>
